<compile_context>
chip_gen: v7x
topology: tpu7x:2x2x1
jax: 0.10.2.dev20260603
libtpu: 0.0.44.dev20260713+nightly
codegen_flags: <defaults>
</compile_context>

<pallas_src>
import functools

import jax
import jax.numpy as jnp
from jax import lax
from jax.experimental import pallas as pl
from jax.experimental.pallas import tpu as pltpu
from jax.experimental.pallas import tpu_sc as plsc

N = 10000
E = 320000
D = 128
H = 128
G = 64

NC = 2
NS = 16
NW = NC * NS
E_PER_W = E // NW
CHUNK = 40
N_CHUNKS = E_PER_W // CHUNK
NP_ = 10240
ROWS_PER_TILE = NP_ // NS
ZROWS = 16
ZSEM = 8

BN = 10000



_sc_mesh = plsc.VectorSubcoreMesh(core_axis_name="c", subcore_axis_name="s")


KBUF = 5
KG = 3
KS = KBUF - KG


@functools.partial(
    pl.kernel,
    out_type=jax.ShapeDtypeStruct((NC * NP_, H), jnp.float32),
    mesh=_sc_mesh,
    scratch_types=[
        pltpu.VMEM((E_PER_W,), jnp.int32),
        pltpu.VMEM((E_PER_W,), jnp.int32),
        [pltpu.VMEM((CHUNK, H), jnp.float32) for _ in range(KBUF)],
        [pltpu.SemaphoreType.DMA for _ in range(KBUF)],
        [pltpu.SemaphoreType.DMA for _ in range(KBUF)],
        [pltpu.SemaphoreType.DMA for _ in range(2)],
        [pltpu.SemaphoreType.DMA for _ in range(ZSEM)],
        pltpu.VMEM((ZROWS, H), jnp.float32),
        pltpu.VMEM_SHARED((NP_, H), jnp.float32),
    ],
)
def _edge_aggregate(y_hbm, src_hbm, dst_hbm, out_hbm,
                    src_v, dst_v, rows_bufs, sems, ssems, isems, zsems,
                    zeros_v, acc_sh):
    c = lax.axis_index("c")
    s = lax.axis_index("s")
    wid = s * NC + c

    ih0 = pltpu.async_copy(src_hbm.at[pl.ds(wid * E_PER_W, E_PER_W)],
                           src_v, isems[0])
    ih1 = pltpu.async_copy(dst_hbm.at[pl.ds(wid * E_PER_W, E_PER_W)],
                           dst_v, isems[1])

    zvec = jnp.zeros((16,), jnp.float32)

    def zrow(i, carry):
        for j in range(H // 16):
            zeros_v[i, pl.ds(j * 16, 16)] = zvec
        return carry

    lax.fori_loop(0, ZROWS, zrow, 0)

    row0 = s * ROWS_PER_TILE
    zh = [pltpu.async_copy(zeros_v, acc_sh.at[pl.ds(row0 + i * ZROWS, ZROWS)],
                           zsems[i % ZSEM])
          for i in range(ROWS_PER_TILE // ZROWS)]
    ih0.wait()
    ih1.wait()
    for h in zh:
        h.wait()

    plsc.subcore_barrier()

    def fire_g(i, b):
        return pltpu.async_copy(
            y_hbm.at[src_v.at[pl.ds(i * CHUNK, CHUNK)]],
            rows_bufs[b], sems[b])

    def fire_s(i, b):
        return pltpu.async_copy(
            rows_bufs[b],
            acc_sh.at[dst_v.at[pl.ds(i * CHUNK, CHUNK)]],
            ssems[b], add=True)

    def wait_g(b):
        pltpu.make_async_copy(y_hbm.at[pl.ds(0, CHUNK)],
                              rows_bufs[b], sems[b]).wait()

    def wait_s(b):
        pltpu.make_async_copy(y_hbm.at[pl.ds(0, CHUNK)],
                              rows_bufs[b], ssems[b]).wait()

    def round_body(r, first, last):
        base = r * KBUF
        for b in range(KBUF):
            bn = (b + KG) % KBUF
            if not (first and b < KS):
                wait_s(bn)
            if not (last and b >= KS):
                fire_g(base + b + KG, bn)
            wait_g(b)
            fire_s(base + b, b)

    for b in range(KG):
        fire_g(b, b)
    round_body(0, True, False)
    lax.fori_loop(1, N_CHUNKS // KBUF - 1,
                  lambda r, c: (round_body(r, False, False), c)[1], 0)
    round_body(N_CHUNKS // KBUF - 1, False, True)
    for j in range(KS):
        wait_s((N_CHUNKS - KS + j) % KBUF)

    plsc.subcore_barrier()

    pltpu.sync_copy(acc_sh.at[pl.ds(row0, ROWS_PER_TILE)],
                    out_hbm.at[pl.ds(c * NP_ + row0, ROWS_PER_TILE)])



def _dbl_body(p0_ref, p1_ref, b_ref, w1_ref, w2_ref, o_ref):
    agg = p0_ref[...] + p1_ref[...]
    h = jnp.maximum(
        lax.dot_general(agg, w1_ref[...], (((1,), (1,)), ((), ())),
                        preferred_element_type=jnp.float32) + b_ref[...],
        0.0)
    o_ref[...] = lax.dot_general(
        h, w2_ref[...], (((1,), (1,)), ((), ())),
        preferred_element_type=jnp.float32)


def _double_matmul(p0, p1, b, w1, w2):
    return pl.pallas_call(
        _dbl_body,
        grid=(N // BN,),
        in_specs=[pl.BlockSpec((BN, H), lambda i: (i, 0)),
                  pl.BlockSpec((BN, H), lambda i: (i, 0)),
                  pl.BlockSpec((1, H), lambda i: (0, 0)),
                  pl.BlockSpec((H, D), lambda i: (0, 0)),
                  pl.BlockSpec((H, H), lambda i: (0, 0))],
        out_specs=pl.BlockSpec((BN, H), lambda i: (i, 0)),
        out_shape=jax.ShapeDtypeStruct((N, H), jnp.float32),
    )(p0, p1, b, w1, w2)


def _pool_body(p0_ref, p1_ref, b_ref, batch_ref, o_ref):
    i = pl.program_id(0)
    h2 = jnp.maximum(p0_ref[...] + p1_ref[...] + b_ref[...], 0.0)
    bb = batch_ref[0, 0, :]
    mask = (lax.broadcasted_iota(jnp.int32, (G, BN), 0)
            == bb[None, :]).astype(jnp.float32)
    acc = lax.dot_general(mask, h2, (((1,), (0,)), ((), ())),
                          preferred_element_type=jnp.float32)

    @pl.when(i == 0)
    def _init():
        o_ref[...] = acc

    @pl.when(i > 0)
    def _accum():
        o_ref[...] += acc


def _pool(p0, p1, b, batch3):
    return pl.pallas_call(
        _pool_body,
        grid=(N // BN,),
        in_specs=[pl.BlockSpec((BN, H), lambda i: (i, 0)),
                  pl.BlockSpec((BN, H), lambda i: (i, 0)),
                  pl.BlockSpec((1, H), lambda i: (0, 0)),
                  pl.BlockSpec((1, 1, BN), lambda i: (i, 0, 0))],
        out_specs=pl.BlockSpec((G, H), lambda i: (0, 0)),
        out_shape=jax.ShapeDtypeStruct((G, H), jnp.float32),
    )(p0, p1, b, batch3)



def kernel(x, edge_index, batch, W1, b1, W2, b2):
    src = edge_index[0]
    dst = edge_index[1]

    p1 = _edge_aggregate(x, src, dst)
    y2 = _double_matmul(p1[:N], p1[NP_:NP_ + N], b1.reshape(1, H), W1, W2)
    p2 = _edge_aggregate(y2, src, dst)
    out = _pool(p2[:N], p2[NP_:NP_ + N], b2.reshape(1, H),
                batch.reshape(N // BN, 1, BN))
    return out

# --- scband reference (transcript-rebuilt; emitter-appended) ---
"""Pipeline reference for scband-sum-gnnbackbone-33767032881756 (READ-ONLY COPY).

The authoritative reference and input builder live on the scoring server;
editing this copy changes nothing except your own understanding.
"""

import jax, jax.numpy as jnp
import numpy as np

N = 10000
E = 320000
D = 128
H = 128
G = 64


def setup_inputs(seed: int = 0) -> dict:
    key = jax.random.key(seed)
    k1, k2, k3, k4, k5, k6, k7 = jax.random.split(key, 7)
    x = jax.random.normal(k1, (N, D), dtype=jnp.float32)
    edge_index = jax.random.randint(k2, (2, E), 0, N, dtype=jnp.int32)
    batch = jnp.sort(jax.random.randint(k3, (N,), 0, G, dtype=jnp.int32))
    W1 = jax.random.normal(k4, (H, D), dtype=jnp.float32) * 0.05
    b1 = jax.random.normal(k5, (H,), dtype=jnp.float32) * 0.05
    W2 = jax.random.normal(k6, (H, H), dtype=jnp.float32) * 0.05
    b2 = jax.random.normal(k7, (H,), dtype=jnp.float32) * 0.05
    return {"x": x, "edge_index": edge_index, "batch": batch,
            "W1": W1, "b1": b1, "W2": W2, "b2": b2}


def reference(x, edge_index, batch, W1, b1, W2, b2):
    # Eval mode: dropout is identity.
    src = edge_index[0]
    dst = edge_index[1]
    # SumConv 1: aggregate (scatter-add messages x_j = x[src] at dst), then Linear
    agg1 = jax.ops.segment_sum(jnp.take(x, src, axis=0), dst, num_segments=N)
    h = agg1 @ W1.T + b1
    h = jax.nn.relu(h)
    # SumConv 2
    agg2 = jax.ops.segment_sum(jnp.take(h, src, axis=0), dst, num_segments=N)
    h2 = agg2 @ W2.T + b2
    h2 = jax.nn.relu(h2)
    # global_add_pool over batch assignments
    out = jax.ops.segment_sum(h2, batch, num_segments=G)
    return out

if __name__ == "__main__":
    import jax
    _d = setup_inputs()
    print(jax.jit(kernel)(*tuple(_d.values())))

</pallas_src>

<mosaic_0001>
#map = affine_map<(d0, d1) -> (0, 0)>
#map1 = affine_map<(d0, d1) -> (0)>
module attributes {stable_mosaic.version = 14 : i64} {
  func.func @_edge_aggregate(%arg0: i32, %arg1: i32, %arg2: memref<10000x128xf32, #tpu.memory_space<hbm>>, %arg3: memref<320000xi32, #tpu.memory_space<hbm>>, %arg4: memref<320000xi32, #tpu.memory_space<hbm>>, %arg5: memref<20480x128xf32, #tpu.memory_space<hbm>>, %arg6: memref<10000xi32, #tpu.memory_space<vmem>>, %arg7: memref<10000xi32, #tpu.memory_space<vmem>>, %arg8: memref<40x128xf32, #tpu.memory_space<vmem>>, %arg9: memref<40x128xf32, #tpu.memory_space<vmem>>, %arg10: memref<40x128xf32, #tpu.memory_space<vmem>>, %arg11: memref<40x128xf32, #tpu.memory_space<vmem>>, %arg12: memref<40x128xf32, #tpu.memory_space<vmem>>, %arg13: memref<!tpu.dma_semaphore, #tpu.memory_space<semaphore_mem>>, %arg14: memref<!tpu.dma_semaphore, #tpu.memory_space<semaphore_mem>>, %arg15: memref<!tpu.dma_semaphore, #tpu.memory_space<semaphore_mem>>, %arg16: memref<!tpu.dma_semaphore, #tpu.memory_space<semaphore_mem>>, %arg17: memref<!tpu.dma_semaphore, #tpu.memory_space<semaphore_mem>>, %arg18: memref<!tpu.dma_semaphore, #tpu.memory_space<semaphore_mem>>, %arg19: memref<!tpu.dma_semaphore, #tpu.memory_space<semaphore_mem>>, %arg20: memref<!tpu.dma_semaphore, #tpu.memory_space<semaphore_mem>>, %arg21: memref<!tpu.dma_semaphore, #tpu.memory_space<semaphore_mem>>, %arg22: memref<!tpu.dma_semaphore, #tpu.memory_space<semaphore_mem>>, %arg23: memref<!tpu.dma_semaphore, #tpu.memory_space<semaphore_mem>>, %arg24: memref<!tpu.dma_semaphore, #tpu.memory_space<semaphore_mem>>, %arg25: memref<!tpu.dma_semaphore, #tpu.memory_space<semaphore_mem>>, %arg26: memref<!tpu.dma_semaphore, #tpu.memory_space<semaphore_mem>>, %arg27: memref<!tpu.dma_semaphore, #tpu.memory_space<semaphore_mem>>, %arg28: memref<!tpu.dma_semaphore, #tpu.memory_space<semaphore_mem>>, %arg29: memref<!tpu.dma_semaphore, #tpu.memory_space<semaphore_mem>>, %arg30: memref<!tpu.dma_semaphore, #tpu.memory_space<semaphore_mem>>, %arg31: memref<!tpu.dma_semaphore, #tpu.memory_space<semaphore_mem>>, %arg32: memref<!tpu.dma_semaphore, #tpu.memory_space<semaphore_mem>>, %arg33: memref<16x128xf32, #tpu.memory_space<vmem>>, %arg34: memref<10240x128xf32, #tpu.memory_space<vmem_shared>>) attributes {dimension_semantics = [#tpu.dimension_semantics<core_parallel>, #tpu.dimension_semantics<subcore_parallel>], iteration_bounds = array<i64: 2, 16>, scalar_prefetch = 0 : i64, scratch_operands = 29 : i64, tpu.core_type = #tpu.core_type<sc_vector_subcore>, window_params = [{transform_indices = #map}, {transform_indices = #map1}, {transform_indices = #map1}, {transform_indices = #map}]} {
    %mul3A = arith.constant 2 : i32
    %mul3A_0 = arith.muli %arg1, %mul3A : i32
    %add3A = arith.addi %mul3A_0, %arg0 : i32
    %mul3A_1 = arith.constant 10000 : i32
    %mul3A_2 = arith.muli %add3A, %mul3A_1 : i32
    %dma_start3A = tpu.memref_slice %arg3[%mul3A_2] : memref<320000xi32, #tpu.memory_space<hbm>> -> memref<10000xi32, #tpu.memory_space<hbm>>
    %dma_start3A_3 = tpu.memref_slice %arg3[%mul3A_2] : memref<320000xi32, #tpu.memory_space<hbm>> -> memref<10000xi32, #tpu.memory_space<hbm>>
    tpu.enqueue_dma source(%dma_start3A_3 : memref<10000xi32, #tpu.memory_space<hbm>>) target(%arg6 : memref<10000xi32, #tpu.memory_space<vmem>>) target_semaphore(%arg23 : memref<!tpu.dma_semaphore, #tpu.memory_space<semaphore_mem>>)
    %mul3A_4 = arith.constant 10000 : i32
    %mul3A_5 = arith.muli %add3A, %mul3A_4 : i32
    %dma_start3A_6 = tpu.memref_slice %arg4[%mul3A_5] : memref<320000xi32, #tpu.memory_space<hbm>> -> memref<10000xi32, #tpu.memory_space<hbm>>
    %dma_start3A_7 = tpu.memref_slice %arg4[%mul3A_5] : memref<320000xi32, #tpu.memory_space<hbm>> -> memref<10000xi32, #tpu.memory_space<hbm>>
    tpu.enqueue_dma source(%dma_start3A_7 : memref<10000xi32, #tpu.memory_space<hbm>>) target(%arg7 : memref<10000xi32, #tpu.memory_space<vmem>>) target_semaphore(%arg24 : memref<!tpu.dma_semaphore, #tpu.memory_space<semaphore_mem>>)
    %broadcast_in_dim3A = arith.constant 0.000000e+00 : f32
    %broadcast_in_dim3A_8 = vector.broadcast %broadcast_in_dim3A : f32 to vector<16xf32>
    %scan3A = arith.constant 0 : i32
    %scan3A_9 = arith.constant 0 : i32
    %scan3A_10 = arith.constant 16 : i32
    %scan3A_11 = arith.addi %scan3A_9, %scan3A_10 : i32
    %scan3A_12 = arith.constant 1 : i32
    scf.for %scan3A_649 = %scan3A_9 to %scan3A_11 step %scan3A_12  : i32 {
      %swap3A = arith.index_cast %scan3A_649 : i32 to index
      %swap3A_650 = arith.constant 0 : index
      %swap3A_651 = tpu.vector_load %arg33[%swap3A, %swap3A_650] {strides = array<i32>} : memref<16x128xf32, #tpu.memory_space<vmem>>, vector<1x16xf32>,
      %swap3A_652 = vector.shape_cast %swap3A_651 : vector<1x16xf32> to vector<16xf32>
      %swap3A_653 = vector.shape_cast %broadcast_in_dim3A_8 : vector<16xf32> to vector<1x16xf32>
      tpu.vector_store %arg33[%swap3A, %swap3A_650], %swap3A_653 {strides = array<i32>} : memref<16x128xf32, #tpu.memory_space<vmem>>, vector<1x16xf32>,
      %swap3A_654 = arith.index_cast %scan3A_649 : i32 to index
      %swap3A_655 = arith.constant 16 : index
      %swap3A_656 = tpu.vector_load %arg33[%swap3A_654, %swap3A_655] {strides = array<i32>} : memref<16x128xf32, #tpu.memory_space<vmem>>, vector<1x16xf32>,
      %swap3A_657 = vector.shape_cast %swap3A_656 : vector<1x16xf32> to vector<16xf32>
      %swap3A_658 = vector.shape_cast %broadcast_in_dim3A_8 : vector<16xf32> to vector<1x16xf32>
      tpu.vector_store %arg33[%swap3A_654, %swap3A_655], %swap3A_658 {strides = array<i32>} : memref<16x128xf32, #tpu.memory_space<vmem>>, vector<1x16xf32>,
      %swap3A_659 = arith.index_cast %scan3A_649 : i32 to index
      %swap3A_660 = arith.constant 32 : index
      %swap3A_661 = tpu.vector_load %arg33[%swap3A_659, %swap3A_660] {strides = array<i32>} : memref<16x128xf32, #tpu.memory_space<vmem>>, vector<1x16xf32>,
      %swap3A_662 = vector.shape_cast %swap3A_661 : vector<1x16xf32> to vector<16xf32>
      %swap3A_663 = vector.shape_cast %broadcast_in_dim3A_8 : vector<16xf32> to vector<1x16xf32>
      tpu.vector_store %arg33[%swap3A_659, %swap3A_660], %swap3A_663 {strides = array<i32>} : memref<16x128xf32, #tpu.memory_space<vmem>>, vector<1x16xf32>,
      %swap3A_664 = arith.index_cast %scan3A_649 : i32 to index
      %swap3A_665 = arith.constant 48 : index
      %swap3A_666 = tpu.vector_load %arg33[%swap3A_664, %swap3A_665] {strides = array<i32>} : memref<16x128xf32, #tpu.memory_space<vmem>>, vector<1x16xf32>,
      %swap3A_667 = vector.shape_cast %swap3A_666 : vector<1x16xf32> to vector<16xf32>
      %swap3A_668 = vector.shape_cast %broadcast_in_dim3A_8 : vector<16xf32> to vector<1x16xf32>
      tpu.vector_store %arg33[%swap3A_664, %swap3A_665], %swap3A_668 {strides = array<i32>} : memref<16x128xf32, #tpu.memory_space<vmem>>, vector<1x16xf32>,
      %swap3A_669 = arith.index_cast %scan3A_649 : i32 to index
      %swap3A_670 = arith.constant 64 : index
      %swap3A_671 = tpu.vector_load %arg33[%swap3A_669, %swap3A_670] {strides = array<i32>} : memref<16x128xf32, #tpu.memory_space<vmem>>, vector<1x16xf32>,
      %swap3A_672 = vector.shape_cast %swap3A_671 : vector<1x16xf32> to vector<16xf32>
      %swap3A_673 = vector.shape_cast %broadcast_in_dim3A_8 : vector<16xf32> to vector<1x16xf32>
      tpu.vector_store %arg33[%swap3A_669, %swap3A_670], %swap3A_673 {strides = array<i32>} : memref<16x128xf32, #tpu.memory_space<vmem>>, vector<1x16xf32>,
      %swap3A_674 = arith.index_cast %scan3A_649 : i32 to index
      %swap3A_675 = arith.constant 80 : index
      %swap3A_676 = tpu.vector_load %arg33[%swap3A_674, %swap3A_675] {strides = array<i32>} : memref<16x128xf32, #tpu.memory_space<vmem>>, vector<1x16xf32>,
      %swap3A_677 = vector.shape_cast %swap3A_676 : vector<1x16xf32> to vector<16xf32>
      %swap3A_678 = vector.shape_cast %broadcast_in_dim3A_8 : vector<16xf32> to vector<1x16xf32>
      tpu.vector_store %arg33[%swap3A_674, %swap3A_675], %swap3A_678 {strides = array<i32>} : memref<16x128xf32, #tpu.memory_space<vmem>>, vector<1x16xf32>,
      %swap3A_679 = arith.index_cast %scan3A_649 : i32 to index
      %swap3A_680 = arith.constant 96 : index
      %swap3A_681 = tpu.vector_load %arg33[%swap3A_679, %swap3A_680] {strides = array<i32>} : memref<16x128xf32, #tpu.memory_space<vmem>>, vector<1x16xf32>,
      %swap3A_682 = vector.shape_cast %swap3A_681 : vector<1x16xf32> to vector<16xf32>
      %swap3A_683 = vector.shape_cast %broadcast_in_dim3A_8 : vector<16xf32> to vector<1x16xf32>
      tpu.vector_store %arg33[%swap3A_679, %swap3A_680], %swap3A_683 {strides = array<i32>} : memref<16x128xf32, #tpu.memory_space<vmem>>, vector<1x16xf32>,
      %swap3A_684 = arith.index_cast %scan3A_649 : i32 to index
      %swap3A_685 = arith.constant 112 : index
      %swap3A_686 = tpu.vector_load %arg33[%swap3A_684, %swap3A_685] {strides = array<i32>} : memref<16x128xf32, #tpu.memory_space<vmem>>, vector<1x16xf32>,
      %swap3A_687 = vector.shape_cast %swap3A_686 : vector<1x16xf32> to vector<16xf32>
      %swap3A_688 = vector.shape_cast %broadcast_in_dim3A_8 : vector<16xf32> to vector<1x16xf32>
      tpu.vector_store %arg33[%swap3A_684, %swap3A_685], %swap3A_688 {strides = array<i32>} : memref<16x128xf32, #tpu.memory_space<vmem>>, vector<1x16xf32>,
    }
    %scan3A_13 = arith.constant 16 : i32
    %mul3A_14 = arith.constant 640 : i32
    %mul3A_15 = arith.muli %arg1, %mul3A_14 : i32
    %add3A_16 = arith.constant 0 : i32
    %add3A_17 = arith.addi %mul3A_15, %add3A_16 : i32
    %dma_start3A_18 = arith.constant 0 : i32
    %dma_start3A_19 = tpu.memref_slice %arg34[%add3A_17, %dma_start3A_18] : memref<10240x128xf32, #tpu.memory_space<vmem_shared>> -> memref<16x128xf32, #tpu.memory_space<vmem_shared>>
    %dma_start3A_20 = arith.constant 0 : i32
    %dma_start3A_21 = tpu.memref_slice %arg34[%add3A_17, %dma_start3A_20] : memref<10240x128xf32, #tpu.memory_space<vmem_shared>> -> memref<16x128xf32, #tpu.memory_space<vmem_shared>>
    tpu.enqueue_dma source(%arg33 : memref<16x128xf32, #tpu.memory_space<vmem>>) target(%dma_start3A_21 : memref<16x128xf32, #tpu.memory_space<vmem_shared>>) target_semaphore(%arg25 : memref<!tpu.dma_semaphore, #tpu.memory_space<semaphore_mem>>)
    %add3A_22 = arith.constant 16 : i32
    %add3A_23 = arith.addi %mul3A_15, %add3A_22 : i32
    %dma_start3A_24 = arith.constant 0 : i32
    %dma_start3A_25 = tpu.memref_slice %arg34[%add3A_23, %dma_start3A_24] : memref<10240x128xf32, #tpu.memory_space<vmem_shared>> -> memref<16x128xf32, #tpu.memory_space<vmem_shared>>
    %dma_start3A_26 = arith.constant 0 : i32
    %dma_start3A_27 = tpu.memref_slice %arg34[%add3A_23, %dma_start3A_26] : memref<10240x128xf32, #tpu.memory_space<vmem_shared>> -> memref<16x128xf32, #tpu.memory_space<vmem_shared>>
    tpu.enqueue_dma source(%arg33 : memref<16x128xf32, #tpu.memory_space<vmem>>) target(%dma_start3A_27 : memref<16x128xf32, #tpu.memory_space<vmem_shared>>) target_semaphore(%arg26 : memref<!tpu.dma_semaphore, #tpu.memory_space<semaphore_mem>>)
    %add3A_28 = arith.constant 32 : i32
    %add3A_29 = arith.addi %mul3A_15, %add3A_28 : i32
    %dma_start3A_30 = arith.constant 0 : i32
    %dma_start3A_31 = tpu.memref_slice %arg34[%add3A_29, %dma_start3A_30] : memref<10240x128xf32, #tpu.memory_space<vmem_shared>> -> memref<16x128xf32, #tpu.memory_space<vmem_shared>>
    %dma_start3A_32 = arith.constant 0 : i32
    %dma_start3A_33 = tpu.memref_slice %arg34[%add3A_29, %dma_start3A_32] : memref<10240x128xf32, #tpu.memory_space<vmem_shared>> -> memref<16x128xf32, #tpu.memory_space<vmem_shared>>
    tpu.enqueue_dma source(%arg33 : memref<16x128xf32, #tpu.memory_space<vmem>>) target(%dma_start3A_33 : memref<16x128xf32, #tpu.memory_space<vmem_shared>>) target_semaphore(%arg27 : memref<!tpu.dma_semaphore, #tpu.memory_space<semaphore_mem>>)
    %add3A_34 = arith.constant 48 : i32
    %add3A_35 = arith.addi %mul3A_15, %add3A_34 : i32
    %dma_start3A_36 = arith.constant 0 : i32
    %dma_start3A_37 = tpu.memref_slice %arg34[%add3A_35, %dma_start3A_36] : memref<10240x128xf32, #tpu.memory_space<vmem_shared>> -> memref<16x128xf32, #tpu.memory_space<vmem_shared>>
    %dma_start3A_38 = arith.constant 0 : i32
    %dma_start3A_39 = tpu.memref_slice %arg34[%add3A_35, %dma_start3A_38] : memref<10240x128xf32, #tpu.memory_space<vmem_shared>> -> memref<16x128xf32, #tpu.memory_space<vmem_shared>>
    tpu.enqueue_dma source(%arg33 : memref<16x128xf32, #tpu.memory_space<vmem>>) target(%dma_start3A_39 : memref<16x128xf32, #tpu.memory_space<vmem_shared>>) target_semaphore(%arg28 : memref<!tpu.dma_semaphore, #tpu.memory_space<semaphore_mem>>)
    %add3A_40 = arith.constant 64 : i32
    %add3A_41 = arith.addi %mul3A_15, %add3A_40 : i32
    %dma_start3A_42 = arith.constant 0 : i32
    %dma_start3A_43 = tpu.memref_slice %arg34[%add3A_41, %dma_start3A_42] : memref<10240x128xf32, #tpu.memory_space<vmem_shared>> -> memref<16x128xf32, #tpu.memory_space<vmem_shared>>
    %dma_start3A_44 = arith.constant 0 : i32
    %dma_start3A_45 = tpu.memref_slice %arg34[%add3A_41, %dma_start3A_44] : memref<10240x128xf32, #tpu.memory_space<vmem_shared>> -> memref<16x128xf32, #tpu.memory_space<vmem_shared>>
    tpu.enqueue_dma source(%arg33 : memref<16x128xf32, #tpu.memory_space<vmem>>) target(%dma_start3A_45 : memref<16x128xf32, #tpu.memory_space<vmem_shared>>) target_semaphore(%arg29 : memref<!tpu.dma_semaphore, #tpu.memory_space<semaphore_mem>>)
    %add3A_46 = arith.constant 80 : i32
    %add3A_47 = arith.addi %mul3A_15, %add3A_46 : i32
    %dma_start3A_48 = arith.constant 0 : i32
    %dma_start3A_49 = tpu.memref_slice %arg34[%add3A_47, %dma_start3A_48] : memref<10240x128xf32, #tpu.memory_space<vmem_shared>> -> memref<16x128xf32, #tpu.memory_space<vmem_shared>>
    %dma_start3A_50 = arith.constant 0 : i32
    %dma_start3A_51 = tpu.memref_slice %arg34[%add3A_47, %dma_start3A_50] : memref<10240x128xf32, #tpu.memory_space<vmem_shared>> -> memref<16x128xf32, #tpu.memory_space<vmem_shared>>
    tpu.enqueue_dma source(%arg33 : memref<16x128xf32, #tpu.memory_space<vmem>>) target(%dma_start3A_51 : memref<16x128xf32, #tpu.memory_space<vmem_shared>>) target_semaphore(%arg30 : memref<!tpu.dma_semaphore, #tpu.memory_space<semaphore_mem>>)
    %add3A_52 = arith.constant 96 : i32
    %add3A_53 = arith.addi %mul3A_15, %add3A_52 : i32
    %dma_start3A_54 = arith.constant 0 : i32
    %dma_start3A_55 = tpu.memref_slice %arg34[%add3A_53, %dma_start3A_54] : memref<10240x128xf32, #tpu.memory_space<vmem_shared>> -> memref<16x128xf32, #tpu.memory_space<vmem_shared>>
    %dma_start3A_56 = arith.constant 0 : i32
    %dma_start3A_57 = tpu.memref_slice %arg34[%add3A_53, %dma_start3A_56] : memref<10240x128xf32, #tpu.memory_space<vmem_shared>> -> memref<16x128xf32, #tpu.memory_space<vmem_shared>>
    tpu.enqueue_dma source(%arg33 : memref<16x128xf32, #tpu.memory_space<vmem>>) target(%dma_start3A_57 : memref<16x128xf32, #tpu.memory_space<vmem_shared>>) target_semaphore(%arg31 : memref<!tpu.dma_semaphore, #tpu.memory_space<semaphore_mem>>)
    %add3A_58 = arith.constant 112 : i32
    %add3A_59 = arith.addi %mul3A_15, %add3A_58 : i32
    %dma_start3A_60 = arith.constant 0 : i32
    %dma_start3A_61 = tpu.memref_slice %arg34[%add3A_59, %dma_start3A_60] : memref<10240x128xf32, #tpu.memory_space<vmem_shared>> -> memref<16x128xf32, #tpu.memory_space<vmem_shared>>
    %dma_start3A_62 = arith.constant 0 : i32
    %dma_start3A_63 = tpu.memref_slice %arg34[%add3A_59, %dma_start3A_62] : memref<10240x128xf32, #tpu.memory_space<vmem_shared>> -> memref<16x128xf32, #tpu.memory_space<vmem_shared>>
    tpu.enqueue_dma source(%arg33 : memref<16x128xf32, #tpu.memory_space<vmem>>) target(%dma_start3A_63 : memref<16x128xf32, #tpu.memory_space<vmem_shared>>) target_semaphore(%arg32 : memref<!tpu.dma_semaphore, #tpu.memory_space<semaphore_mem>>)
    %add3A_64 = arith.constant 128 : i32
    %add3A_65 = arith.addi %mul3A_15, %add3A_64 : i32
    %dma_start3A_66 = arith.constant 0 : i32
    %dma_start3A_67 = tpu.memref_slice %arg34[%add3A_65, %dma_start3A_66] : memref<10240x128xf32, #tpu.memory_space<vmem_shared>> -> memref<16x128xf32, #tpu.memory_space<vmem_shared>>
    %dma_start3A_68 = arith.constant 0 : i32
    %dma_start3A_69 = tpu.memref_slice %arg34[%add3A_65, %dma_start3A_68] : memref<10240x128xf32, #tpu.memory_space<vmem_shared>> -> memref<16x128xf32, #tpu.memory_space<vmem_shared>>
    tpu.enqueue_dma source(%arg33 : memref<16x128xf32, #tpu.memory_space<vmem>>) target(%dma_start3A_69 : memref<16x128xf32, #tpu.memory_space<vmem_shared>>) target_semaphore(%arg25 : memref<!tpu.dma_semaphore, #tpu.memory_space<semaphore_mem>>)
    %add3A_70 = arith.constant 144 : i32
    %add3A_71 = arith.addi %mul3A_15, %add3A_70 : i32
    %dma_start3A_72 = arith.constant 0 : i32
    %dma_start3A_73 = tpu.memref_slice %arg34[%add3A_71, %dma_start3A_72] : memref<10240x128xf32, #tpu.memory_space<vmem_shared>> -> memref<16x128xf32, #tpu.memory_space<vmem_shared>>
    %dma_start3A_74 = arith.constant 0 : i32
    %dma_start3A_75 = tpu.memref_slice %arg34[%add3A_71, %dma_start3A_74] : memref<10240x128xf32, #tpu.memory_space<vmem_shared>> -> memref<16x128xf32, #tpu.memory_space<vmem_shared>>
    tpu.enqueue_dma source(%arg33 : memref<16x128xf32, #tpu.memory_space<vmem>>) target(%dma_start3A_75 : memref<16x128xf32, #tpu.memory_space<vmem_shared>>) target_semaphore(%arg26 : memref<!tpu.dma_semaphore, #tpu.memory_space<semaphore_mem>>)
    %add3A_76 = arith.constant 160 : i32
    %add3A_77 = arith.addi %mul3A_15, %add3A_76 : i32
    %dma_start3A_78 = arith.constant 0 : i32
    %dma_start3A_79 = tpu.memref_slice %arg34[%add3A_77, %dma_start3A_78] : memref<10240x128xf32, #tpu.memory_space<vmem_shared>> -> memref<16x128xf32, #tpu.memory_space<vmem_shared>>
    %dma_start3A_80 = arith.constant 0 : i32
    %dma_start3A_81 = tpu.memref_slice %arg34[%add3A_77, %dma_start3A_80] : memref<10240x128xf32, #tpu.memory_space<vmem_shared>> -> memref<16x128xf32, #tpu.memory_space<vmem_shared>>
    tpu.enqueue_dma source(%arg33 : memref<16x128xf32, #tpu.memory_space<vmem>>) target(%dma_start3A_81 : memref<16x128xf32, #tpu.memory_space<vmem_shared>>) target_semaphore(%arg27 : memref<!tpu.dma_semaphore, #tpu.memory_space<semaphore_mem>>)
    %add3A_82 = arith.constant 176 : i32
    %add3A_83 = arith.addi %mul3A_15, %add3A_82 : i32
    %dma_start3A_84 = arith.constant 0 : i32
    %dma_start3A_85 = tpu.memref_slice %arg34[%add3A_83, %dma_start3A_84] : memref<10240x128xf32, #tpu.memory_space<vmem_shared>> -> memref<16x128xf32, #tpu.memory_space<vmem_shared>>
    %dma_start3A_86 = arith.constant 0 : i32
    %dma_start3A_87 = tpu.memref_slice %arg34[%add3A_83, %dma_start3A_86] : memref<10240x128xf32, #tpu.memory_space<vmem_shared>> -> memref<16x128xf32, #tpu.memory_space<vmem_shared>>
    tpu.enqueue_dma source(%arg33 : memref<16x128xf32, #tpu.memory_space<vmem>>) target(%dma_start3A_87 : memref<16x128xf32, #tpu.memory_space<vmem_shared>>) target_semaphore(%arg28 : memref<!tpu.dma_semaphore, #tpu.memory_space<semaphore_mem>>)
    %add3A_88 = arith.constant 192 : i32
    %add3A_89 = arith.addi %mul3A_15, %add3A_88 : i32
    %dma_start3A_90 = arith.constant 0 : i32
    %dma_start3A_91 = tpu.memref_slice %arg34[%add3A_89, %dma_start3A_90] : memref<10240x128xf32, #tpu.memory_space<vmem_shared>> -> memref<16x128xf32, #tpu.memory_space<vmem_shared>>
    %dma_start3A_92 = arith.constant 0 : i32
    %dma_start3A_93 = tpu.memref_slice %arg34[%add3A_89, %dma_start3A_92] : memref<10240x128xf32, #tpu.memory_space<vmem_shared>> -> memref<16x128xf32, #tpu.memory_space<vmem_shared>>
    tpu.enqueue_dma source(%arg33 : memref<16x128xf32, #tpu.memory_space<vmem>>) target(%dma_start3A_93 : memref<16x128xf32, #tpu.memory_space<vmem_shared>>) target_semaphore(%arg29 : memref<!tpu.dma_semaphore, #tpu.memory_space<semaphore_mem>>)
    %add3A_94 = arith.constant 208 : i32
    %add3A_95 = arith.addi %mul3A_15, %add3A_94 : i32
    %dma_start3A_96 = arith.constant 0 : i32
    %dma_start3A_97 = tpu.memref_slice %arg34[%add3A_95, %dma_start3A_96] : memref<10240x128xf32, #tpu.memory_space<vmem_shared>> -> memref<16x128xf32, #tpu.memory_space<vmem_shared>>
    %dma_start3A_98 = arith.constant 0 : i32
    %dma_start3A_99 = tpu.memref_slice %arg34[%add3A_95, %dma_start3A_98] : memref<10240x128xf32, #tpu.memory_space<vmem_shared>> -> memref<16x128xf32, #tpu.memory_space<vmem_shared>>
    tpu.enqueue_dma source(%arg33 : memref<16x128xf32, #tpu.memory_space<vmem>>) target(%dma_start3A_99 : memref<16x128xf32, #tpu.memory_space<vmem_shared>>) target_semaphore(%arg30 : memref<!tpu.dma_semaphore, #tpu.memory_space<semaphore_mem>>)
    %add3A_100 = arith.constant 224 : i32
    %add3A_101 = arith.addi %mul3A_15, %add3A_100 : i32
    %dma_start3A_102 = arith.constant 0 : i32
    %dma_start3A_103 = tpu.memref_slice %arg34[%add3A_101, %dma_start3A_102] : memref<10240x128xf32, #tpu.memory_space<vmem_shared>> -> memref<16x128xf32, #tpu.memory_space<vmem_shared>>
    %dma_start3A_104 = arith.constant 0 : i32
    %dma_start3A_105 = tpu.memref_slice %arg34[%add3A_101, %dma_start3A_104] : memref<10240x128xf32, #tpu.memory_space<vmem_shared>> -> memref<16x128xf32, #tpu.memory_space<vmem_shared>>
    tpu.enqueue_dma source(%arg33 : memref<16x128xf32, #tpu.memory_space<vmem>>) target(%dma_start3A_105 : memref<16x128xf32, #tpu.memory_space<vmem_shared>>) target_semaphore(%arg31 : memref<!tpu.dma_semaphore, #tpu.memory_space<semaphore_mem>>)
    %add3A_106 = arith.constant 240 : i32
    %add3A_107 = arith.addi %mul3A_15, %add3A_106 : i32
    %dma_start3A_108 = arith.constant 0 : i32
    %dma_start3A_109 = tpu.memref_slice %arg34[%add3A_107, %dma_start3A_108] : memref<10240x128xf32, #tpu.memory_space<vmem_shared>> -> memref<16x128xf32, #tpu.memory_space<vmem_shared>>
    %dma_start3A_110 = arith.constant 0 : i32
    %dma_start3A_111 = tpu.memref_slice %arg34[%add3A_107, %dma_start3A_110] : memref<10240x128xf32, #tpu.memory_space<vmem_shared>> -> memref<16x128xf32, #tpu.memory_space<vmem_shared>>
    tpu.enqueue_dma source(%arg33 : memref<16x128xf32, #tpu.memory_space<vmem>>) target(%dma_start3A_111 : memref<16x128xf32, #tpu.memory_space<vmem_shared>>) target_semaphore(%arg32 : memref<!tpu.dma_semaphore, #tpu.memory_space<semaphore_mem>>)
    %add3A_112 = arith.constant 256 : i32
    %add3A_113 = arith.addi %mul3A_15, %add3A_112 : i32
    %dma_start3A_114 = arith.constant 0 : i32
    %dma_start3A_115 = tpu.memref_slice %arg34[%add3A_113, %dma_start3A_114] : memref<10240x128xf32, #tpu.memory_space<vmem_shared>> -> memref<16x128xf32, #tpu.memory_space<vmem_shared>>
    %dma_start3A_116 = arith.constant 0 : i32
    %dma_start3A_117 = tpu.memref_slice %arg34[%add3A_113, %dma_start3A_116] : memref<10240x128xf32, #tpu.memory_space<vmem_shared>> -> memref<16x128xf32, #tpu.memory_space<vmem_shared>>
    tpu.enqueue_dma source(%arg33 : memref<16x128xf32, #tpu.memory_space<vmem>>) target(%dma_start3A_117 : memref<16x128xf32, #tpu.memory_space<vmem_shared>>) target_semaphore(%arg25 : memref<!tpu.dma_semaphore, #tpu.memory_space<semaphore_mem>>)
    %add3A_118 = arith.constant 272 : i32
    %add3A_119 = arith.addi %mul3A_15, %add3A_118 : i32
    %dma_start3A_120 = arith.constant 0 : i32
    %dma_start3A_121 = tpu.memref_slice %arg34[%add3A_119, %dma_start3A_120] : memref<10240x128xf32, #tpu.memory_space<vmem_shared>> -> memref<16x128xf32, #tpu.memory_space<vmem_shared>>
    %dma_start3A_122 = arith.constant 0 : i32
    %dma_start3A_123 = tpu.memref_slice %arg34[%add3A_119, %dma_start3A_122] : memref<10240x128xf32, #tpu.memory_space<vmem_shared>> -> memref<16x128xf32, #tpu.memory_space<vmem_shared>>
    tpu.enqueue_dma source(%arg33 : memref<16x128xf32, #tpu.memory_space<vmem>>) target(%dma_start3A_123 : memref<16x128xf32, #tpu.memory_space<vmem_shared>>) target_semaphore(%arg26 : memref<!tpu.dma_semaphore, #tpu.memory_space<semaphore_mem>>)
    %add3A_124 = arith.constant 288 : i32
    %add3A_125 = arith.addi %mul3A_15, %add3A_124 : i32
    %dma_start3A_126 = arith.constant 0 : i32
    %dma_start3A_127 = tpu.memref_slice %arg34[%add3A_125, %dma_start3A_126] : memref<10240x128xf32, #tpu.memory_space<vmem_shared>> -> memref<16x128xf32, #tpu.memory_space<vmem_shared>>
    %dma_start3A_128 = arith.constant 0 : i32
    %dma_start3A_129 = tpu.memref_slice %arg34[%add3A_125, %dma_start3A_128] : memref<10240x128xf32, #tpu.memory_space<vmem_shared>> -> memref<16x128xf32, #tpu.memory_space<vmem_shared>>
    tpu.enqueue_dma source(%arg33 : memref<16x128xf32, #tpu.memory_space<vmem>>) target(%dma_start3A_129 : memref<16x128xf32, #tpu.memory_space<vmem_shared>>) target_semaphore(%arg27 : memref<!tpu.dma_semaphore, #tpu.memory_space<semaphore_mem>>)
    %add3A_130 = arith.constant 304 : i32
    %add3A_131 = arith.addi %mul3A_15, %add3A_130 : i32
    %dma_start3A_132 = arith.constant 0 : i32
    %dma_start3A_133 = tpu.memref_slice %arg34[%add3A_131, %dma_start3A_132] : memref<10240x128xf32, #tpu.memory_space<vmem_shared>> -> memref<16x128xf32, #tpu.memory_space<vmem_shared>>
    %dma_start3A_134 = arith.constant 0 : i32
    %dma_start3A_135 = tpu.memref_slice %arg34[%add3A_131, %dma_start3A_134] : memref<10240x128xf32, #tpu.memory_space<vmem_shared>> -> memref<16x128xf32, #tpu.memory_space<vmem_shared>>
    tpu.enqueue_dma source(%arg33 : memref<16x128xf32, #tpu.memory_space<vmem>>) target(%dma_start3A_135 : memref<16x128xf32, #tpu.memory_space<vmem_shared>>) target_semaphore(%arg28 : memref<!tpu.dma_semaphore, #tpu.memory_space<semaphore_mem>>)
    %add3A_136 = arith.constant 320 : i32
    %add3A_137 = arith.addi %mul3A_15, %add3A_136 : i32
    %dma_start3A_138 = arith.constant 0 : i32
    %dma_start3A_139 = tpu.memref_slice %arg34[%add3A_137, %dma_start3A_138] : memref<10240x128xf32, #tpu.memory_space<vmem_shared>> -> memref<16x128xf32, #tpu.memory_space<vmem_shared>>
    %dma_start3A_140 = arith.constant 0 : i32
    %dma_start3A_141 = tpu.memref_slice %arg34[%add3A_137, %dma_start3A_140] : memref<10240x128xf32, #tpu.memory_space<vmem_shared>> -> memref<16x128xf32, #tpu.memory_space<vmem_shared>>
    tpu.enqueue_dma source(%arg33 : memref<16x128xf32, #tpu.memory_space<vmem>>) target(%dma_start3A_141 : memref<16x128xf32, #tpu.memory_space<vmem_shared>>) target_semaphore(%arg29 : memref<!tpu.dma_semaphore, #tpu.memory_space<semaphore_mem>>)
    %add3A_142 = arith.constant 336 : i32
    %add3A_143 = arith.addi %mul3A_15, %add3A_142 : i32
    %dma_start3A_144 = arith.constant 0 : i32
    %dma_start3A_145 = tpu.memref_slice %arg34[%add3A_143, %dma_start3A_144] : memref<10240x128xf32, #tpu.memory_space<vmem_shared>> -> memref<16x128xf32, #tpu.memory_space<vmem_shared>>
    %dma_start3A_146 = arith.constant 0 : i32
    %dma_start3A_147 = tpu.memref_slice %arg34[%add3A_143, %dma_start3A_146] : memref<10240x128xf32, #tpu.memory_space<vmem_shared>> -> memref<16x128xf32, #tpu.memory_space<vmem_shared>>
    tpu.enqueue_dma source(%arg33 : memref<16x128xf32, #tpu.memory_space<vmem>>) target(%dma_start3A_147 : memref<16x128xf32, #tpu.memory_space<vmem_shared>>) target_semaphore(%arg30 : memref<!tpu.dma_semaphore, #tpu.memory_space<semaphore_mem>>)
    %add3A_148 = arith.constant 352 : i32
    %add3A_149 = arith.addi %mul3A_15, %add3A_148 : i32
    %dma_start3A_150 = arith.constant 0 : i32
    %dma_start3A_151 = tpu.memref_slice %arg34[%add3A_149, %dma_start3A_150] : memref<10240x128xf32, #tpu.memory_space<vmem_shared>> -> memref<16x128xf32, #tpu.memory_space<vmem_shared>>
    %dma_start3A_152 = arith.constant 0 : i32
    %dma_start3A_153 = tpu.memref_slice %arg34[%add3A_149, %dma_start3A_152] : memref<10240x128xf32, #tpu.memory_space<vmem_shared>> -> memref<16x128xf32, #tpu.memory_space<vmem_shared>>
    tpu.enqueue_dma source(%arg33 : memref<16x128xf32, #tpu.memory_space<vmem>>) target(%dma_start3A_153 : memref<16x128xf32, #tpu.memory_space<vmem_shared>>) target_semaphore(%arg31 : memref<!tpu.dma_semaphore, #tpu.memory_space<semaphore_mem>>)
    %add3A_154 = arith.constant 368 : i32
    %add3A_155 = arith.addi %mul3A_15, %add3A_154 : i32
    %dma_start3A_156 = arith.constant 0 : i32
    %dma_start3A_157 = tpu.memref_slice %arg34[%add3A_155, %dma_start3A_156] : memref<10240x128xf32, #tpu.memory_space<vmem_shared>> -> memref<16x128xf32, #tpu.memory_space<vmem_shared>>
    %dma_start3A_158 = arith.constant 0 : i32
    %dma_start3A_159 = tpu.memref_slice %arg34[%add3A_155, %dma_start3A_158] : memref<10240x128xf32, #tpu.memory_space<vmem_shared>> -> memref<16x128xf32, #tpu.memory_space<vmem_shared>>
    tpu.enqueue_dma source(%arg33 : memref<16x128xf32, #tpu.memory_space<vmem>>) target(%dma_start3A_159 : memref<16x128xf32, #tpu.memory_space<vmem_shared>>) target_semaphore(%arg32 : memref<!tpu.dma_semaphore, #tpu.memory_space<semaphore_mem>>)
    %add3A_160 = arith.constant 384 : i32
    %add3A_161 = arith.addi %mul3A_15, %add3A_160 : i32
    %dma_start3A_162 = arith.constant 0 : i32
    %dma_start3A_163 = tpu.memref_slice %arg34[%add3A_161, %dma_start3A_162] : memref<10240x128xf32, #tpu.memory_space<vmem_shared>> -> memref<16x128xf32, #tpu.memory_space<vmem_shared>>
    %dma_start3A_164 = arith.constant 0 : i32
    %dma_start3A_165 = tpu.memref_slice %arg34[%add3A_161, %dma_start3A_164] : memref<10240x128xf32, #tpu.memory_space<vmem_shared>> -> memref<16x128xf32, #tpu.memory_space<vmem_shared>>
    tpu.enqueue_dma source(%arg33 : memref<16x128xf32, #tpu.memory_space<vmem>>) target(%dma_start3A_165 : memref<16x128xf32, #tpu.memory_space<vmem_shared>>) target_semaphore(%arg25 : memref<!tpu.dma_semaphore, #tpu.memory_space<semaphore_mem>>)
    %add3A_166 = arith.constant 400 : i32
    %add3A_167 = arith.addi %mul3A_15, %add3A_166 : i32
    %dma_start3A_168 = arith.constant 0 : i32
    %dma_start3A_169 = tpu.memref_slice %arg34[%add3A_167, %dma_start3A_168] : memref<10240x128xf32, #tpu.memory_space<vmem_shared>> -> memref<16x128xf32, #tpu.memory_space<vmem_shared>>
    %dma_start3A_170 = arith.constant 0 : i32
    %dma_start3A_171 = tpu.memref_slice %arg34[%add3A_167, %dma_start3A_170] : memref<10240x128xf32, #tpu.memory_space<vmem_shared>> -> memref<16x128xf32, #tpu.memory_space<vmem_shared>>
    tpu.enqueue_dma source(%arg33 : memref<16x128xf32, #tpu.memory_space<vmem>>) target(%dma_start3A_171 : memref<16x128xf32, #tpu.memory_space<vmem_shared>>) target_semaphore(%arg26 : memref<!tpu.dma_semaphore, #tpu.memory_space<semaphore_mem>>)
    %add3A_172 = arith.constant 416 : i32
    %add3A_173 = arith.addi %mul3A_15, %add3A_172 : i32
    %dma_start3A_174 = arith.constant 0 : i32
    %dma_start3A_175 = tpu.memref_slice %arg34[%add3A_173, %dma_start3A_174] : memref<10240x128xf32, #tpu.memory_space<vmem_shared>> -> memref<16x128xf32, #tpu.memory_space<vmem_shared>>
    %dma_start3A_176 = arith.constant 0 : i32
    %dma_start3A_177 = tpu.memref_slice %arg34[%add3A_173, %dma_start3A_176] : memref<10240x128xf32, #tpu.memory_space<vmem_shared>> -> memref<16x128xf32, #tpu.memory_space<vmem_shared>>
    tpu.enqueue_dma source(%arg33 : memref<16x128xf32, #tpu.memory_space<vmem>>) target(%dma_start3A_177 : memref<16x128xf32, #tpu.memory_space<vmem_shared>>) target_semaphore(%arg27 : memref<!tpu.dma_semaphore, #tpu.memory_space<semaphore_mem>>)
    %add3A_178 = arith.constant 432 : i32
    %add3A_179 = arith.addi %mul3A_15, %add3A_178 : i32
    %dma_start3A_180 = arith.constant 0 : i32
    %dma_start3A_181 = tpu.memref_slice %arg34[%add3A_179, %dma_start3A_180] : memref<10240x128xf32, #tpu.memory_space<vmem_shared>> -> memref<16x128xf32, #tpu.memory_space<vmem_shared>>
    %dma_start3A_182 = arith.constant 0 : i32
    %dma_start3A_183 = tpu.memref_slice %arg34[%add3A_179, %dma_start3A_182] : memref<10240x128xf32, #tpu.memory_space<vmem_shared>> -> memref<16x128xf32, #tpu.memory_space<vmem_shared>>
    tpu.enqueue_dma source(%arg33 : memref<16x128xf32, #tpu.memory_space<vmem>>) target(%dma_start3A_183 : memref<16x128xf32, #tpu.memory_space<vmem_shared>>) target_semaphore(%arg28 : memref<!tpu.dma_semaphore, #tpu.memory_space<semaphore_mem>>)
    %add3A_184 = arith.constant 448 : i32
    %add3A_185 = arith.addi %mul3A_15, %add3A_184 : i32
    %dma_start3A_186 = arith.constant 0 : i32
    %dma_start3A_187 = tpu.memref_slice %arg34[%add3A_185, %dma_start3A_186] : memref<10240x128xf32, #tpu.memory_space<vmem_shared>> -> memref<16x128xf32, #tpu.memory_space<vmem_shared>>
    %dma_start3A_188 = arith.constant 0 : i32
    %dma_start3A_189 = tpu.memref_slice %arg34[%add3A_185, %dma_start3A_188] : memref<10240x128xf32, #tpu.memory_space<vmem_shared>> -> memref<16x128xf32, #tpu.memory_space<vmem_shared>>
    tpu.enqueue_dma source(%arg33 : memref<16x128xf32, #tpu.memory_space<vmem>>) target(%dma_start3A_189 : memref<16x128xf32, #tpu.memory_space<vmem_shared>>) target_semaphore(%arg29 : memref<!tpu.dma_semaphore, #tpu.memory_space<semaphore_mem>>)
    %add3A_190 = arith.constant 464 : i32
    %add3A_191 = arith.addi %mul3A_15, %add3A_190 : i32
    %dma_start3A_192 = arith.constant 0 : i32
    %dma_start3A_193 = tpu.memref_slice %arg34[%add3A_191, %dma_start3A_192] : memref<10240x128xf32, #tpu.memory_space<vmem_shared>> -> memref<16x128xf32, #tpu.memory_space<vmem_shared>>
    %dma_start3A_194 = arith.constant 0 : i32
    %dma_start3A_195 = tpu.memref_slice %arg34[%add3A_191, %dma_start3A_194] : memref<10240x128xf32, #tpu.memory_space<vmem_shared>> -> memref<16x128xf32, #tpu.memory_space<vmem_shared>>
    tpu.enqueue_dma source(%arg33 : memref<16x128xf32, #tpu.memory_space<vmem>>) target(%dma_start3A_195 : memref<16x128xf32, #tpu.memory_space<vmem_shared>>) target_semaphore(%arg30 : memref<!tpu.dma_semaphore, #tpu.memory_space<semaphore_mem>>)
    %add3A_196 = arith.constant 480 : i32
    %add3A_197 = arith.addi %mul3A_15, %add3A_196 : i32
    %dma_start3A_198 = arith.constant 0 : i32
    %dma_start3A_199 = tpu.memref_slice %arg34[%add3A_197, %dma_start3A_198] : memref<10240x128xf32, #tpu.memory_space<vmem_shared>> -> memref<16x128xf32, #tpu.memory_space<vmem_shared>>
    %dma_start3A_200 = arith.constant 0 : i32
    %dma_start3A_201 = tpu.memref_slice %arg34[%add3A_197, %dma_start3A_200] : memref<10240x128xf32, #tpu.memory_space<vmem_shared>> -> memref<16x128xf32, #tpu.memory_space<vmem_shared>>
    tpu.enqueue_dma source(%arg33 : memref<16x128xf32, #tpu.memory_space<vmem>>) target(%dma_start3A_201 : memref<16x128xf32, #tpu.memory_space<vmem_shared>>) target_semaphore(%arg31 : memref<!tpu.dma_semaphore, #tpu.memory_space<semaphore_mem>>)
    %add3A_202 = arith.constant 496 : i32
    %add3A_203 = arith.addi %mul3A_15, %add3A_202 : i32
    %dma_start3A_204 = arith.constant 0 : i32
    %dma_start3A_205 = tpu.memref_slice %arg34[%add3A_203, %dma_start3A_204] : memref<10240x128xf32, #tpu.memory_space<vmem_shared>> -> memref<16x128xf32, #tpu.memory_space<vmem_shared>>
    %dma_start3A_206 = arith.constant 0 : i32
    %dma_start3A_207 = tpu.memref_slice %arg34[%add3A_203, %dma_start3A_206] : memref<10240x128xf32, #tpu.memory_space<vmem_shared>> -> memref<16x128xf32, #tpu.memory_space<vmem_shared>>
    tpu.enqueue_dma source(%arg33 : memref<16x128xf32, #tpu.memory_space<vmem>>) target(%dma_start3A_207 : memref<16x128xf32, #tpu.memory_space<vmem_shared>>) target_semaphore(%arg32 : memref<!tpu.dma_semaphore, #tpu.memory_space<semaphore_mem>>)
    %add3A_208 = arith.constant 512 : i32
    %add3A_209 = arith.addi %mul3A_15, %add3A_208 : i32
    %dma_start3A_210 = arith.constant 0 : i32
    %dma_start3A_211 = tpu.memref_slice %arg34[%add3A_209, %dma_start3A_210] : memref<10240x128xf32, #tpu.memory_space<vmem_shared>> -> memref<16x128xf32, #tpu.memory_space<vmem_shared>>
    %dma_start3A_212 = arith.constant 0 : i32
    %dma_start3A_213 = tpu.memref_slice %arg34[%add3A_209, %dma_start3A_212] : memref<10240x128xf32, #tpu.memory_space<vmem_shared>> -> memref<16x128xf32, #tpu.memory_space<vmem_shared>>
    tpu.enqueue_dma source(%arg33 : memref<16x128xf32, #tpu.memory_space<vmem>>) target(%dma_start3A_213 : memref<16x128xf32, #tpu.memory_space<vmem_shared>>) target_semaphore(%arg25 : memref<!tpu.dma_semaphore, #tpu.memory_space<semaphore_mem>>)
    %add3A_214 = arith.constant 528 : i32
    %add3A_215 = arith.addi %mul3A_15, %add3A_214 : i32
    %dma_start3A_216 = arith.constant 0 : i32
    %dma_start3A_217 = tpu.memref_slice %arg34[%add3A_215, %dma_start3A_216] : memref<10240x128xf32, #tpu.memory_space<vmem_shared>> -> memref<16x128xf32, #tpu.memory_space<vmem_shared>>
    %dma_start3A_218 = arith.constant 0 : i32
    %dma_start3A_219 = tpu.memref_slice %arg34[%add3A_215, %dma_start3A_218] : memref<10240x128xf32, #tpu.memory_space<vmem_shared>> -> memref<16x128xf32, #tpu.memory_space<vmem_shared>>
    tpu.enqueue_dma source(%arg33 : memref<16x128xf32, #tpu.memory_space<vmem>>) target(%dma_start3A_219 : memref<16x128xf32, #tpu.memory_space<vmem_shared>>) target_semaphore(%arg26 : memref<!tpu.dma_semaphore, #tpu.memory_space<semaphore_mem>>)
    %add3A_220 = arith.constant 544 : i32
    %add3A_221 = arith.addi %mul3A_15, %add3A_220 : i32
    %dma_start3A_222 = arith.constant 0 : i32
    %dma_start3A_223 = tpu.memref_slice %arg34[%add3A_221, %dma_start3A_222] : memref<10240x128xf32, #tpu.memory_space<vmem_shared>> -> memref<16x128xf32, #tpu.memory_space<vmem_shared>>
    %dma_start3A_224 = arith.constant 0 : i32
    %dma_start3A_225 = tpu.memref_slice %arg34[%add3A_221, %dma_start3A_224] : memref<10240x128xf32, #tpu.memory_space<vmem_shared>> -> memref<16x128xf32, #tpu.memory_space<vmem_shared>>
    tpu.enqueue_dma source(%arg33 : memref<16x128xf32, #tpu.memory_space<vmem>>) target(%dma_start3A_225 : memref<16x128xf32, #tpu.memory_space<vmem_shared>>) target_semaphore(%arg27 : memref<!tpu.dma_semaphore, #tpu.memory_space<semaphore_mem>>)
    %add3A_226 = arith.constant 560 : i32
    %add3A_227 = arith.addi %mul3A_15, %add3A_226 : i32
    %dma_start3A_228 = arith.constant 0 : i32
    %dma_start3A_229 = tpu.memref_slice %arg34[%add3A_227, %dma_start3A_228] : memref<10240x128xf32, #tpu.memory_space<vmem_shared>> -> memref<16x128xf32, #tpu.memory_space<vmem_shared>>
    %dma_start3A_230 = arith.constant 0 : i32
    %dma_start3A_231 = tpu.memref_slice %arg34[%add3A_227, %dma_start3A_230] : memref<10240x128xf32, #tpu.memory_space<vmem_shared>> -> memref<16x128xf32, #tpu.memory_space<vmem_shared>>
    tpu.enqueue_dma source(%arg33 : memref<16x128xf32, #tpu.memory_space<vmem>>) target(%dma_start3A_231 : memref<16x128xf32, #tpu.memory_space<vmem_shared>>) target_semaphore(%arg28 : memref<!tpu.dma_semaphore, #tpu.memory_space<semaphore_mem>>)
    %add3A_232 = arith.constant 576 : i32
    %add3A_233 = arith.addi %mul3A_15, %add3A_232 : i32
    %dma_start3A_234 = arith.constant 0 : i32
    %dma_start3A_235 = tpu.memref_slice %arg34[%add3A_233, %dma_start3A_234] : memref<10240x128xf32, #tpu.memory_space<vmem_shared>> -> memref<16x128xf32, #tpu.memory_space<vmem_shared>>
    %dma_start3A_236 = arith.constant 0 : i32
    %dma_start3A_237 = tpu.memref_slice %arg34[%add3A_233, %dma_start3A_236] : memref<10240x128xf32, #tpu.memory_space<vmem_shared>> -> memref<16x128xf32, #tpu.memory_space<vmem_shared>>
    tpu.enqueue_dma source(%arg33 : memref<16x128xf32, #tpu.memory_space<vmem>>) target(%dma_start3A_237 : memref<16x128xf32, #tpu.memory_space<vmem_shared>>) target_semaphore(%arg29 : memref<!tpu.dma_semaphore, #tpu.memory_space<semaphore_mem>>)
    %add3A_238 = arith.constant 592 : i32
    %add3A_239 = arith.addi %mul3A_15, %add3A_238 : i32
    %dma_start3A_240 = arith.constant 0 : i32
    %dma_start3A_241 = tpu.memref_slice %arg34[%add3A_239, %dma_start3A_240] : memref<10240x128xf32, #tpu.memory_space<vmem_shared>> -> memref<16x128xf32, #tpu.memory_space<vmem_shared>>
    %dma_start3A_242 = arith.constant 0 : i32
    %dma_start3A_243 = tpu.memref_slice %arg34[%add3A_239, %dma_start3A_242] : memref<10240x128xf32, #tpu.memory_space<vmem_shared>> -> memref<16x128xf32, #tpu.memory_space<vmem_shared>>
    tpu.enqueue_dma source(%arg33 : memref<16x128xf32, #tpu.memory_space<vmem>>) target(%dma_start3A_243 : memref<16x128xf32, #tpu.memory_space<vmem_shared>>) target_semaphore(%arg30 : memref<!tpu.dma_semaphore, #tpu.memory_space<semaphore_mem>>)
    %add3A_244 = arith.constant 608 : i32
    %add3A_245 = arith.addi %mul3A_15, %add3A_244 : i32
    %dma_start3A_246 = arith.constant 0 : i32
    %dma_start3A_247 = tpu.memref_slice %arg34[%add3A_245, %dma_start3A_246] : memref<10240x128xf32, #tpu.memory_space<vmem_shared>> -> memref<16x128xf32, #tpu.memory_space<vmem_shared>>
    %dma_start3A_248 = arith.constant 0 : i32
    %dma_start3A_249 = tpu.memref_slice %arg34[%add3A_245, %dma_start3A_248] : memref<10240x128xf32, #tpu.memory_space<vmem_shared>> -> memref<16x128xf32, #tpu.memory_space<vmem_shared>>
    tpu.enqueue_dma source(%arg33 : memref<16x128xf32, #tpu.memory_space<vmem>>) target(%dma_start3A_249 : memref<16x128xf32, #tpu.memory_space<vmem_shared>>) target_semaphore(%arg31 : memref<!tpu.dma_semaphore, #tpu.memory_space<semaphore_mem>>)
    %add3A_250 = arith.constant 624 : i32
    %add3A_251 = arith.addi %mul3A_15, %add3A_250 : i32
    %dma_start3A_252 = arith.constant 0 : i32
    %dma_start3A_253 = tpu.memref_slice %arg34[%add3A_251, %dma_start3A_252] : memref<10240x128xf32, #tpu.memory_space<vmem_shared>> -> memref<16x128xf32, #tpu.memory_space<vmem_shared>>
    %dma_start3A_254 = arith.constant 0 : i32
    %dma_start3A_255 = tpu.memref_slice %arg34[%add3A_251, %dma_start3A_254] : memref<10240x128xf32, #tpu.memory_space<vmem_shared>> -> memref<16x128xf32, #tpu.memory_space<vmem_shared>>
    tpu.enqueue_dma source(%arg33 : memref<16x128xf32, #tpu.memory_space<vmem>>) target(%dma_start3A_255 : memref<16x128xf32, #tpu.memory_space<vmem_shared>>) target_semaphore(%arg32 : memref<!tpu.dma_semaphore, #tpu.memory_space<semaphore_mem>>)
    %dma_wait3A = tpu.memref_slice %arg3[%mul3A_2] : memref<320000xi32, #tpu.memory_space<hbm>> -> memref<10000xi32, #tpu.memory_space<hbm>>
    %dma_wait3A_256 = tpu.memref_slice %arg3[%mul3A_2] : memref<320000xi32, #tpu.memory_space<hbm>> -> memref<10000xi32, #tpu.memory_space<hbm>>
    tpu.wait_dma2 semaphore(%arg23 : memref<!tpu.dma_semaphore, #tpu.memory_space<semaphore_mem>>) src(%dma_wait3A_256 : memref<10000xi32, #tpu.memory_space<hbm>>) dst(%arg6 : memref<10000xi32, #tpu.memory_space<vmem>>)
    %dma_wait3A_257 = tpu.memref_slice %arg4[%mul3A_5] : memref<320000xi32, #tpu.memory_space<hbm>> -> memref<10000xi32, #tpu.memory_space<hbm>>
    %dma_wait3A_258 = tpu.memref_slice %arg4[%mul3A_5] : memref<320000xi32, #tpu.memory_space<hbm>> -> memref<10000xi32, #tpu.memory_space<hbm>>
    tpu.wait_dma2 semaphore(%arg24 : memref<!tpu.dma_semaphore, #tpu.memory_space<semaphore_mem>>) src(%dma_wait3A_258 : memref<10000xi32, #tpu.memory_space<hbm>>) dst(%arg7 : memref<10000xi32, #tpu.memory_space<vmem>>)
    %dma_wait3A_259 = arith.constant 0 : i32
    %dma_wait3A_260 = tpu.memref_slice %arg34[%add3A_17, %dma_wait3A_259] : memref<10240x128xf32, #tpu.memory_space<vmem_shared>> -> memref<16x128xf32, #tpu.memory_space<vmem_shared>>
    %dma_wait3A_261 = arith.constant 0 : i32
    %dma_wait3A_262 = tpu.memref_slice %arg34[%add3A_17, %dma_wait3A_261] : memref<10240x128xf32, #tpu.memory_space<vmem_shared>> -> memref<16x128xf32, #tpu.memory_space<vmem_shared>>
    tpu.wait_dma2 semaphore(%arg25 : memref<!tpu.dma_semaphore, #tpu.memory_space<semaphore_mem>>) src(%arg33 : memref<16x128xf32, #tpu.memory_space<vmem>>) dst(%dma_wait3A_262 : memref<16x128xf32, #tpu.memory_space<vmem_shared>>)
    %dma_wait3A_263 = arith.constant 0 : i32
    %dma_wait3A_264 = tpu.memref_slice %arg34[%add3A_23, %dma_wait3A_263] : memref<10240x128xf32, #tpu.memory_space<vmem_shared>> -> memref<16x128xf32, #tpu.memory_space<vmem_shared>>
    %dma_wait3A_265 = arith.constant 0 : i32
    %dma_wait3A_266 = tpu.memref_slice %arg34[%add3A_23, %dma_wait3A_265] : memref<10240x128xf32, #tpu.memory_space<vmem_shared>> -> memref<16x128xf32, #tpu.memory_space<vmem_shared>>
    tpu.wait_dma2 semaphore(%arg26 : memref<!tpu.dma_semaphore, #tpu.memory_space<semaphore_mem>>) src(%arg33 : memref<16x128xf32, #tpu.memory_space<vmem>>) dst(%dma_wait3A_266 : memref<16x128xf32, #tpu.memory_space<vmem_shared>>)
    %dma_wait3A_267 = arith.constant 0 : i32
    %dma_wait3A_268 = tpu.memref_slice %arg34[%add3A_29, %dma_wait3A_267] : memref<10240x128xf32, #tpu.memory_space<vmem_shared>> -> memref<16x128xf32, #tpu.memory_space<vmem_shared>>
    %dma_wait3A_269 = arith.constant 0 : i32
    %dma_wait3A_270 = tpu.memref_slice %arg34[%add3A_29, %dma_wait3A_269] : memref<10240x128xf32, #tpu.memory_space<vmem_shared>> -> memref<16x128xf32, #tpu.memory_space<vmem_shared>>
    tpu.wait_dma2 semaphore(%arg27 : memref<!tpu.dma_semaphore, #tpu.memory_space<semaphore_mem>>) src(%arg33 : memref<16x128xf32, #tpu.memory_space<vmem>>) dst(%dma_wait3A_270 : memref<16x128xf32, #tpu.memory_space<vmem_shared>>)
    %dma_wait3A_271 = arith.constant 0 : i32
    %dma_wait3A_272 = tpu.memref_slice %arg34[%add3A_35, %dma_wait3A_271] : memref<10240x128xf32, #tpu.memory_space<vmem_shared>> -> memref<16x128xf32, #tpu.memory_space<vmem_shared>>
    %dma_wait3A_273 = arith.constant 0 : i32
    %dma_wait3A_274 = tpu.memref_slice %arg34[%add3A_35, %dma_wait3A_273] : memref<10240x128xf32, #tpu.memory_space<vmem_shared>> -> memref<16x128xf32, #tpu.memory_space<vmem_shared>>
    tpu.wait_dma2 semaphore(%arg28 : memref<!tpu.dma_semaphore, #tpu.memory_space<semaphore_mem>>) src(%arg33 : memref<16x128xf32, #tpu.memory_space<vmem>>) dst(%dma_wait3A_274 : memref<16x128xf32, #tpu.memory_space<vmem_shared>>)
    %dma_wait3A_275 = arith.constant 0 : i32
    %dma_wait3A_276 = tpu.memref_slice %arg34[%add3A_41, %dma_wait3A_275] : memref<10240x128xf32, #tpu.memory_space<vmem_shared>> -> memref<16x128xf32, #tpu.memory_space<vmem_shared>>
    %dma_wait3A_277 = arith.constant 0 : i32
    %dma_wait3A_278 = tpu.memref_slice %arg34[%add3A_41, %dma_wait3A_277] : memref<10240x128xf32, #tpu.memory_space<vmem_shared>> -> memref<16x128xf32, #tpu.memory_space<vmem_shared>>
    tpu.wait_dma2 semaphore(%arg29 : memref<!tpu.dma_semaphore, #tpu.memory_space<semaphore_mem>>) src(%arg33 : memref<16x128xf32, #tpu.memory_space<vmem>>) dst(%dma_wait3A_278 : memref<16x128xf32, #tpu.memory_space<vmem_shared>>)
    %dma_wait3A_279 = arith.constant 0 : i32
    %dma_wait3A_280 = tpu.memref_slice %arg34[%add3A_47, %dma_wait3A_279] : memref<10240x128xf32, #tpu.memory_space<vmem_shared>> -> memref<16x128xf32, #tpu.memory_space<vmem_shared>>
    %dma_wait3A_281 = arith.constant 0 : i32
    %dma_wait3A_282 = tpu.memref_slice %arg34[%add3A_47, %dma_wait3A_281] : memref<10240x128xf32, #tpu.memory_space<vmem_shared>> -> memref<16x128xf32, #tpu.memory_space<vmem_shared>>
    tpu.wait_dma2 semaphore(%arg30 : memref<!tpu.dma_semaphore, #tpu.memory_space<semaphore_mem>>) src(%arg33 : memref<16x128xf32, #tpu.memory_space<vmem>>) dst(%dma_wait3A_282 : memref<16x128xf32, #tpu.memory_space<vmem_shared>>)
    %dma_wait3A_283 = arith.constant 0 : i32
    %dma_wait3A_284 = tpu.memref_slice %arg34[%add3A_53, %dma_wait3A_283] : memref<10240x128xf32, #tpu.memory_space<vmem_shared>> -> memref<16x128xf32, #tpu.memory_space<vmem_shared>>
    %dma_wait3A_285 = arith.constant 0 : i32
    %dma_wait3A_286 = tpu.memref_slice %arg34[%add3A_53, %dma_wait3A_285] : memref<10240x128xf32, #tpu.memory_space<vmem_shared>> -> memref<16x128xf32, #tpu.memory_space<vmem_shared>>
    tpu.wait_dma2 semaphore(%arg31 : memref<!tpu.dma_semaphore, #tpu.memory_space<semaphore_mem>>) src(%arg33 : memref<16x128xf32, #tpu.memory_space<vmem>>) dst(%dma_wait3A_286 : memref<16x128xf32, #tpu.memory_space<vmem_shared>>)
    %dma_wait3A_287 = arith.constant 0 : i32
    %dma_wait3A_288 = tpu.memref_slice %arg34[%add3A_59, %dma_wait3A_287] : memref<10240x128xf32, #tpu.memory_space<vmem_shared>> -> memref<16x128xf32, #tpu.memory_space<vmem_shared>>
    %dma_wait3A_289 = arith.constant 0 : i32
    %dma_wait3A_290 = tpu.memref_slice %arg34[%add3A_59, %dma_wait3A_289] : memref<10240x128xf32, #tpu.memory_space<vmem_shared>> -> memref<16x128xf32, #tpu.memory_space<vmem_shared>>
    tpu.wait_dma2 semaphore(%arg32 : memref<!tpu.dma_semaphore, #tpu.memory_space<semaphore_mem>>) src(%arg33 : memref<16x128xf32, #tpu.memory_space<vmem>>) dst(%dma_wait3A_290 : memref<16x128xf32, #tpu.memory_space<vmem_shared>>)
    %dma_wait3A_291 = arith.constant 0 : i32
    %dma_wait3A_292 = tpu.memref_slice %arg34[%add3A_65, %dma_wait3A_291] : memref<10240x128xf32, #tpu.memory_space<vmem_shared>> -> memref<16x128xf32, #tpu.memory_space<vmem_shared>>
    %dma_wait3A_293 = arith.constant 0 : i32
    %dma_wait3A_294 = tpu.memref_slice %arg34[%add3A_65, %dma_wait3A_293] : memref<10240x128xf32, #tpu.memory_space<vmem_shared>> -> memref<16x128xf32, #tpu.memory_space<vmem_shared>>
    tpu.wait_dma2 semaphore(%arg25 : memref<!tpu.dma_semaphore, #tpu.memory_space<semaphore_mem>>) src(%arg33 : memref<16x128xf32, #tpu.memory_space<vmem>>) dst(%dma_wait3A_294 : memref<16x128xf32, #tpu.memory_space<vmem_shared>>)
    %dma_wait3A_295 = arith.constant 0 : i32
    %dma_wait3A_296 = tpu.memref_slice %arg34[%add3A_71, %dma_wait3A_295] : memref<10240x128xf32, #tpu.memory_space<vmem_shared>> -> memref<16x128xf32, #tpu.memory_space<vmem_shared>>
    %dma_wait3A_297 = arith.constant 0 : i32
    %dma_wait3A_298 = tpu.memref_slice %arg34[%add3A_71, %dma_wait3A_297] : memref<10240x128xf32, #tpu.memory_space<vmem_shared>> -> memref<16x128xf32, #tpu.memory_space<vmem_shared>>
    tpu.wait_dma2 semaphore(%arg26 : memref<!tpu.dma_semaphore, #tpu.memory_space<semaphore_mem>>) src(%arg33 : memref<16x128xf32, #tpu.memory_space<vmem>>) dst(%dma_wait3A_298 : memref<16x128xf32, #tpu.memory_space<vmem_shared>>)
    %dma_wait3A_299 = arith.constant 0 : i32
    %dma_wait3A_300 = tpu.memref_slice %arg34[%add3A_77, %dma_wait3A_299] : memref<10240x128xf32, #tpu.memory_space<vmem_shared>> -> memref<16x128xf32, #tpu.memory_space<vmem_shared>>
    %dma_wait3A_301 = arith.constant 0 : i32
    %dma_wait3A_302 = tpu.memref_slice %arg34[%add3A_77, %dma_wait3A_301] : memref<10240x128xf32, #tpu.memory_space<vmem_shared>> -> memref<16x128xf32, #tpu.memory_space<vmem_shared>>
    tpu.wait_dma2 semaphore(%arg27 : memref<!tpu.dma_semaphore, #tpu.memory_space<semaphore_mem>>) src(%arg33 : memref<16x128xf32, #tpu.memory_space<vmem>>) dst(%dma_wait3A_302 : memref<16x128xf32, #tpu.memory_space<vmem_shared>>)
    %dma_wait3A_303 = arith.constant 0 : i32
    %dma_wait3A_304 = tpu.memref_slice %arg34[%add3A_83, %dma_wait3A_303] : memref<10240x128xf32, #tpu.memory_space<vmem_shared>> -> memref<16x128xf32, #tpu.memory_space<vmem_shared>>
    %dma_wait3A_305 = arith.constant 0 : i32
    %dma_wait3A_306 = tpu.memref_slice %arg34[%add3A_83, %dma_wait3A_305] : memref<10240x128xf32, #tpu.memory_space<vmem_shared>> -> memref<16x128xf32, #tpu.memory_space<vmem_shared>>
    tpu.wait_dma2 semaphore(%arg28 : memref<!tpu.dma_semaphore, #tpu.memory_space<semaphore_mem>>) src(%arg33 : memref<16x128xf32, #tpu.memory_space<vmem>>) dst(%dma_wait3A_306 : memref<16x128xf32, #tpu.memory_space<vmem_shared>>)
    %dma_wait3A_307 = arith.constant 0 : i32
    %dma_wait3A_308 = tpu.memref_slice %arg34[%add3A_89, %dma_wait3A_307] : memref<10240x128xf32, #tpu.memory_space<vmem_shared>> -> memref<16x128xf32, #tpu.memory_space<vmem_shared>>
    %dma_wait3A_309 = arith.constant 0 : i32
    %dma_wait3A_310 = tpu.memref_slice %arg34[%add3A_89, %dma_wait3A_309] : memref<10240x128xf32, #tpu.memory_space<vmem_shared>> -> memref<16x128xf32, #tpu.memory_space<vmem_shared>>
    tpu.wait_dma2 semaphore(%arg29 : memref<!tpu.dma_semaphore, #tpu.memory_space<semaphore_mem>>) src(%arg33 : memref<16x128xf32, #tpu.memory_space<vmem>>) dst(%dma_wait3A_310 : memref<16x128xf32, #tpu.memory_space<vmem_shared>>)
    %dma_wait3A_311 = arith.constant 0 : i32
    %dma_wait3A_312 = tpu.memref_slice %arg34[%add3A_95, %dma_wait3A_311] : memref<10240x128xf32, #tpu.memory_space<vmem_shared>> -> memref<16x128xf32, #tpu.memory_space<vmem_shared>>
    %dma_wait3A_313 = arith.constant 0 : i32
    %dma_wait3A_314 = tpu.memref_slice %arg34[%add3A_95, %dma_wait3A_313] : memref<10240x128xf32, #tpu.memory_space<vmem_shared>> -> memref<16x128xf32, #tpu.memory_space<vmem_shared>>
    tpu.wait_dma2 semaphore(%arg30 : memref<!tpu.dma_semaphore, #tpu.memory_space<semaphore_mem>>) src(%arg33 : memref<16x128xf32, #tpu.memory_space<vmem>>) dst(%dma_wait3A_314 : memref<16x128xf32, #tpu.memory_space<vmem_shared>>)
    %dma_wait3A_315 = arith.constant 0 : i32
    %dma_wait3A_316 = tpu.memref_slice %arg34[%add3A_101, %dma_wait3A_315] : memref<10240x128xf32, #tpu.memory_space<vmem_shared>> -> memref<16x128xf32, #tpu.memory_space<vmem_shared>>
    %dma_wait3A_317 = arith.constant 0 : i32
    %dma_wait3A_318 = tpu.memref_slice %arg34[%add3A_101, %dma_wait3A_317] : memref<10240x128xf32, #tpu.memory_space<vmem_shared>> -> memref<16x128xf32, #tpu.memory_space<vmem_shared>>
    tpu.wait_dma2 semaphore(%arg31 : memref<!tpu.dma_semaphore, #tpu.memory_space<semaphore_mem>>) src(%arg33 : memref<16x128xf32, #tpu.memory_space<vmem>>) dst(%dma_wait3A_318 : memref<16x128xf32, #tpu.memory_space<vmem_shared>>)
    %dma_wait3A_319 = arith.constant 0 : i32
    %dma_wait3A_320 = tpu.memref_slice %arg34[%add3A_107, %dma_wait3A_319] : memref<10240x128xf32, #tpu.memory_space<vmem_shared>> -> memref<16x128xf32, #tpu.memory_space<vmem_shared>>
    %dma_wait3A_321 = arith.constant 0 : i32
    %dma_wait3A_322 = tpu.memref_slice %arg34[%add3A_107, %dma_wait3A_321] : memref<10240x128xf32, #tpu.memory_space<vmem_shared>> -> memref<16x128xf32, #tpu.memory_space<vmem_shared>>
    tpu.wait_dma2 semaphore(%arg32 : memref<!tpu.dma_semaphore, #tpu.memory_space<semaphore_mem>>) src(%arg33 : memref<16x128xf32, #tpu.memory_space<vmem>>) dst(%dma_wait3A_322 : memref<16x128xf32, #tpu.memory_space<vmem_shared>>)
    %dma_wait3A_323 = arith.constant 0 : i32
    %dma_wait3A_324 = tpu.memref_slice %arg34[%add3A_113, %dma_wait3A_323] : memref<10240x128xf32, #tpu.memory_space<vmem_shared>> -> memref<16x128xf32, #tpu.memory_space<vmem_shared>>
    %dma_wait3A_325 = arith.constant 0 : i32
    %dma_wait3A_326 = tpu.memref_slice %arg34[%add3A_113, %dma_wait3A_325] : memref<10240x128xf32, #tpu.memory_space<vmem_shared>> -> memref<16x128xf32, #tpu.memory_space<vmem_shared>>
    tpu.wait_dma2 semaphore(%arg25 : memref<!tpu.dma_semaphore, #tpu.memory_space<semaphore_mem>>) src(%arg33 : memref<16x128xf32, #tpu.memory_space<vmem>>) dst(%dma_wait3A_326 : memref<16x128xf32, #tpu.memory_space<vmem_shared>>)
    %dma_wait3A_327 = arith.constant 0 : i32
    %dma_wait3A_328 = tpu.memref_slice %arg34[%add3A_119, %dma_wait3A_327] : memref<10240x128xf32, #tpu.memory_space<vmem_shared>> -> memref<16x128xf32, #tpu.memory_space<vmem_shared>>
    %dma_wait3A_329 = arith.constant 0 : i32
    %dma_wait3A_330 = tpu.memref_slice %arg34[%add3A_119, %dma_wait3A_329] : memref<10240x128xf32, #tpu.memory_space<vmem_shared>> -> memref<16x128xf32, #tpu.memory_space<vmem_shared>>
    tpu.wait_dma2 semaphore(%arg26 : memref<!tpu.dma_semaphore, #tpu.memory_space<semaphore_mem>>) src(%arg33 : memref<16x128xf32, #tpu.memory_space<vmem>>) dst(%dma_wait3A_330 : memref<16x128xf32, #tpu.memory_space<vmem_shared>>)
    %dma_wait3A_331 = arith.constant 0 : i32
    %dma_wait3A_332 = tpu.memref_slice %arg34[%add3A_125, %dma_wait3A_331] : memref<10240x128xf32, #tpu.memory_space<vmem_shared>> -> memref<16x128xf32, #tpu.memory_space<vmem_shared>>
    %dma_wait3A_333 = arith.constant 0 : i32
    %dma_wait3A_334 = tpu.memref_slice %arg34[%add3A_125, %dma_wait3A_333] : memref<10240x128xf32, #tpu.memory_space<vmem_shared>> -> memref<16x128xf32, #tpu.memory_space<vmem_shared>>
    tpu.wait_dma2 semaphore(%arg27 : memref<!tpu.dma_semaphore, #tpu.memory_space<semaphore_mem>>) src(%arg33 : memref<16x128xf32, #tpu.memory_space<vmem>>) dst(%dma_wait3A_334 : memref<16x128xf32, #tpu.memory_space<vmem_shared>>)
    %dma_wait3A_335 = arith.constant 0 : i32
    %dma_wait3A_336 = tpu.memref_slice %arg34[%add3A_131, %dma_wait3A_335] : memref<10240x128xf32, #tpu.memory_space<vmem_shared>> -> memref<16x128xf32, #tpu.memory_space<vmem_shared>>
    %dma_wait3A_337 = arith.constant 0 : i32
    %dma_wait3A_338 = tpu.memref_slice %arg34[%add3A_131, %dma_wait3A_337] : memref<10240x128xf32, #tpu.memory_space<vmem_shared>> -> memref<16x128xf32, #tpu.memory_space<vmem_shared>>
    tpu.wait_dma2 semaphore(%arg28 : memref<!tpu.dma_semaphore, #tpu.memory_space<semaphore_mem>>) src(%arg33 : memref<16x128xf32, #tpu.memory_space<vmem>>) dst(%dma_wait3A_338 : memref<16x128xf32, #tpu.memory_space<vmem_shared>>)
    %dma_wait3A_339 = arith.constant 0 : i32
    %dma_wait3A_340 = tpu.memref_slice %arg34[%add3A_137, %dma_wait3A_339] : memref<10240x128xf32, #tpu.memory_space<vmem_shared>> -> memref<16x128xf32, #tpu.memory_space<vmem_shared>>
    %dma_wait3A_341 = arith.constant 0 : i32
    %dma_wait3A_342 = tpu.memref_slice %arg34[%add3A_137, %dma_wait3A_341] : memref<10240x128xf32, #tpu.memory_space<vmem_shared>> -> memref<16x128xf32, #tpu.memory_space<vmem_shared>>
    tpu.wait_dma2 semaphore(%arg29 : memref<!tpu.dma_semaphore, #tpu.memory_space<semaphore_mem>>) src(%arg33 : memref<16x128xf32, #tpu.memory_space<vmem>>) dst(%dma_wait3A_342 : memref<16x128xf32, #tpu.memory_space<vmem_shared>>)
    %dma_wait3A_343 = arith.constant 0 : i32
    %dma_wait3A_344 = tpu.memref_slice %arg34[%add3A_143, %dma_wait3A_343] : memref<10240x128xf32, #tpu.memory_space<vmem_shared>> -> memref<16x128xf32, #tpu.memory_space<vmem_shared>>
    %dma_wait3A_345 = arith.constant 0 : i32
    %dma_wait3A_346 = tpu.memref_slice %arg34[%add3A_143, %dma_wait3A_345] : memref<10240x128xf32, #tpu.memory_space<vmem_shared>> -> memref<16x128xf32, #tpu.memory_space<vmem_shared>>
    tpu.wait_dma2 semaphore(%arg30 : memref<!tpu.dma_semaphore, #tpu.memory_space<semaphore_mem>>) src(%arg33 : memref<16x128xf32, #tpu.memory_space<vmem>>) dst(%dma_wait3A_346 : memref<16x128xf32, #tpu.memory_space<vmem_shared>>)
    %dma_wait3A_347 = arith.constant 0 : i32
    %dma_wait3A_348 = tpu.memref_slice %arg34[%add3A_149, %dma_wait3A_347] : memref<10240x128xf32, #tpu.memory_space<vmem_shared>> -> memref<16x128xf32, #tpu.memory_space<vmem_shared>>
    %dma_wait3A_349 = arith.constant 0 : i32
    %dma_wait3A_350 = tpu.memref_slice %arg34[%add3A_149, %dma_wait3A_349] : memref<10240x128xf32, #tpu.memory_space<vmem_shared>> -> memref<16x128xf32, #tpu.memory_space<vmem_shared>>
    tpu.wait_dma2 semaphore(%arg31 : memref<!tpu.dma_semaphore, #tpu.memory_space<semaphore_mem>>) src(%arg33 : memref<16x128xf32, #tpu.memory_space<vmem>>) dst(%dma_wait3A_350 : memref<16x128xf32, #tpu.memory_space<vmem_shared>>)
    %dma_wait3A_351 = arith.constant 0 : i32
    %dma_wait3A_352 = tpu.memref_slice %arg34[%add3A_155, %dma_wait3A_351] : memref<10240x128xf32, #tpu.memory_space<vmem_shared>> -> memref<16x128xf32, #tpu.memory_space<vmem_shared>>
    %dma_wait3A_353 = arith.constant 0 : i32
    %dma_wait3A_354 = tpu.memref_slice %arg34[%add3A_155, %dma_wait3A_353] : memref<10240x128xf32, #tpu.memory_space<vmem_shared>> -> memref<16x128xf32, #tpu.memory_space<vmem_shared>>
    tpu.wait_dma2 semaphore(%arg32 : memref<!tpu.dma_semaphore, #tpu.memory_space<semaphore_mem>>) src(%arg33 : memref<16x128xf32, #tpu.memory_space<vmem>>) dst(%dma_wait3A_354 : memref<16x128xf32, #tpu.memory_space<vmem_shared>>)
    %dma_wait3A_355 = arith.constant 0 : i32
    %dma_wait3A_356 = tpu.memref_slice %arg34[%add3A_161, %dma_wait3A_355] : memref<10240x128xf32, #tpu.memory_space<vmem_shared>> -> memref<16x128xf32, #tpu.memory_space<vmem_shared>>
    %dma_wait3A_357 = arith.constant 0 : i32
    %dma_wait3A_358 = tpu.memref_slice %arg34[%add3A_161, %dma_wait3A_357] : memref<10240x128xf32, #tpu.memory_space<vmem_shared>> -> memref<16x128xf32, #tpu.memory_space<vmem_shared>>
    tpu.wait_dma2 semaphore(%arg25 : memref<!tpu.dma_semaphore, #tpu.memory_space<semaphore_mem>>) src(%arg33 : memref<16x128xf32, #tpu.memory_space<vmem>>) dst(%dma_wait3A_358 : memref<16x128xf32, #tpu.memory_space<vmem_shared>>)
    %dma_wait3A_359 = arith.constant 0 : i32
    %dma_wait3A_360 = tpu.memref_slice %arg34[%add3A_167, %dma_wait3A_359] : memref<10240x128xf32, #tpu.memory_space<vmem_shared>> -> memref<16x128xf32, #tpu.memory_space<vmem_shared>>
    %dma_wait3A_361 = arith.constant 0 : i32
    %dma_wait3A_362 = tpu.memref_slice %arg34[%add3A_167, %dma_wait3A_361] : memref<10240x128xf32, #tpu.memory_space<vmem_shared>> -> memref<16x128xf32, #tpu.memory_space<vmem_shared>>
    tpu.wait_dma2 semaphore(%arg26 : memref<!tpu.dma_semaphore, #tpu.memory_space<semaphore_mem>>) src(%arg33 : memref<16x128xf32, #tpu.memory_space<vmem>>) dst(%dma_wait3A_362 : memref<16x128xf32, #tpu.memory_space<vmem_shared>>)
    %dma_wait3A_363 = arith.constant 0 : i32
    %dma_wait3A_364 = tpu.memref_slice %arg34[%add3A_173, %dma_wait3A_363] : memref<10240x128xf32, #tpu.memory_space<vmem_shared>> -> memref<16x128xf32, #tpu.memory_space<vmem_shared>>
    %dma_wait3A_365 = arith.constant 0 : i32
    %dma_wait3A_366 = tpu.memref_slice %arg34[%add3A_173, %dma_wait3A_365] : memref<10240x128xf32, #tpu.memory_space<vmem_shared>> -> memref<16x128xf32, #tpu.memory_space<vmem_shared>>
    tpu.wait_dma2 semaphore(%arg27 : memref<!tpu.dma_semaphore, #tpu.memory_space<semaphore_mem>>) src(%arg33 : memref<16x128xf32, #tpu.memory_space<vmem>>) dst(%dma_wait3A_366 : memref<16x128xf32, #tpu.memory_space<vmem_shared>>)
    %dma_wait3A_367 = arith.constant 0 : i32
    %dma_wait3A_368 = tpu.memref_slice %arg34[%add3A_179, %dma_wait3A_367] : memref<10240x128xf32, #tpu.memory_space<vmem_shared>> -> memref<16x128xf32, #tpu.memory_space<vmem_shared>>
    %dma_wait3A_369 = arith.constant 0 : i32
    %dma_wait3A_370 = tpu.memref_slice %arg34[%add3A_179, %dma_wait3A_369] : memref<10240x128xf32, #tpu.memory_space<vmem_shared>> -> memref<16x128xf32, #tpu.memory_space<vmem_shared>>
    tpu.wait_dma2 semaphore(%arg28 : memref<!tpu.dma_semaphore, #tpu.memory_space<semaphore_mem>>) src(%arg33 : memref<16x128xf32, #tpu.memory_space<vmem>>) dst(%dma_wait3A_370 : memref<16x128xf32, #tpu.memory_space<vmem_shared>>)
    %dma_wait3A_371 = arith.constant 0 : i32
    %dma_wait3A_372 = tpu.memref_slice %arg34[%add3A_185, %dma_wait3A_371] : memref<10240x128xf32, #tpu.memory_space<vmem_shared>> -> memref<16x128xf32, #tpu.memory_space<vmem_shared>>
    %dma_wait3A_373 = arith.constant 0 : i32
    %dma_wait3A_374 = tpu.memref_slice %arg34[%add3A_185, %dma_wait3A_373] : memref<10240x128xf32, #tpu.memory_space<vmem_shared>> -> memref<16x128xf32, #tpu.memory_space<vmem_shared>>
    tpu.wait_dma2 semaphore(%arg29 : memref<!tpu.dma_semaphore, #tpu.memory_space<semaphore_mem>>) src(%arg33 : memref<16x128xf32, #tpu.memory_space<vmem>>) dst(%dma_wait3A_374 : memref<16x128xf32, #tpu.memory_space<vmem_shared>>)
    %dma_wait3A_375 = arith.constant 0 : i32
    %dma_wait3A_376 = tpu.memref_slice %arg34[%add3A_191, %dma_wait3A_375] : memref<10240x128xf32, #tpu.memory_space<vmem_shared>> -> memref<16x128xf32, #tpu.memory_space<vmem_shared>>
    %dma_wait3A_377 = arith.constant 0 : i32
    %dma_wait3A_378 = tpu.memref_slice %arg34[%add3A_191, %dma_wait3A_377] : memref<10240x128xf32, #tpu.memory_space<vmem_shared>> -> memref<16x128xf32, #tpu.memory_space<vmem_shared>>
    tpu.wait_dma2 semaphore(%arg30 : memref<!tpu.dma_semaphore, #tpu.memory_space<semaphore_mem>>) src(%arg33 : memref<16x128xf32, #tpu.memory_space<vmem>>) dst(%dma_wait3A_378 : memref<16x128xf32, #tpu.memory_space<vmem_shared>>)
    %dma_wait3A_379 = arith.constant 0 : i32
    %dma_wait3A_380 = tpu.memref_slice %arg34[%add3A_197, %dma_wait3A_379] : memref<10240x128xf32, #tpu.memory_space<vmem_shared>> -> memref<16x128xf32, #tpu.memory_space<vmem_shared>>
    %dma_wait3A_381 = arith.constant 0 : i32
    %dma_wait3A_382 = tpu.memref_slice %arg34[%add3A_197, %dma_wait3A_381] : memref<10240x128xf32, #tpu.memory_space<vmem_shared>> -> memref<16x128xf32, #tpu.memory_space<vmem_shared>>
    tpu.wait_dma2 semaphore(%arg31 : memref<!tpu.dma_semaphore, #tpu.memory_space<semaphore_mem>>) src(%arg33 : memref<16x128xf32, #tpu.memory_space<vmem>>) dst(%dma_wait3A_382 : memref<16x128xf32, #tpu.memory_space<vmem_shared>>)
    %dma_wait3A_383 = arith.constant 0 : i32
    %dma_wait3A_384 = tpu.memref_slice %arg34[%add3A_203, %dma_wait3A_383] : memref<10240x128xf32, #tpu.memory_space<vmem_shared>> -> memref<16x128xf32, #tpu.memory_space<vmem_shared>>
    %dma_wait3A_385 = arith.constant 0 : i32
    %dma_wait3A_386 = tpu.memref_slice %arg34[%add3A_203, %dma_wait3A_385] : memref<10240x128xf32, #tpu.memory_space<vmem_shared>> -> memref<16x128xf32, #tpu.memory_space<vmem_shared>>
    tpu.wait_dma2 semaphore(%arg32 : memref<!tpu.dma_semaphore, #tpu.memory_space<semaphore_mem>>) src(%arg33 : memref<16x128xf32, #tpu.memory_space<vmem>>) dst(%dma_wait3A_386 : memref<16x128xf32, #tpu.memory_space<vmem_shared>>)
    %dma_wait3A_387 = arith.constant 0 : i32
    %dma_wait3A_388 = tpu.memref_slice %arg34[%add3A_209, %dma_wait3A_387] : memref<10240x128xf32, #tpu.memory_space<vmem_shared>> -> memref<16x128xf32, #tpu.memory_space<vmem_shared>>
    %dma_wait3A_389 = arith.constant 0 : i32
    %dma_wait3A_390 = tpu.memref_slice %arg34[%add3A_209, %dma_wait3A_389] : memref<10240x128xf32, #tpu.memory_space<vmem_shared>> -> memref<16x128xf32, #tpu.memory_space<vmem_shared>>
    tpu.wait_dma2 semaphore(%arg25 : memref<!tpu.dma_semaphore, #tpu.memory_space<semaphore_mem>>) src(%arg33 : memref<16x128xf32, #tpu.memory_space<vmem>>) dst(%dma_wait3A_390 : memref<16x128xf32, #tpu.memory_space<vmem_shared>>)
    %dma_wait3A_391 = arith.constant 0 : i32
    %dma_wait3A_392 = tpu.memref_slice %arg34[%add3A_215, %dma_wait3A_391] : memref<10240x128xf32, #tpu.memory_space<vmem_shared>> -> memref<16x128xf32, #tpu.memory_space<vmem_shared>>
    %dma_wait3A_393 = arith.constant 0 : i32
    %dma_wait3A_394 = tpu.memref_slice %arg34[%add3A_215, %dma_wait3A_393] : memref<10240x128xf32, #tpu.memory_space<vmem_shared>> -> memref<16x128xf32, #tpu.memory_space<vmem_shared>>
    tpu.wait_dma2 semaphore(%arg26 : memref<!tpu.dma_semaphore, #tpu.memory_space<semaphore_mem>>) src(%arg33 : memref<16x128xf32, #tpu.memory_space<vmem>>) dst(%dma_wait3A_394 : memref<16x128xf32, #tpu.memory_space<vmem_shared>>)
    %dma_wait3A_395 = arith.constant 0 : i32
    %dma_wait3A_396 = tpu.memref_slice %arg34[%add3A_221, %dma_wait3A_395] : memref<10240x128xf32, #tpu.memory_space<vmem_shared>> -> memref<16x128xf32, #tpu.memory_space<vmem_shared>>
    %dma_wait3A_397 = arith.constant 0 : i32
    %dma_wait3A_398 = tpu.memref_slice %arg34[%add3A_221, %dma_wait3A_397] : memref<10240x128xf32, #tpu.memory_space<vmem_shared>> -> memref<16x128xf32, #tpu.memory_space<vmem_shared>>
    tpu.wait_dma2 semaphore(%arg27 : memref<!tpu.dma_semaphore, #tpu.memory_space<semaphore_mem>>) src(%arg33 : memref<16x128xf32, #tpu.memory_space<vmem>>) dst(%dma_wait3A_398 : memref<16x128xf32, #tpu.memory_space<vmem_shared>>)
    %dma_wait3A_399 = arith.constant 0 : i32
    %dma_wait3A_400 = tpu.memref_slice %arg34[%add3A_227, %dma_wait3A_399] : memref<10240x128xf32, #tpu.memory_space<vmem_shared>> -> memref<16x128xf32, #tpu.memory_space<vmem_shared>>
    %dma_wait3A_401 = arith.constant 0 : i32
    %dma_wait3A_402 = tpu.memref_slice %arg34[%add3A_227, %dma_wait3A_401] : memref<10240x128xf32, #tpu.memory_space<vmem_shared>> -> memref<16x128xf32, #tpu.memory_space<vmem_shared>>
    tpu.wait_dma2 semaphore(%arg28 : memref<!tpu.dma_semaphore, #tpu.memory_space<semaphore_mem>>) src(%arg33 : memref<16x128xf32, #tpu.memory_space<vmem>>) dst(%dma_wait3A_402 : memref<16x128xf32, #tpu.memory_space<vmem_shared>>)
    %dma_wait3A_403 = arith.constant 0 : i32
    %dma_wait3A_404 = tpu.memref_slice %arg34[%add3A_233, %dma_wait3A_403] : memref<10240x128xf32, #tpu.memory_space<vmem_shared>> -> memref<16x128xf32, #tpu.memory_space<vmem_shared>>
    %dma_wait3A_405 = arith.constant 0 : i32
    %dma_wait3A_406 = tpu.memref_slice %arg34[%add3A_233, %dma_wait3A_405] : memref<10240x128xf32, #tpu.memory_space<vmem_shared>> -> memref<16x128xf32, #tpu.memory_space<vmem_shared>>
    tpu.wait_dma2 semaphore(%arg29 : memref<!tpu.dma_semaphore, #tpu.memory_space<semaphore_mem>>) src(%arg33 : memref<16x128xf32, #tpu.memory_space<vmem>>) dst(%dma_wait3A_406 : memref<16x128xf32, #tpu.memory_space<vmem_shared>>)
    %dma_wait3A_407 = arith.constant 0 : i32
    %dma_wait3A_408 = tpu.memref_slice %arg34[%add3A_239, %dma_wait3A_407] : memref<10240x128xf32, #tpu.memory_space<vmem_shared>> -> memref<16x128xf32, #tpu.memory_space<vmem_shared>>
    %dma_wait3A_409 = arith.constant 0 : i32
    %dma_wait3A_410 = tpu.memref_slice %arg34[%add3A_239, %dma_wait3A_409] : memref<10240x128xf32, #tpu.memory_space<vmem_shared>> -> memref<16x128xf32, #tpu.memory_space<vmem_shared>>
    tpu.wait_dma2 semaphore(%arg30 : memref<!tpu.dma_semaphore, #tpu.memory_space<semaphore_mem>>) src(%arg33 : memref<16x128xf32, #tpu.memory_space<vmem>>) dst(%dma_wait3A_410 : memref<16x128xf32, #tpu.memory_space<vmem_shared>>)
    %dma_wait3A_411 = arith.constant 0 : i32
    %dma_wait3A_412 = tpu.memref_slice %arg34[%add3A_245, %dma_wait3A_411] : memref<10240x128xf32, #tpu.memory_space<vmem_shared>> -> memref<16x128xf32, #tpu.memory_space<vmem_shared>>
    %dma_wait3A_413 = arith.constant 0 : i32
    %dma_wait3A_414 = tpu.memref_slice %arg34[%add3A_245, %dma_wait3A_413] : memref<10240x128xf32, #tpu.memory_space<vmem_shared>> -> memref<16x128xf32, #tpu.memory_space<vmem_shared>>
    tpu.wait_dma2 semaphore(%arg31 : memref<!tpu.dma_semaphore, #tpu.memory_space<semaphore_mem>>) src(%arg33 : memref<16x128xf32, #tpu.memory_space<vmem>>) dst(%dma_wait3A_414 : memref<16x128xf32, #tpu.memory_space<vmem_shared>>)
    %dma_wait3A_415 = arith.constant 0 : i32
    %dma_wait3A_416 = tpu.memref_slice %arg34[%add3A_251, %dma_wait3A_415] : memref<10240x128xf32, #tpu.memory_space<vmem_shared>> -> memref<16x128xf32, #tpu.memory_space<vmem_shared>>
    %dma_wait3A_417 = arith.constant 0 : i32
    %dma_wait3A_418 = tpu.memref_slice %arg34[%add3A_251, %dma_wait3A_417] : memref<10240x128xf32, #tpu.memory_space<vmem_shared>> -> memref<16x128xf32, #tpu.memory_space<vmem_shared>>
    tpu.wait_dma2 semaphore(%arg32 : memref<!tpu.dma_semaphore, #tpu.memory_space<semaphore_mem>>) src(%arg33 : memref<16x128xf32, #tpu.memory_space<vmem>>) dst(%dma_wait3A_418 : memref<16x128xf32, #tpu.memory_space<vmem_shared>>)
    %barrier3A = arith.constant 0 : index
    tpu.barrier barrier_id(%barrier3A)
    %dma_start3A_419 = arith.constant 0 : i32
    %dma_start3A_420 = tpu.memref_slice %arg6[%dma_start3A_419] : memref<10000xi32, #tpu.memory_space<vmem>> -> memref<40xi32, #tpu.memory_space<vmem>>
    %dma_start3A_421 = arith.constant 0 : i32
    %dma_start3A_422 = arith.constant 0 : i32
    %dma_start3A_423 = tpu.memref_slice %arg2[%dma_start3A_421, %dma_start3A_422] : memref<10000x128xf32, #tpu.memory_space<hbm>> -> memref<10000x128xf32, #tpu.memory_space<hbm>>
    tpu.enqueue_indirect_dma source(%dma_start3A_423 : memref<10000x128xf32, #tpu.memory_space<hbm>>) target(%arg8 : memref<40x128xf32, #tpu.memory_space<vmem>>) offsets(%dma_start3A_420 : memref<40xi32, #tpu.memory_space<vmem>>) semaphore(%arg13 : memref<!tpu.dma_semaphore, #tpu.memory_space<semaphore_mem>>)
    %dma_start3A_424 = arith.constant 40 : i32
    %dma_start3A_425 = tpu.memref_slice %arg6[%dma_start3A_424] : memref<10000xi32, #tpu.memory_space<vmem>> -> memref<40xi32, #tpu.memory_space<vmem>>
    %dma_start3A_426 = arith.constant 0 : i32
    %dma_start3A_427 = arith.constant 0 : i32
    %dma_start3A_428 = tpu.memref_slice %arg2[%dma_start3A_426, %dma_start3A_427] : memref<10000x128xf32, #tpu.memory_space<hbm>> -> memref<10000x128xf32, #tpu.memory_space<hbm>>
    tpu.enqueue_indirect_dma source(%dma_start3A_428 : memref<10000x128xf32, #tpu.memory_space<hbm>>) target(%arg9 : memref<40x128xf32, #tpu.memory_space<vmem>>) offsets(%dma_start3A_425 : memref<40xi32, #tpu.memory_space<vmem>>) semaphore(%arg14 : memref<!tpu.dma_semaphore, #tpu.memory_space<semaphore_mem>>)
    %dma_start3A_429 = arith.constant 80 : i32
    %dma_start3A_430 = tpu.memref_slice %arg6[%dma_start3A_429] : memref<10000xi32, #tpu.memory_space<vmem>> -> memref<40xi32, #tpu.memory_space<vmem>>
    %dma_start3A_431 = arith.constant 0 : i32
    %dma_start3A_432 = arith.constant 0 : i32
    %dma_start3A_433 = tpu.memref_slice %arg2[%dma_start3A_431, %dma_start3A_432] : memref<10000x128xf32, #tpu.memory_space<hbm>> -> memref<10000x128xf32, #tpu.memory_space<hbm>>
    tpu.enqueue_indirect_dma source(%dma_start3A_433 : memref<10000x128xf32, #tpu.memory_space<hbm>>) target(%arg10 : memref<40x128xf32, #tpu.memory_space<vmem>>) offsets(%dma_start3A_430 : memref<40xi32, #tpu.memory_space<vmem>>) semaphore(%arg15 : memref<!tpu.dma_semaphore, #tpu.memory_space<semaphore_mem>>)
    %dma_start3A_434 = arith.constant 120 : i32
    %dma_start3A_435 = tpu.memref_slice %arg6[%dma_start3A_434] : memref<10000xi32, #tpu.memory_space<vmem>> -> memref<40xi32, #tpu.memory_space<vmem>>
    %dma_start3A_436 = arith.constant 0 : i32
    %dma_start3A_437 = arith.constant 0 : i32
    %dma_start3A_438 = tpu.memref_slice %arg2[%dma_start3A_436, %dma_start3A_437] : memref<10000x128xf32, #tpu.memory_space<hbm>> -> memref<10000x128xf32, #tpu.memory_space<hbm>>
    tpu.enqueue_indirect_dma source(%dma_start3A_438 : memref<10000x128xf32, #tpu.memory_space<hbm>>) target(%arg11 : memref<40x128xf32, #tpu.memory_space<vmem>>) offsets(%dma_start3A_435 : memref<40xi32, #tpu.memory_space<vmem>>) semaphore(%arg16 : memref<!tpu.dma_semaphore, #tpu.memory_space<semaphore_mem>>)
    %dma_wait3A_439 = arith.constant 0 : i32
    %dma_wait3A_440 = arith.constant 0 : i32
    %dma_wait3A_441 = tpu.memref_slice %arg2[%dma_wait3A_439, %dma_wait3A_440] : memref<10000x128xf32, #tpu.memory_space<hbm>> -> memref<40x128xf32, #tpu.memory_space<hbm>>
    %dma_wait3A_442 = arith.constant 0 : i32
    %dma_wait3A_443 = arith.constant 0 : i32
    %dma_wait3A_444 = tpu.memref_slice %arg2[%dma_wait3A_442, %dma_wait3A_443] : memref<10000x128xf32, #tpu.memory_space<hbm>> -> memref<40x128xf32, #tpu.memory_space<hbm>>
    tpu.wait_dma2 semaphore(%arg13 : memref<!tpu.dma_semaphore, #tpu.memory_space<semaphore_mem>>) src(%dma_wait3A_444 : memref<40x128xf32, #tpu.memory_space<hbm>>) dst(%arg8 : memref<40x128xf32, #tpu.memory_space<vmem>>)
    %dma_start3A_445 = arith.constant 0 : i32
    %dma_start3A_446 = tpu.memref_slice %arg7[%dma_start3A_445] : memref<10000xi32, #tpu.memory_space<vmem>> -> memref<40xi32, #tpu.memory_space<vmem>>
    %dma_start3A_447 = arith.constant 0 : i32
    %dma_start3A_448 = arith.constant 0 : i32
    %dma_start3A_449 = tpu.memref_slice %arg34[%dma_start3A_447, %dma_start3A_448] : memref<10240x128xf32, #tpu.memory_space<vmem_shared>> -> memref<10240x128xf32, #tpu.memory_space<vmem_shared>>
    tpu.enqueue_indirect_dma source(%arg8 : memref<40x128xf32, #tpu.memory_space<vmem>>) target(%dma_start3A_449 : memref<10240x128xf32, #tpu.memory_space<vmem_shared>>) offsets(%dma_start3A_446 : memref<40xi32, #tpu.memory_space<vmem>>) semaphore(%arg18 : memref<!tpu.dma_semaphore, #tpu.memory_space<semaphore_mem>>) {add = true}
    %dma_start3A_450 = arith.constant 160 : i32
    %dma_start3A_451 = tpu.memref_slice %arg6[%dma_start3A_450] : memref<10000xi32, #tpu.memory_space<vmem>> -> memref<40xi32, #tpu.memory_space<vmem>>
    %dma_start3A_452 = arith.constant 0 : i32
    %dma_start3A_453 = arith.constant 0 : i32
    %dma_start3A_454 = tpu.memref_slice %arg2[%dma_start3A_452, %dma_start3A_453] : memref<10000x128xf32, #tpu.memory_space<hbm>> -> memref<10000x128xf32, #tpu.memory_space<hbm>>
    tpu.enqueue_indirect_dma source(%dma_start3A_454 : memref<10000x128xf32, #tpu.memory_space<hbm>>) target(%arg12 : memref<40x128xf32, #tpu.memory_space<vmem>>) offsets(%dma_start3A_451 : memref<40xi32, #tpu.memory_space<vmem>>) semaphore(%arg17 : memref<!tpu.dma_semaphore, #tpu.memory_space<semaphore_mem>>)
    %dma_wait3A_455 = arith.constant 0 : i32
    %dma_wait3A_456 = arith.constant 0 : i32
    %dma_wait3A_457 = tpu.memref_slice %arg2[%dma_wait3A_455, %dma_wait3A_456] : memref<10000x128xf32, #tpu.memory_space<hbm>> -> memref<40x128xf32, #tpu.memory_space<hbm>>
    %dma_wait3A_458 = arith.constant 0 : i32
    %dma_wait3A_459 = arith.constant 0 : i32
    %dma_wait3A_460 = tpu.memref_slice %arg2[%dma_wait3A_458, %dma_wait3A_459] : memref<10000x128xf32, #tpu.memory_space<hbm>> -> memref<40x128xf32, #tpu.memory_space<hbm>>
    tpu.wait_dma2 semaphore(%arg14 : memref<!tpu.dma_semaphore, #tpu.memory_space<semaphore_mem>>) src(%dma_wait3A_460 : memref<40x128xf32, #tpu.memory_space<hbm>>) dst(%arg9 : memref<40x128xf32, #tpu.memory_space<vmem>>)
    %dma_start3A_461 = arith.constant 40 : i32
    %dma_start3A_462 = tpu.memref_slice %arg7[%dma_start3A_461] : memref<10000xi32, #tpu.memory_space<vmem>> -> memref<40xi32, #tpu.memory_space<vmem>>
    %dma_start3A_463 = arith.constant 0 : i32
    %dma_start3A_464 = arith.constant 0 : i32
    %dma_start3A_465 = tpu.memref_slice %arg34[%dma_start3A_463, %dma_start3A_464] : memref<10240x128xf32, #tpu.memory_space<vmem_shared>> -> memref<10240x128xf32, #tpu.memory_space<vmem_shared>>
    tpu.enqueue_indirect_dma source(%arg9 : memref<40x128xf32, #tpu.memory_space<vmem>>) target(%dma_start3A_465 : memref<10240x128xf32, #tpu.memory_space<vmem_shared>>) offsets(%dma_start3A_462 : memref<40xi32, #tpu.memory_space<vmem>>) semaphore(%arg19 : memref<!tpu.dma_semaphore, #tpu.memory_space<semaphore_mem>>) {add = true}
    %dma_wait3A_466 = arith.constant 0 : i32
    %dma_wait3A_467 = arith.constant 0 : i32
    %dma_wait3A_468 = tpu.memref_slice %arg2[%dma_wait3A_466, %dma_wait3A_467] : memref<10000x128xf32, #tpu.memory_space<hbm>> -> memref<40x128xf32, #tpu.memory_space<hbm>>
    %dma_wait3A_469 = arith.constant 0 : i32
    %dma_wait3A_470 = arith.constant 0 : i32
    %dma_wait3A_471 = tpu.memref_slice %arg2[%dma_wait3A_469, %dma_wait3A_470] : memref<10000x128xf32, #tpu.memory_space<hbm>> -> memref<40x128xf32, #tpu.memory_space<hbm>>
    tpu.wait_dma2 semaphore(%arg18 : memref<!tpu.dma_semaphore, #tpu.memory_space<semaphore_mem>>) src(%dma_wait3A_471 : memref<40x128xf32, #tpu.memory_space<hbm>>) dst(%arg8 : memref<40x128xf32, #tpu.memory_space<vmem>>)
    %dma_start3A_472 = arith.constant 200 : i32
    %dma_start3A_473 = tpu.memref_slice %arg6[%dma_start3A_472] : memref<10000xi32, #tpu.memory_space<vmem>> -> memref<40xi32, #tpu.memory_space<vmem>>
    %dma_start3A_474 = arith.constant 0 : i32
    %dma_start3A_475 = arith.constant 0 : i32
    %dma_start3A_476 = tpu.memref_slice %arg2[%dma_start3A_474, %dma_start3A_475] : memref<10000x128xf32, #tpu.memory_space<hbm>> -> memref<10000x128xf32, #tpu.memory_space<hbm>>
    tpu.enqueue_indirect_dma source(%dma_start3A_476 : memref<10000x128xf32, #tpu.memory_space<hbm>>) target(%arg8 : memref<40x128xf32, #tpu.memory_space<vmem>>) offsets(%dma_start3A_473 : memref<40xi32, #tpu.memory_space<vmem>>) semaphore(%arg13 : memref<!tpu.dma_semaphore, #tpu.memory_space<semaphore_mem>>)
    %dma_wait3A_477 = arith.constant 0 : i32
    %dma_wait3A_478 = arith.constant 0 : i32
    %dma_wait3A_479 = tpu.memref_slice %arg2[%dma_wait3A_477, %dma_wait3A_478] : memref<10000x128xf32, #tpu.memory_space<hbm>> -> memref<40x128xf32, #tpu.memory_space<hbm>>
    %dma_wait3A_480 = arith.constant 0 : i32
    %dma_wait3A_481 = arith.constant 0 : i32
    %dma_wait3A_482 = tpu.memref_slice %arg2[%dma_wait3A_480, %dma_wait3A_481] : memref<10000x128xf32, #tpu.memory_space<hbm>> -> memref<40x128xf32, #tpu.memory_space<hbm>>
    tpu.wait_dma2 semaphore(%arg15 : memref<!tpu.dma_semaphore, #tpu.memory_space<semaphore_mem>>) src(%dma_wait3A_482 : memref<40x128xf32, #tpu.memory_space<hbm>>) dst(%arg10 : memref<40x128xf32, #tpu.memory_space<vmem>>)
    %dma_start3A_483 = arith.constant 80 : i32
    %dma_start3A_484 = tpu.memref_slice %arg7[%dma_start3A_483] : memref<10000xi32, #tpu.memory_space<vmem>> -> memref<40xi32, #tpu.memory_space<vmem>>
    %dma_start3A_485 = arith.constant 0 : i32
    %dma_start3A_486 = arith.constant 0 : i32
    %dma_start3A_487 = tpu.memref_slice %arg34[%dma_start3A_485, %dma_start3A_486] : memref<10240x128xf32, #tpu.memory_space<vmem_shared>> -> memref<10240x128xf32, #tpu.memory_space<vmem_shared>>
    tpu.enqueue_indirect_dma source(%arg10 : memref<40x128xf32, #tpu.memory_space<vmem>>) target(%dma_start3A_487 : memref<10240x128xf32, #tpu.memory_space<vmem_shared>>) offsets(%dma_start3A_484 : memref<40xi32, #tpu.memory_space<vmem>>) semaphore(%arg20 : memref<!tpu.dma_semaphore, #tpu.memory_space<semaphore_mem>>) {add = true}
    %dma_wait3A_488 = arith.constant 0 : i32
    %dma_wait3A_489 = arith.constant 0 : i32
    %dma_wait3A_490 = tpu.memref_slice %arg2[%dma_wait3A_488, %dma_wait3A_489] : memref<10000x128xf32, #tpu.memory_space<hbm>> -> memref<40x128xf32, #tpu.memory_space<hbm>>
    %dma_wait3A_491 = arith.constant 0 : i32
    %dma_wait3A_492 = arith.constant 0 : i32
    %dma_wait3A_493 = tpu.memref_slice %arg2[%dma_wait3A_491, %dma_wait3A_492] : memref<10000x128xf32, #tpu.memory_space<hbm>> -> memref<40x128xf32, #tpu.memory_space<hbm>>
    tpu.wait_dma2 semaphore(%arg19 : memref<!tpu.dma_semaphore, #tpu.memory_space<semaphore_mem>>) src(%dma_wait3A_493 : memref<40x128xf32, #tpu.memory_space<hbm>>) dst(%arg9 : memref<40x128xf32, #tpu.memory_space<vmem>>)
    %dma_start3A_494 = arith.constant 240 : i32
    %dma_start3A_495 = tpu.memref_slice %arg6[%dma_start3A_494] : memref<10000xi32, #tpu.memory_space<vmem>> -> memref<40xi32, #tpu.memory_space<vmem>>
    %dma_start3A_496 = arith.constant 0 : i32
    %dma_start3A_497 = arith.constant 0 : i32
    %dma_start3A_498 = tpu.memref_slice %arg2[%dma_start3A_496, %dma_start3A_497] : memref<10000x128xf32, #tpu.memory_space<hbm>> -> memref<10000x128xf32, #tpu.memory_space<hbm>>
    tpu.enqueue_indirect_dma source(%dma_start3A_498 : memref<10000x128xf32, #tpu.memory_space<hbm>>) target(%arg9 : memref<40x128xf32, #tpu.memory_space<vmem>>) offsets(%dma_start3A_495 : memref<40xi32, #tpu.memory_space<vmem>>) semaphore(%arg14 : memref<!tpu.dma_semaphore, #tpu.memory_space<semaphore_mem>>)
    %dma_wait3A_499 = arith.constant 0 : i32
    %dma_wait3A_500 = arith.constant 0 : i32
    %dma_wait3A_501 = tpu.memref_slice %arg2[%dma_wait3A_499, %dma_wait3A_500] : memref<10000x128xf32, #tpu.memory_space<hbm>> -> memref<40x128xf32, #tpu.memory_space<hbm>>
    %dma_wait3A_502 = arith.constant 0 : i32
    %dma_wait3A_503 = arith.constant 0 : i32
    %dma_wait3A_504 = tpu.memref_slice %arg2[%dma_wait3A_502, %dma_wait3A_503] : memref<10000x128xf32, #tpu.memory_space<hbm>> -> memref<40x128xf32, #tpu.memory_space<hbm>>
    tpu.wait_dma2 semaphore(%arg16 : memref<!tpu.dma_semaphore, #tpu.memory_space<semaphore_mem>>) src(%dma_wait3A_504 : memref<40x128xf32, #tpu.memory_space<hbm>>) dst(%arg11 : memref<40x128xf32, #tpu.memory_space<vmem>>)
    %dma_start3A_505 = arith.constant 120 : i32
    %dma_start3A_506 = tpu.memref_slice %arg7[%dma_start3A_505] : memref<10000xi32, #tpu.memory_space<vmem>> -> memref<40xi32, #tpu.memory_space<vmem>>
    %dma_start3A_507 = arith.constant 0 : i32
    %dma_start3A_508 = arith.constant 0 : i32
    %dma_start3A_509 = tpu.memref_slice %arg34[%dma_start3A_507, %dma_start3A_508] : memref<10240x128xf32, #tpu.memory_space<vmem_shared>> -> memref<10240x128xf32, #tpu.memory_space<vmem_shared>>
    tpu.enqueue_indirect_dma source(%arg11 : memref<40x128xf32, #tpu.memory_space<vmem>>) target(%dma_start3A_509 : memref<10240x128xf32, #tpu.memory_space<vmem_shared>>) offsets(%dma_start3A_506 : memref<40xi32, #tpu.memory_space<vmem>>) semaphore(%arg21 : memref<!tpu.dma_semaphore, #tpu.memory_space<semaphore_mem>>) {add = true}
    %dma_wait3A_510 = arith.constant 0 : i32
    %dma_wait3A_511 = arith.constant 0 : i32
    %dma_wait3A_512 = tpu.memref_slice %arg2[%dma_wait3A_510, %dma_wait3A_511] : memref<10000x128xf32, #tpu.memory_space<hbm>> -> memref<40x128xf32, #tpu.memory_space<hbm>>
    %dma_wait3A_513 = arith.constant 0 : i32
    %dma_wait3A_514 = arith.constant 0 : i32
    %dma_wait3A_515 = tpu.memref_slice %arg2[%dma_wait3A_513, %dma_wait3A_514] : memref<10000x128xf32, #tpu.memory_space<hbm>> -> memref<40x128xf32, #tpu.memory_space<hbm>>
    tpu.wait_dma2 semaphore(%arg20 : memref<!tpu.dma_semaphore, #tpu.memory_space<semaphore_mem>>) src(%dma_wait3A_515 : memref<40x128xf32, #tpu.memory_space<hbm>>) dst(%arg10 : memref<40x128xf32, #tpu.memory_space<vmem>>)
    %dma_start3A_516 = arith.constant 280 : i32
    %dma_start3A_517 = tpu.memref_slice %arg6[%dma_start3A_516] : memref<10000xi32, #tpu.memory_space<vmem>> -> memref<40xi32, #tpu.memory_space<vmem>>
    %dma_start3A_518 = arith.constant 0 : i32
    %dma_start3A_519 = arith.constant 0 : i32
    %dma_start3A_520 = tpu.memref_slice %arg2[%dma_start3A_518, %dma_start3A_519] : memref<10000x128xf32, #tpu.memory_space<hbm>> -> memref<10000x128xf32, #tpu.memory_space<hbm>>
    tpu.enqueue_indirect_dma source(%dma_start3A_520 : memref<10000x128xf32, #tpu.memory_space<hbm>>) target(%arg10 : memref<40x128xf32, #tpu.memory_space<vmem>>) offsets(%dma_start3A_517 : memref<40xi32, #tpu.memory_space<vmem>>) semaphore(%arg15 : memref<!tpu.dma_semaphore, #tpu.memory_space<semaphore_mem>>)
    %dma_wait3A_521 = arith.constant 0 : i32
    %dma_wait3A_522 = arith.constant 0 : i32
    %dma_wait3A_523 = tpu.memref_slice %arg2[%dma_wait3A_521, %dma_wait3A_522] : memref<10000x128xf32, #tpu.memory_space<hbm>> -> memref<40x128xf32, #tpu.memory_space<hbm>>
    %dma_wait3A_524 = arith.constant 0 : i32
    %dma_wait3A_525 = arith.constant 0 : i32
    %dma_wait3A_526 = tpu.memref_slice %arg2[%dma_wait3A_524, %dma_wait3A_525] : memref<10000x128xf32, #tpu.memory_space<hbm>> -> memref<40x128xf32, #tpu.memory_space<hbm>>
    tpu.wait_dma2 semaphore(%arg17 : memref<!tpu.dma_semaphore, #tpu.memory_space<semaphore_mem>>) src(%dma_wait3A_526 : memref<40x128xf32, #tpu.memory_space<hbm>>) dst(%arg12 : memref<40x128xf32, #tpu.memory_space<vmem>>)
    %dma_start3A_527 = arith.constant 160 : i32
    %dma_start3A_528 = tpu.memref_slice %arg7[%dma_start3A_527] : memref<10000xi32, #tpu.memory_space<vmem>> -> memref<40xi32, #tpu.memory_space<vmem>>
    %dma_start3A_529 = arith.constant 0 : i32
    %dma_start3A_530 = arith.constant 0 : i32
    %dma_start3A_531 = tpu.memref_slice %arg34[%dma_start3A_529, %dma_start3A_530] : memref<10240x128xf32, #tpu.memory_space<vmem_shared>> -> memref<10240x128xf32, #tpu.memory_space<vmem_shared>>
    tpu.enqueue_indirect_dma source(%arg12 : memref<40x128xf32, #tpu.memory_space<vmem>>) target(%dma_start3A_531 : memref<10240x128xf32, #tpu.memory_space<vmem_shared>>) offsets(%dma_start3A_528 : memref<40xi32, #tpu.memory_space<vmem>>) semaphore(%arg22 : memref<!tpu.dma_semaphore, #tpu.memory_space<semaphore_mem>>) {add = true}
    %scan3A_532 = arith.constant 0 : i32
    %scan3A_533 = arith.constant 1 : i32
    %scan3A_534 = arith.constant 48 : i32
    %scan3A_535 = arith.addi %scan3A_533, %scan3A_534 : i32
    %scan3A_536 = arith.constant 1 : i32
    scf.for %scan3A_649 = %scan3A_533 to %scan3A_535 step %scan3A_536  : i32 {
      %mul3A_650 = arith.constant 5 : i32
      %mul3A_651 = arith.muli %scan3A_649, %mul3A_650 : i32
      %dma_wait3A_652 = arith.constant 0 : i32
      %dma_wait3A_653 = arith.constant 0 : i32
      %dma_wait3A_654 = tpu.memref_slice %arg2[%dma_wait3A_652, %dma_wait3A_653] : memref<10000x128xf32, #tpu.memory_space<hbm>> -> memref<40x128xf32, #tpu.memory_space<hbm>>
      %dma_wait3A_655 = arith.constant 0 : i32
      %dma_wait3A_656 = arith.constant 0 : i32
      %dma_wait3A_657 = tpu.memref_slice %arg2[%dma_wait3A_655, %dma_wait3A_656] : memref<10000x128xf32, #tpu.memory_space<hbm>> -> memref<40x128xf32, #tpu.memory_space<hbm>>
      tpu.wait_dma2 semaphore(%arg21 : memref<!tpu.dma_semaphore, #tpu.memory_space<semaphore_mem>>) src(%dma_wait3A_657 : memref<40x128xf32, #tpu.memory_space<hbm>>) dst(%arg11 : memref<40x128xf32, #tpu.memory_space<vmem>>)
      %add3A_658 = arith.constant 0 : i32
      %add3A_659 = arith.addi %mul3A_651, %add3A_658 : i32
      %add3A_660 = arith.constant 3 : i32
      %add3A_661 = arith.addi %add3A_659, %add3A_660 : i32
      %mul3A_662 = arith.constant 40 : i32
      %mul3A_663 = arith.muli %add3A_661, %mul3A_662 : i32
      %dma_start3A_664 = tpu.memref_slice %arg6[%mul3A_663] : memref<10000xi32, #tpu.memory_space<vmem>> -> memref<40xi32, #tpu.memory_space<vmem>>
      %dma_start3A_665 = arith.constant 0 : i32
      %dma_start3A_666 = arith.constant 0 : i32
      %dma_start3A_667 = tpu.memref_slice %arg2[%dma_start3A_665, %dma_start3A_666] : memref<10000x128xf32, #tpu.memory_space<hbm>> -> memref<10000x128xf32, #tpu.memory_space<hbm>>
      tpu.enqueue_indirect_dma source(%dma_start3A_667 : memref<10000x128xf32, #tpu.memory_space<hbm>>) target(%arg11 : memref<40x128xf32, #tpu.memory_space<vmem>>) offsets(%dma_start3A_664 : memref<40xi32, #tpu.memory_space<vmem>>) semaphore(%arg16 : memref<!tpu.dma_semaphore, #tpu.memory_space<semaphore_mem>>)
      %dma_wait3A_668 = arith.constant 0 : i32
      %dma_wait3A_669 = arith.constant 0 : i32
      %dma_wait3A_670 = tpu.memref_slice %arg2[%dma_wait3A_668, %dma_wait3A_669] : memref<10000x128xf32, #tpu.memory_space<hbm>> -> memref<40x128xf32, #tpu.memory_space<hbm>>
      %dma_wait3A_671 = arith.constant 0 : i32
      %dma_wait3A_672 = arith.constant 0 : i32
      %dma_wait3A_673 = tpu.memref_slice %arg2[%dma_wait3A_671, %dma_wait3A_672] : memref<10000x128xf32, #tpu.memory_space<hbm>> -> memref<40x128xf32, #tpu.memory_space<hbm>>
      tpu.wait_dma2 semaphore(%arg13 : memref<!tpu.dma_semaphore, #tpu.memory_space<semaphore_mem>>) src(%dma_wait3A_673 : memref<40x128xf32, #tpu.memory_space<hbm>>) dst(%arg8 : memref<40x128xf32, #tpu.memory_space<vmem>>)
      %add3A_674 = arith.constant 0 : i32
      %add3A_675 = arith.addi %mul3A_651, %add3A_674 : i32
      %mul3A_676 = arith.constant 40 : i32
      %mul3A_677 = arith.muli %add3A_675, %mul3A_676 : i32
      %dma_start3A_678 = tpu.memref_slice %arg7[%mul3A_677] : memref<10000xi32, #tpu.memory_space<vmem>> -> memref<40xi32, #tpu.memory_space<vmem>>
      %dma_start3A_679 = arith.constant 0 : i32
      %dma_start3A_680 = arith.constant 0 : i32
      %dma_start3A_681 = tpu.memref_slice %arg34[%dma_start3A_679, %dma_start3A_680] : memref<10240x128xf32, #tpu.memory_space<vmem_shared>> -> memref<10240x128xf32, #tpu.memory_space<vmem_shared>>
      tpu.enqueue_indirect_dma source(%arg8 : memref<40x128xf32, #tpu.memory_space<vmem>>) target(%dma_start3A_681 : memref<10240x128xf32, #tpu.memory_space<vmem_shared>>) offsets(%dma_start3A_678 : memref<40xi32, #tpu.memory_space<vmem>>) semaphore(%arg18 : memref<!tpu.dma_semaphore, #tpu.memory_space<semaphore_mem>>) {add = true}
      %dma_wait3A_682 = arith.constant 0 : i32
      %dma_wait3A_683 = arith.constant 0 : i32
      %dma_wait3A_684 = tpu.memref_slice %arg2[%dma_wait3A_682, %dma_wait3A_683] : memref<10000x128xf32, #tpu.memory_space<hbm>> -> memref<40x128xf32, #tpu.memory_space<hbm>>
      %dma_wait3A_685 = arith.constant 0 : i32
      %dma_wait3A_686 = arith.constant 0 : i32
      %dma_wait3A_687 = tpu.memref_slice %arg2[%dma_wait3A_685, %dma_wait3A_686] : memref<10000x128xf32, #tpu.memory_space<hbm>> -> memref<40x128xf32, #tpu.memory_space<hbm>>
      tpu.wait_dma2 semaphore(%arg22 : memref<!tpu.dma_semaphore, #tpu.memory_space<semaphore_mem>>) src(%dma_wait3A_687 : memref<40x128xf32, #tpu.memory_space<hbm>>) dst(%arg12 : memref<40x128xf32, #tpu.memory_space<vmem>>)
      %add3A_688 = arith.constant 1 : i32
      %add3A_689 = arith.addi %mul3A_651, %add3A_688 : i32
      %add3A_690 = arith.constant 3 : i32
      %add3A_691 = arith.addi %add3A_689, %add3A_690 : i32
      %mul3A_692 = arith.constant 40 : i32
      %mul3A_693 = arith.muli %add3A_691, %mul3A_692 : i32
      %dma_start3A_694 = tpu.memref_slice %arg6[%mul3A_693] : memref<10000xi32, #tpu.memory_space<vmem>> -> memref<40xi32, #tpu.memory_space<vmem>>
      %dma_start3A_695 = arith.constant 0 : i32
      %dma_start3A_696 = arith.constant 0 : i32
      %dma_start3A_697 = tpu.memref_slice %arg2[%dma_start3A_695, %dma_start3A_696] : memref<10000x128xf32, #tpu.memory_space<hbm>> -> memref<10000x128xf32, #tpu.memory_space<hbm>>
      tpu.enqueue_indirect_dma source(%dma_start3A_697 : memref<10000x128xf32, #tpu.memory_space<hbm>>) target(%arg12 : memref<40x128xf32, #tpu.memory_space<vmem>>) offsets(%dma_start3A_694 : memref<40xi32, #tpu.memory_space<vmem>>) semaphore(%arg17 : memref<!tpu.dma_semaphore, #tpu.memory_space<semaphore_mem>>)
      %dma_wait3A_698 = arith.constant 0 : i32
      %dma_wait3A_699 = arith.constant 0 : i32
      %dma_wait3A_700 = tpu.memref_slice %arg2[%dma_wait3A_698, %dma_wait3A_699] : memref<10000x128xf32, #tpu.memory_space<hbm>> -> memref<40x128xf32, #tpu.memory_space<hbm>>
      %dma_wait3A_701 = arith.constant 0 : i32
      %dma_wait3A_702 = arith.constant 0 : i32
      %dma_wait3A_703 = tpu.memref_slice %arg2[%dma_wait3A_701, %dma_wait3A_702] : memref<10000x128xf32, #tpu.memory_space<hbm>> -> memref<40x128xf32, #tpu.memory_space<hbm>>
      tpu.wait_dma2 semaphore(%arg14 : memref<!tpu.dma_semaphore, #tpu.memory_space<semaphore_mem>>) src(%dma_wait3A_703 : memref<40x128xf32, #tpu.memory_space<hbm>>) dst(%arg9 : memref<40x128xf32, #tpu.memory_space<vmem>>)
      %add3A_704 = arith.constant 1 : i32
      %add3A_705 = arith.addi %mul3A_651, %add3A_704 : i32
      %mul3A_706 = arith.constant 40 : i32
      %mul3A_707 = arith.muli %add3A_705, %mul3A_706 : i32
      %dma_start3A_708 = tpu.memref_slice %arg7[%mul3A_707] : memref<10000xi32, #tpu.memory_space<vmem>> -> memref<40xi32, #tpu.memory_space<vmem>>
      %dma_start3A_709 = arith.constant 0 : i32
      %dma_start3A_710 = arith.constant 0 : i32
      %dma_start3A_711 = tpu.memref_slice %arg34[%dma_start3A_709, %dma_start3A_710] : memref<10240x128xf32, #tpu.memory_space<vmem_shared>> -> memref<10240x128xf32, #tpu.memory_space<vmem_shared>>
      tpu.enqueue_indirect_dma source(%arg9 : memref<40x128xf32, #tpu.memory_space<vmem>>) target(%dma_start3A_711 : memref<10240x128xf32, #tpu.memory_space<vmem_shared>>) offsets(%dma_start3A_708 : memref<40xi32, #tpu.memory_space<vmem>>) semaphore(%arg19 : memref<!tpu.dma_semaphore, #tpu.memory_space<semaphore_mem>>) {add = true}
      %dma_wait3A_712 = arith.constant 0 : i32
      %dma_wait3A_713 = arith.constant 0 : i32
      %dma_wait3A_714 = tpu.memref_slice %arg2[%dma_wait3A_712, %dma_wait3A_713] : memref<10000x128xf32, #tpu.memory_space<hbm>> -> memref<40x128xf32, #tpu.memory_space<hbm>>
      %dma_wait3A_715 = arith.constant 0 : i32
      %dma_wait3A_716 = arith.constant 0 : i32
      %dma_wait3A_717 = tpu.memref_slice %arg2[%dma_wait3A_715, %dma_wait3A_716] : memref<10000x128xf32, #tpu.memory_space<hbm>> -> memref<40x128xf32, #tpu.memory_space<hbm>>
      tpu.wait_dma2 semaphore(%arg18 : memref<!tpu.dma_semaphore, #tpu.memory_space<semaphore_mem>>) src(%dma_wait3A_717 : memref<40x128xf32, #tpu.memory_space<hbm>>) dst(%arg8 : memref<40x128xf32, #tpu.memory_space<vmem>>)
      %add3A_718 = arith.constant 2 : i32
      %add3A_719 = arith.addi %mul3A_651, %add3A_718 : i32
      %add3A_720 = arith.constant 3 : i32
      %add3A_721 = arith.addi %add3A_719, %add3A_720 : i32
      %mul3A_722 = arith.constant 40 : i32
      %mul3A_723 = arith.muli %add3A_721, %mul3A_722 : i32
      %dma_start3A_724 = tpu.memref_slice %arg6[%mul3A_723] : memref<10000xi32, #tpu.memory_space<vmem>> -> memref<40xi32, #tpu.memory_space<vmem>>
      %dma_start3A_725 = arith.constant 0 : i32
      %dma_start3A_726 = arith.constant 0 : i32
      %dma_start3A_727 = tpu.memref_slice %arg2[%dma_start3A_725, %dma_start3A_726] : memref<10000x128xf32, #tpu.memory_space<hbm>> -> memref<10000x128xf32, #tpu.memory_space<hbm>>
      tpu.enqueue_indirect_dma source(%dma_start3A_727 : memref<10000x128xf32, #tpu.memory_space<hbm>>) target(%arg8 : memref<40x128xf32, #tpu.memory_space<vmem>>) offsets(%dma_start3A_724 : memref<40xi32, #tpu.memory_space<vmem>>) semaphore(%arg13 : memref<!tpu.dma_semaphore, #tpu.memory_space<semaphore_mem>>)
      %dma_wait3A_728 = arith.constant 0 : i32
      %dma_wait3A_729 = arith.constant 0 : i32
      %dma_wait3A_730 = tpu.memref_slice %arg2[%dma_wait3A_728, %dma_wait3A_729] : memref<10000x128xf32, #tpu.memory_space<hbm>> -> memref<40x128xf32, #tpu.memory_space<hbm>>
      %dma_wait3A_731 = arith.constant 0 : i32
      %dma_wait3A_732 = arith.constant 0 : i32
      %dma_wait3A_733 = tpu.memref_slice %arg2[%dma_wait3A_731, %dma_wait3A_732] : memref<10000x128xf32, #tpu.memory_space<hbm>> -> memref<40x128xf32, #tpu.memory_space<hbm>>
      tpu.wait_dma2 semaphore(%arg15 : memref<!tpu.dma_semaphore, #tpu.memory_space<semaphore_mem>>) src(%dma_wait3A_733 : memref<40x128xf32, #tpu.memory_space<hbm>>) dst(%arg10 : memref<40x128xf32, #tpu.memory_space<vmem>>)
      %add3A_734 = arith.constant 2 : i32
      %add3A_735 = arith.addi %mul3A_651, %add3A_734 : i32
      %mul3A_736 = arith.constant 40 : i32
      %mul3A_737 = arith.muli %add3A_735, %mul3A_736 : i32
      %dma_start3A_738 = tpu.memref_slice %arg7[%mul3A_737] : memref<10000xi32, #tpu.memory_space<vmem>> -> memref<40xi32, #tpu.memory_space<vmem>>
      %dma_start3A_739 = arith.constant 0 : i32
      %dma_start3A_740 = arith.constant 0 : i32
      %dma_start3A_741 = tpu.memref_slice %arg34[%dma_start3A_739, %dma_start3A_740] : memref<10240x128xf32, #tpu.memory_space<vmem_shared>> -> memref<10240x128xf32, #tpu.memory_space<vmem_shared>>
      tpu.enqueue_indirect_dma source(%arg10 : memref<40x128xf32, #tpu.memory_space<vmem>>) target(%dma_start3A_741 : memref<10240x128xf32, #tpu.memory_space<vmem_shared>>) offsets(%dma_start3A_738 : memref<40xi32, #tpu.memory_space<vmem>>) semaphore(%arg20 : memref<!tpu.dma_semaphore, #tpu.memory_space<semaphore_mem>>) {add = true}
      %dma_wait3A_742 = arith.constant 0 : i32
      %dma_wait3A_743 = arith.constant 0 : i32
      %dma_wait3A_744 = tpu.memref_slice %arg2[%dma_wait3A_742, %dma_wait3A_743] : memref<10000x128xf32, #tpu.memory_space<hbm>> -> memref<40x128xf32, #tpu.memory_space<hbm>>
      %dma_wait3A_745 = arith.constant 0 : i32
      %dma_wait3A_746 = arith.constant 0 : i32
      %dma_wait3A_747 = tpu.memref_slice %arg2[%dma_wait3A_745, %dma_wait3A_746] : memref<10000x128xf32, #tpu.memory_space<hbm>> -> memref<40x128xf32, #tpu.memory_space<hbm>>
      tpu.wait_dma2 semaphore(%arg19 : memref<!tpu.dma_semaphore, #tpu.memory_space<semaphore_mem>>) src(%dma_wait3A_747 : memref<40x128xf32, #tpu.memory_space<hbm>>) dst(%arg9 : memref<40x128xf32, #tpu.memory_space<vmem>>)
      %add3A_748 = arith.constant 3 : i32
      %add3A_749 = arith.addi %mul3A_651, %add3A_748 : i32
      %add3A_750 = arith.constant 3 : i32
      %add3A_751 = arith.addi %add3A_749, %add3A_750 : i32
      %mul3A_752 = arith.constant 40 : i32
      %mul3A_753 = arith.muli %add3A_751, %mul3A_752 : i32
      %dma_start3A_754 = tpu.memref_slice %arg6[%mul3A_753] : memref<10000xi32, #tpu.memory_space<vmem>> -> memref<40xi32, #tpu.memory_space<vmem>>
      %dma_start3A_755 = arith.constant 0 : i32
      %dma_start3A_756 = arith.constant 0 : i32
      %dma_start3A_757 = tpu.memref_slice %arg2[%dma_start3A_755, %dma_start3A_756] : memref<10000x128xf32, #tpu.memory_space<hbm>> -> memref<10000x128xf32, #tpu.memory_space<hbm>>
      tpu.enqueue_indirect_dma source(%dma_start3A_757 : memref<10000x128xf32, #tpu.memory_space<hbm>>) target(%arg9 : memref<40x128xf32, #tpu.memory_space<vmem>>) offsets(%dma_start3A_754 : memref<40xi32, #tpu.memory_space<vmem>>) semaphore(%arg14 : memref<!tpu.dma_semaphore, #tpu.memory_space<semaphore_mem>>)
      %dma_wait3A_758 = arith.constant 0 : i32
      %dma_wait3A_759 = arith.constant 0 : i32
      %dma_wait3A_760 = tpu.memref_slice %arg2[%dma_wait3A_758, %dma_wait3A_759] : memref<10000x128xf32, #tpu.memory_space<hbm>> -> memref<40x128xf32, #tpu.memory_space<hbm>>
      %dma_wait3A_761 = arith.constant 0 : i32
      %dma_wait3A_762 = arith.constant 0 : i32
      %dma_wait3A_763 = tpu.memref_slice %arg2[%dma_wait3A_761, %dma_wait3A_762] : memref<10000x128xf32, #tpu.memory_space<hbm>> -> memref<40x128xf32, #tpu.memory_space<hbm>>
      tpu.wait_dma2 semaphore(%arg16 : memref<!tpu.dma_semaphore, #tpu.memory_space<semaphore_mem>>) src(%dma_wait3A_763 : memref<40x128xf32, #tpu.memory_space<hbm>>) dst(%arg11 : memref<40x128xf32, #tpu.memory_space<vmem>>)
      %add3A_764 = arith.constant 3 : i32
      %add3A_765 = arith.addi %mul3A_651, %add3A_764 : i32
      %mul3A_766 = arith.constant 40 : i32
      %mul3A_767 = arith.muli %add3A_765, %mul3A_766 : i32
      %dma_start3A_768 = tpu.memref_slice %arg7[%mul3A_767] : memref<10000xi32, #tpu.memory_space<vmem>> -> memref<40xi32, #tpu.memory_space<vmem>>
      %dma_start3A_769 = arith.constant 0 : i32
      %dma_start3A_770 = arith.constant 0 : i32
      %dma_start3A_771 = tpu.memref_slice %arg34[%dma_start3A_769, %dma_start3A_770] : memref<10240x128xf32, #tpu.memory_space<vmem_shared>> -> memref<10240x128xf32, #tpu.memory_space<vmem_shared>>
      tpu.enqueue_indirect_dma source(%arg11 : memref<40x128xf32, #tpu.memory_space<vmem>>) target(%dma_start3A_771 : memref<10240x128xf32, #tpu.memory_space<vmem_shared>>) offsets(%dma_start3A_768 : memref<40xi32, #tpu.memory_space<vmem>>) semaphore(%arg21 : memref<!tpu.dma_semaphore, #tpu.memory_space<semaphore_mem>>) {add = true}
      %dma_wait3A_772 = arith.constant 0 : i32
      %dma_wait3A_773 = arith.constant 0 : i32
      %dma_wait3A_774 = tpu.memref_slice %arg2[%dma_wait3A_772, %dma_wait3A_773] : memref<10000x128xf32, #tpu.memory_space<hbm>> -> memref<40x128xf32, #tpu.memory_space<hbm>>
      %dma_wait3A_775 = arith.constant 0 : i32
      %dma_wait3A_776 = arith.constant 0 : i32
      %dma_wait3A_777 = tpu.memref_slice %arg2[%dma_wait3A_775, %dma_wait3A_776] : memref<10000x128xf32, #tpu.memory_space<hbm>> -> memref<40x128xf32, #tpu.memory_space<hbm>>
      tpu.wait_dma2 semaphore(%arg20 : memref<!tpu.dma_semaphore, #tpu.memory_space<semaphore_mem>>) src(%dma_wait3A_777 : memref<40x128xf32, #tpu.memory_space<hbm>>) dst(%arg10 : memref<40x128xf32, #tpu.memory_space<vmem>>)
      %add3A_778 = arith.constant 4 : i32
      %add3A_779 = arith.addi %mul3A_651, %add3A_778 : i32
      %add3A_780 = arith.constant 3 : i32
      %add3A_781 = arith.addi %add3A_779, %add3A_780 : i32
      %mul3A_782 = arith.constant 40 : i32
      %mul3A_783 = arith.muli %add3A_781, %mul3A_782 : i32
      %dma_start3A_784 = tpu.memref_slice %arg6[%mul3A_783] : memref<10000xi32, #tpu.memory_space<vmem>> -> memref<40xi32, #tpu.memory_space<vmem>>
      %dma_start3A_785 = arith.constant 0 : i32
      %dma_start3A_786 = arith.constant 0 : i32
      %dma_start3A_787 = tpu.memref_slice %arg2[%dma_start3A_785, %dma_start3A_786] : memref<10000x128xf32, #tpu.memory_space<hbm>> -> memref<10000x128xf32, #tpu.memory_space<hbm>>
      tpu.enqueue_indirect_dma source(%dma_start3A_787 : memref<10000x128xf32, #tpu.memory_space<hbm>>) target(%arg10 : memref<40x128xf32, #tpu.memory_space<vmem>>) offsets(%dma_start3A_784 : memref<40xi32, #tpu.memory_space<vmem>>) semaphore(%arg15 : memref<!tpu.dma_semaphore, #tpu.memory_space<semaphore_mem>>)
      %dma_wait3A_788 = arith.constant 0 : i32
      %dma_wait3A_789 = arith.constant 0 : i32
      %dma_wait3A_790 = tpu.memref_slice %arg2[%dma_wait3A_788, %dma_wait3A_789] : memref<10000x128xf32, #tpu.memory_space<hbm>> -> memref<40x128xf32, #tpu.memory_space<hbm>>
      %dma_wait3A_791 = arith.constant 0 : i32
      %dma_wait3A_792 = arith.constant 0 : i32
      %dma_wait3A_793 = tpu.memref_slice %arg2[%dma_wait3A_791, %dma_wait3A_792] : memref<10000x128xf32, #tpu.memory_space<hbm>> -> memref<40x128xf32, #tpu.memory_space<hbm>>
      tpu.wait_dma2 semaphore(%arg17 : memref<!tpu.dma_semaphore, #tpu.memory_space<semaphore_mem>>) src(%dma_wait3A_793 : memref<40x128xf32, #tpu.memory_space<hbm>>) dst(%arg12 : memref<40x128xf32, #tpu.memory_space<vmem>>)
      %add3A_794 = arith.constant 4 : i32
      %add3A_795 = arith.addi %mul3A_651, %add3A_794 : i32
      %mul3A_796 = arith.constant 40 : i32
      %mul3A_797 = arith.muli %add3A_795, %mul3A_796 : i32
      %dma_start3A_798 = tpu.memref_slice %arg7[%mul3A_797] : memref<10000xi32, #tpu.memory_space<vmem>> -> memref<40xi32, #tpu.memory_space<vmem>>
      %dma_start3A_799 = arith.constant 0 : i32
      %dma_start3A_800 = arith.constant 0 : i32
      %dma_start3A_801 = tpu.memref_slice %arg34[%dma_start3A_799, %dma_start3A_800] : memref<10240x128xf32, #tpu.memory_space<vmem_shared>> -> memref<10240x128xf32, #tpu.memory_space<vmem_shared>>
      tpu.enqueue_indirect_dma source(%arg12 : memref<40x128xf32, #tpu.memory_space<vmem>>) target(%dma_start3A_801 : memref<10240x128xf32, #tpu.memory_space<vmem_shared>>) offsets(%dma_start3A_798 : memref<40xi32, #tpu.memory_space<vmem>>) semaphore(%arg22 : memref<!tpu.dma_semaphore, #tpu.memory_space<semaphore_mem>>) {add = true}
    }
    %scan3A_537 = arith.constant 48 : i32
    %dma_wait3A_538 = arith.constant 0 : i32
    %dma_wait3A_539 = arith.constant 0 : i32
    %dma_wait3A_540 = tpu.memref_slice %arg2[%dma_wait3A_538, %dma_wait3A_539] : memref<10000x128xf32, #tpu.memory_space<hbm>> -> memref<40x128xf32, #tpu.memory_space<hbm>>
    %dma_wait3A_541 = arith.constant 0 : i32
    %dma_wait3A_542 = arith.constant 0 : i32
    %dma_wait3A_543 = tpu.memref_slice %arg2[%dma_wait3A_541, %dma_wait3A_542] : memref<10000x128xf32, #tpu.memory_space<hbm>> -> memref<40x128xf32, #tpu.memory_space<hbm>>
    tpu.wait_dma2 semaphore(%arg21 : memref<!tpu.dma_semaphore, #tpu.memory_space<semaphore_mem>>) src(%dma_wait3A_543 : memref<40x128xf32, #tpu.memory_space<hbm>>) dst(%arg11 : memref<40x128xf32, #tpu.memory_space<vmem>>)
    %dma_start3A_544 = arith.constant 9920 : i32
    %dma_start3A_545 = tpu.memref_slice %arg6[%dma_start3A_544] : memref<10000xi32, #tpu.memory_space<vmem>> -> memref<40xi32, #tpu.memory_space<vmem>>
    %dma_start3A_546 = arith.constant 0 : i32
    %dma_start3A_547 = arith.constant 0 : i32
    %dma_start3A_548 = tpu.memref_slice %arg2[%dma_start3A_546, %dma_start3A_547] : memref<10000x128xf32, #tpu.memory_space<hbm>> -> memref<10000x128xf32, #tpu.memory_space<hbm>>
    tpu.enqueue_indirect_dma source(%dma_start3A_548 : memref<10000x128xf32, #tpu.memory_space<hbm>>) target(%arg11 : memref<40x128xf32, #tpu.memory_space<vmem>>) offsets(%dma_start3A_545 : memref<40xi32, #tpu.memory_space<vmem>>) semaphore(%arg16 : memref<!tpu.dma_semaphore, #tpu.memory_space<semaphore_mem>>)
    %dma_wait3A_549 = arith.constant 0 : i32
    %dma_wait3A_550 = arith.constant 0 : i32
    %dma_wait3A_551 = tpu.memref_slice %arg2[%dma_wait3A_549, %dma_wait3A_550] : memref<10000x128xf32, #tpu.memory_space<hbm>> -> memref<40x128xf32, #tpu.memory_space<hbm>>
    %dma_wait3A_552 = arith.constant 0 : i32
    %dma_wait3A_553 = arith.constant 0 : i32
    %dma_wait3A_554 = tpu.memref_slice %arg2[%dma_wait3A_552, %dma_wait3A_553] : memref<10000x128xf32, #tpu.memory_space<hbm>> -> memref<40x128xf32, #tpu.memory_space<hbm>>
    tpu.wait_dma2 semaphore(%arg13 : memref<!tpu.dma_semaphore, #tpu.memory_space<semaphore_mem>>) src(%dma_wait3A_554 : memref<40x128xf32, #tpu.memory_space<hbm>>) dst(%arg8 : memref<40x128xf32, #tpu.memory_space<vmem>>)
    %dma_start3A_555 = arith.constant 9800 : i32
    %dma_start3A_556 = tpu.memref_slice %arg7[%dma_start3A_555] : memref<10000xi32, #tpu.memory_space<vmem>> -> memref<40xi32, #tpu.memory_space<vmem>>
    %dma_start3A_557 = arith.constant 0 : i32
    %dma_start3A_558 = arith.constant 0 : i32
    %dma_start3A_559 = tpu.memref_slice %arg34[%dma_start3A_557, %dma_start3A_558] : memref<10240x128xf32, #tpu.memory_space<vmem_shared>> -> memref<10240x128xf32, #tpu.memory_space<vmem_shared>>
    tpu.enqueue_indirect_dma source(%arg8 : memref<40x128xf32, #tpu.memory_space<vmem>>) target(%dma_start3A_559 : memref<10240x128xf32, #tpu.memory_space<vmem_shared>>) offsets(%dma_start3A_556 : memref<40xi32, #tpu.memory_space<vmem>>) semaphore(%arg18 : memref<!tpu.dma_semaphore, #tpu.memory_space<semaphore_mem>>) {add = true}
    %dma_wait3A_560 = arith.constant 0 : i32
    %dma_wait3A_561 = arith.constant 0 : i32
    %dma_wait3A_562 = tpu.memref_slice %arg2[%dma_wait3A_560, %dma_wait3A_561] : memref<10000x128xf32, #tpu.memory_space<hbm>> -> memref<40x128xf32, #tpu.memory_space<hbm>>
    %dma_wait3A_563 = arith.constant 0 : i32
    %dma_wait3A_564 = arith.constant 0 : i32
    %dma_wait3A_565 = tpu.memref_slice %arg2[%dma_wait3A_563, %dma_wait3A_564] : memref<10000x128xf32, #tpu.memory_space<hbm>> -> memref<40x128xf32, #tpu.memory_space<hbm>>
    tpu.wait_dma2 semaphore(%arg22 : memref<!tpu.dma_semaphore, #tpu.memory_space<semaphore_mem>>) src(%dma_wait3A_565 : memref<40x128xf32, #tpu.memory_space<hbm>>) dst(%arg12 : memref<40x128xf32, #tpu.memory_space<vmem>>)
    %dma_start3A_566 = arith.constant 9960 : i32
    %dma_start3A_567 = tpu.memref_slice %arg6[%dma_start3A_566] : memref<10000xi32, #tpu.memory_space<vmem>> -> memref<40xi32, #tpu.memory_space<vmem>>
    %dma_start3A_568 = arith.constant 0 : i32
    %dma_start3A_569 = arith.constant 0 : i32
    %dma_start3A_570 = tpu.memref_slice %arg2[%dma_start3A_568, %dma_start3A_569] : memref<10000x128xf32, #tpu.memory_space<hbm>> -> memref<10000x128xf32, #tpu.memory_space<hbm>>
    tpu.enqueue_indirect_dma source(%dma_start3A_570 : memref<10000x128xf32, #tpu.memory_space<hbm>>) target(%arg12 : memref<40x128xf32, #tpu.memory_space<vmem>>) offsets(%dma_start3A_567 : memref<40xi32, #tpu.memory_space<vmem>>) semaphore(%arg17 : memref<!tpu.dma_semaphore, #tpu.memory_space<semaphore_mem>>)
    %dma_wait3A_571 = arith.constant 0 : i32
    %dma_wait3A_572 = arith.constant 0 : i32
    %dma_wait3A_573 = tpu.memref_slice %arg2[%dma_wait3A_571, %dma_wait3A_572] : memref<10000x128xf32, #tpu.memory_space<hbm>> -> memref<40x128xf32, #tpu.memory_space<hbm>>
    %dma_wait3A_574 = arith.constant 0 : i32
    %dma_wait3A_575 = arith.constant 0 : i32
    %dma_wait3A_576 = tpu.memref_slice %arg2[%dma_wait3A_574, %dma_wait3A_575] : memref<10000x128xf32, #tpu.memory_space<hbm>> -> memref<40x128xf32, #tpu.memory_space<hbm>>
    tpu.wait_dma2 semaphore(%arg14 : memref<!tpu.dma_semaphore, #tpu.memory_space<semaphore_mem>>) src(%dma_wait3A_576 : memref<40x128xf32, #tpu.memory_space<hbm>>) dst(%arg9 : memref<40x128xf32, #tpu.memory_space<vmem>>)
    %dma_start3A_577 = arith.constant 9840 : i32
    %dma_start3A_578 = tpu.memref_slice %arg7[%dma_start3A_577] : memref<10000xi32, #tpu.memory_space<vmem>> -> memref<40xi32, #tpu.memory_space<vmem>>
    %dma_start3A_579 = arith.constant 0 : i32
    %dma_start3A_580 = arith.constant 0 : i32
    %dma_start3A_581 = tpu.memref_slice %arg34[%dma_start3A_579, %dma_start3A_580] : memref<10240x128xf32, #tpu.memory_space<vmem_shared>> -> memref<10240x128xf32, #tpu.memory_space<vmem_shared>>
    tpu.enqueue_indirect_dma source(%arg9 : memref<40x128xf32, #tpu.memory_space<vmem>>) target(%dma_start3A_581 : memref<10240x128xf32, #tpu.memory_space<vmem_shared>>) offsets(%dma_start3A_578 : memref<40xi32, #tpu.memory_space<vmem>>) semaphore(%arg19 : memref<!tpu.dma_semaphore, #tpu.memory_space<semaphore_mem>>) {add = true}
    %dma_wait3A_582 = arith.constant 0 : i32
    %dma_wait3A_583 = arith.constant 0 : i32
    %dma_wait3A_584 = tpu.memref_slice %arg2[%dma_wait3A_582, %dma_wait3A_583] : memref<10000x128xf32, #tpu.memory_space<hbm>> -> memref<40x128xf32, #tpu.memory_space<hbm>>
    %dma_wait3A_585 = arith.constant 0 : i32
    %dma_wait3A_586 = arith.constant 0 : i32
    %dma_wait3A_587 = tpu.memref_slice %arg2[%dma_wait3A_585, %dma_wait3A_586] : memref<10000x128xf32, #tpu.memory_space<hbm>> -> memref<40x128xf32, #tpu.memory_space<hbm>>
    tpu.wait_dma2 semaphore(%arg18 : memref<!tpu.dma_semaphore, #tpu.memory_space<semaphore_mem>>) src(%dma_wait3A_587 : memref<40x128xf32, #tpu.memory_space<hbm>>) dst(%arg8 : memref<40x128xf32, #tpu.memory_space<vmem>>)
    %dma_wait3A_588 = arith.constant 0 : i32
    %dma_wait3A_589 = arith.constant 0 : i32
    %dma_wait3A_590 = tpu.memref_slice %arg2[%dma_wait3A_588, %dma_wait3A_589] : memref<10000x128xf32, #tpu.memory_space<hbm>> -> memref<40x128xf32, #tpu.memory_space<hbm>>
    %dma_wait3A_591 = arith.constant 0 : i32
    %dma_wait3A_592 = arith.constant 0 : i32
    %dma_wait3A_593 = tpu.memref_slice %arg2[%dma_wait3A_591, %dma_wait3A_592] : memref<10000x128xf32, #tpu.memory_space<hbm>> -> memref<40x128xf32, #tpu.memory_space<hbm>>
    tpu.wait_dma2 semaphore(%arg15 : memref<!tpu.dma_semaphore, #tpu.memory_space<semaphore_mem>>) src(%dma_wait3A_593 : memref<40x128xf32, #tpu.memory_space<hbm>>) dst(%arg10 : memref<40x128xf32, #tpu.memory_space<vmem>>)
    %dma_start3A_594 = arith.constant 9880 : i32
    %dma_start3A_595 = tpu.memref_slice %arg7[%dma_start3A_594] : memref<10000xi32, #tpu.memory_space<vmem>> -> memref<40xi32, #tpu.memory_space<vmem>>
    %dma_start3A_596 = arith.constant 0 : i32
    %dma_start3A_597 = arith.constant 0 : i32
    %dma_start3A_598 = tpu.memref_slice %arg34[%dma_start3A_596, %dma_start3A_597] : memref<10240x128xf32, #tpu.memory_space<vmem_shared>> -> memref<10240x128xf32, #tpu.memory_space<vmem_shared>>
    tpu.enqueue_indirect_dma source(%arg10 : memref<40x128xf32, #tpu.memory_space<vmem>>) target(%dma_start3A_598 : memref<10240x128xf32, #tpu.memory_space<vmem_shared>>) offsets(%dma_start3A_595 : memref<40xi32, #tpu.memory_space<vmem>>) semaphore(%arg20 : memref<!tpu.dma_semaphore, #tpu.memory_space<semaphore_mem>>) {add = true}
    %dma_wait3A_599 = arith.constant 0 : i32
    %dma_wait3A_600 = arith.constant 0 : i32
    %dma_wait3A_601 = tpu.memref_slice %arg2[%dma_wait3A_599, %dma_wait3A_600] : memref<10000x128xf32, #tpu.memory_space<hbm>> -> memref<40x128xf32, #tpu.memory_space<hbm>>
    %dma_wait3A_602 = arith.constant 0 : i32
    %dma_wait3A_603 = arith.constant 0 : i32
    %dma_wait3A_604 = tpu.memref_slice %arg2[%dma_wait3A_602, %dma_wait3A_603] : memref<10000x128xf32, #tpu.memory_space<hbm>> -> memref<40x128xf32, #tpu.memory_space<hbm>>
    tpu.wait_dma2 semaphore(%arg19 : memref<!tpu.dma_semaphore, #tpu.memory_space<semaphore_mem>>) src(%dma_wait3A_604 : memref<40x128xf32, #tpu.memory_space<hbm>>) dst(%arg9 : memref<40x128xf32, #tpu.memory_space<vmem>>)
    %dma_wait3A_605 = arith.constant 0 : i32
    %dma_wait3A_606 = arith.constant 0 : i32
    %dma_wait3A_607 = tpu.memref_slice %arg2[%dma_wait3A_605, %dma_wait3A_606] : memref<10000x128xf32, #tpu.memory_space<hbm>> -> memref<40x128xf32, #tpu.memory_space<hbm>>
    %dma_wait3A_608 = arith.constant 0 : i32
    %dma_wait3A_609 = arith.constant 0 : i32
    %dma_wait3A_610 = tpu.memref_slice %arg2[%dma_wait3A_608, %dma_wait3A_609] : memref<10000x128xf32, #tpu.memory_space<hbm>> -> memref<40x128xf32, #tpu.memory_space<hbm>>
    tpu.wait_dma2 semaphore(%arg16 : memref<!tpu.dma_semaphore, #tpu.memory_space<semaphore_mem>>) src(%dma_wait3A_610 : memref<40x128xf32, #tpu.memory_space<hbm>>) dst(%arg11 : memref<40x128xf32, #tpu.memory_space<vmem>>)
    %dma_start3A_611 = arith.constant 9920 : i32
    %dma_start3A_612 = tpu.memref_slice %arg7[%dma_start3A_611] : memref<10000xi32, #tpu.memory_space<vmem>> -> memref<40xi32, #tpu.memory_space<vmem>>
    %dma_start3A_613 = arith.constant 0 : i32
    %dma_start3A_614 = arith.constant 0 : i32
    %dma_start3A_615 = tpu.memref_slice %arg34[%dma_start3A_613, %dma_start3A_614] : memref<10240x128xf32, #tpu.memory_space<vmem_shared>> -> memref<10240x128xf32, #tpu.memory_space<vmem_shared>>
    tpu.enqueue_indirect_dma source(%arg11 : memref<40x128xf32, #tpu.memory_space<vmem>>) target(%dma_start3A_615 : memref<10240x128xf32, #tpu.memory_space<vmem_shared>>) offsets(%dma_start3A_612 : memref<40xi32, #tpu.memory_space<vmem>>) semaphore(%arg21 : memref<!tpu.dma_semaphore, #tpu.memory_space<semaphore_mem>>) {add = true}
    %dma_wait3A_616 = arith.constant 0 : i32
    %dma_wait3A_617 = arith.constant 0 : i32
    %dma_wait3A_618 = tpu.memref_slice %arg2[%dma_wait3A_616, %dma_wait3A_617] : memref<10000x128xf32, #tpu.memory_space<hbm>> -> memref<40x128xf32, #tpu.memory_space<hbm>>
    %dma_wait3A_619 = arith.constant 0 : i32
    %dma_wait3A_620 = arith.constant 0 : i32
    %dma_wait3A_621 = tpu.memref_slice %arg2[%dma_wait3A_619, %dma_wait3A_620] : memref<10000x128xf32, #tpu.memory_space<hbm>> -> memref<40x128xf32, #tpu.memory_space<hbm>>
    tpu.wait_dma2 semaphore(%arg20 : memref<!tpu.dma_semaphore, #tpu.memory_space<semaphore_mem>>) src(%dma_wait3A_621 : memref<40x128xf32, #tpu.memory_space<hbm>>) dst(%arg10 : memref<40x128xf32, #tpu.memory_space<vmem>>)
    %dma_wait3A_622 = arith.constant 0 : i32
    %dma_wait3A_623 = arith.constant 0 : i32
    %dma_wait3A_624 = tpu.memref_slice %arg2[%dma_wait3A_622, %dma_wait3A_623] : memref<10000x128xf32, #tpu.memory_space<hbm>> -> memref<40x128xf32, #tpu.memory_space<hbm>>
    %dma_wait3A_625 = arith.constant 0 : i32
    %dma_wait3A_626 = arith.constant 0 : i32
    %dma_wait3A_627 = tpu.memref_slice %arg2[%dma_wait3A_625, %dma_wait3A_626] : memref<10000x128xf32, #tpu.memory_space<hbm>> -> memref<40x128xf32, #tpu.memory_space<hbm>>
    tpu.wait_dma2 semaphore(%arg17 : memref<!tpu.dma_semaphore, #tpu.memory_space<semaphore_mem>>) src(%dma_wait3A_627 : memref<40x128xf32, #tpu.memory_space<hbm>>) dst(%arg12 : memref<40x128xf32, #tpu.memory_space<vmem>>)
    %dma_start3A_628 = arith.constant 9960 : i32
    %dma_start3A_629 = tpu.memref_slice %arg7[%dma_start3A_628] : memref<10000xi32, #tpu.memory_space<vmem>> -> memref<40xi32, #tpu.memory_space<vmem>>
    %dma_start3A_630 = arith.constant 0 : i32
    %dma_start3A_631 = arith.constant 0 : i32
    %dma_start3A_632 = tpu.memref_slice %arg34[%dma_start3A_630, %dma_start3A_631] : memref<10240x128xf32, #tpu.memory_space<vmem_shared>> -> memref<10240x128xf32, #tpu.memory_space<vmem_shared>>
    tpu.enqueue_indirect_dma source(%arg12 : memref<40x128xf32, #tpu.memory_space<vmem>>) target(%dma_start3A_632 : memref<10240x128xf32, #tpu.memory_space<vmem_shared>>) offsets(%dma_start3A_629 : memref<40xi32, #tpu.memory_space<vmem>>) semaphore(%arg22 : memref<!tpu.dma_semaphore, #tpu.memory_space<semaphore_mem>>) {add = true}
    %dma_wait3A_633 = arith.constant 0 : i32
    %dma_wait3A_634 = arith.constant 0 : i32
    %dma_wait3A_635 = tpu.memref_slice %arg2[%dma_wait3A_633, %dma_wait3A_634] : memref<10000x128xf32, #tpu.memory_space<hbm>> -> memref<40x128xf32, #tpu.memory_space<hbm>>
    %dma_wait3A_636 = arith.constant 0 : i32
    %dma_wait3A_637 = arith.constant 0 : i32
    %dma_wait3A_638 = tpu.memref_slice %arg2[%dma_wait3A_636, %dma_wait3A_637] : memref<10000x128xf32, #tpu.memory_space<hbm>> -> memref<40x128xf32, #tpu.memory_space<hbm>>
    tpu.wait_dma2 semaphore(%arg21 : memref<!tpu.dma_semaphore, #tpu.memory_space<semaphore_mem>>) src(%dma_wait3A_638 : memref<40x128xf32, #tpu.memory_space<hbm>>) dst(%arg11 : memref<40x128xf32, #tpu.memory_space<vmem>>)
    %dma_wait3A_639 = arith.constant 0 : i32
    %dma_wait3A_640 = arith.constant 0 : i32
    %dma_wait3A_641 = tpu.memref_slice %arg2[%dma_wait3A_639, %dma_wait3A_640] : memref<10000x128xf32, #tpu.memory_space<hbm>> -> memref<40x128xf32, #tpu.memory_space<hbm>>
    %dma_wait3A_642 = arith.constant 0 : i32
    %dma_wait3A_643 = arith.constant 0 : i32
    %dma_wait3A_644 = tpu.memref_slice %arg2[%dma_wait3A_642, %dma_wait3A_643] : memref<10000x128xf32, #tpu.memory_space<hbm>> -> memref<40x128xf32, #tpu.memory_space<hbm>>
    tpu.wait_dma2 semaphore(%arg22 : memref<!tpu.dma_semaphore, #tpu.memory_space<semaphore_mem>>) src(%dma_wait3A_644 : memref<40x128xf32, #tpu.memory_space<hbm>>) dst(%arg12 : memref<40x128xf32, #tpu.memory_space<vmem>>)
    %barrier3A_645 = arith.constant 0 : index
    tpu.barrier barrier_id(%barrier3A_645)
    %mul3A_646 = arith.constant 10240 : i32
    %mul3A_647 = arith.muli %arg0, %mul3A_646 : i32
    %add3A_648 = arith.addi %mul3A_647, %mul3A_15 : i32
    "tpu.region"() ({
      %run_scoped3A = tpu.sem_alloc : memref<!tpu.dma_semaphore, #tpu.memory_space<semaphore_mem>>
      %dma_start3A_649 = arith.constant 0 : i32
      %dma_start3A_650 = tpu.memref_slice %arg5[%add3A_648, %dma_start3A_649] : memref<20480x128xf32, #tpu.memory_space<hbm>> -> memref<640x128xf32, #tpu.memory_space<hbm>>
      %dma_start3A_651 = arith.constant 0 : i32
      %dma_start3A_652 = tpu.memref_slice %arg34[%mul3A_15, %dma_start3A_651] : memref<10240x128xf32, #tpu.memory_space<vmem_shared>> -> memref<640x128xf32, #tpu.memory_space<vmem_shared>>
      tpu.enqueue_dma source(%dma_start3A_652 : memref<640x128xf32, #tpu.memory_space<vmem_shared>>) target(%dma_start3A_650 : memref<640x128xf32, #tpu.memory_space<hbm>>) target_semaphore(%run_scoped3A : memref<!tpu.dma_semaphore, #tpu.memory_space<semaphore_mem>>)
      %dma_wait3A_653 = arith.constant 0 : i32
      %dma_wait3A_654 = tpu.memref_slice %arg5[%add3A_648, %dma_wait3A_653] : memref<20480x128xf32, #tpu.memory_space<hbm>> -> memref<640x128xf32, #tpu.memory_space<hbm>>
      %dma_wait3A_655 = arith.constant 0 : i32
      %dma_wait3A_656 = tpu.memref_slice %arg34[%mul3A_15, %dma_wait3A_655] : memref<10240x128xf32, #tpu.memory_space<vmem_shared>> -> memref<640x128xf32, #tpu.memory_space<vmem_shared>>
      tpu.wait_dma2 semaphore(%run_scoped3A : memref<!tpu.dma_semaphore, #tpu.memory_space<semaphore_mem>>) src(%dma_wait3A_656 : memref<640x128xf32, #tpu.memory_space<vmem_shared>>) dst(%dma_wait3A_654 : memref<640x128xf32, #tpu.memory_space<hbm>>)
      tpu.yield
    }) : () -> ()
    return
  }
}

#map = affine_map<(d0, d1) -> (0, 0)>
#map1 = affine_map<(d0, d1) -> (0)>
module attributes {stable_mosaic.version = 14 : i64} {
  func.func @_edge_aggregate(%arg0: i32, %arg1: i32, %arg2: memref<10000x128xf32, #tpu.memory_space<hbm>>, %arg3: memref<320000xi32, #tpu.memory_space<hbm>>, %arg4: memref<320000xi32, #tpu.memory_space<hbm>>, %arg5: memref<20480x128xf32, #tpu.memory_space<hbm>>, %arg6: memref<10000xi32, #tpu.memory_space<vmem>>, %arg7: memref<10000xi32, #tpu.memory_space<vmem>>, %arg8: memref<40x128xf32, #tpu.memory_space<vmem>>, %arg9: memref<40x128xf32, #tpu.memory_space<vmem>>, %arg10: memref<40x128xf32, #tpu.memory_space<vmem>>, %arg11: memref<40x128xf32, #tpu.memory_space<vmem>>, %arg12: memref<40x128xf32, #tpu.memory_space<vmem>>, %arg13: memref<!tpu.dma_semaphore, #tpu.memory_space<semaphore_mem>>, %arg14: memref<!tpu.dma_semaphore, #tpu.memory_space<semaphore_mem>>, %arg15: memref<!tpu.dma_semaphore, #tpu.memory_space<semaphore_mem>>, %arg16: memref<!tpu.dma_semaphore, #tpu.memory_space<semaphore_mem>>, %arg17: memref<!tpu.dma_semaphore, #tpu.memory_space<semaphore_mem>>, %arg18: memref<!tpu.dma_semaphore, #tpu.memory_space<semaphore_mem>>, %arg19: memref<!tpu.dma_semaphore, #tpu.memory_space<semaphore_mem>>, %arg20: memref<!tpu.dma_semaphore, #tpu.memory_space<semaphore_mem>>, %arg21: memref<!tpu.dma_semaphore, #tpu.memory_space<semaphore_mem>>, %arg22: memref<!tpu.dma_semaphore, #tpu.memory_space<semaphore_mem>>, %arg23: memref<!tpu.dma_semaphore, #tpu.memory_space<semaphore_mem>>, %arg24: memref<!tpu.dma_semaphore, #tpu.memory_space<semaphore_mem>>, %arg25: memref<!tpu.dma_semaphore, #tpu.memory_space<semaphore_mem>>, %arg26: memref<!tpu.dma_semaphore, #tpu.memory_space<semaphore_mem>>, %arg27: memref<!tpu.dma_semaphore, #tpu.memory_space<semaphore_mem>>, %arg28: memref<!tpu.dma_semaphore, #tpu.memory_space<semaphore_mem>>, %arg29: memref<!tpu.dma_semaphore, #tpu.memory_space<semaphore_mem>>, %arg30: memref<!tpu.dma_semaphore, #tpu.memory_space<semaphore_mem>>, %arg31: memref<!tpu.dma_semaphore, #tpu.memory_space<semaphore_mem>>, %arg32: memref<!tpu.dma_semaphore, #tpu.memory_space<semaphore_mem>>, %arg33: memref<16x128xf32, #tpu.memory_space<vmem>>, %arg34: memref<10240x128xf32, #tpu.memory_space<vmem_shared>>) attributes {dimension_semantics = [#tpu.dimension_semantics<core_parallel>, #tpu.dimension_semantics<subcore_parallel>], iteration_bounds = array<i64: 2, 16>, scalar_prefetch = 0 : i64, scratch_operands = 29 : i64, tpu.core_type = #tpu.core_type<sc_vector_subcore>, window_params = [{transform_indices = #map}, {transform_indices = #map1}, {transform_indices = #map1}, {transform_indices = #map}]} {
    %mul3A = arith.constant 2 : i32
    %mul3A_0 = arith.muli %arg1, %mul3A : i32
    %add3A = arith.addi %mul3A_0, %arg0 : i32
    %mul3A_1 = arith.constant 10000 : i32
    %mul3A_2 = arith.muli %add3A, %mul3A_1 : i32
    %dma_start3A = tpu.memref_slice %arg3[%mul3A_2] : memref<320000xi32, #tpu.memory_space<hbm>> -> memref<10000xi32, #tpu.memory_space<hbm>>
    %dma_start3A_3 = tpu.memref_slice %arg3[%mul3A_2] : memref<320000xi32, #tpu.memory_space<hbm>> -> memref<10000xi32, #tpu.memory_space<hbm>>
    tpu.enqueue_dma source(%dma_start3A_3 : memref<10000xi32, #tpu.memory_space<hbm>>) target(%arg6 : memref<10000xi32, #tpu.memory_space<vmem>>) target_semaphore(%arg23 : memref<!tpu.dma_semaphore, #tpu.memory_space<semaphore_mem>>)
    %mul3A_4 = arith.constant 10000 : i32
    %mul3A_5 = arith.muli %add3A, %mul3A_4 : i32
    %dma_start3A_6 = tpu.memref_slice %arg4[%mul3A_5] : memref<320000xi32, #tpu.memory_space<hbm>> -> memref<10000xi32, #tpu.memory_space<hbm>>
    %dma_start3A_7 = tpu.memref_slice %arg4[%mul3A_5] : memref<320000xi32, #tpu.memory_space<hbm>> -> memref<10000xi32, #tpu.memory_space<hbm>>
    tpu.enqueue_dma source(%dma_start3A_7 : memref<10000xi32, #tpu.memory_space<hbm>>) target(%arg7 : memref<10000xi32, #tpu.memory_space<vmem>>) target_semaphore(%arg24 : memref<!tpu.dma_semaphore, #tpu.memory_space<semaphore_mem>>)
    %broadcast_in_dim3A = arith.constant 0.000000e+00 : f32
    %broadcast_in_dim3A_8 = vector.broadcast %broadcast_in_dim3A : f32 to vector<16xf32>
    %scan3A = arith.constant 0 : i32
    %scan3A_9 = arith.constant 0 : i32
    %scan3A_10 = arith.constant 16 : i32
    %scan3A_11 = arith.addi %scan3A_9, %scan3A_10 : i32
    %scan3A_12 = arith.constant 1 : i32
    scf.for %scan3A_649 = %scan3A_9 to %scan3A_11 step %scan3A_12  : i32 {
      %swap3A = arith.index_cast %scan3A_649 : i32 to index
      %swap3A_650 = arith.constant 0 : index
      %swap3A_651 = tpu.vector_load %arg33[%swap3A, %swap3A_650] {strides = array<i32>} : memref<16x128xf32, #tpu.memory_space<vmem>>, vector<1x16xf32>,
      %swap3A_652 = vector.shape_cast %swap3A_651 : vector<1x16xf32> to vector<16xf32>
      %swap3A_653 = vector.shape_cast %broadcast_in_dim3A_8 : vector<16xf32> to vector<1x16xf32>
      tpu.vector_store %arg33[%swap3A, %swap3A_650], %swap3A_653 {strides = array<i32>} : memref<16x128xf32, #tpu.memory_space<vmem>>, vector<1x16xf32>,
      %swap3A_654 = arith.index_cast %scan3A_649 : i32 to index
      %swap3A_655 = arith.constant 16 : index
      %swap3A_656 = tpu.vector_load %arg33[%swap3A_654, %swap3A_655] {strides = array<i32>} : memref<16x128xf32, #tpu.memory_space<vmem>>, vector<1x16xf32>,
      %swap3A_657 = vector.shape_cast %swap3A_656 : vector<1x16xf32> to vector<16xf32>
      %swap3A_658 = vector.shape_cast %broadcast_in_dim3A_8 : vector<16xf32> to vector<1x16xf32>
      tpu.vector_store %arg33[%swap3A_654, %swap3A_655], %swap3A_658 {strides = array<i32>} : memref<16x128xf32, #tpu.memory_space<vmem>>, vector<1x16xf32>,
      %swap3A_659 = arith.index_cast %scan3A_649 : i32 to index
      %swap3A_660 = arith.constant 32 : index
      %swap3A_661 = tpu.vector_load %arg33[%swap3A_659, %swap3A_660] {strides = array<i32>} : memref<16x128xf32, #tpu.memory_space<vmem>>, vector<1x16xf32>,
      %swap3A_662 = vector.shape_cast %swap3A_661 : vector<1x16xf32> to vector<16xf32>
      %swap3A_663 = vector.shape_cast %broadcast_in_dim3A_8 : vector<16xf32> to vector<1x16xf32>
      tpu.vector_store %arg33[%swap3A_659, %swap3A_660], %swap3A_663 {strides = array<i32>} : memref<16x128xf32, #tpu.memory_space<vmem>>, vector<1x16xf32>,
      %swap3A_664 = arith.index_cast %scan3A_649 : i32 to index
      %swap3A_665 = arith.constant 48 : index
      %swap3A_666 = tpu.vector_load %arg33[%swap3A_664, %swap3A_665] {strides = array<i32>} : memref<16x128xf32, #tpu.memory_space<vmem>>, vector<1x16xf32>,
      %swap3A_667 = vector.shape_cast %swap3A_666 : vector<1x16xf32> to vector<16xf32>
      %swap3A_668 = vector.shape_cast %broadcast_in_dim3A_8 : vector<16xf32> to vector<1x16xf32>
      tpu.vector_store %arg33[%swap3A_664, %swap3A_665], %swap3A_668 {strides = array<i32>} : memref<16x128xf32, #tpu.memory_space<vmem>>, vector<1x16xf32>,
      %swap3A_669 = arith.index_cast %scan3A_649 : i32 to index
      %swap3A_670 = arith.constant 64 : index
      %swap3A_671 = tpu.vector_load %arg33[%swap3A_669, %swap3A_670] {strides = array<i32>} : memref<16x128xf32, #tpu.memory_space<vmem>>, vector<1x16xf32>,
      %swap3A_672 = vector.shape_cast %swap3A_671 : vector<1x16xf32> to vector<16xf32>
      %swap3A_673 = vector.shape_cast %broadcast_in_dim3A_8 : vector<16xf32> to vector<1x16xf32>
      tpu.vector_store %arg33[%swap3A_669, %swap3A_670], %swap3A_673 {strides = array<i32>} : memref<16x128xf32, #tpu.memory_space<vmem>>, vector<1x16xf32>,
      %swap3A_674 = arith.index_cast %scan3A_649 : i32 to index
      %swap3A_675 = arith.constant 80 : index
      %swap3A_676 = tpu.vector_load %arg33[%swap3A_674, %swap3A_675] {strides = array<i32>} : memref<16x128xf32, #tpu.memory_space<vmem>>, vector<1x16xf32>,
      %swap3A_677 = vector.shape_cast %swap3A_676 : vector<1x16xf32> to vector<16xf32>
      %swap3A_678 = vector.shape_cast %broadcast_in_dim3A_8 : vector<16xf32> to vector<1x16xf32>
      tpu.vector_store %arg33[%swap3A_674, %swap3A_675], %swap3A_678 {strides = array<i32>} : memref<16x128xf32, #tpu.memory_space<vmem>>, vector<1x16xf32>,
      %swap3A_679 = arith.index_cast %scan3A_649 : i32 to index
      %swap3A_680 = arith.constant 96 : index
      %swap3A_681 = tpu.vector_load %arg33[%swap3A_679, %swap3A_680] {strides = array<i32>} : memref<16x128xf32, #tpu.memory_space<vmem>>, vector<1x16xf32>,
      %swap3A_682 = vector.shape_cast %swap3A_681 : vector<1x16xf32> to vector<16xf32>
      %swap3A_683 = vector.shape_cast %broadcast_in_dim3A_8 : vector<16xf32> to vector<1x16xf32>
      tpu.vector_store %arg33[%swap3A_679, %swap3A_680], %swap3A_683 {strides = array<i32>} : memref<16x128xf32, #tpu.memory_space<vmem>>, vector<1x16xf32>,
      %swap3A_684 = arith.index_cast %scan3A_649 : i32 to index
      %swap3A_685 = arith.constant 112 : index
      %swap3A_686 = tpu.vector_load %arg33[%swap3A_684, %swap3A_685] {strides = array<i32>} : memref<16x128xf32, #tpu.memory_space<vmem>>, vector<1x16xf32>,
      %swap3A_687 = vector.shape_cast %swap3A_686 : vector<1x16xf32> to vector<16xf32>
      %swap3A_688 = vector.shape_cast %broadcast_in_dim3A_8 : vector<16xf32> to vector<1x16xf32>
      tpu.vector_store %arg33[%swap3A_684, %swap3A_685], %swap3A_688 {strides = array<i32>} : memref<16x128xf32, #tpu.memory_space<vmem>>, vector<1x16xf32>,
    }
    %scan3A_13 = arith.constant 16 : i32
    %mul3A_14 = arith.constant 640 : i32
    %mul3A_15 = arith.muli %arg1, %mul3A_14 : i32
    %add3A_16 = arith.constant 0 : i32
    %add3A_17 = arith.addi %mul3A_15, %add3A_16 : i32
    %dma_start3A_18 = arith.constant 0 : i32
    %dma_start3A_19 = tpu.memref_slice %arg34[%add3A_17, %dma_start3A_18] : memref<10240x128xf32, #tpu.memory_space<vmem_shared>> -> memref<16x128xf32, #tpu.memory_space<vmem_shared>>
    %dma_start3A_20 = arith.constant 0 : i32
    %dma_start3A_21 = tpu.memref_slice %arg34[%add3A_17, %dma_start3A_20] : memref<10240x128xf32, #tpu.memory_space<vmem_shared>> -> memref<16x128xf32, #tpu.memory_space<vmem_shared>>
    tpu.enqueue_dma source(%arg33 : memref<16x128xf32, #tpu.memory_space<vmem>>) target(%dma_start3A_21 : memref<16x128xf32, #tpu.memory_space<vmem_shared>>) target_semaphore(%arg25 : memref<!tpu.dma_semaphore, #tpu.memory_space<semaphore_mem>>)
    %add3A_22 = arith.constant 16 : i32
    %add3A_23 = arith.addi %mul3A_15, %add3A_22 : i32
    %dma_start3A_24 = arith.constant 0 : i32
    %dma_start3A_25 = tpu.memref_slice %arg34[%add3A_23, %dma_start3A_24] : memref<10240x128xf32, #tpu.memory_space<vmem_shared>> -> memref<16x128xf32, #tpu.memory_space<vmem_shared>>
    %dma_start3A_26 = arith.constant 0 : i32
    %dma_start3A_27 = tpu.memref_slice %arg34[%add3A_23, %dma_start3A_26] : memref<10240x128xf32, #tpu.memory_space<vmem_shared>> -> memref<16x128xf32, #tpu.memory_space<vmem_shared>>
    tpu.enqueue_dma source(%arg33 : memref<16x128xf32, #tpu.memory_space<vmem>>) target(%dma_start3A_27 : memref<16x128xf32, #tpu.memory_space<vmem_shared>>) target_semaphore(%arg26 : memref<!tpu.dma_semaphore, #tpu.memory_space<semaphore_mem>>)
    %add3A_28 = arith.constant 32 : i32
    %add3A_29 = arith.addi %mul3A_15, %add3A_28 : i32
    %dma_start3A_30 = arith.constant 0 : i32
    %dma_start3A_31 = tpu.memref_slice %arg34[%add3A_29, %dma_start3A_30] : memref<10240x128xf32, #tpu.memory_space<vmem_shared>> -> memref<16x128xf32, #tpu.memory_space<vmem_shared>>
    %dma_start3A_32 = arith.constant 0 : i32
    %dma_start3A_33 = tpu.memref_slice %arg34[%add3A_29, %dma_start3A_32] : memref<10240x128xf32, #tpu.memory_space<vmem_shared>> -> memref<16x128xf32, #tpu.memory_space<vmem_shared>>
    tpu.enqueue_dma source(%arg33 : memref<16x128xf32, #tpu.memory_space<vmem>>) target(%dma_start3A_33 : memref<16x128xf32, #tpu.memory_space<vmem_shared>>) target_semaphore(%arg27 : memref<!tpu.dma_semaphore, #tpu.memory_space<semaphore_mem>>)
    %add3A_34 = arith.constant 48 : i32
    %add3A_35 = arith.addi %mul3A_15, %add3A_34 : i32
    %dma_start3A_36 = arith.constant 0 : i32
    %dma_start3A_37 = tpu.memref_slice %arg34[%add3A_35, %dma_start3A_36] : memref<10240x128xf32, #tpu.memory_space<vmem_shared>> -> memref<16x128xf32, #tpu.memory_space<vmem_shared>>
    %dma_start3A_38 = arith.constant 0 : i32
    %dma_start3A_39 = tpu.memref_slice %arg34[%add3A_35, %dma_start3A_38] : memref<10240x128xf32, #tpu.memory_space<vmem_shared>> -> memref<16x128xf32, #tpu.memory_space<vmem_shared>>
    tpu.enqueue_dma source(%arg33 : memref<16x128xf32, #tpu.memory_space<vmem>>) target(%dma_start3A_39 : memref<16x128xf32, #tpu.memory_space<vmem_shared>>) target_semaphore(%arg28 : memref<!tpu.dma_semaphore, #tpu.memory_space<semaphore_mem>>)
    %add3A_40 = arith.constant 64 : i32
    %add3A_41 = arith.addi %mul3A_15, %add3A_40 : i32
    %dma_start3A_42 = arith.constant 0 : i32
    %dma_start3A_43 = tpu.memref_slice %arg34[%add3A_41, %dma_start3A_42] : memref<10240x128xf32, #tpu.memory_space<vmem_shared>> -> memref<16x128xf32, #tpu.memory_space<vmem_shared>>
    %dma_start3A_44 = arith.constant 0 : i32
    %dma_start3A_45 = tpu.memref_slice %arg34[%add3A_41, %dma_start3A_44] : memref<10240x128xf32, #tpu.memory_space<vmem_shared>> -> memref<16x128xf32, #tpu.memory_space<vmem_shared>>
    tpu.enqueue_dma source(%arg33 : memref<16x128xf32, #tpu.memory_space<vmem>>) target(%dma_start3A_45 : memref<16x128xf32, #tpu.memory_space<vmem_shared>>) target_semaphore(%arg29 : memref<!tpu.dma_semaphore, #tpu.memory_space<semaphore_mem>>)
    %add3A_46 = arith.constant 80 : i32
    %add3A_47 = arith.addi %mul3A_15, %add3A_46 : i32
    %dma_start3A_48 = arith.constant 0 : i32
    %dma_start3A_49 = tpu.memref_slice %arg34[%add3A_47, %dma_start3A_48] : memref<10240x128xf32, #tpu.memory_space<vmem_shared>> -> memref<16x128xf32, #tpu.memory_space<vmem_shared>>
    %dma_start3A_50 = arith.constant 0 : i32
    %dma_start3A_51 = tpu.memref_slice %arg34[%add3A_47, %dma_start3A_50] : memref<10240x128xf32, #tpu.memory_space<vmem_shared>> -> memref<16x128xf32, #tpu.memory_space<vmem_shared>>
    tpu.enqueue_dma source(%arg33 : memref<16x128xf32, #tpu.memory_space<vmem>>) target(%dma_start3A_51 : memref<16x128xf32, #tpu.memory_space<vmem_shared>>) target_semaphore(%arg30 : memref<!tpu.dma_semaphore, #tpu.memory_space<semaphore_mem>>)
    %add3A_52 = arith.constant 96 : i32
    %add3A_53 = arith.addi %mul3A_15, %add3A_52 : i32
    %dma_start3A_54 = arith.constant 0 : i32
    %dma_start3A_55 = tpu.memref_slice %arg34[%add3A_53, %dma_start3A_54] : memref<10240x128xf32, #tpu.memory_space<vmem_shared>> -> memref<16x128xf32, #tpu.memory_space<vmem_shared>>
    %dma_start3A_56 = arith.constant 0 : i32
    %dma_start3A_57 = tpu.memref_slice %arg34[%add3A_53, %dma_start3A_56] : memref<10240x128xf32, #tpu.memory_space<vmem_shared>> -> memref<16x128xf32, #tpu.memory_space<vmem_shared>>
    tpu.enqueue_dma source(%arg33 : memref<16x128xf32, #tpu.memory_space<vmem>>) target(%dma_start3A_57 : memref<16x128xf32, #tpu.memory_space<vmem_shared>>) target_semaphore(%arg31 : memref<!tpu.dma_semaphore, #tpu.memory_space<semaphore_mem>>)
    %add3A_58 = arith.constant 112 : i32
    %add3A_59 = arith.addi %mul3A_15, %add3A_58 : i32
    %dma_start3A_60 = arith.constant 0 : i32
    %dma_start3A_61 = tpu.memref_slice %arg34[%add3A_59, %dma_start3A_60] : memref<10240x128xf32, #tpu.memory_space<vmem_shared>> -> memref<16x128xf32, #tpu.memory_space<vmem_shared>>
    %dma_start3A_62 = arith.constant 0 : i32
    %dma_start3A_63 = tpu.memref_slice %arg34[%add3A_59, %dma_start3A_62] : memref<10240x128xf32, #tpu.memory_space<vmem_shared>> -> memref<16x128xf32, #tpu.memory_space<vmem_shared>>
    tpu.enqueue_dma source(%arg33 : memref<16x128xf32, #tpu.memory_space<vmem>>) target(%dma_start3A_63 : memref<16x128xf32, #tpu.memory_space<vmem_shared>>) target_semaphore(%arg32 : memref<!tpu.dma_semaphore, #tpu.memory_space<semaphore_mem>>)
    %add3A_64 = arith.constant 128 : i32
    %add3A_65 = arith.addi %mul3A_15, %add3A_64 : i32
    %dma_start3A_66 = arith.constant 0 : i32
    %dma_start3A_67 = tpu.memref_slice %arg34[%add3A_65, %dma_start3A_66] : memref<10240x128xf32, #tpu.memory_space<vmem_shared>> -> memref<16x128xf32, #tpu.memory_space<vmem_shared>>
    %dma_start3A_68 = arith.constant 0 : i32
    %dma_start3A_69 = tpu.memref_slice %arg34[%add3A_65, %dma_start3A_68] : memref<10240x128xf32, #tpu.memory_space<vmem_shared>> -> memref<16x128xf32, #tpu.memory_space<vmem_shared>>
    tpu.enqueue_dma source(%arg33 : memref<16x128xf32, #tpu.memory_space<vmem>>) target(%dma_start3A_69 : memref<16x128xf32, #tpu.memory_space<vmem_shared>>) target_semaphore(%arg25 : memref<!tpu.dma_semaphore, #tpu.memory_space<semaphore_mem>>)
    %add3A_70 = arith.constant 144 : i32
    %add3A_71 = arith.addi %mul3A_15, %add3A_70 : i32
    %dma_start3A_72 = arith.constant 0 : i32
    %dma_start3A_73 = tpu.memref_slice %arg34[%add3A_71, %dma_start3A_72] : memref<10240x128xf32, #tpu.memory_space<vmem_shared>> -> memref<16x128xf32, #tpu.memory_space<vmem_shared>>
    %dma_start3A_74 = arith.constant 0 : i32
    %dma_start3A_75 = tpu.memref_slice %arg34[%add3A_71, %dma_start3A_74] : memref<10240x128xf32, #tpu.memory_space<vmem_shared>> -> memref<16x128xf32, #tpu.memory_space<vmem_shared>>
    tpu.enqueue_dma source(%arg33 : memref<16x128xf32, #tpu.memory_space<vmem>>) target(%dma_start3A_75 : memref<16x128xf32, #tpu.memory_space<vmem_shared>>) target_semaphore(%arg26 : memref<!tpu.dma_semaphore, #tpu.memory_space<semaphore_mem>>)
    %add3A_76 = arith.constant 160 : i32
    %add3A_77 = arith.addi %mul3A_15, %add3A_76 : i32
    %dma_start3A_78 = arith.constant 0 : i32
    %dma_start3A_79 = tpu.memref_slice %arg34[%add3A_77, %dma_start3A_78] : memref<10240x128xf32, #tpu.memory_space<vmem_shared>> -> memref<16x128xf32, #tpu.memory_space<vmem_shared>>
    %dma_start3A_80 = arith.constant 0 : i32
    %dma_start3A_81 = tpu.memref_slice %arg34[%add3A_77, %dma_start3A_80] : memref<10240x128xf32, #tpu.memory_space<vmem_shared>> -> memref<16x128xf32, #tpu.memory_space<vmem_shared>>
    tpu.enqueue_dma source(%arg33 : memref<16x128xf32, #tpu.memory_space<vmem>>) target(%dma_start3A_81 : memref<16x128xf32, #tpu.memory_space<vmem_shared>>) target_semaphore(%arg27 : memref<!tpu.dma_semaphore, #tpu.memory_space<semaphore_mem>>)
    %add3A_82 = arith.constant 176 : i32
    %add3A_83 = arith.addi %mul3A_15, %add3A_82 : i32
    %dma_start3A_84 = arith.constant 0 : i32
    %dma_start3A_85 = tpu.memref_slice %arg34[%add3A_83, %dma_start3A_84] : memref<10240x128xf32, #tpu.memory_space<vmem_shared>> -> memref<16x128xf32, #tpu.memory_space<vmem_shared>>
    %dma_start3A_86 = arith.constant 0 : i32
    %dma_start3A_87 = tpu.memref_slice %arg34[%add3A_83, %dma_start3A_86] : memref<10240x128xf32, #tpu.memory_space<vmem_shared>> -> memref<16x128xf32, #tpu.memory_space<vmem_shared>>
    tpu.enqueue_dma source(%arg33 : memref<16x128xf32, #tpu.memory_space<vmem>>) target(%dma_start3A_87 : memref<16x128xf32, #tpu.memory_space<vmem_shared>>) target_semaphore(%arg28 : memref<!tpu.dma_semaphore, #tpu.memory_space<semaphore_mem>>)
    %add3A_88 = arith.constant 192 : i32
    %add3A_89 = arith.addi %mul3A_15, %add3A_88 : i32
    %dma_start3A_90 = arith.constant 0 : i32
    %dma_start3A_91 = tpu.memref_slice %arg34[%add3A_89, %dma_start3A_90] : memref<10240x128xf32, #tpu.memory_space<vmem_shared>> -> memref<16x128xf32, #tpu.memory_space<vmem_shared>>
    %dma_start3A_92 = arith.constant 0 : i32
    %dma_start3A_93 = tpu.memref_slice %arg34[%add3A_89, %dma_start3A_92] : memref<10240x128xf32, #tpu.memory_space<vmem_shared>> -> memref<16x128xf32, #tpu.memory_space<vmem_shared>>
    tpu.enqueue_dma source(%arg33 : memref<16x128xf32, #tpu.memory_space<vmem>>) target(%dma_start3A_93 : memref<16x128xf32, #tpu.memory_space<vmem_shared>>) target_semaphore(%arg29 : memref<!tpu.dma_semaphore, #tpu.memory_space<semaphore_mem>>)
    %add3A_94 = arith.constant 208 : i32
    %add3A_95 = arith.addi %mul3A_15, %add3A_94 : i32
    %dma_start3A_96 = arith.constant 0 : i32
    %dma_start3A_97 = tpu.memref_slice %arg34[%add3A_95, %dma_start3A_96] : memref<10240x128xf32, #tpu.memory_space<vmem_shared>> -> memref<16x128xf32, #tpu.memory_space<vmem_shared>>
    %dma_start3A_98 = arith.constant 0 : i32
    %dma_start3A_99 = tpu.memref_slice %arg34[%add3A_95, %dma_start3A_98] : memref<10240x128xf32, #tpu.memory_space<vmem_shared>> -> memref<16x128xf32, #tpu.memory_space<vmem_shared>>
    tpu.enqueue_dma source(%arg33 : memref<16x128xf32, #tpu.memory_space<vmem>>) target(%dma_start3A_99 : memref<16x128xf32, #tpu.memory_space<vmem_shared>>) target_semaphore(%arg30 : memref<!tpu.dma_semaphore, #tpu.memory_space<semaphore_mem>>)
    %add3A_100 = arith.constant 224 : i32
    %add3A_101 = arith.addi %mul3A_15, %add3A_100 : i32
    %dma_start3A_102 = arith.constant 0 : i32
    %dma_start3A_103 = tpu.memref_slice %arg34[%add3A_101, %dma_start3A_102] : memref<10240x128xf32, #tpu.memory_space<vmem_shared>> -> memref<16x128xf32, #tpu.memory_space<vmem_shared>>
    %dma_start3A_104 = arith.constant 0 : i32
    %dma_start3A_105 = tpu.memref_slice %arg34[%add3A_101, %dma_start3A_104] : memref<10240x128xf32, #tpu.memory_space<vmem_shared>> -> memref<16x128xf32, #tpu.memory_space<vmem_shared>>
    tpu.enqueue_dma source(%arg33 : memref<16x128xf32, #tpu.memory_space<vmem>>) target(%dma_start3A_105 : memref<16x128xf32, #tpu.memory_space<vmem_shared>>) target_semaphore(%arg31 : memref<!tpu.dma_semaphore, #tpu.memory_space<semaphore_mem>>)
    %add3A_106 = arith.constant 240 : i32
    %add3A_107 = arith.addi %mul3A_15, %add3A_106 : i32
    %dma_start3A_108 = arith.constant 0 : i32
    %dma_start3A_109 = tpu.memref_slice %arg34[%add3A_107, %dma_start3A_108] : memref<10240x128xf32, #tpu.memory_space<vmem_shared>> -> memref<16x128xf32, #tpu.memory_space<vmem_shared>>
    %dma_start3A_110 = arith.constant 0 : i32
    %dma_start3A_111 = tpu.memref_slice %arg34[%add3A_107, %dma_start3A_110] : memref<10240x128xf32, #tpu.memory_space<vmem_shared>> -> memref<16x128xf32, #tpu.memory_space<vmem_shared>>
    tpu.enqueue_dma source(%arg33 : memref<16x128xf32, #tpu.memory_space<vmem>>) target(%dma_start3A_111 : memref<16x128xf32, #tpu.memory_space<vmem_shared>>) target_semaphore(%arg32 : memref<!tpu.dma_semaphore, #tpu.memory_space<semaphore_mem>>)
    %add3A_112 = arith.constant 256 : i32
    %add3A_113 = arith.addi %mul3A_15, %add3A_112 : i32
    %dma_start3A_114 = arith.constant 0 : i32
    %dma_start3A_115 = tpu.memref_slice %arg34[%add3A_113, %dma_start3A_114] : memref<10240x128xf32, #tpu.memory_space<vmem_shared>> -> memref<16x128xf32, #tpu.memory_space<vmem_shared>>
    %dma_start3A_116 = arith.constant 0 : i32
    %dma_start3A_117 = tpu.memref_slice %arg34[%add3A_113, %dma_start3A_116] : memref<10240x128xf32, #tpu.memory_space<vmem_shared>> -> memref<16x128xf32, #tpu.memory_space<vmem_shared>>
    tpu.enqueue_dma source(%arg33 : memref<16x128xf32, #tpu.memory_space<vmem>>) target(%dma_start3A_117 : memref<16x128xf32, #tpu.memory_space<vmem_shared>>) target_semaphore(%arg25 : memref<!tpu.dma_semaphore, #tpu.memory_space<semaphore_mem>>)
    %add3A_118 = arith.constant 272 : i32
    %add3A_119 = arith.addi %mul3A_15, %add3A_118 : i32
    %dma_start3A_120 = arith.constant 0 : i32
    %dma_start3A_121 = tpu.memref_slice %arg34[%add3A_119, %dma_start3A_120] : memref<10240x128xf32, #tpu.memory_space<vmem_shared>> -> memref<16x128xf32, #tpu.memory_space<vmem_shared>>
    %dma_start3A_122 = arith.constant 0 : i32
    %dma_start3A_123 = tpu.memref_slice %arg34[%add3A_119, %dma_start3A_122] : memref<10240x128xf32, #tpu.memory_space<vmem_shared>> -> memref<16x128xf32, #tpu.memory_space<vmem_shared>>
    tpu.enqueue_dma source(%arg33 : memref<16x128xf32, #tpu.memory_space<vmem>>) target(%dma_start3A_123 : memref<16x128xf32, #tpu.memory_space<vmem_shared>>) target_semaphore(%arg26 : memref<!tpu.dma_semaphore, #tpu.memory_space<semaphore_mem>>)
    %add3A_124 = arith.constant 288 : i32
    %add3A_125 = arith.addi %mul3A_15, %add3A_124 : i32
    %dma_start3A_126 = arith.constant 0 : i32
    %dma_start3A_127 = tpu.memref_slice %arg34[%add3A_125, %dma_start3A_126] : memref<10240x128xf32, #tpu.memory_space<vmem_shared>> -> memref<16x128xf32, #tpu.memory_space<vmem_shared>>
    %dma_start3A_128 = arith.constant 0 : i32
    %dma_start3A_129 = tpu.memref_slice %arg34[%add3A_125, %dma_start3A_128] : memref<10240x128xf32, #tpu.memory_space<vmem_shared>> -> memref<16x128xf32, #tpu.memory_space<vmem_shared>>
    tpu.enqueue_dma source(%arg33 : memref<16x128xf32, #tpu.memory_space<vmem>>) target(%dma_start3A_129 : memref<16x128xf32, #tpu.memory_space<vmem_shared>>) target_semaphore(%arg27 : memref<!tpu.dma_semaphore, #tpu.memory_space<semaphore_mem>>)
    %add3A_130 = arith.constant 304 : i32
    %add3A_131 = arith.addi %mul3A_15, %add3A_130 : i32
    %dma_start3A_132 = arith.constant 0 : i32
    %dma_start3A_133 = tpu.memref_slice %arg34[%add3A_131, %dma_start3A_132] : memref<10240x128xf32, #tpu.memory_space<vmem_shared>> -> memref<16x128xf32, #tpu.memory_space<vmem_shared>>
    %dma_start3A_134 = arith.constant 0 : i32
    %dma_start3A_135 = tpu.memref_slice %arg34[%add3A_131, %dma_start3A_134] : memref<10240x128xf32, #tpu.memory_space<vmem_shared>> -> memref<16x128xf32, #tpu.memory_space<vmem_shared>>
    tpu.enqueue_dma source(%arg33 : memref<16x128xf32, #tpu.memory_space<vmem>>) target(%dma_start3A_135 : memref<16x128xf32, #tpu.memory_space<vmem_shared>>) target_semaphore(%arg28 : memref<!tpu.dma_semaphore, #tpu.memory_space<semaphore_mem>>)
    %add3A_136 = arith.constant 320 : i32
    %add3A_137 = arith.addi %mul3A_15, %add3A_136 : i32
    %dma_start3A_138 = arith.constant 0 : i32
    %dma_start3A_139 = tpu.memref_slice %arg34[%add3A_137, %dma_start3A_138] : memref<10240x128xf32, #tpu.memory_space<vmem_shared>> -> memref<16x128xf32, #tpu.memory_space<vmem_shared>>
    %dma_start3A_140 = arith.constant 0 : i32
    %dma_start3A_141 = tpu.memref_slice %arg34[%add3A_137, %dma_start3A_140] : memref<10240x128xf32, #tpu.memory_space<vmem_shared>> -> memref<16x128xf32, #tpu.memory_space<vmem_shared>>
    tpu.enqueue_dma source(%arg33 : memref<16x128xf32, #tpu.memory_space<vmem>>) target(%dma_start3A_141 : memref<16x128xf32, #tpu.memory_space<vmem_shared>>) target_semaphore(%arg29 : memref<!tpu.dma_semaphore, #tpu.memory_space<semaphore_mem>>)
    %add3A_142 = arith.constant 336 : i32
    %add3A_143 = arith.addi %mul3A_15, %add3A_142 : i32
    %dma_start3A_144 = arith.constant 0 : i32
    %dma_start3A_145 = tpu.memref_slice %arg34[%add3A_143, %dma_start3A_144] : memref<10240x128xf32, #tpu.memory_space<vmem_shared>> -> memref<16x128xf32, #tpu.memory_space<vmem_shared>>
    %dma_start3A_146 = arith.constant 0 : i32
    %dma_start3A_147 = tpu.memref_slice %arg34[%add3A_143, %dma_start3A_146] : memref<10240x128xf32, #tpu.memory_space<vmem_shared>> -> memref<16x128xf32, #tpu.memory_space<vmem_shared>>
    tpu.enqueue_dma source(%arg33 : memref<16x128xf32, #tpu.memory_space<vmem>>) target(%dma_start3A_147 : memref<16x128xf32, #tpu.memory_space<vmem_shared>>) target_semaphore(%arg30 : memref<!tpu.dma_semaphore, #tpu.memory_space<semaphore_mem>>)
    %add3A_148 = arith.constant 352 : i32
    %add3A_149 = arith.addi %mul3A_15, %add3A_148 : i32
    %dma_start3A_150 = arith.constant 0 : i32
    %dma_start3A_151 = tpu.memref_slice %arg34[%add3A_149, %dma_start3A_150] : memref<10240x128xf32, #tpu.memory_space<vmem_shared>> -> memref<16x128xf32, #tpu.memory_space<vmem_shared>>
    %dma_start3A_152 = arith.constant 0 : i32
    %dma_start3A_153 = tpu.memref_slice %arg34[%add3A_149, %dma_start3A_152] : memref<10240x128xf32, #tpu.memory_space<vmem_shared>> -> memref<16x128xf32, #tpu.memory_space<vmem_shared>>
    tpu.enqueue_dma source(%arg33 : memref<16x128xf32, #tpu.memory_space<vmem>>) target(%dma_start3A_153 : memref<16x128xf32, #tpu.memory_space<vmem_shared>>) target_semaphore(%arg31 : memref<!tpu.dma_semaphore, #tpu.memory_space<semaphore_mem>>)
    %add3A_154 = arith.constant 368 : i32
    %add3A_155 = arith.addi %mul3A_15, %add3A_154 : i32
    %dma_start3A_156 = arith.constant 0 : i32
    %dma_start3A_157 = tpu.memref_slice %arg34[%add3A_155, %dma_start3A_156] : memref<10240x128xf32, #tpu.memory_space<vmem_shared>> -> memref<16x128xf32, #tpu.memory_space<vmem_shared>>
    %dma_start3A_158 = arith.constant 0 : i32
    %dma_start3A_159 = tpu.memref_slice %arg34[%add3A_155, %dma_start3A_158] : memref<10240x128xf32, #tpu.memory_space<vmem_shared>> -> memref<16x128xf32, #tpu.memory_space<vmem_shared>>
    tpu.enqueue_dma source(%arg33 : memref<16x128xf32, #tpu.memory_space<vmem>>) target(%dma_start3A_159 : memref<16x128xf32, #tpu.memory_space<vmem_shared>>) target_semaphore(%arg32 : memref<!tpu.dma_semaphore, #tpu.memory_space<semaphore_mem>>)
    %add3A_160 = arith.constant 384 : i32
    %add3A_161 = arith.addi %mul3A_15, %add3A_160 : i32
    %dma_start3A_162 = arith.constant 0 : i32
    %dma_start3A_163 = tpu.memref_slice %arg34[%add3A_161, %dma_start3A_162] : memref<10240x128xf32, #tpu.memory_space<vmem_shared>> -> memref<16x128xf32, #tpu.memory_space<vmem_shared>>
    %dma_start3A_164 = arith.constant 0 : i32
    %dma_start3A_165 = tpu.memref_slice %arg34[%add3A_161, %dma_start3A_164] : memref<10240x128xf32, #tpu.memory_space<vmem_shared>> -> memref<16x128xf32, #tpu.memory_space<vmem_shared>>
    tpu.enqueue_dma source(%arg33 : memref<16x128xf32, #tpu.memory_space<vmem>>) target(%dma_start3A_165 : memref<16x128xf32, #tpu.memory_space<vmem_shared>>) target_semaphore(%arg25 : memref<!tpu.dma_semaphore, #tpu.memory_space<semaphore_mem>>)
    %add3A_166 = arith.constant 400 : i32
    %add3A_167 = arith.addi %mul3A_15, %add3A_166 : i32
    %dma_start3A_168 = arith.constant 0 : i32
    %dma_start3A_169 = tpu.memref_slice %arg34[%add3A_167, %dma_start3A_168] : memref<10240x128xf32, #tpu.memory_space<vmem_shared>> -> memref<16x128xf32, #tpu.memory_space<vmem_shared>>
    %dma_start3A_170 = arith.constant 0 : i32
    %dma_start3A_171 = tpu.memref_slice %arg34[%add3A_167, %dma_start3A_170] : memref<10240x128xf32, #tpu.memory_space<vmem_shared>> -> memref<16x128xf32, #tpu.memory_space<vmem_shared>>
    tpu.enqueue_dma source(%arg33 : memref<16x128xf32, #tpu.memory_space<vmem>>) target(%dma_start3A_171 : memref<16x128xf32, #tpu.memory_space<vmem_shared>>) target_semaphore(%arg26 : memref<!tpu.dma_semaphore, #tpu.memory_space<semaphore_mem>>)
    %add3A_172 = arith.constant 416 : i32
    %add3A_173 = arith.addi %mul3A_15, %add3A_172 : i32
    %dma_start3A_174 = arith.constant 0 : i32
    %dma_start3A_175 = tpu.memref_slice %arg34[%add3A_173, %dma_start3A_174] : memref<10240x128xf32, #tpu.memory_space<vmem_shared>> -> memref<16x128xf32, #tpu.memory_space<vmem_shared>>
    %dma_start3A_176 = arith.constant 0 : i32
    %dma_start3A_177 = tpu.memref_slice %arg34[%add3A_173, %dma_start3A_176] : memref<10240x128xf32, #tpu.memory_space<vmem_shared>> -> memref<16x128xf32, #tpu.memory_space<vmem_shared>>
    tpu.enqueue_dma source(%arg33 : memref<16x128xf32, #tpu.memory_space<vmem>>) target(%dma_start3A_177 : memref<16x128xf32, #tpu.memory_space<vmem_shared>>) target_semaphore(%arg27 : memref<!tpu.dma_semaphore, #tpu.memory_space<semaphore_mem>>)
    %add3A_178 = arith.constant 432 : i32
    %add3A_179 = arith.addi %mul3A_15, %add3A_178 : i32
    %dma_start3A_180 = arith.constant 0 : i32
    %dma_start3A_181 = tpu.memref_slice %arg34[%add3A_179, %dma_start3A_180] : memref<10240x128xf32, #tpu.memory_space<vmem_shared>> -> memref<16x128xf32, #tpu.memory_space<vmem_shared>>
    %dma_start3A_182 = arith.constant 0 : i32
    %dma_start3A_183 = tpu.memref_slice %arg34[%add3A_179, %dma_start3A_182] : memref<10240x128xf32, #tpu.memory_space<vmem_shared>> -> memref<16x128xf32, #tpu.memory_space<vmem_shared>>
    tpu.enqueue_dma source(%arg33 : memref<16x128xf32, #tpu.memory_space<vmem>>) target(%dma_start3A_183 : memref<16x128xf32, #tpu.memory_space<vmem_shared>>) target_semaphore(%arg28 : memref<!tpu.dma_semaphore, #tpu.memory_space<semaphore_mem>>)
    %add3A_184 = arith.constant 448 : i32
    %add3A_185 = arith.addi %mul3A_15, %add3A_184 : i32
    %dma_start3A_186 = arith.constant 0 : i32
    %dma_start3A_187 = tpu.memref_slice %arg34[%add3A_185, %dma_start3A_186] : memref<10240x128xf32, #tpu.memory_space<vmem_shared>> -> memref<16x128xf32, #tpu.memory_space<vmem_shared>>
    %dma_start3A_188 = arith.constant 0 : i32
    %dma_start3A_189 = tpu.memref_slice %arg34[%add3A_185, %dma_start3A_188] : memref<10240x128xf32, #tpu.memory_space<vmem_shared>> -> memref<16x128xf32, #tpu.memory_space<vmem_shared>>
    tpu.enqueue_dma source(%arg33 : memref<16x128xf32, #tpu.memory_space<vmem>>) target(%dma_start3A_189 : memref<16x128xf32, #tpu.memory_space<vmem_shared>>) target_semaphore(%arg29 : memref<!tpu.dma_semaphore, #tpu.memory_space<semaphore_mem>>)
    %add3A_190 = arith.constant 464 : i32
    %add3A_191 = arith.addi %mul3A_15, %add3A_190 : i32
    %dma_start3A_192 = arith.constant 0 : i32
    %dma_start3A_193 = tpu.memref_slice %arg34[%add3A_191, %dma_start3A_192] : memref<10240x128xf32, #tpu.memory_space<vmem_shared>> -> memref<16x128xf32, #tpu.memory_space<vmem_shared>>
    %dma_start3A_194 = arith.constant 0 : i32
    %dma_start3A_195 = tpu.memref_slice %arg34[%add3A_191, %dma_start3A_194] : memref<10240x128xf32, #tpu.memory_space<vmem_shared>> -> memref<16x128xf32, #tpu.memory_space<vmem_shared>>
    tpu.enqueue_dma source(%arg33 : memref<16x128xf32, #tpu.memory_space<vmem>>) target(%dma_start3A_195 : memref<16x128xf32, #tpu.memory_space<vmem_shared>>) target_semaphore(%arg30 : memref<!tpu.dma_semaphore, #tpu.memory_space<semaphore_mem>>)
    %add3A_196 = arith.constant 480 : i32
    %add3A_197 = arith.addi %mul3A_15, %add3A_196 : i32
    %dma_start3A_198 = arith.constant 0 : i32
    %dma_start3A_199 = tpu.memref_slice %arg34[%add3A_197, %dma_start3A_198] : memref<10240x128xf32, #tpu.memory_space<vmem_shared>> -> memref<16x128xf32, #tpu.memory_space<vmem_shared>>
    %dma_start3A_200 = arith.constant 0 : i32
    %dma_start3A_201 = tpu.memref_slice %arg34[%add3A_197, %dma_start3A_200] : memref<10240x128xf32, #tpu.memory_space<vmem_shared>> -> memref<16x128xf32, #tpu.memory_space<vmem_shared>>
    tpu.enqueue_dma source(%arg33 : memref<16x128xf32, #tpu.memory_space<vmem>>) target(%dma_start3A_201 : memref<16x128xf32, #tpu.memory_space<vmem_shared>>) target_semaphore(%arg31 : memref<!tpu.dma_semaphore, #tpu.memory_space<semaphore_mem>>)
    %add3A_202 = arith.constant 496 : i32
    %add3A_203 = arith.addi %mul3A_15, %add3A_202 : i32
    %dma_start3A_204 = arith.constant 0 : i32
    %dma_start3A_205 = tpu.memref_slice %arg34[%add3A_203, %dma_start3A_204] : memref<10240x128xf32, #tpu.memory_space<vmem_shared>> -> memref<16x128xf32, #tpu.memory_space<vmem_shared>>
    %dma_start3A_206 = arith.constant 0 : i32
    %dma_start3A_207 = tpu.memref_slice %arg34[%add3A_203, %dma_start3A_206] : memref<10240x128xf32, #tpu.memory_space<vmem_shared>> -> memref<16x128xf32, #tpu.memory_space<vmem_shared>>
    tpu.enqueue_dma source(%arg33 : memref<16x128xf32, #tpu.memory_space<vmem>>) target(%dma_start3A_207 : memref<16x128xf32, #tpu.memory_space<vmem_shared>>) target_semaphore(%arg32 : memref<!tpu.dma_semaphore, #tpu.memory_space<semaphore_mem>>)
    %add3A_208 = arith.constant 512 : i32
    %add3A_209 = arith.addi %mul3A_15, %add3A_208 : i32
    %dma_start3A_210 = arith.constant 0 : i32
    %dma_start3A_211 = tpu.memref_slice %arg34[%add3A_209, %dma_start3A_210] : memref<10240x128xf32, #tpu.memory_space<vmem_shared>> -> memref<16x128xf32, #tpu.memory_space<vmem_shared>>
    %dma_start3A_212 = arith.constant 0 : i32
    %dma_start3A_213 = tpu.memref_slice %arg34[%add3A_209, %dma_start3A_212] : memref<10240x128xf32, #tpu.memory_space<vmem_shared>> -> memref<16x128xf32, #tpu.memory_space<vmem_shared>>
    tpu.enqueue_dma source(%arg33 : memref<16x128xf32, #tpu.memory_space<vmem>>) target(%dma_start3A_213 : memref<16x128xf32, #tpu.memory_space<vmem_shared>>) target_semaphore(%arg25 : memref<!tpu.dma_semaphore, #tpu.memory_space<semaphore_mem>>)
    %add3A_214 = arith.constant 528 : i32
    %add3A_215 = arith.addi %mul3A_15, %add3A_214 : i32
    %dma_start3A_216 = arith.constant 0 : i32
    %dma_start3A_217 = tpu.memref_slice %arg34[%add3A_215, %dma_start3A_216] : memref<10240x128xf32, #tpu.memory_space<vmem_shared>> -> memref<16x128xf32, #tpu.memory_space<vmem_shared>>
    %dma_start3A_218 = arith.constant 0 : i32
    %dma_start3A_219 = tpu.memref_slice %arg34[%add3A_215, %dma_start3A_218] : memref<10240x128xf32, #tpu.memory_space<vmem_shared>> -> memref<16x128xf32, #tpu.memory_space<vmem_shared>>
    tpu.enqueue_dma source(%arg33 : memref<16x128xf32, #tpu.memory_space<vmem>>) target(%dma_start3A_219 : memref<16x128xf32, #tpu.memory_space<vmem_shared>>) target_semaphore(%arg26 : memref<!tpu.dma_semaphore, #tpu.memory_space<semaphore_mem>>)
    %add3A_220 = arith.constant 544 : i32
    %add3A_221 = arith.addi %mul3A_15, %add3A_220 : i32
    %dma_start3A_222 = arith.constant 0 : i32
    %dma_start3A_223 = tpu.memref_slice %arg34[%add3A_221, %dma_start3A_222] : memref<10240x128xf32, #tpu.memory_space<vmem_shared>> -> memref<16x128xf32, #tpu.memory_space<vmem_shared>>
    %dma_start3A_224 = arith.constant 0 : i32
    %dma_start3A_225 = tpu.memref_slice %arg34[%add3A_221, %dma_start3A_224] : memref<10240x128xf32, #tpu.memory_space<vmem_shared>> -> memref<16x128xf32, #tpu.memory_space<vmem_shared>>
    tpu.enqueue_dma source(%arg33 : memref<16x128xf32, #tpu.memory_space<vmem>>) target(%dma_start3A_225 : memref<16x128xf32, #tpu.memory_space<vmem_shared>>) target_semaphore(%arg27 : memref<!tpu.dma_semaphore, #tpu.memory_space<semaphore_mem>>)
    %add3A_226 = arith.constant 560 : i32
    %add3A_227 = arith.addi %mul3A_15, %add3A_226 : i32
    %dma_start3A_228 = arith.constant 0 : i32
    %dma_start3A_229 = tpu.memref_slice %arg34[%add3A_227, %dma_start3A_228] : memref<10240x128xf32, #tpu.memory_space<vmem_shared>> -> memref<16x128xf32, #tpu.memory_space<vmem_shared>>
    %dma_start3A_230 = arith.constant 0 : i32
    %dma_start3A_231 = tpu.memref_slice %arg34[%add3A_227, %dma_start3A_230] : memref<10240x128xf32, #tpu.memory_space<vmem_shared>> -> memref<16x128xf32, #tpu.memory_space<vmem_shared>>
    tpu.enqueue_dma source(%arg33 : memref<16x128xf32, #tpu.memory_space<vmem>>) target(%dma_start3A_231 : memref<16x128xf32, #tpu.memory_space<vmem_shared>>) target_semaphore(%arg28 : memref<!tpu.dma_semaphore, #tpu.memory_space<semaphore_mem>>)
    %add3A_232 = arith.constant 576 : i32
    %add3A_233 = arith.addi %mul3A_15, %add3A_232 : i32
    %dma_start3A_234 = arith.constant 0 : i32
    %dma_start3A_235 = tpu.memref_slice %arg34[%add3A_233, %dma_start3A_234] : memref<10240x128xf32, #tpu.memory_space<vmem_shared>> -> memref<16x128xf32, #tpu.memory_space<vmem_shared>>
    %dma_start3A_236 = arith.constant 0 : i32
    %dma_start3A_237 = tpu.memref_slice %arg34[%add3A_233, %dma_start3A_236] : memref<10240x128xf32, #tpu.memory_space<vmem_shared>> -> memref<16x128xf32, #tpu.memory_space<vmem_shared>>
    tpu.enqueue_dma source(%arg33 : memref<16x128xf32, #tpu.memory_space<vmem>>) target(%dma_start3A_237 : memref<16x128xf32, #tpu.memory_space<vmem_shared>>) target_semaphore(%arg29 : memref<!tpu.dma_semaphore, #tpu.memory_space<semaphore_mem>>)
    %add3A_238 = arith.constant 592 : i32
    %add3A_239 = arith.addi %mul3A_15, %add3A_238 : i32
    %dma_start3A_240 = arith.constant 0 : i32
    %dma_start3A_241 = tpu.memref_slice %arg34[%add3A_239, %dma_start3A_240] : memref<10240x128xf32, #tpu.memory_space<vmem_shared>> -> memref<16x128xf32, #tpu.memory_space<vmem_shared>>
    %dma_start3A_242 = arith.constant 0 : i32
    %dma_start3A_243 = tpu.memref_slice %arg34[%add3A_239, %dma_start3A_242] : memref<10240x128xf32, #tpu.memory_space<vmem_shared>> -> memref<16x128xf32, #tpu.memory_space<vmem_shared>>
    tpu.enqueue_dma source(%arg33 : memref<16x128xf32, #tpu.memory_space<vmem>>) target(%dma_start3A_243 : memref<16x128xf32, #tpu.memory_space<vmem_shared>>) target_semaphore(%arg30 : memref<!tpu.dma_semaphore, #tpu.memory_space<semaphore_mem>>)
    %add3A_244 = arith.constant 608 : i32
    %add3A_245 = arith.addi %mul3A_15, %add3A_244 : i32
    %dma_start3A_246 = arith.constant 0 : i32
    %dma_start3A_247 = tpu.memref_slice %arg34[%add3A_245, %dma_start3A_246] : memref<10240x128xf32, #tpu.memory_space<vmem_shared>> -> memref<16x128xf32, #tpu.memory_space<vmem_shared>>
    %dma_start3A_248 = arith.constant 0 : i32
    %dma_start3A_249 = tpu.memref_slice %arg34[%add3A_245, %dma_start3A_248] : memref<10240x128xf32, #tpu.memory_space<vmem_shared>> -> memref<16x128xf32, #tpu.memory_space<vmem_shared>>
    tpu.enqueue_dma source(%arg33 : memref<16x128xf32, #tpu.memory_space<vmem>>) target(%dma_start3A_249 : memref<16x128xf32, #tpu.memory_space<vmem_shared>>) target_semaphore(%arg31 : memref<!tpu.dma_semaphore, #tpu.memory_space<semaphore_mem>>)
    %add3A_250 = arith.constant 624 : i32
    %add3A_251 = arith.addi %mul3A_15, %add3A_250 : i32
    %dma_start3A_252 = arith.constant 0 : i32
    %dma_start3A_253 = tpu.memref_slice %arg34[%add3A_251, %dma_start3A_252] : memref<10240x128xf32, #tpu.memory_space<vmem_shared>> -> memref<16x128xf32, #tpu.memory_space<vmem_shared>>
    %dma_start3A_254 = arith.constant 0 : i32
    %dma_start3A_255 = tpu.memref_slice %arg34[%add3A_251, %dma_start3A_254] : memref<10240x128xf32, #tpu.memory_space<vmem_shared>> -> memref<16x128xf32, #tpu.memory_space<vmem_shared>>
    tpu.enqueue_dma source(%arg33 : memref<16x128xf32, #tpu.memory_space<vmem>>) target(%dma_start3A_255 : memref<16x128xf32, #tpu.memory_space<vmem_shared>>) target_semaphore(%arg32 : memref<!tpu.dma_semaphore, #tpu.memory_space<semaphore_mem>>)
    %dma_wait3A = tpu.memref_slice %arg3[%mul3A_2] : memref<320000xi32, #tpu.memory_space<hbm>> -> memref<10000xi32, #tpu.memory_space<hbm>>
    %dma_wait3A_256 = tpu.memref_slice %arg3[%mul3A_2] : memref<320000xi32, #tpu.memory_space<hbm>> -> memref<10000xi32, #tpu.memory_space<hbm>>
    tpu.wait_dma2 semaphore(%arg23 : memref<!tpu.dma_semaphore, #tpu.memory_space<semaphore_mem>>) src(%dma_wait3A_256 : memref<10000xi32, #tpu.memory_space<hbm>>) dst(%arg6 : memref<10000xi32, #tpu.memory_space<vmem>>)
    %dma_wait3A_257 = tpu.memref_slice %arg4[%mul3A_5] : memref<320000xi32, #tpu.memory_space<hbm>> -> memref<10000xi32, #tpu.memory_space<hbm>>
    %dma_wait3A_258 = tpu.memref_slice %arg4[%mul3A_5] : memref<320000xi32, #tpu.memory_space<hbm>> -> memref<10000xi32, #tpu.memory_space<hbm>>
    tpu.wait_dma2 semaphore(%arg24 : memref<!tpu.dma_semaphore, #tpu.memory_space<semaphore_mem>>) src(%dma_wait3A_258 : memref<10000xi32, #tpu.memory_space<hbm>>) dst(%arg7 : memref<10000xi32, #tpu.memory_space<vmem>>)
    %dma_wait3A_259 = arith.constant 0 : i32
    %dma_wait3A_260 = tpu.memref_slice %arg34[%add3A_17, %dma_wait3A_259] : memref<10240x128xf32, #tpu.memory_space<vmem_shared>> -> memref<16x128xf32, #tpu.memory_space<vmem_shared>>
    %dma_wait3A_261 = arith.constant 0 : i32
    %dma_wait3A_262 = tpu.memref_slice %arg34[%add3A_17, %dma_wait3A_261] : memref<10240x128xf32, #tpu.memory_space<vmem_shared>> -> memref<16x128xf32, #tpu.memory_space<vmem_shared>>
    tpu.wait_dma2 semaphore(%arg25 : memref<!tpu.dma_semaphore, #tpu.memory_space<semaphore_mem>>) src(%arg33 : memref<16x128xf32, #tpu.memory_space<vmem>>) dst(%dma_wait3A_262 : memref<16x128xf32, #tpu.memory_space<vmem_shared>>)
    %dma_wait3A_263 = arith.constant 0 : i32
    %dma_wait3A_264 = tpu.memref_slice %arg34[%add3A_23, %dma_wait3A_263] : memref<10240x128xf32, #tpu.memory_space<vmem_shared>> -> memref<16x128xf32, #tpu.memory_space<vmem_shared>>
    %dma_wait3A_265 = arith.constant 0 : i32
    %dma_wait3A_266 = tpu.memref_slice %arg34[%add3A_23, %dma_wait3A_265] : memref<10240x128xf32, #tpu.memory_space<vmem_shared>> -> memref<16x128xf32, #tpu.memory_space<vmem_shared>>
    tpu.wait_dma2 semaphore(%arg26 : memref<!tpu.dma_semaphore, #tpu.memory_space<semaphore_mem>>) src(%arg33 : memref<16x128xf32, #tpu.memory_space<vmem>>) dst(%dma_wait3A_266 : memref<16x128xf32, #tpu.memory_space<vmem_shared>>)
    %dma_wait3A_267 = arith.constant 0 : i32
    %dma_wait3A_268 = tpu.memref_slice %arg34[%add3A_29, %dma_wait3A_267] : memref<10240x128xf32, #tpu.memory_space<vmem_shared>> -> memref<16x128xf32, #tpu.memory_space<vmem_shared>>
    %dma_wait3A_269 = arith.constant 0 : i32
    %dma_wait3A_270 = tpu.memref_slice %arg34[%add3A_29, %dma_wait3A_269] : memref<10240x128xf32, #tpu.memory_space<vmem_shared>> -> memref<16x128xf32, #tpu.memory_space<vmem_shared>>
    tpu.wait_dma2 semaphore(%arg27 : memref<!tpu.dma_semaphore, #tpu.memory_space<semaphore_mem>>) src(%arg33 : memref<16x128xf32, #tpu.memory_space<vmem>>) dst(%dma_wait3A_270 : memref<16x128xf32, #tpu.memory_space<vmem_shared>>)
    %dma_wait3A_271 = arith.constant 0 : i32
    %dma_wait3A_272 = tpu.memref_slice %arg34[%add3A_35, %dma_wait3A_271] : memref<10240x128xf32, #tpu.memory_space<vmem_shared>> -> memref<16x128xf32, #tpu.memory_space<vmem_shared>>
    %dma_wait3A_273 = arith.constant 0 : i32
    %dma_wait3A_274 = tpu.memref_slice %arg34[%add3A_35, %dma_wait3A_273] : memref<10240x128xf32, #tpu.memory_space<vmem_shared>> -> memref<16x128xf32, #tpu.memory_space<vmem_shared>>
    tpu.wait_dma2 semaphore(%arg28 : memref<!tpu.dma_semaphore, #tpu.memory_space<semaphore_mem>>) src(%arg33 : memref<16x128xf32, #tpu.memory_space<vmem>>) dst(%dma_wait3A_274 : memref<16x128xf32, #tpu.memory_space<vmem_shared>>)
    %dma_wait3A_275 = arith.constant 0 : i32
    %dma_wait3A_276 = tpu.memref_slice %arg34[%add3A_41, %dma_wait3A_275] : memref<10240x128xf32, #tpu.memory_space<vmem_shared>> -> memref<16x128xf32, #tpu.memory_space<vmem_shared>>
    %dma_wait3A_277 = arith.constant 0 : i32
    %dma_wait3A_278 = tpu.memref_slice %arg34[%add3A_41, %dma_wait3A_277] : memref<10240x128xf32, #tpu.memory_space<vmem_shared>> -> memref<16x128xf32, #tpu.memory_space<vmem_shared>>
    tpu.wait_dma2 semaphore(%arg29 : memref<!tpu.dma_semaphore, #tpu.memory_space<semaphore_mem>>) src(%arg33 : memref<16x128xf32, #tpu.memory_space<vmem>>) dst(%dma_wait3A_278 : memref<16x128xf32, #tpu.memory_space<vmem_shared>>)
    %dma_wait3A_279 = arith.constant 0 : i32
    %dma_wait3A_280 = tpu.memref_slice %arg34[%add3A_47, %dma_wait3A_279] : memref<10240x128xf32, #tpu.memory_space<vmem_shared>> -> memref<16x128xf32, #tpu.memory_space<vmem_shared>>
    %dma_wait3A_281 = arith.constant 0 : i32
    %dma_wait3A_282 = tpu.memref_slice %arg34[%add3A_47, %dma_wait3A_281] : memref<10240x128xf32, #tpu.memory_space<vmem_shared>> -> memref<16x128xf32, #tpu.memory_space<vmem_shared>>
    tpu.wait_dma2 semaphore(%arg30 : memref<!tpu.dma_semaphore, #tpu.memory_space<semaphore_mem>>) src(%arg33 : memref<16x128xf32, #tpu.memory_space<vmem>>) dst(%dma_wait3A_282 : memref<16x128xf32, #tpu.memory_space<vmem_shared>>)
    %dma_wait3A_283 = arith.constant 0 : i32
    %dma_wait3A_284 = tpu.memref_slice %arg34[%add3A_53, %dma_wait3A_283] : memref<10240x128xf32, #tpu.memory_space<vmem_shared>> -> memref<16x128xf32, #tpu.memory_space<vmem_shared>>
    %dma_wait3A_285 = arith.constant 0 : i32
    %dma_wait3A_286 = tpu.memref_slice %arg34[%add3A_53, %dma_wait3A_285] : memref<10240x128xf32, #tpu.memory_space<vmem_shared>> -> memref<16x128xf32, #tpu.memory_space<vmem_shared>>
    tpu.wait_dma2 semaphore(%arg31 : memref<!tpu.dma_semaphore, #tpu.memory_space<semaphore_mem>>) src(%arg33 : memref<16x128xf32, #tpu.memory_space<vmem>>) dst(%dma_wait3A_286 : memref<16x128xf32, #tpu.memory_space<vmem_shared>>)
    %dma_wait3A_287 = arith.constant 0 : i32
    %dma_wait3A_288 = tpu.memref_slice %arg34[%add3A_59, %dma_wait3A_287] : memref<10240x128xf32, #tpu.memory_space<vmem_shared>> -> memref<16x128xf32, #tpu.memory_space<vmem_shared>>
    %dma_wait3A_289 = arith.constant 0 : i32
    %dma_wait3A_290 = tpu.memref_slice %arg34[%add3A_59, %dma_wait3A_289] : memref<10240x128xf32, #tpu.memory_space<vmem_shared>> -> memref<16x128xf32, #tpu.memory_space<vmem_shared>>
    tpu.wait_dma2 semaphore(%arg32 : memref<!tpu.dma_semaphore, #tpu.memory_space<semaphore_mem>>) src(%arg33 : memref<16x128xf32, #tpu.memory_space<vmem>>) dst(%dma_wait3A_290 : memref<16x128xf32, #tpu.memory_space<vmem_shared>>)
    %dma_wait3A_291 = arith.constant 0 : i32
    %dma_wait3A_292 = tpu.memref_slice %arg34[%add3A_65, %dma_wait3A_291] : memref<10240x128xf32, #tpu.memory_space<vmem_shared>> -> memref<16x128xf32, #tpu.memory_space<vmem_shared>>
    %dma_wait3A_293 = arith.constant 0 : i32
    %dma_wait3A_294 = tpu.memref_slice %arg34[%add3A_65, %dma_wait3A_293] : memref<10240x128xf32, #tpu.memory_space<vmem_shared>> -> memref<16x128xf32, #tpu.memory_space<vmem_shared>>
    tpu.wait_dma2 semaphore(%arg25 : memref<!tpu.dma_semaphore, #tpu.memory_space<semaphore_mem>>) src(%arg33 : memref<16x128xf32, #tpu.memory_space<vmem>>) dst(%dma_wait3A_294 : memref<16x128xf32, #tpu.memory_space<vmem_shared>>)
    %dma_wait3A_295 = arith.constant 0 : i32
    %dma_wait3A_296 = tpu.memref_slice %arg34[%add3A_71, %dma_wait3A_295] : memref<10240x128xf32, #tpu.memory_space<vmem_shared>> -> memref<16x128xf32, #tpu.memory_space<vmem_shared>>
    %dma_wait3A_297 = arith.constant 0 : i32
    %dma_wait3A_298 = tpu.memref_slice %arg34[%add3A_71, %dma_wait3A_297] : memref<10240x128xf32, #tpu.memory_space<vmem_shared>> -> memref<16x128xf32, #tpu.memory_space<vmem_shared>>
    tpu.wait_dma2 semaphore(%arg26 : memref<!tpu.dma_semaphore, #tpu.memory_space<semaphore_mem>>) src(%arg33 : memref<16x128xf32, #tpu.memory_space<vmem>>) dst(%dma_wait3A_298 : memref<16x128xf32, #tpu.memory_space<vmem_shared>>)
    %dma_wait3A_299 = arith.constant 0 : i32
    %dma_wait3A_300 = tpu.memref_slice %arg34[%add3A_77, %dma_wait3A_299] : memref<10240x128xf32, #tpu.memory_space<vmem_shared>> -> memref<16x128xf32, #tpu.memory_space<vmem_shared>>
    %dma_wait3A_301 = arith.constant 0 : i32
    %dma_wait3A_302 = tpu.memref_slice %arg34[%add3A_77, %dma_wait3A_301] : memref<10240x128xf32, #tpu.memory_space<vmem_shared>> -> memref<16x128xf32, #tpu.memory_space<vmem_shared>>
    tpu.wait_dma2 semaphore(%arg27 : memref<!tpu.dma_semaphore, #tpu.memory_space<semaphore_mem>>) src(%arg33 : memref<16x128xf32, #tpu.memory_space<vmem>>) dst(%dma_wait3A_302 : memref<16x128xf32, #tpu.memory_space<vmem_shared>>)
    %dma_wait3A_303 = arith.constant 0 : i32
    %dma_wait3A_304 = tpu.memref_slice %arg34[%add3A_83, %dma_wait3A_303] : memref<10240x128xf32, #tpu.memory_space<vmem_shared>> -> memref<16x128xf32, #tpu.memory_space<vmem_shared>>
    %dma_wait3A_305 = arith.constant 0 : i32
    %dma_wait3A_306 = tpu.memref_slice %arg34[%add3A_83, %dma_wait3A_305] : memref<10240x128xf32, #tpu.memory_space<vmem_shared>> -> memref<16x128xf32, #tpu.memory_space<vmem_shared>>
    tpu.wait_dma2 semaphore(%arg28 : memref<!tpu.dma_semaphore, #tpu.memory_space<semaphore_mem>>) src(%arg33 : memref<16x128xf32, #tpu.memory_space<vmem>>) dst(%dma_wait3A_306 : memref<16x128xf32, #tpu.memory_space<vmem_shared>>)
    %dma_wait3A_307 = arith.constant 0 : i32
    %dma_wait3A_308 = tpu.memref_slice %arg34[%add3A_89, %dma_wait3A_307] : memref<10240x128xf32, #tpu.memory_space<vmem_shared>> -> memref<16x128xf32, #tpu.memory_space<vmem_shared>>
    %dma_wait3A_309 = arith.constant 0 : i32
    %dma_wait3A_310 = tpu.memref_slice %arg34[%add3A_89, %dma_wait3A_309] : memref<10240x128xf32, #tpu.memory_space<vmem_shared>> -> memref<16x128xf32, #tpu.memory_space<vmem_shared>>
    tpu.wait_dma2 semaphore(%arg29 : memref<!tpu.dma_semaphore, #tpu.memory_space<semaphore_mem>>) src(%arg33 : memref<16x128xf32, #tpu.memory_space<vmem>>) dst(%dma_wait3A_310 : memref<16x128xf32, #tpu.memory_space<vmem_shared>>)
    %dma_wait3A_311 = arith.constant 0 : i32
    %dma_wait3A_312 = tpu.memref_slice %arg34[%add3A_95, %dma_wait3A_311] : memref<10240x128xf32, #tpu.memory_space<vmem_shared>> -> memref<16x128xf32, #tpu.memory_space<vmem_shared>>
    %dma_wait3A_313 = arith.constant 0 : i32
    %dma_wait3A_314 = tpu.memref_slice %arg34[%add3A_95, %dma_wait3A_313] : memref<10240x128xf32, #tpu.memory_space<vmem_shared>> -> memref<16x128xf32, #tpu.memory_space<vmem_shared>>
    tpu.wait_dma2 semaphore(%arg30 : memref<!tpu.dma_semaphore, #tpu.memory_space<semaphore_mem>>) src(%arg33 : memref<16x128xf32, #tpu.memory_space<vmem>>) dst(%dma_wait3A_314 : memref<16x128xf32, #tpu.memory_space<vmem_shared>>)
    %dma_wait3A_315 = arith.constant 0 : i32
    %dma_wait3A_316 = tpu.memref_slice %arg34[%add3A_101, %dma_wait3A_315] : memref<10240x128xf32, #tpu.memory_space<vmem_shared>> -> memref<16x128xf32, #tpu.memory_space<vmem_shared>>
    %dma_wait3A_317 = arith.constant 0 : i32
    %dma_wait3A_318 = tpu.memref_slice %arg34[%add3A_101, %dma_wait3A_317] : memref<10240x128xf32, #tpu.memory_space<vmem_shared>> -> memref<16x128xf32, #tpu.memory_space<vmem_shared>>
    tpu.wait_dma2 semaphore(%arg31 : memref<!tpu.dma_semaphore, #tpu.memory_space<semaphore_mem>>) src(%arg33 : memref<16x128xf32, #tpu.memory_space<vmem>>) dst(%dma_wait3A_318 : memref<16x128xf32, #tpu.memory_space<vmem_shared>>)
    %dma_wait3A_319 = arith.constant 0 : i32
    %dma_wait3A_320 = tpu.memref_slice %arg34[%add3A_107, %dma_wait3A_319] : memref<10240x128xf32, #tpu.memory_space<vmem_shared>> -> memref<16x128xf32, #tpu.memory_space<vmem_shared>>
    %dma_wait3A_321 = arith.constant 0 : i32
    %dma_wait3A_322 = tpu.memref_slice %arg34[%add3A_107, %dma_wait3A_321] : memref<10240x128xf32, #tpu.memory_space<vmem_shared>> -> memref<16x128xf32, #tpu.memory_space<vmem_shared>>
    tpu.wait_dma2 semaphore(%arg32 : memref<!tpu.dma_semaphore, #tpu.memory_space<semaphore_mem>>) src(%arg33 : memref<16x128xf32, #tpu.memory_space<vmem>>) dst(%dma_wait3A_322 : memref<16x128xf32, #tpu.memory_space<vmem_shared>>)
    %dma_wait3A_323 = arith.constant 0 : i32
    %dma_wait3A_324 = tpu.memref_slice %arg34[%add3A_113, %dma_wait3A_323] : memref<10240x128xf32, #tpu.memory_space<vmem_shared>> -> memref<16x128xf32, #tpu.memory_space<vmem_shared>>
    %dma_wait3A_325 = arith.constant 0 : i32
    %dma_wait3A_326 = tpu.memref_slice %arg34[%add3A_113, %dma_wait3A_325] : memref<10240x128xf32, #tpu.memory_space<vmem_shared>> -> memref<16x128xf32, #tpu.memory_space<vmem_shared>>
    tpu.wait_dma2 semaphore(%arg25 : memref<!tpu.dma_semaphore, #tpu.memory_space<semaphore_mem>>) src(%arg33 : memref<16x128xf32, #tpu.memory_space<vmem>>) dst(%dma_wait3A_326 : memref<16x128xf32, #tpu.memory_space<vmem_shared>>)
    %dma_wait3A_327 = arith.constant 0 : i32
    %dma_wait3A_328 = tpu.memref_slice %arg34[%add3A_119, %dma_wait3A_327] : memref<10240x128xf32, #tpu.memory_space<vmem_shared>> -> memref<16x128xf32, #tpu.memory_space<vmem_shared>>
    %dma_wait3A_329 = arith.constant 0 : i32
    %dma_wait3A_330 = tpu.memref_slice %arg34[%add3A_119, %dma_wait3A_329] : memref<10240x128xf32, #tpu.memory_space<vmem_shared>> -> memref<16x128xf32, #tpu.memory_space<vmem_shared>>
    tpu.wait_dma2 semaphore(%arg26 : memref<!tpu.dma_semaphore, #tpu.memory_space<semaphore_mem>>) src(%arg33 : memref<16x128xf32, #tpu.memory_space<vmem>>) dst(%dma_wait3A_330 : memref<16x128xf32, #tpu.memory_space<vmem_shared>>)
    %dma_wait3A_331 = arith.constant 0 : i32
    %dma_wait3A_332 = tpu.memref_slice %arg34[%add3A_125, %dma_wait3A_331] : memref<10240x128xf32, #tpu.memory_space<vmem_shared>> -> memref<16x128xf32, #tpu.memory_space<vmem_shared>>
    %dma_wait3A_333 = arith.constant 0 : i32
    %dma_wait3A_334 = tpu.memref_slice %arg34[%add3A_125, %dma_wait3A_333] : memref<10240x128xf32, #tpu.memory_space<vmem_shared>> -> memref<16x128xf32, #tpu.memory_space<vmem_shared>>
    tpu.wait_dma2 semaphore(%arg27 : memref<!tpu.dma_semaphore, #tpu.memory_space<semaphore_mem>>) src(%arg33 : memref<16x128xf32, #tpu.memory_space<vmem>>) dst(%dma_wait3A_334 : memref<16x128xf32, #tpu.memory_space<vmem_shared>>)
    %dma_wait3A_335 = arith.constant 0 : i32
    %dma_wait3A_336 = tpu.memref_slice %arg34[%add3A_131, %dma_wait3A_335] : memref<10240x128xf32, #tpu.memory_space<vmem_shared>> -> memref<16x128xf32, #tpu.memory_space<vmem_shared>>
    %dma_wait3A_337 = arith.constant 0 : i32
    %dma_wait3A_338 = tpu.memref_slice %arg34[%add3A_131, %dma_wait3A_337] : memref<10240x128xf32, #tpu.memory_space<vmem_shared>> -> memref<16x128xf32, #tpu.memory_space<vmem_shared>>
    tpu.wait_dma2 semaphore(%arg28 : memref<!tpu.dma_semaphore, #tpu.memory_space<semaphore_mem>>) src(%arg33 : memref<16x128xf32, #tpu.memory_space<vmem>>) dst(%dma_wait3A_338 : memref<16x128xf32, #tpu.memory_space<vmem_shared>>)
    %dma_wait3A_339 = arith.constant 0 : i32
    %dma_wait3A_340 = tpu.memref_slice %arg34[%add3A_137, %dma_wait3A_339] : memref<10240x128xf32, #tpu.memory_space<vmem_shared>> -> memref<16x128xf32, #tpu.memory_space<vmem_shared>>
    %dma_wait3A_341 = arith.constant 0 : i32
    %dma_wait3A_342 = tpu.memref_slice %arg34[%add3A_137, %dma_wait3A_341] : memref<10240x128xf32, #tpu.memory_space<vmem_shared>> -> memref<16x128xf32, #tpu.memory_space<vmem_shared>>
    tpu.wait_dma2 semaphore(%arg29 : memref<!tpu.dma_semaphore, #tpu.memory_space<semaphore_mem>>) src(%arg33 : memref<16x128xf32, #tpu.memory_space<vmem>>) dst(%dma_wait3A_342 : memref<16x128xf32, #tpu.memory_space<vmem_shared>>)
    %dma_wait3A_343 = arith.constant 0 : i32
    %dma_wait3A_344 = tpu.memref_slice %arg34[%add3A_143, %dma_wait3A_343] : memref<10240x128xf32, #tpu.memory_space<vmem_shared>> -> memref<16x128xf32, #tpu.memory_space<vmem_shared>>
    %dma_wait3A_345 = arith.constant 0 : i32
    %dma_wait3A_346 = tpu.memref_slice %arg34[%add3A_143, %dma_wait3A_345] : memref<10240x128xf32, #tpu.memory_space<vmem_shared>> -> memref<16x128xf32, #tpu.memory_space<vmem_shared>>
    tpu.wait_dma2 semaphore(%arg30 : memref<!tpu.dma_semaphore, #tpu.memory_space<semaphore_mem>>) src(%arg33 : memref<16x128xf32, #tpu.memory_space<vmem>>) dst(%dma_wait3A_346 : memref<16x128xf32, #tpu.memory_space<vmem_shared>>)
    %dma_wait3A_347 = arith.constant 0 : i32
    %dma_wait3A_348 = tpu.memref_slice %arg34[%add3A_149, %dma_wait3A_347] : memref<10240x128xf32, #tpu.memory_space<vmem_shared>> -> memref<16x128xf32, #tpu.memory_space<vmem_shared>>
    %dma_wait3A_349 = arith.constant 0 : i32
    %dma_wait3A_350 = tpu.memref_slice %arg34[%add3A_149, %dma_wait3A_349] : memref<10240x128xf32, #tpu.memory_space<vmem_shared>> -> memref<16x128xf32, #tpu.memory_space<vmem_shared>>
    tpu.wait_dma2 semaphore(%arg31 : memref<!tpu.dma_semaphore, #tpu.memory_space<semaphore_mem>>) src(%arg33 : memref<16x128xf32, #tpu.memory_space<vmem>>) dst(%dma_wait3A_350 : memref<16x128xf32, #tpu.memory_space<vmem_shared>>)
    %dma_wait3A_351 = arith.constant 0 : i32
    %dma_wait3A_352 = tpu.memref_slice %arg34[%add3A_155, %dma_wait3A_351] : memref<10240x128xf32, #tpu.memory_space<vmem_shared>> -> memref<16x128xf32, #tpu.memory_space<vmem_shared>>
    %dma_wait3A_353 = arith.constant 0 : i32
    %dma_wait3A_354 = tpu.memref_slice %arg34[%add3A_155, %dma_wait3A_353] : memref<10240x128xf32, #tpu.memory_space<vmem_shared>> -> memref<16x128xf32, #tpu.memory_space<vmem_shared>>
    tpu.wait_dma2 semaphore(%arg32 : memref<!tpu.dma_semaphore, #tpu.memory_space<semaphore_mem>>) src(%arg33 : memref<16x128xf32, #tpu.memory_space<vmem>>) dst(%dma_wait3A_354 : memref<16x128xf32, #tpu.memory_space<vmem_shared>>)
    %dma_wait3A_355 = arith.constant 0 : i32
    %dma_wait3A_356 = tpu.memref_slice %arg34[%add3A_161, %dma_wait3A_355] : memref<10240x128xf32, #tpu.memory_space<vmem_shared>> -> memref<16x128xf32, #tpu.memory_space<vmem_shared>>
    %dma_wait3A_357 = arith.constant 0 : i32
    %dma_wait3A_358 = tpu.memref_slice %arg34[%add3A_161, %dma_wait3A_357] : memref<10240x128xf32, #tpu.memory_space<vmem_shared>> -> memref<16x128xf32, #tpu.memory_space<vmem_shared>>
    tpu.wait_dma2 semaphore(%arg25 : memref<!tpu.dma_semaphore, #tpu.memory_space<semaphore_mem>>) src(%arg33 : memref<16x128xf32, #tpu.memory_space<vmem>>) dst(%dma_wait3A_358 : memref<16x128xf32, #tpu.memory_space<vmem_shared>>)
    %dma_wait3A_359 = arith.constant 0 : i32
    %dma_wait3A_360 = tpu.memref_slice %arg34[%add3A_167, %dma_wait3A_359] : memref<10240x128xf32, #tpu.memory_space<vmem_shared>> -> memref<16x128xf32, #tpu.memory_space<vmem_shared>>
    %dma_wait3A_361 = arith.constant 0 : i32
    %dma_wait3A_362 = tpu.memref_slice %arg34[%add3A_167, %dma_wait3A_361] : memref<10240x128xf32, #tpu.memory_space<vmem_shared>> -> memref<16x128xf32, #tpu.memory_space<vmem_shared>>
    tpu.wait_dma2 semaphore(%arg26 : memref<!tpu.dma_semaphore, #tpu.memory_space<semaphore_mem>>) src(%arg33 : memref<16x128xf32, #tpu.memory_space<vmem>>) dst(%dma_wait3A_362 : memref<16x128xf32, #tpu.memory_space<vmem_shared>>)
    %dma_wait3A_363 = arith.constant 0 : i32
    %dma_wait3A_364 = tpu.memref_slice %arg34[%add3A_173, %dma_wait3A_363] : memref<10240x128xf32, #tpu.memory_space<vmem_shared>> -> memref<16x128xf32, #tpu.memory_space<vmem_shared>>
    %dma_wait3A_365 = arith.constant 0 : i32
    %dma_wait3A_366 = tpu.memref_slice %arg34[%add3A_173, %dma_wait3A_365] : memref<10240x128xf32, #tpu.memory_space<vmem_shared>> -> memref<16x128xf32, #tpu.memory_space<vmem_shared>>
    tpu.wait_dma2 semaphore(%arg27 : memref<!tpu.dma_semaphore, #tpu.memory_space<semaphore_mem>>) src(%arg33 : memref<16x128xf32, #tpu.memory_space<vmem>>) dst(%dma_wait3A_366 : memref<16x128xf32, #tpu.memory_space<vmem_shared>>)
    %dma_wait3A_367 = arith.constant 0 : i32
    %dma_wait3A_368 = tpu.memref_slice %arg34[%add3A_179, %dma_wait3A_367] : memref<10240x128xf32, #tpu.memory_space<vmem_shared>> -> memref<16x128xf32, #tpu.memory_space<vmem_shared>>
    %dma_wait3A_369 = arith.constant 0 : i32
    %dma_wait3A_370 = tpu.memref_slice %arg34[%add3A_179, %dma_wait3A_369] : memref<10240x128xf32, #tpu.memory_space<vmem_shared>> -> memref<16x128xf32, #tpu.memory_space<vmem_shared>>
    tpu.wait_dma2 semaphore(%arg28 : memref<!tpu.dma_semaphore, #tpu.memory_space<semaphore_mem>>) src(%arg33 : memref<16x128xf32, #tpu.memory_space<vmem>>) dst(%dma_wait3A_370 : memref<16x128xf32, #tpu.memory_space<vmem_shared>>)
    %dma_wait3A_371 = arith.constant 0 : i32
    %dma_wait3A_372 = tpu.memref_slice %arg34[%add3A_185, %dma_wait3A_371] : memref<10240x128xf32, #tpu.memory_space<vmem_shared>> -> memref<16x128xf32, #tpu.memory_space<vmem_shared>>
    %dma_wait3A_373 = arith.constant 0 : i32
    %dma_wait3A_374 = tpu.memref_slice %arg34[%add3A_185, %dma_wait3A_373] : memref<10240x128xf32, #tpu.memory_space<vmem_shared>> -> memref<16x128xf32, #tpu.memory_space<vmem_shared>>
    tpu.wait_dma2 semaphore(%arg29 : memref<!tpu.dma_semaphore, #tpu.memory_space<semaphore_mem>>) src(%arg33 : memref<16x128xf32, #tpu.memory_space<vmem>>) dst(%dma_wait3A_374 : memref<16x128xf32, #tpu.memory_space<vmem_shared>>)
    %dma_wait3A_375 = arith.constant 0 : i32
    %dma_wait3A_376 = tpu.memref_slice %arg34[%add3A_191, %dma_wait3A_375] : memref<10240x128xf32, #tpu.memory_space<vmem_shared>> -> memref<16x128xf32, #tpu.memory_space<vmem_shared>>
    %dma_wait3A_377 = arith.constant 0 : i32
    %dma_wait3A_378 = tpu.memref_slice %arg34[%add3A_191, %dma_wait3A_377] : memref<10240x128xf32, #tpu.memory_space<vmem_shared>> -> memref<16x128xf32, #tpu.memory_space<vmem_shared>>
    tpu.wait_dma2 semaphore(%arg30 : memref<!tpu.dma_semaphore, #tpu.memory_space<semaphore_mem>>) src(%arg33 : memref<16x128xf32, #tpu.memory_space<vmem>>) dst(%dma_wait3A_378 : memref<16x128xf32, #tpu.memory_space<vmem_shared>>)
    %dma_wait3A_379 = arith.constant 0 : i32
    %dma_wait3A_380 = tpu.memref_slice %arg34[%add3A_197, %dma_wait3A_379] : memref<10240x128xf32, #tpu.memory_space<vmem_shared>> -> memref<16x128xf32, #tpu.memory_space<vmem_shared>>
    %dma_wait3A_381 = arith.constant 0 : i32
    %dma_wait3A_382 = tpu.memref_slice %arg34[%add3A_197, %dma_wait3A_381] : memref<10240x128xf32, #tpu.memory_space<vmem_shared>> -> memref<16x128xf32, #tpu.memory_space<vmem_shared>>
    tpu.wait_dma2 semaphore(%arg31 : memref<!tpu.dma_semaphore, #tpu.memory_space<semaphore_mem>>) src(%arg33 : memref<16x128xf32, #tpu.memory_space<vmem>>) dst(%dma_wait3A_382 : memref<16x128xf32, #tpu.memory_space<vmem_shared>>)
    %dma_wait3A_383 = arith.constant 0 : i32
    %dma_wait3A_384 = tpu.memref_slice %arg34[%add3A_203, %dma_wait3A_383] : memref<10240x128xf32, #tpu.memory_space<vmem_shared>> -> memref<16x128xf32, #tpu.memory_space<vmem_shared>>
    %dma_wait3A_385 = arith.constant 0 : i32
    %dma_wait3A_386 = tpu.memref_slice %arg34[%add3A_203, %dma_wait3A_385] : memref<10240x128xf32, #tpu.memory_space<vmem_shared>> -> memref<16x128xf32, #tpu.memory_space<vmem_shared>>
    tpu.wait_dma2 semaphore(%arg32 : memref<!tpu.dma_semaphore, #tpu.memory_space<semaphore_mem>>) src(%arg33 : memref<16x128xf32, #tpu.memory_space<vmem>>) dst(%dma_wait3A_386 : memref<16x128xf32, #tpu.memory_space<vmem_shared>>)
    %dma_wait3A_387 = arith.constant 0 : i32
    %dma_wait3A_388 = tpu.memref_slice %arg34[%add3A_209, %dma_wait3A_387] : memref<10240x128xf32, #tpu.memory_space<vmem_shared>> -> memref<16x128xf32, #tpu.memory_space<vmem_shared>>
    %dma_wait3A_389 = arith.constant 0 : i32
    %dma_wait3A_390 = tpu.memref_slice %arg34[%add3A_209, %dma_wait3A_389] : memref<10240x128xf32, #tpu.memory_space<vmem_shared>> -> memref<16x128xf32, #tpu.memory_space<vmem_shared>>
    tpu.wait_dma2 semaphore(%arg25 : memref<!tpu.dma_semaphore, #tpu.memory_space<semaphore_mem>>) src(%arg33 : memref<16x128xf32, #tpu.memory_space<vmem>>) dst(%dma_wait3A_390 : memref<16x128xf32, #tpu.memory_space<vmem_shared>>)
    %dma_wait3A_391 = arith.constant 0 : i32
    %dma_wait3A_392 = tpu.memref_slice %arg34[%add3A_215, %dma_wait3A_391] : memref<10240x128xf32, #tpu.memory_space<vmem_shared>> -> memref<16x128xf32, #tpu.memory_space<vmem_shared>>
    %dma_wait3A_393 = arith.constant 0 : i32
    %dma_wait3A_394 = tpu.memref_slice %arg34[%add3A_215, %dma_wait3A_393] : memref<10240x128xf32, #tpu.memory_space<vmem_shared>> -> memref<16x128xf32, #tpu.memory_space<vmem_shared>>
    tpu.wait_dma2 semaphore(%arg26 : memref<!tpu.dma_semaphore, #tpu.memory_space<semaphore_mem>>) src(%arg33 : memref<16x128xf32, #tpu.memory_space<vmem>>) dst(%dma_wait3A_394 : memref<16x128xf32, #tpu.memory_space<vmem_shared>>)
    %dma_wait3A_395 = arith.constant 0 : i32
    %dma_wait3A_396 = tpu.memref_slice %arg34[%add3A_221, %dma_wait3A_395] : memref<10240x128xf32, #tpu.memory_space<vmem_shared>> -> memref<16x128xf32, #tpu.memory_space<vmem_shared>>
    %dma_wait3A_397 = arith.constant 0 : i32
    %dma_wait3A_398 = tpu.memref_slice %arg34[%add3A_221, %dma_wait3A_397] : memref<10240x128xf32, #tpu.memory_space<vmem_shared>> -> memref<16x128xf32, #tpu.memory_space<vmem_shared>>
    tpu.wait_dma2 semaphore(%arg27 : memref<!tpu.dma_semaphore, #tpu.memory_space<semaphore_mem>>) src(%arg33 : memref<16x128xf32, #tpu.memory_space<vmem>>) dst(%dma_wait3A_398 : memref<16x128xf32, #tpu.memory_space<vmem_shared>>)
    %dma_wait3A_399 = arith.constant 0 : i32
    %dma_wait3A_400 = tpu.memref_slice %arg34[%add3A_227, %dma_wait3A_399] : memref<10240x128xf32, #tpu.memory_space<vmem_shared>> -> memref<16x128xf32, #tpu.memory_space<vmem_shared>>
    %dma_wait3A_401 = arith.constant 0 : i32
    %dma_wait3A_402 = tpu.memref_slice %arg34[%add3A_227, %dma_wait3A_401] : memref<10240x128xf32, #tpu.memory_space<vmem_shared>> -> memref<16x128xf32, #tpu.memory_space<vmem_shared>>
    tpu.wait_dma2 semaphore(%arg28 : memref<!tpu.dma_semaphore, #tpu.memory_space<semaphore_mem>>) src(%arg33 : memref<16x128xf32, #tpu.memory_space<vmem>>) dst(%dma_wait3A_402 : memref<16x128xf32, #tpu.memory_space<vmem_shared>>)
    %dma_wait3A_403 = arith.constant 0 : i32
    %dma_wait3A_404 = tpu.memref_slice %arg34[%add3A_233, %dma_wait3A_403] : memref<10240x128xf32, #tpu.memory_space<vmem_shared>> -> memref<16x128xf32, #tpu.memory_space<vmem_shared>>
    %dma_wait3A_405 = arith.constant 0 : i32
    %dma_wait3A_406 = tpu.memref_slice %arg34[%add3A_233, %dma_wait3A_405] : memref<10240x128xf32, #tpu.memory_space<vmem_shared>> -> memref<16x128xf32, #tpu.memory_space<vmem_shared>>
    tpu.wait_dma2 semaphore(%arg29 : memref<!tpu.dma_semaphore, #tpu.memory_space<semaphore_mem>>) src(%arg33 : memref<16x128xf32, #tpu.memory_space<vmem>>) dst(%dma_wait3A_406 : memref<16x128xf32, #tpu.memory_space<vmem_shared>>)
    %dma_wait3A_407 = arith.constant 0 : i32
    %dma_wait3A_408 = tpu.memref_slice %arg34[%add3A_239, %dma_wait3A_407] : memref<10240x128xf32, #tpu.memory_space<vmem_shared>> -> memref<16x128xf32, #tpu.memory_space<vmem_shared>>
    %dma_wait3A_409 = arith.constant 0 : i32
    %dma_wait3A_410 = tpu.memref_slice %arg34[%add3A_239, %dma_wait3A_409] : memref<10240x128xf32, #tpu.memory_space<vmem_shared>> -> memref<16x128xf32, #tpu.memory_space<vmem_shared>>
    tpu.wait_dma2 semaphore(%arg30 : memref<!tpu.dma_semaphore, #tpu.memory_space<semaphore_mem>>) src(%arg33 : memref<16x128xf32, #tpu.memory_space<vmem>>) dst(%dma_wait3A_410 : memref<16x128xf32, #tpu.memory_space<vmem_shared>>)
    %dma_wait3A_411 = arith.constant 0 : i32
    %dma_wait3A_412 = tpu.memref_slice %arg34[%add3A_245, %dma_wait3A_411] : memref<10240x128xf32, #tpu.memory_space<vmem_shared>> -> memref<16x128xf32, #tpu.memory_space<vmem_shared>>
    %dma_wait3A_413 = arith.constant 0 : i32
    %dma_wait3A_414 = tpu.memref_slice %arg34[%add3A_245, %dma_wait3A_413] : memref<10240x128xf32, #tpu.memory_space<vmem_shared>> -> memref<16x128xf32, #tpu.memory_space<vmem_shared>>
    tpu.wait_dma2 semaphore(%arg31 : memref<!tpu.dma_semaphore, #tpu.memory_space<semaphore_mem>>) src(%arg33 : memref<16x128xf32, #tpu.memory_space<vmem>>) dst(%dma_wait3A_414 : memref<16x128xf32, #tpu.memory_space<vmem_shared>>)
    %dma_wait3A_415 = arith.constant 0 : i32
    %dma_wait3A_416 = tpu.memref_slice %arg34[%add3A_251, %dma_wait3A_415] : memref<10240x128xf32, #tpu.memory_space<vmem_shared>> -> memref<16x128xf32, #tpu.memory_space<vmem_shared>>
    %dma_wait3A_417 = arith.constant 0 : i32
    %dma_wait3A_418 = tpu.memref_slice %arg34[%add3A_251, %dma_wait3A_417] : memref<10240x128xf32, #tpu.memory_space<vmem_shared>> -> memref<16x128xf32, #tpu.memory_space<vmem_shared>>
    tpu.wait_dma2 semaphore(%arg32 : memref<!tpu.dma_semaphore, #tpu.memory_space<semaphore_mem>>) src(%arg33 : memref<16x128xf32, #tpu.memory_space<vmem>>) dst(%dma_wait3A_418 : memref<16x128xf32, #tpu.memory_space<vmem_shared>>)
    %barrier3A = arith.constant 0 : index
    tpu.barrier barrier_id(%barrier3A)
    %dma_start3A_419 = arith.constant 0 : i32
    %dma_start3A_420 = tpu.memref_slice %arg6[%dma_start3A_419] : memref<10000xi32, #tpu.memory_space<vmem>> -> memref<40xi32, #tpu.memory_space<vmem>>
    %dma_start3A_421 = arith.constant 0 : i32
    %dma_start3A_422 = arith.constant 0 : i32
    %dma_start3A_423 = tpu.memref_slice %arg2[%dma_start3A_421, %dma_start3A_422] : memref<10000x128xf32, #tpu.memory_space<hbm>> -> memref<10000x128xf32, #tpu.memory_space<hbm>>
    tpu.enqueue_indirect_dma source(%dma_start3A_423 : memref<10000x128xf32, #tpu.memory_space<hbm>>) target(%arg8 : memref<40x128xf32, #tpu.memory_space<vmem>>) offsets(%dma_start3A_420 : memref<40xi32, #tpu.memory_space<vmem>>) semaphore(%arg13 : memref<!tpu.dma_semaphore, #tpu.memory_space<semaphore_mem>>)
    %dma_start3A_424 = arith.constant 40 : i32
    %dma_start3A_425 = tpu.memref_slice %arg6[%dma_start3A_424] : memref<10000xi32, #tpu.memory_space<vmem>> -> memref<40xi32, #tpu.memory_space<vmem>>
    %dma_start3A_426 = arith.constant 0 : i32
    %dma_start3A_427 = arith.constant 0 : i32
    %dma_start3A_428 = tpu.memref_slice %arg2[%dma_start3A_426, %dma_start3A_427] : memref<10000x128xf32, #tpu.memory_space<hbm>> -> memref<10000x128xf32, #tpu.memory_space<hbm>>
    tpu.enqueue_indirect_dma source(%dma_start3A_428 : memref<10000x128xf32, #tpu.memory_space<hbm>>) target(%arg9 : memref<40x128xf32, #tpu.memory_space<vmem>>) offsets(%dma_start3A_425 : memref<40xi32, #tpu.memory_space<vmem>>) semaphore(%arg14 : memref<!tpu.dma_semaphore, #tpu.memory_space<semaphore_mem>>)
    %dma_start3A_429 = arith.constant 80 : i32
    %dma_start3A_430 = tpu.memref_slice %arg6[%dma_start3A_429] : memref<10000xi32, #tpu.memory_space<vmem>> -> memref<40xi32, #tpu.memory_space<vmem>>
    %dma_start3A_431 = arith.constant 0 : i32
    %dma_start3A_432 = arith.constant 0 : i32
    %dma_start3A_433 = tpu.memref_slice %arg2[%dma_start3A_431, %dma_start3A_432] : memref<10000x128xf32, #tpu.memory_space<hbm>> -> memref<10000x128xf32, #tpu.memory_space<hbm>>
    tpu.enqueue_indirect_dma source(%dma_start3A_433 : memref<10000x128xf32, #tpu.memory_space<hbm>>) target(%arg10 : memref<40x128xf32, #tpu.memory_space<vmem>>) offsets(%dma_start3A_430 : memref<40xi32, #tpu.memory_space<vmem>>) semaphore(%arg15 : memref<!tpu.dma_semaphore, #tpu.memory_space<semaphore_mem>>)
    %dma_start3A_434 = arith.constant 120 : i32
    %dma_start3A_435 = tpu.memref_slice %arg6[%dma_start3A_434] : memref<10000xi32, #tpu.memory_space<vmem>> -> memref<40xi32, #tpu.memory_space<vmem>>
    %dma_start3A_436 = arith.constant 0 : i32
    %dma_start3A_437 = arith.constant 0 : i32
    %dma_start3A_438 = tpu.memref_slice %arg2[%dma_start3A_436, %dma_start3A_437] : memref<10000x128xf32, #tpu.memory_space<hbm>> -> memref<10000x128xf32, #tpu.memory_space<hbm>>
    tpu.enqueue_indirect_dma source(%dma_start3A_438 : memref<10000x128xf32, #tpu.memory_space<hbm>>) target(%arg11 : memref<40x128xf32, #tpu.memory_space<vmem>>) offsets(%dma_start3A_435 : memref<40xi32, #tpu.memory_space<vmem>>) semaphore(%arg16 : memref<!tpu.dma_semaphore, #tpu.memory_space<semaphore_mem>>)
    %dma_wait3A_439 = arith.constant 0 : i32
    %dma_wait3A_440 = arith.constant 0 : i32
    %dma_wait3A_441 = tpu.memref_slice %arg2[%dma_wait3A_439, %dma_wait3A_440] : memref<10000x128xf32, #tpu.memory_space<hbm>> -> memref<40x128xf32, #tpu.memory_space<hbm>>
    %dma_wait3A_442 = arith.constant 0 : i32
    %dma_wait3A_443 = arith.constant 0 : i32
    %dma_wait3A_444 = tpu.memref_slice %arg2[%dma_wait3A_442, %dma_wait3A_443] : memref<10000x128xf32, #tpu.memory_space<hbm>> -> memref<40x128xf32, #tpu.memory_space<hbm>>
    tpu.wait_dma2 semaphore(%arg13 : memref<!tpu.dma_semaphore, #tpu.memory_space<semaphore_mem>>) src(%dma_wait3A_444 : memref<40x128xf32, #tpu.memory_space<hbm>>) dst(%arg8 : memref<40x128xf32, #tpu.memory_space<vmem>>)
    %dma_start3A_445 = arith.constant 0 : i32
    %dma_start3A_446 = tpu.memref_slice %arg7[%dma_start3A_445] : memref<10000xi32, #tpu.memory_space<vmem>> -> memref<40xi32, #tpu.memory_space<vmem>>
    %dma_start3A_447 = arith.constant 0 : i32
    %dma_start3A_448 = arith.constant 0 : i32
    %dma_start3A_449 = tpu.memref_slice %arg34[%dma_start3A_447, %dma_start3A_448] : memref<10240x128xf32, #tpu.memory_space<vmem_shared>> -> memref<10240x128xf32, #tpu.memory_space<vmem_shared>>
    tpu.enqueue_indirect_dma source(%arg8 : memref<40x128xf32, #tpu.memory_space<vmem>>) target(%dma_start3A_449 : memref<10240x128xf32, #tpu.memory_space<vmem_shared>>) offsets(%dma_start3A_446 : memref<40xi32, #tpu.memory_space<vmem>>) semaphore(%arg18 : memref<!tpu.dma_semaphore, #tpu.memory_space<semaphore_mem>>) {add = true}
    %dma_start3A_450 = arith.constant 160 : i32
    %dma_start3A_451 = tpu.memref_slice %arg6[%dma_start3A_450] : memref<10000xi32, #tpu.memory_space<vmem>> -> memref<40xi32, #tpu.memory_space<vmem>>
    %dma_start3A_452 = arith.constant 0 : i32
    %dma_start3A_453 = arith.constant 0 : i32
    %dma_start3A_454 = tpu.memref_slice %arg2[%dma_start3A_452, %dma_start3A_453] : memref<10000x128xf32, #tpu.memory_space<hbm>> -> memref<10000x128xf32, #tpu.memory_space<hbm>>
    tpu.enqueue_indirect_dma source(%dma_start3A_454 : memref<10000x128xf32, #tpu.memory_space<hbm>>) target(%arg12 : memref<40x128xf32, #tpu.memory_space<vmem>>) offsets(%dma_start3A_451 : memref<40xi32, #tpu.memory_space<vmem>>) semaphore(%arg17 : memref<!tpu.dma_semaphore, #tpu.memory_space<semaphore_mem>>)
    %dma_wait3A_455 = arith.constant 0 : i32
    %dma_wait3A_456 = arith.constant 0 : i32
    %dma_wait3A_457 = tpu.memref_slice %arg2[%dma_wait3A_455, %dma_wait3A_456] : memref<10000x128xf32, #tpu.memory_space<hbm>> -> memref<40x128xf32, #tpu.memory_space<hbm>>
    %dma_wait3A_458 = arith.constant 0 : i32
    %dma_wait3A_459 = arith.constant 0 : i32
    %dma_wait3A_460 = tpu.memref_slice %arg2[%dma_wait3A_458, %dma_wait3A_459] : memref<10000x128xf32, #tpu.memory_space<hbm>> -> memref<40x128xf32, #tpu.memory_space<hbm>>
    tpu.wait_dma2 semaphore(%arg14 : memref<!tpu.dma_semaphore, #tpu.memory_space<semaphore_mem>>) src(%dma_wait3A_460 : memref<40x128xf32, #tpu.memory_space<hbm>>) dst(%arg9 : memref<40x128xf32, #tpu.memory_space<vmem>>)
    %dma_start3A_461 = arith.constant 40 : i32
    %dma_start3A_462 = tpu.memref_slice %arg7[%dma_start3A_461] : memref<10000xi32, #tpu.memory_space<vmem>> -> memref<40xi32, #tpu.memory_space<vmem>>
    %dma_start3A_463 = arith.constant 0 : i32
    %dma_start3A_464 = arith.constant 0 : i32
    %dma_start3A_465 = tpu.memref_slice %arg34[%dma_start3A_463, %dma_start3A_464] : memref<10240x128xf32, #tpu.memory_space<vmem_shared>> -> memref<10240x128xf32, #tpu.memory_space<vmem_shared>>
    tpu.enqueue_indirect_dma source(%arg9 : memref<40x128xf32, #tpu.memory_space<vmem>>) target(%dma_start3A_465 : memref<10240x128xf32, #tpu.memory_space<vmem_shared>>) offsets(%dma_start3A_462 : memref<40xi32, #tpu.memory_space<vmem>>) semaphore(%arg19 : memref<!tpu.dma_semaphore, #tpu.memory_space<semaphore_mem>>) {add = true}
    %dma_wait3A_466 = arith.constant 0 : i32
    %dma_wait3A_467 = arith.constant 0 : i32
    %dma_wait3A_468 = tpu.memref_slice %arg2[%dma_wait3A_466, %dma_wait3A_467] : memref<10000x128xf32, #tpu.memory_space<hbm>> -> memref<40x128xf32, #tpu.memory_space<hbm>>
    %dma_wait3A_469 = arith.constant 0 : i32
    %dma_wait3A_470 = arith.constant 0 : i32
    %dma_wait3A_471 = tpu.memref_slice %arg2[%dma_wait3A_469, %dma_wait3A_470] : memref<10000x128xf32, #tpu.memory_space<hbm>> -> memref<40x128xf32, #tpu.memory_space<hbm>>
    tpu.wait_dma2 semaphore(%arg18 : memref<!tpu.dma_semaphore, #tpu.memory_space<semaphore_mem>>) src(%dma_wait3A_471 : memref<40x128xf32, #tpu.memory_space<hbm>>) dst(%arg8 : memref<40x128xf32, #tpu.memory_space<vmem>>)
    %dma_start3A_472 = arith.constant 200 : i32
    %dma_start3A_473 = tpu.memref_slice %arg6[%dma_start3A_472] : memref<10000xi32, #tpu.memory_space<vmem>> -> memref<40xi32, #tpu.memory_space<vmem>>
    %dma_start3A_474 = arith.constant 0 : i32
    %dma_start3A_475 = arith.constant 0 : i32
    %dma_start3A_476 = tpu.memref_slice %arg2[%dma_start3A_474, %dma_start3A_475] : memref<10000x128xf32, #tpu.memory_space<hbm>> -> memref<10000x128xf32, #tpu.memory_space<hbm>>
    tpu.enqueue_indirect_dma source(%dma_start3A_476 : memref<10000x128xf32, #tpu.memory_space<hbm>>) target(%arg8 : memref<40x128xf32, #tpu.memory_space<vmem>>) offsets(%dma_start3A_473 : memref<40xi32, #tpu.memory_space<vmem>>) semaphore(%arg13 : memref<!tpu.dma_semaphore, #tpu.memory_space<semaphore_mem>>)
    %dma_wait3A_477 = arith.constant 0 : i32
    %dma_wait3A_478 = arith.constant 0 : i32
    %dma_wait3A_479 = tpu.memref_slice %arg2[%dma_wait3A_477, %dma_wait3A_478] : memref<10000x128xf32, #tpu.memory_space<hbm>> -> memref<40x128xf32, #tpu.memory_space<hbm>>
    %dma_wait3A_480 = arith.constant 0 : i32
    %dma_wait3A_481 = arith.constant 0 : i32
    %dma_wait3A_482 = tpu.memref_slice %arg2[%dma_wait3A_480, %dma_wait3A_481] : memref<10000x128xf32, #tpu.memory_space<hbm>> -> memref<40x128xf32, #tpu.memory_space<hbm>>
    tpu.wait_dma2 semaphore(%arg15 : memref<!tpu.dma_semaphore, #tpu.memory_space<semaphore_mem>>) src(%dma_wait3A_482 : memref<40x128xf32, #tpu.memory_space<hbm>>) dst(%arg10 : memref<40x128xf32, #tpu.memory_space<vmem>>)
    %dma_start3A_483 = arith.constant 80 : i32
    %dma_start3A_484 = tpu.memref_slice %arg7[%dma_start3A_483] : memref<10000xi32, #tpu.memory_space<vmem>> -> memref<40xi32, #tpu.memory_space<vmem>>
    %dma_start3A_485 = arith.constant 0 : i32
    %dma_start3A_486 = arith.constant 0 : i32
    %dma_start3A_487 = tpu.memref_slice %arg34[%dma_start3A_485, %dma_start3A_486] : memref<10240x128xf32, #tpu.memory_space<vmem_shared>> -> memref<10240x128xf32, #tpu.memory_space<vmem_shared>>
    tpu.enqueue_indirect_dma source(%arg10 : memref<40x128xf32, #tpu.memory_space<vmem>>) target(%dma_start3A_487 : memref<10240x128xf32, #tpu.memory_space<vmem_shared>>) offsets(%dma_start3A_484 : memref<40xi32, #tpu.memory_space<vmem>>) semaphore(%arg20 : memref<!tpu.dma_semaphore, #tpu.memory_space<semaphore_mem>>) {add = true}
    %dma_wait3A_488 = arith.constant 0 : i32
    %dma_wait3A_489 = arith.constant 0 : i32
    %dma_wait3A_490 = tpu.memref_slice %arg2[%dma_wait3A_488, %dma_wait3A_489] : memref<10000x128xf32, #tpu.memory_space<hbm>> -> memref<40x128xf32, #tpu.memory_space<hbm>>
    %dma_wait3A_491 = arith.constant 0 : i32
    %dma_wait3A_492 = arith.constant 0 : i32
    %dma_wait3A_493 = tpu.memref_slice %arg2[%dma_wait3A_491, %dma_wait3A_492] : memref<10000x128xf32, #tpu.memory_space<hbm>> -> memref<40x128xf32, #tpu.memory_space<hbm>>
    tpu.wait_dma2 semaphore(%arg19 : memref<!tpu.dma_semaphore, #tpu.memory_space<semaphore_mem>>) src(%dma_wait3A_493 : memref<40x128xf32, #tpu.memory_space<hbm>>) dst(%arg9 : memref<40x128xf32, #tpu.memory_space<vmem>>)
    %dma_start3A_494 = arith.constant 240 : i32
    %dma_start3A_495 = tpu.memref_slice %arg6[%dma_start3A_494] : memref<10000xi32, #tpu.memory_space<vmem>> -> memref<40xi32, #tpu.memory_space<vmem>>
    %dma_start3A_496 = arith.constant 0 : i32
    %dma_start3A_497 = arith.constant 0 : i32
    %dma_start3A_498 = tpu.memref_slice %arg2[%dma_start3A_496, %dma_start3A_497] : memref<10000x128xf32, #tpu.memory_space<hbm>> -> memref<10000x128xf32, #tpu.memory_space<hbm>>
    tpu.enqueue_indirect_dma source(%dma_start3A_498 : memref<10000x128xf32, #tpu.memory_space<hbm>>) target(%arg9 : memref<40x128xf32, #tpu.memory_space<vmem>>) offsets(%dma_start3A_495 : memref<40xi32, #tpu.memory_space<vmem>>) semaphore(%arg14 : memref<!tpu.dma_semaphore, #tpu.memory_space<semaphore_mem>>)
    %dma_wait3A_499 = arith.constant 0 : i32
    %dma_wait3A_500 = arith.constant 0 : i32
    %dma_wait3A_501 = tpu.memref_slice %arg2[%dma_wait3A_499, %dma_wait3A_500] : memref<10000x128xf32, #tpu.memory_space<hbm>> -> memref<40x128xf32, #tpu.memory_space<hbm>>
    %dma_wait3A_502 = arith.constant 0 : i32
    %dma_wait3A_503 = arith.constant 0 : i32
    %dma_wait3A_504 = tpu.memref_slice %arg2[%dma_wait3A_502, %dma_wait3A_503] : memref<10000x128xf32, #tpu.memory_space<hbm>> -> memref<40x128xf32, #tpu.memory_space<hbm>>
    tpu.wait_dma2 semaphore(%arg16 : memref<!tpu.dma_semaphore, #tpu.memory_space<semaphore_mem>>) src(%dma_wait3A_504 : memref<40x128xf32, #tpu.memory_space<hbm>>) dst(%arg11 : memref<40x128xf32, #tpu.memory_space<vmem>>)
    %dma_start3A_505 = arith.constant 120 : i32
    %dma_start3A_506 = tpu.memref_slice %arg7[%dma_start3A_505] : memref<10000xi32, #tpu.memory_space<vmem>> -> memref<40xi32, #tpu.memory_space<vmem>>
    %dma_start3A_507 = arith.constant 0 : i32
    %dma_start3A_508 = arith.constant 0 : i32
    %dma_start3A_509 = tpu.memref_slice %arg34[%dma_start3A_507, %dma_start3A_508] : memref<10240x128xf32, #tpu.memory_space<vmem_shared>> -> memref<10240x128xf32, #tpu.memory_space<vmem_shared>>
    tpu.enqueue_indirect_dma source(%arg11 : memref<40x128xf32, #tpu.memory_space<vmem>>) target(%dma_start3A_509 : memref<10240x128xf32, #tpu.memory_space<vmem_shared>>) offsets(%dma_start3A_506 : memref<40xi32, #tpu.memory_space<vmem>>) semaphore(%arg21 : memref<!tpu.dma_semaphore, #tpu.memory_space<semaphore_mem>>) {add = true}
    %dma_wait3A_510 = arith.constant 0 : i32
    %dma_wait3A_511 = arith.constant 0 : i32
    %dma_wait3A_512 = tpu.memref_slice %arg2[%dma_wait3A_510, %dma_wait3A_511] : memref<10000x128xf32, #tpu.memory_space<hbm>> -> memref<40x128xf32, #tpu.memory_space<hbm>>
    %dma_wait3A_513 = arith.constant 0 : i32
    %dma_wait3A_514 = arith.constant 0 : i32
    %dma_wait3A_515 = tpu.memref_slice %arg2[%dma_wait3A_513, %dma_wait3A_514] : memref<10000x128xf32, #tpu.memory_space<hbm>> -> memref<40x128xf32, #tpu.memory_space<hbm>>
    tpu.wait_dma2 semaphore(%arg20 : memref<!tpu.dma_semaphore, #tpu.memory_space<semaphore_mem>>) src(%dma_wait3A_515 : memref<40x128xf32, #tpu.memory_space<hbm>>) dst(%arg10 : memref<40x128xf32, #tpu.memory_space<vmem>>)
    %dma_start3A_516 = arith.constant 280 : i32
    %dma_start3A_517 = tpu.memref_slice %arg6[%dma_start3A_516] : memref<10000xi32, #tpu.memory_space<vmem>> -> memref<40xi32, #tpu.memory_space<vmem>>
    %dma_start3A_518 = arith.constant 0 : i32
    %dma_start3A_519 = arith.constant 0 : i32
    %dma_start3A_520 = tpu.memref_slice %arg2[%dma_start3A_518, %dma_start3A_519] : memref<10000x128xf32, #tpu.memory_space<hbm>> -> memref<10000x128xf32, #tpu.memory_space<hbm>>
    tpu.enqueue_indirect_dma source(%dma_start3A_520 : memref<10000x128xf32, #tpu.memory_space<hbm>>) target(%arg10 : memref<40x128xf32, #tpu.memory_space<vmem>>) offsets(%dma_start3A_517 : memref<40xi32, #tpu.memory_space<vmem>>) semaphore(%arg15 : memref<!tpu.dma_semaphore, #tpu.memory_space<semaphore_mem>>)
    %dma_wait3A_521 = arith.constant 0 : i32
    %dma_wait3A_522 = arith.constant 0 : i32
    %dma_wait3A_523 = tpu.memref_slice %arg2[%dma_wait3A_521, %dma_wait3A_522] : memref<10000x128xf32, #tpu.memory_space<hbm>> -> memref<40x128xf32, #tpu.memory_space<hbm>>
    %dma_wait3A_524 = arith.constant 0 : i32
    %dma_wait3A_525 = arith.constant 0 : i32
    %dma_wait3A_526 = tpu.memref_slice %arg2[%dma_wait3A_524, %dma_wait3A_525] : memref<10000x128xf32, #tpu.memory_space<hbm>> -> memref<40x128xf32, #tpu.memory_space<hbm>>
    tpu.wait_dma2 semaphore(%arg17 : memref<!tpu.dma_semaphore, #tpu.memory_space<semaphore_mem>>) src(%dma_wait3A_526 : memref<40x128xf32, #tpu.memory_space<hbm>>) dst(%arg12 : memref<40x128xf32, #tpu.memory_space<vmem>>)
    %dma_start3A_527 = arith.constant 160 : i32
    %dma_start3A_528 = tpu.memref_slice %arg7[%dma_start3A_527] : memref<10000xi32, #tpu.memory_space<vmem>> -> memref<40xi32, #tpu.memory_space<vmem>>
    %dma_start3A_529 = arith.constant 0 : i32
    %dma_start3A_530 = arith.constant 0 : i32
    %dma_start3A_531 = tpu.memref_slice %arg34[%dma_start3A_529, %dma_start3A_530] : memref<10240x128xf32, #tpu.memory_space<vmem_shared>> -> memref<10240x128xf32, #tpu.memory_space<vmem_shared>>
    tpu.enqueue_indirect_dma source(%arg12 : memref<40x128xf32, #tpu.memory_space<vmem>>) target(%dma_start3A_531 : memref<10240x128xf32, #tpu.memory_space<vmem_shared>>) offsets(%dma_start3A_528 : memref<40xi32, #tpu.memory_space<vmem>>) semaphore(%arg22 : memref<!tpu.dma_semaphore, #tpu.memory_space<semaphore_mem>>) {add = true}
    %scan3A_532 = arith.constant 0 : i32
    %scan3A_533 = arith.constant 1 : i32
    %scan3A_534 = arith.constant 48 : i32
    %scan3A_535 = arith.addi %scan3A_533, %scan3A_534 : i32
    %scan3A_536 = arith.constant 1 : i32
    scf.for %scan3A_649 = %scan3A_533 to %scan3A_535 step %scan3A_536  : i32 {
      %mul3A_650 = arith.constant 5 : i32
      %mul3A_651 = arith.muli %scan3A_649, %mul3A_650 : i32
      %dma_wait3A_652 = arith.constant 0 : i32
      %dma_wait3A_653 = arith.constant 0 : i32
      %dma_wait3A_654 = tpu.memref_slice %arg2[%dma_wait3A_652, %dma_wait3A_653] : memref<10000x128xf32, #tpu.memory_space<hbm>> -> memref<40x128xf32, #tpu.memory_space<hbm>>
      %dma_wait3A_655 = arith.constant 0 : i32
      %dma_wait3A_656 = arith.constant 0 : i32
      %dma_wait3A_657 = tpu.memref_slice %arg2[%dma_wait3A_655, %dma_wait3A_656] : memref<10000x128xf32, #tpu.memory_space<hbm>> -> memref<40x128xf32, #tpu.memory_space<hbm>>
      tpu.wait_dma2 semaphore(%arg21 : memref<!tpu.dma_semaphore, #tpu.memory_space<semaphore_mem>>) src(%dma_wait3A_657 : memref<40x128xf32, #tpu.memory_space<hbm>>) dst(%arg11 : memref<40x128xf32, #tpu.memory_space<vmem>>)
      %add3A_658 = arith.constant 0 : i32
      %add3A_659 = arith.addi %mul3A_651, %add3A_658 : i32
      %add3A_660 = arith.constant 3 : i32
      %add3A_661 = arith.addi %add3A_659, %add3A_660 : i32
      %mul3A_662 = arith.constant 40 : i32
      %mul3A_663 = arith.muli %add3A_661, %mul3A_662 : i32
      %dma_start3A_664 = tpu.memref_slice %arg6[%mul3A_663] : memref<10000xi32, #tpu.memory_space<vmem>> -> memref<40xi32, #tpu.memory_space<vmem>>
      %dma_start3A_665 = arith.constant 0 : i32
      %dma_start3A_666 = arith.constant 0 : i32
      %dma_start3A_667 = tpu.memref_slice %arg2[%dma_start3A_665, %dma_start3A_666] : memref<10000x128xf32, #tpu.memory_space<hbm>> -> memref<10000x128xf32, #tpu.memory_space<hbm>>
      tpu.enqueue_indirect_dma source(%dma_start3A_667 : memref<10000x128xf32, #tpu.memory_space<hbm>>) target(%arg11 : memref<40x128xf32, #tpu.memory_space<vmem>>) offsets(%dma_start3A_664 : memref<40xi32, #tpu.memory_space<vmem>>) semaphore(%arg16 : memref<!tpu.dma_semaphore, #tpu.memory_space<semaphore_mem>>)
      %dma_wait3A_668 = arith.constant 0 : i32
      %dma_wait3A_669 = arith.constant 0 : i32
      %dma_wait3A_670 = tpu.memref_slice %arg2[%dma_wait3A_668, %dma_wait3A_669] : memref<10000x128xf32, #tpu.memory_space<hbm>> -> memref<40x128xf32, #tpu.memory_space<hbm>>
      %dma_wait3A_671 = arith.constant 0 : i32
      %dma_wait3A_672 = arith.constant 0 : i32
      %dma_wait3A_673 = tpu.memref_slice %arg2[%dma_wait3A_671, %dma_wait3A_672] : memref<10000x128xf32, #tpu.memory_space<hbm>> -> memref<40x128xf32, #tpu.memory_space<hbm>>
      tpu.wait_dma2 semaphore(%arg13 : memref<!tpu.dma_semaphore, #tpu.memory_space<semaphore_mem>>) src(%dma_wait3A_673 : memref<40x128xf32, #tpu.memory_space<hbm>>) dst(%arg8 : memref<40x128xf32, #tpu.memory_space<vmem>>)
      %add3A_674 = arith.constant 0 : i32
      %add3A_675 = arith.addi %mul3A_651, %add3A_674 : i32
      %mul3A_676 = arith.constant 40 : i32
      %mul3A_677 = arith.muli %add3A_675, %mul3A_676 : i32
      %dma_start3A_678 = tpu.memref_slice %arg7[%mul3A_677] : memref<10000xi32, #tpu.memory_space<vmem>> -> memref<40xi32, #tpu.memory_space<vmem>>
      %dma_start3A_679 = arith.constant 0 : i32
      %dma_start3A_680 = arith.constant 0 : i32
      %dma_start3A_681 = tpu.memref_slice %arg34[%dma_start3A_679, %dma_start3A_680] : memref<10240x128xf32, #tpu.memory_space<vmem_shared>> -> memref<10240x128xf32, #tpu.memory_space<vmem_shared>>
      tpu.enqueue_indirect_dma source(%arg8 : memref<40x128xf32, #tpu.memory_space<vmem>>) target(%dma_start3A_681 : memref<10240x128xf32, #tpu.memory_space<vmem_shared>>) offsets(%dma_start3A_678 : memref<40xi32, #tpu.memory_space<vmem>>) semaphore(%arg18 : memref<!tpu.dma_semaphore, #tpu.memory_space<semaphore_mem>>) {add = true}
      %dma_wait3A_682 = arith.constant 0 : i32
      %dma_wait3A_683 = arith.constant 0 : i32
      %dma_wait3A_684 = tpu.memref_slice %arg2[%dma_wait3A_682, %dma_wait3A_683] : memref<10000x128xf32, #tpu.memory_space<hbm>> -> memref<40x128xf32, #tpu.memory_space<hbm>>
      %dma_wait3A_685 = arith.constant 0 : i32
      %dma_wait3A_686 = arith.constant 0 : i32
      %dma_wait3A_687 = tpu.memref_slice %arg2[%dma_wait3A_685, %dma_wait3A_686] : memref<10000x128xf32, #tpu.memory_space<hbm>> -> memref<40x128xf32, #tpu.memory_space<hbm>>
      tpu.wait_dma2 semaphore(%arg22 : memref<!tpu.dma_semaphore, #tpu.memory_space<semaphore_mem>>) src(%dma_wait3A_687 : memref<40x128xf32, #tpu.memory_space<hbm>>) dst(%arg12 : memref<40x128xf32, #tpu.memory_space<vmem>>)
      %add3A_688 = arith.constant 1 : i32
      %add3A_689 = arith.addi %mul3A_651, %add3A_688 : i32
      %add3A_690 = arith.constant 3 : i32
      %add3A_691 = arith.addi %add3A_689, %add3A_690 : i32
      %mul3A_692 = arith.constant 40 : i32
      %mul3A_693 = arith.muli %add3A_691, %mul3A_692 : i32
      %dma_start3A_694 = tpu.memref_slice %arg6[%mul3A_693] : memref<10000xi32, #tpu.memory_space<vmem>> -> memref<40xi32, #tpu.memory_space<vmem>>
      %dma_start3A_695 = arith.constant 0 : i32
      %dma_start3A_696 = arith.constant 0 : i32
      %dma_start3A_697 = tpu.memref_slice %arg2[%dma_start3A_695, %dma_start3A_696] : memref<10000x128xf32, #tpu.memory_space<hbm>> -> memref<10000x128xf32, #tpu.memory_space<hbm>>
      tpu.enqueue_indirect_dma source(%dma_start3A_697 : memref<10000x128xf32, #tpu.memory_space<hbm>>) target(%arg12 : memref<40x128xf32, #tpu.memory_space<vmem>>) offsets(%dma_start3A_694 : memref<40xi32, #tpu.memory_space<vmem>>) semaphore(%arg17 : memref<!tpu.dma_semaphore, #tpu.memory_space<semaphore_mem>>)
      %dma_wait3A_698 = arith.constant 0 : i32
      %dma_wait3A_699 = arith.constant 0 : i32
      %dma_wait3A_700 = tpu.memref_slice %arg2[%dma_wait3A_698, %dma_wait3A_699] : memref<10000x128xf32, #tpu.memory_space<hbm>> -> memref<40x128xf32, #tpu.memory_space<hbm>>
      %dma_wait3A_701 = arith.constant 0 : i32
      %dma_wait3A_702 = arith.constant 0 : i32
      %dma_wait3A_703 = tpu.memref_slice %arg2[%dma_wait3A_701, %dma_wait3A_702] : memref<10000x128xf32, #tpu.memory_space<hbm>> -> memref<40x128xf32, #tpu.memory_space<hbm>>
      tpu.wait_dma2 semaphore(%arg14 : memref<!tpu.dma_semaphore, #tpu.memory_space<semaphore_mem>>) src(%dma_wait3A_703 : memref<40x128xf32, #tpu.memory_space<hbm>>) dst(%arg9 : memref<40x128xf32, #tpu.memory_space<vmem>>)
      %add3A_704 = arith.constant 1 : i32
      %add3A_705 = arith.addi %mul3A_651, %add3A_704 : i32
      %mul3A_706 = arith.constant 40 : i32
      %mul3A_707 = arith.muli %add3A_705, %mul3A_706 : i32
      %dma_start3A_708 = tpu.memref_slice %arg7[%mul3A_707] : memref<10000xi32, #tpu.memory_space<vmem>> -> memref<40xi32, #tpu.memory_space<vmem>>
      %dma_start3A_709 = arith.constant 0 : i32
      %dma_start3A_710 = arith.constant 0 : i32
      %dma_start3A_711 = tpu.memref_slice %arg34[%dma_start3A_709, %dma_start3A_710] : memref<10240x128xf32, #tpu.memory_space<vmem_shared>> -> memref<10240x128xf32, #tpu.memory_space<vmem_shared>>
      tpu.enqueue_indirect_dma source(%arg9 : memref<40x128xf32, #tpu.memory_space<vmem>>) target(%dma_start3A_711 : memref<10240x128xf32, #tpu.memory_space<vmem_shared>>) offsets(%dma_start3A_708 : memref<40xi32, #tpu.memory_space<vmem>>) semaphore(%arg19 : memref<!tpu.dma_semaphore, #tpu.memory_space<semaphore_mem>>) {add = true}
      %dma_wait3A_712 = arith.constant 0 : i32
      %dma_wait3A_713 = arith.constant 0 : i32
      %dma_wait3A_714 = tpu.memref_slice %arg2[%dma_wait3A_712, %dma_wait3A_713] : memref<10000x128xf32, #tpu.memory_space<hbm>> -> memref<40x128xf32, #tpu.memory_space<hbm>>
      %dma_wait3A_715 = arith.constant 0 : i32
      %dma_wait3A_716 = arith.constant 0 : i32
      %dma_wait3A_717 = tpu.memref_slice %arg2[%dma_wait3A_715, %dma_wait3A_716] : memref<10000x128xf32, #tpu.memory_space<hbm>> -> memref<40x128xf32, #tpu.memory_space<hbm>>
      tpu.wait_dma2 semaphore(%arg18 : memref<!tpu.dma_semaphore, #tpu.memory_space<semaphore_mem>>) src(%dma_wait3A_717 : memref<40x128xf32, #tpu.memory_space<hbm>>) dst(%arg8 : memref<40x128xf32, #tpu.memory_space<vmem>>)
      %add3A_718 = arith.constant 2 : i32
      %add3A_719 = arith.addi %mul3A_651, %add3A_718 : i32
      %add3A_720 = arith.constant 3 : i32
      %add3A_721 = arith.addi %add3A_719, %add3A_720 : i32
      %mul3A_722 = arith.constant 40 : i32
      %mul3A_723 = arith.muli %add3A_721, %mul3A_722 : i32
      %dma_start3A_724 = tpu.memref_slice %arg6[%mul3A_723] : memref<10000xi32, #tpu.memory_space<vmem>> -> memref<40xi32, #tpu.memory_space<vmem>>
      %dma_start3A_725 = arith.constant 0 : i32
      %dma_start3A_726 = arith.constant 0 : i32
      %dma_start3A_727 = tpu.memref_slice %arg2[%dma_start3A_725, %dma_start3A_726] : memref<10000x128xf32, #tpu.memory_space<hbm>> -> memref<10000x128xf32, #tpu.memory_space<hbm>>
      tpu.enqueue_indirect_dma source(%dma_start3A_727 : memref<10000x128xf32, #tpu.memory_space<hbm>>) target(%arg8 : memref<40x128xf32, #tpu.memory_space<vmem>>) offsets(%dma_start3A_724 : memref<40xi32, #tpu.memory_space<vmem>>) semaphore(%arg13 : memref<!tpu.dma_semaphore, #tpu.memory_space<semaphore_mem>>)
      %dma_wait3A_728 = arith.constant 0 : i32
      %dma_wait3A_729 = arith.constant 0 : i32
      %dma_wait3A_730 = tpu.memref_slice %arg2[%dma_wait3A_728, %dma_wait3A_729] : memref<10000x128xf32, #tpu.memory_space<hbm>> -> memref<40x128xf32, #tpu.memory_space<hbm>>
      %dma_wait3A_731 = arith.constant 0 : i32
      %dma_wait3A_732 = arith.constant 0 : i32
      %dma_wait3A_733 = tpu.memref_slice %arg2[%dma_wait3A_731, %dma_wait3A_732] : memref<10000x128xf32, #tpu.memory_space<hbm>> -> memref<40x128xf32, #tpu.memory_space<hbm>>
      tpu.wait_dma2 semaphore(%arg15 : memref<!tpu.dma_semaphore, #tpu.memory_space<semaphore_mem>>) src(%dma_wait3A_733 : memref<40x128xf32, #tpu.memory_space<hbm>>) dst(%arg10 : memref<40x128xf32, #tpu.memory_space<vmem>>)
      %add3A_734 = arith.constant 2 : i32
      %add3A_735 = arith.addi %mul3A_651, %add3A_734 : i32
      %mul3A_736 = arith.constant 40 : i32
      %mul3A_737 = arith.muli %add3A_735, %mul3A_736 : i32
      %dma_start3A_738 = tpu.memref_slice %arg7[%mul3A_737] : memref<10000xi32, #tpu.memory_space<vmem>> -> memref<40xi32, #tpu.memory_space<vmem>>
      %dma_start3A_739 = arith.constant 0 : i32
      %dma_start3A_740 = arith.constant 0 : i32
      %dma_start3A_741 = tpu.memref_slice %arg34[%dma_start3A_739, %dma_start3A_740] : memref<10240x128xf32, #tpu.memory_space<vmem_shared>> -> memref<10240x128xf32, #tpu.memory_space<vmem_shared>>
      tpu.enqueue_indirect_dma source(%arg10 : memref<40x128xf32, #tpu.memory_space<vmem>>) target(%dma_start3A_741 : memref<10240x128xf32, #tpu.memory_space<vmem_shared>>) offsets(%dma_start3A_738 : memref<40xi32, #tpu.memory_space<vmem>>) semaphore(%arg20 : memref<!tpu.dma_semaphore, #tpu.memory_space<semaphore_mem>>) {add = true}
      %dma_wait3A_742 = arith.constant 0 : i32
      %dma_wait3A_743 = arith.constant 0 : i32
      %dma_wait3A_744 = tpu.memref_slice %arg2[%dma_wait3A_742, %dma_wait3A_743] : memref<10000x128xf32, #tpu.memory_space<hbm>> -> memref<40x128xf32, #tpu.memory_space<hbm>>
      %dma_wait3A_745 = arith.constant 0 : i32
      %dma_wait3A_746 = arith.constant 0 : i32
      %dma_wait3A_747 = tpu.memref_slice %arg2[%dma_wait3A_745, %dma_wait3A_746] : memref<10000x128xf32, #tpu.memory_space<hbm>> -> memref<40x128xf32, #tpu.memory_space<hbm>>
      tpu.wait_dma2 semaphore(%arg19 : memref<!tpu.dma_semaphore, #tpu.memory_space<semaphore_mem>>) src(%dma_wait3A_747 : memref<40x128xf32, #tpu.memory_space<hbm>>) dst(%arg9 : memref<40x128xf32, #tpu.memory_space<vmem>>)
      %add3A_748 = arith.constant 3 : i32
      %add3A_749 = arith.addi %mul3A_651, %add3A_748 : i32
      %add3A_750 = arith.constant 3 : i32
      %add3A_751 = arith.addi %add3A_749, %add3A_750 : i32
      %mul3A_752 = arith.constant 40 : i32
      %mul3A_753 = arith.muli %add3A_751, %mul3A_752 : i32
      %dma_start3A_754 = tpu.memref_slice %arg6[%mul3A_753] : memref<10000xi32, #tpu.memory_space<vmem>> -> memref<40xi32, #tpu.memory_space<vmem>>
      %dma_start3A_755 = arith.constant 0 : i32
      %dma_start3A_756 = arith.constant 0 : i32
      %dma_start3A_757 = tpu.memref_slice %arg2[%dma_start3A_755, %dma_start3A_756] : memref<10000x128xf32, #tpu.memory_space<hbm>> -> memref<10000x128xf32, #tpu.memory_space<hbm>>
      tpu.enqueue_indirect_dma source(%dma_start3A_757 : memref<10000x128xf32, #tpu.memory_space<hbm>>) target(%arg9 : memref<40x128xf32, #tpu.memory_space<vmem>>) offsets(%dma_start3A_754 : memref<40xi32, #tpu.memory_space<vmem>>) semaphore(%arg14 : memref<!tpu.dma_semaphore, #tpu.memory_space<semaphore_mem>>)
      %dma_wait3A_758 = arith.constant 0 : i32
      %dma_wait3A_759 = arith.constant 0 : i32
      %dma_wait3A_760 = tpu.memref_slice %arg2[%dma_wait3A_758, %dma_wait3A_759] : memref<10000x128xf32, #tpu.memory_space<hbm>> -> memref<40x128xf32, #tpu.memory_space<hbm>>
      %dma_wait3A_761 = arith.constant 0 : i32
      %dma_wait3A_762 = arith.constant 0 : i32
      %dma_wait3A_763 = tpu.memref_slice %arg2[%dma_wait3A_761, %dma_wait3A_762] : memref<10000x128xf32, #tpu.memory_space<hbm>> -> memref<40x128xf32, #tpu.memory_space<hbm>>
      tpu.wait_dma2 semaphore(%arg16 : memref<!tpu.dma_semaphore, #tpu.memory_space<semaphore_mem>>) src(%dma_wait3A_763 : memref<40x128xf32, #tpu.memory_space<hbm>>) dst(%arg11 : memref<40x128xf32, #tpu.memory_space<vmem>>)
      %add3A_764 = arith.constant 3 : i32
      %add3A_765 = arith.addi %mul3A_651, %add3A_764 : i32
      %mul3A_766 = arith.constant 40 : i32
      %mul3A_767 = arith.muli %add3A_765, %mul3A_766 : i32
      %dma_start3A_768 = tpu.memref_slice %arg7[%mul3A_767] : memref<10000xi32, #tpu.memory_space<vmem>> -> memref<40xi32, #tpu.memory_space<vmem>>
      %dma_start3A_769 = arith.constant 0 : i32
      %dma_start3A_770 = arith.constant 0 : i32
      %dma_start3A_771 = tpu.memref_slice %arg34[%dma_start3A_769, %dma_start3A_770] : memref<10240x128xf32, #tpu.memory_space<vmem_shared>> -> memref<10240x128xf32, #tpu.memory_space<vmem_shared>>
      tpu.enqueue_indirect_dma source(%arg11 : memref<40x128xf32, #tpu.memory_space<vmem>>) target(%dma_start3A_771 : memref<10240x128xf32, #tpu.memory_space<vmem_shared>>) offsets(%dma_start3A_768 : memref<40xi32, #tpu.memory_space<vmem>>) semaphore(%arg21 : memref<!tpu.dma_semaphore, #tpu.memory_space<semaphore_mem>>) {add = true}
      %dma_wait3A_772 = arith.constant 0 : i32
      %dma_wait3A_773 = arith.constant 0 : i32
      %dma_wait3A_774 = tpu.memref_slice %arg2[%dma_wait3A_772, %dma_wait3A_773] : memref<10000x128xf32, #tpu.memory_space<hbm>> -> memref<40x128xf32, #tpu.memory_space<hbm>>
      %dma_wait3A_775 = arith.constant 0 : i32
      %dma_wait3A_776 = arith.constant 0 : i32
      %dma_wait3A_777 = tpu.memref_slice %arg2[%dma_wait3A_775, %dma_wait3A_776] : memref<10000x128xf32, #tpu.memory_space<hbm>> -> memref<40x128xf32, #tpu.memory_space<hbm>>
      tpu.wait_dma2 semaphore(%arg20 : memref<!tpu.dma_semaphore, #tpu.memory_space<semaphore_mem>>) src(%dma_wait3A_777 : memref<40x128xf32, #tpu.memory_space<hbm>>) dst(%arg10 : memref<40x128xf32, #tpu.memory_space<vmem>>)
      %add3A_778 = arith.constant 4 : i32
      %add3A_779 = arith.addi %mul3A_651, %add3A_778 : i32
      %add3A_780 = arith.constant 3 : i32
      %add3A_781 = arith.addi %add3A_779, %add3A_780 : i32
      %mul3A_782 = arith.constant 40 : i32
      %mul3A_783 = arith.muli %add3A_781, %mul3A_782 : i32
      %dma_start3A_784 = tpu.memref_slice %arg6[%mul3A_783] : memref<10000xi32, #tpu.memory_space<vmem>> -> memref<40xi32, #tpu.memory_space<vmem>>
      %dma_start3A_785 = arith.constant 0 : i32
      %dma_start3A_786 = arith.constant 0 : i32
      %dma_start3A_787 = tpu.memref_slice %arg2[%dma_start3A_785, %dma_start3A_786] : memref<10000x128xf32, #tpu.memory_space<hbm>> -> memref<10000x128xf32, #tpu.memory_space<hbm>>
      tpu.enqueue_indirect_dma source(%dma_start3A_787 : memref<10000x128xf32, #tpu.memory_space<hbm>>) target(%arg10 : memref<40x128xf32, #tpu.memory_space<vmem>>) offsets(%dma_start3A_784 : memref<40xi32, #tpu.memory_space<vmem>>) semaphore(%arg15 : memref<!tpu.dma_semaphore, #tpu.memory_space<semaphore_mem>>)
      %dma_wait3A_788 = arith.constant 0 : i32
      %dma_wait3A_789 = arith.constant 0 : i32
      %dma_wait3A_790 = tpu.memref_slice %arg2[%dma_wait3A_788, %dma_wait3A_789] : memref<10000x128xf32, #tpu.memory_space<hbm>> -> memref<40x128xf32, #tpu.memory_space<hbm>>
      %dma_wait3A_791 = arith.constant 0 : i32
      %dma_wait3A_792 = arith.constant 0 : i32
      %dma_wait3A_793 = tpu.memref_slice %arg2[%dma_wait3A_791, %dma_wait3A_792] : memref<10000x128xf32, #tpu.memory_space<hbm>> -> memref<40x128xf32, #tpu.memory_space<hbm>>
      tpu.wait_dma2 semaphore(%arg17 : memref<!tpu.dma_semaphore, #tpu.memory_space<semaphore_mem>>) src(%dma_wait3A_793 : memref<40x128xf32, #tpu.memory_space<hbm>>) dst(%arg12 : memref<40x128xf32, #tpu.memory_space<vmem>>)
      %add3A_794 = arith.constant 4 : i32
      %add3A_795 = arith.addi %mul3A_651, %add3A_794 : i32
      %mul3A_796 = arith.constant 40 : i32
      %mul3A_797 = arith.muli %add3A_795, %mul3A_796 : i32
      %dma_start3A_798 = tpu.memref_slice %arg7[%mul3A_797] : memref<10000xi32, #tpu.memory_space<vmem>> -> memref<40xi32, #tpu.memory_space<vmem>>
      %dma_start3A_799 = arith.constant 0 : i32
      %dma_start3A_800 = arith.constant 0 : i32
      %dma_start3A_801 = tpu.memref_slice %arg34[%dma_start3A_799, %dma_start3A_800] : memref<10240x128xf32, #tpu.memory_space<vmem_shared>> -> memref<10240x128xf32, #tpu.memory_space<vmem_shared>>
      tpu.enqueue_indirect_dma source(%arg12 : memref<40x128xf32, #tpu.memory_space<vmem>>) target(%dma_start3A_801 : memref<10240x128xf32, #tpu.memory_space<vmem_shared>>) offsets(%dma_start3A_798 : memref<40xi32, #tpu.memory_space<vmem>>) semaphore(%arg22 : memref<!tpu.dma_semaphore, #tpu.memory_space<semaphore_mem>>) {add = true}
    }
    %scan3A_537 = arith.constant 48 : i32
    %dma_wait3A_538 = arith.constant 0 : i32
    %dma_wait3A_539 = arith.constant 0 : i32
    %dma_wait3A_540 = tpu.memref_slice %arg2[%dma_wait3A_538, %dma_wait3A_539] : memref<10000x128xf32, #tpu.memory_space<hbm>> -> memref<40x128xf32, #tpu.memory_space<hbm>>
    %dma_wait3A_541 = arith.constant 0 : i32
    %dma_wait3A_542 = arith.constant 0 : i32
    %dma_wait3A_543 = tpu.memref_slice %arg2[%dma_wait3A_541, %dma_wait3A_542] : memref<10000x128xf32, #tpu.memory_space<hbm>> -> memref<40x128xf32, #tpu.memory_space<hbm>>
    tpu.wait_dma2 semaphore(%arg21 : memref<!tpu.dma_semaphore, #tpu.memory_space<semaphore_mem>>) src(%dma_wait3A_543 : memref<40x128xf32, #tpu.memory_space<hbm>>) dst(%arg11 : memref<40x128xf32, #tpu.memory_space<vmem>>)
    %dma_start3A_544 = arith.constant 9920 : i32
    %dma_start3A_545 = tpu.memref_slice %arg6[%dma_start3A_544] : memref<10000xi32, #tpu.memory_space<vmem>> -> memref<40xi32, #tpu.memory_space<vmem>>
    %dma_start3A_546 = arith.constant 0 : i32
    %dma_start3A_547 = arith.constant 0 : i32
    %dma_start3A_548 = tpu.memref_slice %arg2[%dma_start3A_546, %dma_start3A_547] : memref<10000x128xf32, #tpu.memory_space<hbm>> -> memref<10000x128xf32, #tpu.memory_space<hbm>>
    tpu.enqueue_indirect_dma source(%dma_start3A_548 : memref<10000x128xf32, #tpu.memory_space<hbm>>) target(%arg11 : memref<40x128xf32, #tpu.memory_space<vmem>>) offsets(%dma_start3A_545 : memref<40xi32, #tpu.memory_space<vmem>>) semaphore(%arg16 : memref<!tpu.dma_semaphore, #tpu.memory_space<semaphore_mem>>)
    %dma_wait3A_549 = arith.constant 0 : i32
    %dma_wait3A_550 = arith.constant 0 : i32
    %dma_wait3A_551 = tpu.memref_slice %arg2[%dma_wait3A_549, %dma_wait3A_550] : memref<10000x128xf32, #tpu.memory_space<hbm>> -> memref<40x128xf32, #tpu.memory_space<hbm>>
    %dma_wait3A_552 = arith.constant 0 : i32
    %dma_wait3A_553 = arith.constant 0 : i32
    %dma_wait3A_554 = tpu.memref_slice %arg2[%dma_wait3A_552, %dma_wait3A_553] : memref<10000x128xf32, #tpu.memory_space<hbm>> -> memref<40x128xf32, #tpu.memory_space<hbm>>
    tpu.wait_dma2 semaphore(%arg13 : memref<!tpu.dma_semaphore, #tpu.memory_space<semaphore_mem>>) src(%dma_wait3A_554 : memref<40x128xf32, #tpu.memory_space<hbm>>) dst(%arg8 : memref<40x128xf32, #tpu.memory_space<vmem>>)
    %dma_start3A_555 = arith.constant 9800 : i32
    %dma_start3A_556 = tpu.memref_slice %arg7[%dma_start3A_555] : memref<10000xi32, #tpu.memory_space<vmem>> -> memref<40xi32, #tpu.memory_space<vmem>>
    %dma_start3A_557 = arith.constant 0 : i32
    %dma_start3A_558 = arith.constant 0 : i32
    %dma_start3A_559 = tpu.memref_slice %arg34[%dma_start3A_557, %dma_start3A_558] : memref<10240x128xf32, #tpu.memory_space<vmem_shared>> -> memref<10240x128xf32, #tpu.memory_space<vmem_shared>>
    tpu.enqueue_indirect_dma source(%arg8 : memref<40x128xf32, #tpu.memory_space<vmem>>) target(%dma_start3A_559 : memref<10240x128xf32, #tpu.memory_space<vmem_shared>>) offsets(%dma_start3A_556 : memref<40xi32, #tpu.memory_space<vmem>>) semaphore(%arg18 : memref<!tpu.dma_semaphore, #tpu.memory_space<semaphore_mem>>) {add = true}
    %dma_wait3A_560 = arith.constant 0 : i32
    %dma_wait3A_561 = arith.constant 0 : i32
    %dma_wait3A_562 = tpu.memref_slice %arg2[%dma_wait3A_560, %dma_wait3A_561] : memref<10000x128xf32, #tpu.memory_space<hbm>> -> memref<40x128xf32, #tpu.memory_space<hbm>>
    %dma_wait3A_563 = arith.constant 0 : i32
    %dma_wait3A_564 = arith.constant 0 : i32
    %dma_wait3A_565 = tpu.memref_slice %arg2[%dma_wait3A_563, %dma_wait3A_564] : memref<10000x128xf32, #tpu.memory_space<hbm>> -> memref<40x128xf32, #tpu.memory_space<hbm>>
    tpu.wait_dma2 semaphore(%arg22 : memref<!tpu.dma_semaphore, #tpu.memory_space<semaphore_mem>>) src(%dma_wait3A_565 : memref<40x128xf32, #tpu.memory_space<hbm>>) dst(%arg12 : memref<40x128xf32, #tpu.memory_space<vmem>>)
    %dma_start3A_566 = arith.constant 9960 : i32
    %dma_start3A_567 = tpu.memref_slice %arg6[%dma_start3A_566] : memref<10000xi32, #tpu.memory_space<vmem>> -> memref<40xi32, #tpu.memory_space<vmem>>
    %dma_start3A_568 = arith.constant 0 : i32
    %dma_start3A_569 = arith.constant 0 : i32
    %dma_start3A_570 = tpu.memref_slice %arg2[%dma_start3A_568, %dma_start3A_569] : memref<10000x128xf32, #tpu.memory_space<hbm>> -> memref<10000x128xf32, #tpu.memory_space<hbm>>
    tpu.enqueue_indirect_dma source(%dma_start3A_570 : memref<10000x128xf32, #tpu.memory_space<hbm>>) target(%arg12 : memref<40x128xf32, #tpu.memory_space<vmem>>) offsets(%dma_start3A_567 : memref<40xi32, #tpu.memory_space<vmem>>) semaphore(%arg17 : memref<!tpu.dma_semaphore, #tpu.memory_space<semaphore_mem>>)
    %dma_wait3A_571 = arith.constant 0 : i32
    %dma_wait3A_572 = arith.constant 0 : i32
    %dma_wait3A_573 = tpu.memref_slice %arg2[%dma_wait3A_571, %dma_wait3A_572] : memref<10000x128xf32, #tpu.memory_space<hbm>> -> memref<40x128xf32, #tpu.memory_space<hbm>>
    %dma_wait3A_574 = arith.constant 0 : i32
    %dma_wait3A_575 = arith.constant 0 : i32
    %dma_wait3A_576 = tpu.memref_slice %arg2[%dma_wait3A_574, %dma_wait3A_575] : memref<10000x128xf32, #tpu.memory_space<hbm>> -> memref<40x128xf32, #tpu.memory_space<hbm>>
    tpu.wait_dma2 semaphore(%arg14 : memref<!tpu.dma_semaphore, #tpu.memory_space<semaphore_mem>>) src(%dma_wait3A_576 : memref<40x128xf32, #tpu.memory_space<hbm>>) dst(%arg9 : memref<40x128xf32, #tpu.memory_space<vmem>>)
    %dma_start3A_577 = arith.constant 9840 : i32
    %dma_start3A_578 = tpu.memref_slice %arg7[%dma_start3A_577] : memref<10000xi32, #tpu.memory_space<vmem>> -> memref<40xi32, #tpu.memory_space<vmem>>
    %dma_start3A_579 = arith.constant 0 : i32
    %dma_start3A_580 = arith.constant 0 : i32
    %dma_start3A_581 = tpu.memref_slice %arg34[%dma_start3A_579, %dma_start3A_580] : memref<10240x128xf32, #tpu.memory_space<vmem_shared>> -> memref<10240x128xf32, #tpu.memory_space<vmem_shared>>
    tpu.enqueue_indirect_dma source(%arg9 : memref<40x128xf32, #tpu.memory_space<vmem>>) target(%dma_start3A_581 : memref<10240x128xf32, #tpu.memory_space<vmem_shared>>) offsets(%dma_start3A_578 : memref<40xi32, #tpu.memory_space<vmem>>) semaphore(%arg19 : memref<!tpu.dma_semaphore, #tpu.memory_space<semaphore_mem>>) {add = true}
    %dma_wait3A_582 = arith.constant 0 : i32
    %dma_wait3A_583 = arith.constant 0 : i32
    %dma_wait3A_584 = tpu.memref_slice %arg2[%dma_wait3A_582, %dma_wait3A_583] : memref<10000x128xf32, #tpu.memory_space<hbm>> -> memref<40x128xf32, #tpu.memory_space<hbm>>
    %dma_wait3A_585 = arith.constant 0 : i32
    %dma_wait3A_586 = arith.constant 0 : i32
    %dma_wait3A_587 = tpu.memref_slice %arg2[%dma_wait3A_585, %dma_wait3A_586] : memref<10000x128xf32, #tpu.memory_space<hbm>> -> memref<40x128xf32, #tpu.memory_space<hbm>>
    tpu.wait_dma2 semaphore(%arg18 : memref<!tpu.dma_semaphore, #tpu.memory_space<semaphore_mem>>) src(%dma_wait3A_587 : memref<40x128xf32, #tpu.memory_space<hbm>>) dst(%arg8 : memref<40x128xf32, #tpu.memory_space<vmem>>)
    %dma_wait3A_588 = arith.constant 0 : i32
    %dma_wait3A_589 = arith.constant 0 : i32
    %dma_wait3A_590 = tpu.memref_slice %arg2[%dma_wait3A_588, %dma_wait3A_589] : memref<10000x128xf32, #tpu.memory_space<hbm>> -> memref<40x128xf32, #tpu.memory_space<hbm>>
    %dma_wait3A_591 = arith.constant 0 : i32
    %dma_wait3A_592 = arith.constant 0 : i32
    %dma_wait3A_593 = tpu.memref_slice %arg2[%dma_wait3A_591, %dma_wait3A_592] : memref<10000x128xf32, #tpu.memory_space<hbm>> -> memref<40x128xf32, #tpu.memory_space<hbm>>
    tpu.wait_dma2 semaphore(%arg15 : memref<!tpu.dma_semaphore, #tpu.memory_space<semaphore_mem>>) src(%dma_wait3A_593 : memref<40x128xf32, #tpu.memory_space<hbm>>) dst(%arg10 : memref<40x128xf32, #tpu.memory_space<vmem>>)
    %dma_start3A_594 = arith.constant 9880 : i32
    %dma_start3A_595 = tpu.memref_slice %arg7[%dma_start3A_594] : memref<10000xi32, #tpu.memory_space<vmem>> -> memref<40xi32, #tpu.memory_space<vmem>>
    %dma_start3A_596 = arith.constant 0 : i32
    %dma_start3A_597 = arith.constant 0 : i32
    %dma_start3A_598 = tpu.memref_slice %arg34[%dma_start3A_596, %dma_start3A_597] : memref<10240x128xf32, #tpu.memory_space<vmem_shared>> -> memref<10240x128xf32, #tpu.memory_space<vmem_shared>>
    tpu.enqueue_indirect_dma source(%arg10 : memref<40x128xf32, #tpu.memory_space<vmem>>) target(%dma_start3A_598 : memref<10240x128xf32, #tpu.memory_space<vmem_shared>>) offsets(%dma_start3A_595 : memref<40xi32, #tpu.memory_space<vmem>>) semaphore(%arg20 : memref<!tpu.dma_semaphore, #tpu.memory_space<semaphore_mem>>) {add = true}
    %dma_wait3A_599 = arith.constant 0 : i32
    %dma_wait3A_600 = arith.constant 0 : i32
    %dma_wait3A_601 = tpu.memref_slice %arg2[%dma_wait3A_599, %dma_wait3A_600] : memref<10000x128xf32, #tpu.memory_space<hbm>> -> memref<40x128xf32, #tpu.memory_space<hbm>>
    %dma_wait3A_602 = arith.constant 0 : i32
    %dma_wait3A_603 = arith.constant 0 : i32
    %dma_wait3A_604 = tpu.memref_slice %arg2[%dma_wait3A_602, %dma_wait3A_603] : memref<10000x128xf32, #tpu.memory_space<hbm>> -> memref<40x128xf32, #tpu.memory_space<hbm>>
    tpu.wait_dma2 semaphore(%arg19 : memref<!tpu.dma_semaphore, #tpu.memory_space<semaphore_mem>>) src(%dma_wait3A_604 : memref<40x128xf32, #tpu.memory_space<hbm>>) dst(%arg9 : memref<40x128xf32, #tpu.memory_space<vmem>>)
    %dma_wait3A_605 = arith.constant 0 : i32
    %dma_wait3A_606 = arith.constant 0 : i32
    %dma_wait3A_607 = tpu.memref_slice %arg2[%dma_wait3A_605, %dma_wait3A_606] : memref<10000x128xf32, #tpu.memory_space<hbm>> -> memref<40x128xf32, #tpu.memory_space<hbm>>
    %dma_wait3A_608 = arith.constant 0 : i32
    %dma_wait3A_609 = arith.constant 0 : i32
    %dma_wait3A_610 = tpu.memref_slice %arg2[%dma_wait3A_608, %dma_wait3A_609] : memref<10000x128xf32, #tpu.memory_space<hbm>> -> memref<40x128xf32, #tpu.memory_space<hbm>>
    tpu.wait_dma2 semaphore(%arg16 : memref<!tpu.dma_semaphore, #tpu.memory_space<semaphore_mem>>) src(%dma_wait3A_610 : memref<40x128xf32, #tpu.memory_space<hbm>>) dst(%arg11 : memref<40x128xf32, #tpu.memory_space<vmem>>)
    %dma_start3A_611 = arith.constant 9920 : i32
    %dma_start3A_612 = tpu.memref_slice %arg7[%dma_start3A_611] : memref<10000xi32, #tpu.memory_space<vmem>> -> memref<40xi32, #tpu.memory_space<vmem>>
    %dma_start3A_613 = arith.constant 0 : i32
    %dma_start3A_614 = arith.constant 0 : i32
    %dma_start3A_615 = tpu.memref_slice %arg34[%dma_start3A_613, %dma_start3A_614] : memref<10240x128xf32, #tpu.memory_space<vmem_shared>> -> memref<10240x128xf32, #tpu.memory_space<vmem_shared>>
    tpu.enqueue_indirect_dma source(%arg11 : memref<40x128xf32, #tpu.memory_space<vmem>>) target(%dma_start3A_615 : memref<10240x128xf32, #tpu.memory_space<vmem_shared>>) offsets(%dma_start3A_612 : memref<40xi32, #tpu.memory_space<vmem>>) semaphore(%arg21 : memref<!tpu.dma_semaphore, #tpu.memory_space<semaphore_mem>>) {add = true}
    %dma_wait3A_616 = arith.constant 0 : i32
    %dma_wait3A_617 = arith.constant 0 : i32
    %dma_wait3A_618 = tpu.memref_slice %arg2[%dma_wait3A_616, %dma_wait3A_617] : memref<10000x128xf32, #tpu.memory_space<hbm>> -> memref<40x128xf32, #tpu.memory_space<hbm>>
    %dma_wait3A_619 = arith.constant 0 : i32
    %dma_wait3A_620 = arith.constant 0 : i32
    %dma_wait3A_621 = tpu.memref_slice %arg2[%dma_wait3A_619, %dma_wait3A_620] : memref<10000x128xf32, #tpu.memory_space<hbm>> -> memref<40x128xf32, #tpu.memory_space<hbm>>
    tpu.wait_dma2 semaphore(%arg20 : memref<!tpu.dma_semaphore, #tpu.memory_space<semaphore_mem>>) src(%dma_wait3A_621 : memref<40x128xf32, #tpu.memory_space<hbm>>) dst(%arg10 : memref<40x128xf32, #tpu.memory_space<vmem>>)
    %dma_wait3A_622 = arith.constant 0 : i32
    %dma_wait3A_623 = arith.constant 0 : i32
    %dma_wait3A_624 = tpu.memref_slice %arg2[%dma_wait3A_622, %dma_wait3A_623] : memref<10000x128xf32, #tpu.memory_space<hbm>> -> memref<40x128xf32, #tpu.memory_space<hbm>>
    %dma_wait3A_625 = arith.constant 0 : i32
    %dma_wait3A_626 = arith.constant 0 : i32
    %dma_wait3A_627 = tpu.memref_slice %arg2[%dma_wait3A_625, %dma_wait3A_626] : memref<10000x128xf32, #tpu.memory_space<hbm>> -> memref<40x128xf32, #tpu.memory_space<hbm>>
    tpu.wait_dma2 semaphore(%arg17 : memref<!tpu.dma_semaphore, #tpu.memory_space<semaphore_mem>>) src(%dma_wait3A_627 : memref<40x128xf32, #tpu.memory_space<hbm>>) dst(%arg12 : memref<40x128xf32, #tpu.memory_space<vmem>>)
    %dma_start3A_628 = arith.constant 9960 : i32
    %dma_start3A_629 = tpu.memref_slice %arg7[%dma_start3A_628] : memref<10000xi32, #tpu.memory_space<vmem>> -> memref<40xi32, #tpu.memory_space<vmem>>
    %dma_start3A_630 = arith.constant 0 : i32
    %dma_start3A_631 = arith.constant 0 : i32
    %dma_start3A_632 = tpu.memref_slice %arg34[%dma_start3A_630, %dma_start3A_631] : memref<10240x128xf32, #tpu.memory_space<vmem_shared>> -> memref<10240x128xf32, #tpu.memory_space<vmem_shared>>
    tpu.enqueue_indirect_dma source(%arg12 : memref<40x128xf32, #tpu.memory_space<vmem>>) target(%dma_start3A_632 : memref<10240x128xf32, #tpu.memory_space<vmem_shared>>) offsets(%dma_start3A_629 : memref<40xi32, #tpu.memory_space<vmem>>) semaphore(%arg22 : memref<!tpu.dma_semaphore, #tpu.memory_space<semaphore_mem>>) {add = true}
    %dma_wait3A_633 = arith.constant 0 : i32
    %dma_wait3A_634 = arith.constant 0 : i32
    %dma_wait3A_635 = tpu.memref_slice %arg2[%dma_wait3A_633, %dma_wait3A_634] : memref<10000x128xf32, #tpu.memory_space<hbm>> -> memref<40x128xf32, #tpu.memory_space<hbm>>
    %dma_wait3A_636 = arith.constant 0 : i32
    %dma_wait3A_637 = arith.constant 0 : i32
    %dma_wait3A_638 = tpu.memref_slice %arg2[%dma_wait3A_636, %dma_wait3A_637] : memref<10000x128xf32, #tpu.memory_space<hbm>> -> memref<40x128xf32, #tpu.memory_space<hbm>>
    tpu.wait_dma2 semaphore(%arg21 : memref<!tpu.dma_semaphore, #tpu.memory_space<semaphore_mem>>) src(%dma_wait3A_638 : memref<40x128xf32, #tpu.memory_space<hbm>>) dst(%arg11 : memref<40x128xf32, #tpu.memory_space<vmem>>)
    %dma_wait3A_639 = arith.constant 0 : i32
    %dma_wait3A_640 = arith.constant 0 : i32
    %dma_wait3A_641 = tpu.memref_slice %arg2[%dma_wait3A_639, %dma_wait3A_640] : memref<10000x128xf32, #tpu.memory_space<hbm>> -> memref<40x128xf32, #tpu.memory_space<hbm>>
    %dma_wait3A_642 = arith.constant 0 : i32
    %dma_wait3A_643 = arith.constant 0 : i32
    %dma_wait3A_644 = tpu.memref_slice %arg2[%dma_wait3A_642, %dma_wait3A_643] : memref<10000x128xf32, #tpu.memory_space<hbm>> -> memref<40x128xf32, #tpu.memory_space<hbm>>
    tpu.wait_dma2 semaphore(%arg22 : memref<!tpu.dma_semaphore, #tpu.memory_space<semaphore_mem>>) src(%dma_wait3A_644 : memref<40x128xf32, #tpu.memory_space<hbm>>) dst(%arg12 : memref<40x128xf32, #tpu.memory_space<vmem>>)
    %barrier3A_645 = arith.constant 0 : index
    tpu.barrier barrier_id(%barrier3A_645)
    %mul3A_646 = arith.constant 10240 : i32
    %mul3A_647 = arith.muli %arg0, %mul3A_646 : i32
    %add3A_648 = arith.addi %mul3A_647, %mul3A_15 : i32
    "tpu.region"() ({
      %run_scoped3A = tpu.sem_alloc : memref<!tpu.dma_semaphore, #tpu.memory_space<semaphore_mem>>
      %dma_start3A_649 = arith.constant 0 : i32
      %dma_start3A_650 = tpu.memref_slice %arg5[%add3A_648, %dma_start3A_649] : memref<20480x128xf32, #tpu.memory_space<hbm>> -> memref<640x128xf32, #tpu.memory_space<hbm>>
      %dma_start3A_651 = arith.constant 0 : i32
      %dma_start3A_652 = tpu.memref_slice %arg34[%mul3A_15, %dma_start3A_651] : memref<10240x128xf32, #tpu.memory_space<vmem_shared>> -> memref<640x128xf32, #tpu.memory_space<vmem_shared>>
      tpu.enqueue_dma source(%dma_start3A_652 : memref<640x128xf32, #tpu.memory_space<vmem_shared>>) target(%dma_start3A_650 : memref<640x128xf32, #tpu.memory_space<hbm>>) target_semaphore(%run_scoped3A : memref<!tpu.dma_semaphore, #tpu.memory_space<semaphore_mem>>)
      %dma_wait3A_653 = arith.constant 0 : i32
      %dma_wait3A_654 = tpu.memref_slice %arg5[%add3A_648, %dma_wait3A_653] : memref<20480x128xf32, #tpu.memory_space<hbm>> -> memref<640x128xf32, #tpu.memory_space<hbm>>
      %dma_wait3A_655 = arith.constant 0 : i32
      %dma_wait3A_656 = tpu.memref_slice %arg34[%mul3A_15, %dma_wait3A_655] : memref<10240x128xf32, #tpu.memory_space<vmem_shared>> -> memref<640x128xf32, #tpu.memory_space<vmem_shared>>
      tpu.wait_dma2 semaphore(%run_scoped3A : memref<!tpu.dma_semaphore, #tpu.memory_space<semaphore_mem>>) src(%dma_wait3A_656 : memref<640x128xf32, #tpu.memory_space<vmem_shared>>) dst(%dma_wait3A_654 : memref<640x128xf32, #tpu.memory_space<hbm>>)
      tpu.yield
    }) : () -> ()
    return
  }
}

module attributes {stable_mosaic.version = 14 : i64} {
  func.func @_dbl_body(%arg0: i32, %arg1: memref<10000x128xf32, #tpu.memory_space<vmem>>, %arg2: memref<10000x128xf32, #tpu.memory_space<vmem>>, %arg3: memref<1x128xf32, #tpu.memory_space<vmem>>, %arg4: memref<128x128xf32, #tpu.memory_space<vmem>>, %arg5: memref<128x128xf32, #tpu.memory_space<vmem>>, %arg6: memref<10000x128xf32, #tpu.memory_space<vmem>>) attributes {dimension_semantics = [#tpu.dimension_semantics<arbitrary>], iteration_bounds = array<i64: 1>, scalar_prefetch = 0 : i64, scratch_operands = 0 : i64, tpu.core_type = #tpu.core_type<tc>, window_params = [{transform_indices = @transform_0, window_bounds = array<i64: 10000, 128>}, {transform_indices = @transform_1, window_bounds = array<i64: 10000, 128>}, {pipeline_mode = #tpu.pipeline_mode<synchronous>, transform_indices = @transform_2, window_bounds = array<i64: 1, 128>}, {pipeline_mode = #tpu.pipeline_mode<synchronous>, transform_indices = @transform_3, window_bounds = array<i64: 128, 128>}, {pipeline_mode = #tpu.pipeline_mode<synchronous>, transform_indices = @transform_4, window_bounds = array<i64: 128, 128>}, {transform_indices = @transform_5, window_bounds = array<i64: 10000, 128>}]} {
    %get3A = arith.constant 0 : index
    %get3A_0 = arith.constant 0 : index
    %get3A_1 = vector.load %arg1[%get3A, %get3A_0] : memref<10000x128xf32, #tpu.memory_space<vmem>>, vector<10000x128xf32>
    %get3A_2 = arith.constant 0 : index
    %get3A_3 = arith.constant 0 : index
    %get3A_4 = vector.load %arg2[%get3A_2, %get3A_3] : memref<10000x128xf32, #tpu.memory_space<vmem>>, vector<10000x128xf32>
    %add3A = arith.addf %get3A_1, %get3A_4 : vector<10000x128xf32>
    %get3A_5 = arith.constant 0 : index
    %get3A_6 = arith.constant 0 : index
    %get3A_7 = vector.load %arg4[%get3A_5, %get3A_6] : memref<128x128xf32, #tpu.memory_space<vmem>>, vector<128x128xf32>
    %dot_general3A = arith.constant dense<0.000000e+00> : vector<10000x128xf32>
    %dot_general3A_8 = tpu.matmul %add3A, %get3A_7, %dot_general3A {dimension_numbers = #tpu.dot_dimension_numbers<[1], [1], [0], [0], [0, 0, 1, 0], [], []>, transpose_lhs_hint = false} : vector<10000x128xf32>, vector<128x128xf32>, vector<10000x128xf32> -> vector<10000x128xf32>
    %get3A_9 = arith.constant 0 : index
    %get3A_10 = arith.constant 0 : index
    %get3A_11 = vector.load %arg3[%get3A_9, %get3A_10] : memref<1x128xf32, #tpu.memory_space<vmem>>, vector<1x128xf32>
    %add3A_12 = vector.broadcast %get3A_11 : vector<1x128xf32> to vector<10000x128xf32>
    %add3A_13 = arith.addf %dot_general3A_8, %add3A_12 : vector<10000x128xf32>
    %max3A = arith.constant 0.000000e+00 : f32
    %max3A_14 = vector.broadcast %max3A : f32 to vector<10000x128xf32>
    %max3A_15 = arith.maximumf %add3A_13, %max3A_14 : vector<10000x128xf32>
    %get3A_16 = arith.constant 0 : index
    %get3A_17 = arith.constant 0 : index
    %get3A_18 = vector.load %arg5[%get3A_16, %get3A_17] : memref<128x128xf32, #tpu.memory_space<vmem>>, vector<128x128xf32>
    %dot_general3A_19 = arith.constant dense<0.000000e+00> : vector<10000x128xf32>
    %dot_general3A_20 = tpu.matmul %max3A_15, %get3A_18, %dot_general3A_19 {dimension_numbers = #tpu.dot_dimension_numbers<[1], [1], [0], [0], [0, 0, 1, 0], [], []>, transpose_lhs_hint = false} : vector<10000x128xf32>, vector<128x128xf32>, vector<10000x128xf32> -> vector<10000x128xf32>
    %swap3A = arith.constant 0 : index
    %swap3A_21 = arith.constant 0 : index
    %swap3A_22 = vector.load %arg6[%swap3A, %swap3A_21] : memref<10000x128xf32, #tpu.memory_space<vmem>>, vector<10000x128xf32>
    tpu.vector_store %arg6[%swap3A, %swap3A_21], %dot_general3A_20 {strides = array<i32>} : memref<10000x128xf32, #tpu.memory_space<vmem>>, vector<10000x128xf32>,
    return
  }
  func.func @transform_0(%arg0: i32) -> (i32, i32) {
    %c0_i32 = arith.constant 0 : i32
    %c0_i32_0 = arith.constant 0 : i32
    return %arg0, %c0_i32 : i32, i32
  }
  func.func @transform_1(%arg0: i32) -> (i32, i32) {
    %c0_i32 = arith.constant 0 : i32
    %c0_i32_0 = arith.constant 0 : i32
    return %arg0, %c0_i32 : i32, i32
  }
  func.func @transform_2(%arg0: i32) -> (i32, i32) {
    %c0_i32 = arith.constant 0 : i32
    %c0_i32_0 = arith.constant 0 : i32
    %c0_i32_1 = arith.constant 0 : i32
    return %c0_i32, %c0_i32_0 : i32, i32
  }
  func.func @transform_3(%arg0: i32) -> (i32, i32) {
    %c0_i32 = arith.constant 0 : i32
    %c0_i32_0 = arith.constant 0 : i32
    %c0_i32_1 = arith.constant 0 : i32
    return %c0_i32, %c0_i32_0 : i32, i32
  }
  func.func @transform_4(%arg0: i32) -> (i32, i32) {
    %c0_i32 = arith.constant 0 : i32
    %c0_i32_0 = arith.constant 0 : i32
    %c0_i32_1 = arith.constant 0 : i32
    return %c0_i32, %c0_i32_0 : i32, i32
  }
  func.func @transform_5(%arg0: i32) -> (i32, i32) {
    %c0_i32 = arith.constant 0 : i32
    %c0_i32_0 = arith.constant 0 : i32
    return %arg0, %c0_i32 : i32, i32
  }
}

module attributes {stable_mosaic.version = 14 : i64} {
  func.func @_pool_body(%arg0: i32, %arg1: memref<10000x128xf32, #tpu.memory_space<vmem>>, %arg2: memref<10000x128xf32, #tpu.memory_space<vmem>>, %arg3: memref<1x128xf32, #tpu.memory_space<vmem>>, %arg4: memref<1x1x10000xi32, #tpu.memory_space<vmem>>, %arg5: memref<64x128xf32, #tpu.memory_space<vmem>>) attributes {dimension_semantics = [#tpu.dimension_semantics<arbitrary>], iteration_bounds = array<i64: 1>, scalar_prefetch = 0 : i64, scratch_operands = 0 : i64, tpu.core_type = #tpu.core_type<tc>, window_params = [{transform_indices = @transform_0, window_bounds = array<i64: 10000, 128>}, {transform_indices = @transform_1, window_bounds = array<i64: 10000, 128>}, {pipeline_mode = #tpu.pipeline_mode<synchronous>, transform_indices = @transform_2, window_bounds = array<i64: 1, 128>}, {transform_indices = @transform_3, window_bounds = array<i64: 1, 1, 10000>}, {pipeline_mode = #tpu.pipeline_mode<synchronous>, transform_indices = @transform_4, window_bounds = array<i64: 64, 128>}]} {
    %get3A = arith.constant 0 : index
    %get3A_0 = arith.constant 0 : index
    %get3A_1 = vector.load %arg1[%get3A, %get3A_0] : memref<10000x128xf32, #tpu.memory_space<vmem>>, vector<10000x128xf32>
    %get3A_2 = arith.constant 0 : index
    %get3A_3 = arith.constant 0 : index
    %get3A_4 = vector.load %arg2[%get3A_2, %get3A_3] : memref<10000x128xf32, #tpu.memory_space<vmem>>, vector<10000x128xf32>
    %add3A = arith.addf %get3A_1, %get3A_4 : vector<10000x128xf32>
    %get3A_5 = arith.constant 0 : index
    %get3A_6 = arith.constant 0 : index
    %get3A_7 = vector.load %arg3[%get3A_5, %get3A_6] : memref<1x128xf32, #tpu.memory_space<vmem>>, vector<1x128xf32>
    %add3A_8 = vector.broadcast %get3A_7 : vector<1x128xf32> to vector<10000x128xf32>
    %add3A_9 = arith.addf %add3A, %add3A_8 : vector<10000x128xf32>
    %max3A = arith.constant 0.000000e+00 : f32
    %max3A_10 = vector.broadcast %max3A : f32 to vector<10000x128xf32>
    %max3A_11 = arith.maximumf %add3A_9, %max3A_10 : vector<10000x128xf32>
    %get3A_12 = arith.constant 0 : index
    %get3A_13 = arith.constant 0 : index
    %get3A_14 = arith.constant 0 : index
    %get3A_15 = vector.load %arg4[%get3A_12, %get3A_13, %get3A_14] : memref<1x1x10000xi32, #tpu.memory_space<vmem>>, vector<1x1x10000xi32>
    %get3A_16 = vector.shape_cast %get3A_15 : vector<1x1x10000xi32> to vector<10000xi32>
    %iota3A = tpu.iota {dimensions = array<i32: 0>} : vector<64x10000xi32>
    %broadcast_in_dim3A = vector.shape_cast %get3A_16 : vector<10000xi32> to vector<1x10000xi32>
    %eq3A = vector.broadcast %broadcast_in_dim3A : vector<1x10000xi32> to vector<64x10000xi32>
    %eq3A_17 = arith.cmpi eq, %iota3A, %eq3A : vector<64x10000xi32>
    %convert_element_type3A = arith.extui %eq3A_17 : vector<64x10000xi1> to vector<64x10000xi32>
    %convert_element_type3A_18 = arith.sitofp %convert_element_type3A : vector<64x10000xi32> to vector<64x10000xf32>
    %dot_general3A = arith.constant dense<0.000000e+00> : vector<64x128xf32>
    %dot_general3A_19 = tpu.matmul %convert_element_type3A_18, %max3A_11, %dot_general3A {dimension_numbers = #tpu.dot_dimension_numbers<[1], [0], [0], [1], [0, 0, 1, 1], [], []>, transpose_lhs_hint = false} : vector<64x10000xf32>, vector<10000x128xf32>, vector<64x128xf32> -> vector<64x128xf32>
    %eq3A_20 = arith.constant 0 : i32
    %eq3A_21 = arith.cmpi eq, %arg0, %eq3A_20 : i32
    %convert_element_type3A_22 = arith.extui %eq3A_21 : i1 to i32
    %cond3A = arith.constant 0 : i32
    %cond3A_23 = arith.cmpi ne, %convert_element_type3A_22, %cond3A : i32
    scf.if %cond3A_23 {
      %swap3A = arith.constant 0 : index
      %swap3A_28 = arith.constant 0 : index
      %swap3A_29 = vector.load %arg5[%swap3A, %swap3A_28] : memref<64x128xf32, #tpu.memory_space<vmem>>, vector<64x128xf32>
      tpu.vector_store %arg5[%swap3A, %swap3A_28], %dot_general3A_19 {strides = array<i32>} : memref<64x128xf32, #tpu.memory_space<vmem>>, vector<64x128xf32>,
    } else {
    }
    %gt3A = arith.constant 0 : i32
    %gt3A_24 = arith.cmpi sgt, %arg0, %gt3A : i32
    %convert_element_type3A_25 = arith.extui %gt3A_24 : i1 to i32
    %cond3A_26 = arith.constant 0 : i32
    %cond3A_27 = arith.cmpi ne, %convert_element_type3A_25, %cond3A_26 : i32
    scf.if %cond3A_27 {
      %get3A_28 = arith.constant 0 : index
      %get3A_29 = arith.constant 0 : index
      %get3A_30 = vector.load %arg5[%get3A_28, %get3A_29] : memref<64x128xf32, #tpu.memory_space<vmem>>, vector<64x128xf32>
      %add3A_31 = arith.addf %get3A_30, %dot_general3A_19 : vector<64x128xf32>
      %swap3A = arith.constant 0 : index
      %swap3A_32 = arith.constant 0 : index
      %swap3A_33 = vector.load %arg5[%swap3A, %swap3A_32] : memref<64x128xf32, #tpu.memory_space<vmem>>, vector<64x128xf32>
      tpu.vector_store %arg5[%swap3A, %swap3A_32], %add3A_31 {strides = array<i32>} : memref<64x128xf32, #tpu.memory_space<vmem>>, vector<64x128xf32>,
    } else {
    }
    return
  }
  func.func @transform_0(%arg0: i32) -> (i32, i32) {
    %c0_i32 = arith.constant 0 : i32
    %c0_i32_0 = arith.constant 0 : i32
    return %arg0, %c0_i32 : i32, i32
  }
  func.func @transform_1(%arg0: i32) -> (i32, i32) {
    %c0_i32 = arith.constant 0 : i32
    %c0_i32_0 = arith.constant 0 : i32
    return %arg0, %c0_i32 : i32, i32
  }
  func.func @transform_2(%arg0: i32) -> (i32, i32) {
    %c0_i32 = arith.constant 0 : i32
    %c0_i32_0 = arith.constant 0 : i32
    %c0_i32_1 = arith.constant 0 : i32
    return %c0_i32, %c0_i32_0 : i32, i32
  }
  func.func @transform_3(%arg0: i32) -> (i32, i32, i32) {
    %c0_i32 = arith.constant 0 : i32
    %c0_i32_0 = arith.constant 0 : i32
    %c0_i32_1 = arith.constant 0 : i32
    return %arg0, %c0_i32, %c0_i32_0 : i32, i32, i32
  }
  func.func @transform_4(%arg0: i32) -> (i32, i32) {
    %c0_i32 = arith.constant 0 : i32
    %c0_i32_0 = arith.constant 0 : i32
    %c0_i32_1 = arith.constant 0 : i32
    return %c0_i32, %c0_i32_0 : i32, i32
  }
}

</mosaic_0001>

<sc_bundles>
// kernel: kernel.6.cloned.1.call-start
scs
__scs_entry_jumppad:
0x0: {  	(pc) =	sbr.rel $0x88, $3  }
0x1: {  	(tag) =	ssettag $0x0;
	lr =	simm.s32 $0x1  }
0x2: {  	[smem:$0x3F9A] =	sst lr;
	_ =	strace $0xD0000000  }
0x3: {  	_ = 	snop  }
0x4: {  	_ = 	snop  }
0x5: {  	_ = 	snop  }
0x6: {  	_ = 	snop  }
0x7: {  	_ = 	snop  }
__scs_overlays_trampoline_lowered:
0x8: {  	[smem:$0x3FA9] =	sst s0  }
0x9: {  	[smem:$0x3FAA] =	sst s1  }
0xa: {  	[smem:$0x3FAB] =	sst s2  }
0xb: {  	[smem:$0x3FAC] =	sst s3  }
0xc: {  	[smem:$0x3FAD] =	sst s4  }
0xd: {  	[smem:$0x3FAE] =	sst s5  }
0xe: {  	[smem:$0x3FAF] =	sst s6  }
0xf: {  	[smem:$0x3FB0] =	sst s7  }
0x10: {  	[smem:$0x3FB1] =	sst s8  }
0x11: {  	[smem:$0x3FB2] =	sst s9;
	s0 =	simm.s32 @!p0 $0x0  }
0x12: {  	s1 =	sld [smem:$0x3F98];
	s0 =	simm.s32 @p0 $0x1  }
0x13: {  	[smem:$0x3FB3] =	sst s0;
	s0 =	simm.s32 @!p1 $0x0  }
0x14: {  	s2 =	sld [smem:$0x3F97];
	s0 =	simm.s32 @p1 $0x1  }
0x15: {  	[smem:$0x3FB4] =	sst s0;
	s0 =	simm.s32 @!p2 $0x0  }
0x16: {  	s3 =	sld [smem:$0x3FDB];
	s0 =	simm.s32 @p2 $0x1  }
0x17: {  	s4 =	simm.s32 $0x1BF5;
	[smem:$0x3FB6] =	sst s0  }
0x18: {  	s0 =	sld [smem:$0x3F99];
	_ =	swait.ge [sflag:s4], $0x0  }
0x19: {  	s7 =	sld [smem:$0x3F9A]  }
0x1a: {  	s8 =	sadd.s32 $0xFFFFE003, lr  }
0x1b: {  	s9 =	sadd.s32 $0xFFFFFEF7, lr;
	s5 =	simm.s32 $0xFFFFFFFF;
	p2 =	slt.u32 s8, $0xFFFFF086  }
0x1c: {  	p1 =	slt.u32 s9, $0xF7A;
	s5 =	simm.s32 @!p2 $0x0  }
0x1d: {  	s5 =	simm.s32 @p1 $0x1;
	p0 =	seq.s32 s7, s2  }
0x1e: {  	s7 =	smul.u32 @!p0 $0xF7A, s2;
	p2 =	seq.s32 @!p0 s5, $0x0  }
0x1f: {  	s9 =	smul.u32 $0xF7A, s1;
	s8 =	simm.s32 @!p0 $0x1BF5;
	p2 =	por !p2, p0  }
0x20: {  	[sflag:s8] =	ssyncset.s32 @!p0 $0xFFFFF086;
	s6 =	sadd.s32 @!p0 s3, s7;
	s7 =	simm.s32 @!p0 $0x108  }
0x21: {  	s3 =	sadd.s32 s3, s9;
	s6 =	sadd.s32 @!p0 $0x88, s6;
	s7 =	simm.s32 @p2 $0x1082  }
0x22: {  	[simem:s7], [sflag:s8] =	dma.local @!p0 [hbm:s6], $0xF7A  }
0x23: {  	s9 =	sor.u32 $0xD0000000, s2;
	s6 =	simm.s32 $0x108;
	_ =	swait.ge @!p0 [sflag:s8], $0x0  }
0x24: {  	s3 =	sadd.s32 $0x88, s3;
	s6 =	simm.s32 @!p1 $0x1082;
	[sflag:s4] =	ssyncset.s32 $0xFFFFF086  }
0x25: {  	[simem:s6], [sflag:s4] =	dma.local [hbm:s3], $0xF7A  }
0x26: {  	[smem:$0x3F9A] =	sst s1;
	(tag) =	ssettag s2;
	_ =	strace s9  }
0x27: {  	s1 =	sld [smem:$0x3FAA]  }
0x28: {  	s2 =	sld [smem:$0x3FAB]  }
0x29: {  	s4 =	sld [smem:$0x3FAD]  }
0x2a: {  	p0 =	seq.s32 s5, $0x0;
	s5 =	sld [smem:$0x3FAE]  }
0x2b: {  	s6 =	sld [smem:$0x3FAF]  }
0x2c: {  	s7 =	sld [smem:$0x3FB0]  }
0x2d: {  	s3 =	simm.s32 $0x108;
	s8 =	sld [smem:$0x3FB1]  }
0x2e: {  	s3 =	simm.s32 @!p0 $0x1082;
	s9 =	sld [smem:$0x3FB2]  }
0x2f: {  	lr =	sadd.s32 s0, s3;
	s0 =	sld [smem:$0x3FA9]  }
0x30: {  	s3 =	sld [smem:$0x3FAC]  }
0x31: {  	[smem:$0x3FB5] =	sst s10  }
0x32: {  	s10 =	sld [smem:$0x3FB3];
	_ =	sdelay $0x3  }
0x33: {  	p0 =	seq.s32 s10, $0x1;
	s10 =	sld [smem:$0x3FB5];
	_ =	sdelay $0x3  }
0x34: {  	[smem:$0x3FB5] =	sst s10  }
0x35: {  	s10 =	sld [smem:$0x3FB4];
	_ =	sdelay $0x3  }
0x36: {  	p1 =	seq.s32 s10, $0x1;
	s10 =	sld [smem:$0x3FB5];
	_ =	sdelay $0x3  }
0x37: {  	[smem:$0x3FB5] =	sst s10  }
0x38: {  	s10 =	sld [smem:$0x3FB6]  }
0x39: {  	_ = 	snop;
	(pc) =	sbr.ind lr, $3  }
0x3a: {  	_ = 	snop  }
0x3b: {  	_ = 	snop  }
0x3c: {  	p2 =	seq.s32 s10, $0x1;
	s10 =	sld [smem:$0x3FB5]  }
0x3d: {  	_ =	shalt  }
0x3e: {  	_ =	shalt  }
0x3f: {  	_ =	shalt  }
0x40: {  	_ =	shalt  }
0x41: {  	_ =	shalt  }
0x42: {  	_ =	shalt  }
0x43: {  	_ =	shalt  }
0x44: {  	_ =	shalt  }
0x45: {  	_ =	shalt  }
0x46: {  	_ =	shalt  }
0x47: {  	_ =	shalt  }
0x48: {  	_ =	shalt  }
0x49: {  	_ =	shalt  }
0x4a: {  	_ =	shalt  }
0x4b: {  	_ =	shalt  }
0x4c: {  	_ =	shalt  }
0x4d: {  	_ =	shalt  }
0x4e: {  	_ =	shalt  }
0x4f: {  	_ =	shalt  }
0x50: {  	_ =	shalt  }
0x51: {  	_ =	shalt  }
0x52: {  	_ =	shalt  }
0x53: {  	_ =	shalt  }
0x54: {  	_ =	shalt  }
0x55: {  	_ =	shalt  }
0x56: {  	_ =	shalt  }
0x57: {  	_ =	shalt  }
0x58: {  	_ =	shalt  }
0x59: {  	_ =	shalt  }
0x5a: {  	_ =	shalt  }
0x5b: {  	_ =	shalt  }
0x5c: {  	_ =	shalt  }
0x5d: {  	_ =	shalt  }
0x5e: {  	_ =	shalt  }
0x5f: {  	_ =	shalt  }
0x60: {  	_ =	shalt  }
0x61: {  	_ =	shalt  }
0x62: {  	_ =	shalt  }
0x63: {  	_ =	shalt  }
0x64: {  	_ =	shalt  }
0x65: {  	_ =	shalt  }
0x66: {  	_ =	shalt  }
0x67: {  	_ =	shalt  }
0x68: {  	_ =	shalt  }
0x69: {  	_ =	shalt  }
0x6a: {  	_ =	shalt  }
0x6b: {  	_ =	shalt  }
0x6c: {  	_ =	shalt  }
0x6d: {  	_ =	shalt  }
0x6e: {  	_ =	shalt  }
0x6f: {  	_ =	shalt  }
0x70: {  	_ =	shalt  }
0x71: {  	_ =	shalt  }
0x72: {  	_ =	shalt  }
0x73: {  	_ =	shalt  }
0x74: {  	_ =	shalt  }
0x75: {  	_ =	shalt  }
0x76: {  	_ =	shalt  }
0x77: {  	_ =	shalt  }
0x78: {  	_ =	shalt  }
0x79: {  	_ =	shalt  }
0x7a: {  	_ =	shalt  }
0x7b: {  	_ =	shalt  }
0x7c: {  	_ =	shalt  }
0x7d: {  	_ =	shalt  }
0x7e: {  	_ =	shalt  }
0x7f: {  	_ =	shalt  }
0x80: {  	_ =	shalt  }
0x81: {  	_ =	shalt  }
0x82: {  	_ =	shalt  }
0x83: {  	_ =	shalt  }
0x84: {  	_ =	shalt  }
0x85: {  	_ =	shalt  }
0x86: {  	_ =	shalt  }
0x87: {  	_ =	shalt  }
.Lfunc_end0:
.L_simem_size_0:
called_computation_lowered:
.L_overlay_start_0:
0x88: {  	s2 =	sld [smem:$0x3FD9]  }
0x89: {  	s3 =	sld [smem:$0x3FFE];
	_ =	sdelay $0x1  }
0x8a: {  	s1 =	srdreg.scid  }
0x8b: {  	s0 =	sand.u32 $0x1, s1  }
0x8c: {  	s17 =	sshll.u32 s0, $0xA;
	s2 =	sadd.s32 s3, s2  }
0x8d: {  	s2 =	sadd.s32 s2, s17  }
0x8e: {  	[smem:$0x3FC1] =	sst s2  }
0x8f: {  	_ = 	snop  }
0x90: {  	s2 =	sld [smem:$0x3FC9];
	(tm) =	ssettm $0x1  }
0x91: {  	s18 =	sld [smem:$0x3FFB];
	_ =	sdelay $0x3  }
0x92: {  	_ =	strace s18  }
0x93: {  	s3 =	sld [smem:$0x3FFC];
	_ =	sdelay $0x3  }
0x94: {  	_ =	strace s3  }
0x95: {  	s3 =	sld [smem:$0x3FFD];
	_ =	sdelay $0x3  }
0x96: {  	_ =	strace s3  }
0x97: {  	_ =	strace $0x8FFFFFFF  }
0x98: {  	s19 =	sld [smem:$0x3FDB];
	_ =	sdelay $0x1  }
0x99: {  	s4 =	simm.s32 $_scs_section_size  }
0x9a: {  	s5 =	simm.s32 $_size__tile_overlayer_lowered;
	s6 =	simm.s32 $_tile_overlayer_lowered  }
0x9b: {  	s22 =	simm.s32 $0x1BFF;
	s21 =	sshll.u32 s6, $0x1;
	s3 =	sadd.s32 s4, s19  }
0x9c: {  	s7 =	simm.s32 $0x0;
	s20 =	sshll.u32 s5, $0x1;
	s5 =	sadd.s32 s21, s3  }
0x9d: {  	[timem:s7], [sflag:s22] =	dma.local [hbm:s5], s20  }
0x9e: {  	_ =	swait.ge [sflag:s22], s20  }
0x9f: {  	s4 =	ssub.s32 $0x0, s20;
	[sflag:s22] =	ssyncset.done $0x0  }
0xa0: {  	[sflag:s22] =	ssyncadd.s32 s4;
	_ =	sdelay $0x1  }
0xa1: {  	s23 =	simm.s32 $0x1B8B  }
0xa2: {  	_ =	swait.ge [sflag:s23], $0x1  }
0xa3: {  	[sflag:s23] =	ssyncset.done $0x0  }
0xa4: {  	s25 =	simm.s32 $0x1B8E;
	s24 =	sld [smem:$0x3FFE];
	[sflag:s23] =	ssyncadd.s32 $0xFFFFFFFF  }
0xa5: {  	s26 =	simm.s32 $execute0_lowered;
	[smem:$0x3FD2] =	sst s25  }
0xa6: {  	s5 =	sshll.u32 s26, $0x1;
	_ =	strace $0x80000046;
	[dreg:$0x1] =	wrdreg $0xFFFFFFFF  }
0xa7: {  	s28 =	simm.s32 $_size_execute0_lowered;
	s3 =	sadd.s32 s3, s5;
	[dreg:$0x0] =	wrdreg $0x0  }
0xa8: {  	s5 =	sshll.u32 s28, $0x1;
	[dreg:$0x2] =	wrdreg s3  }
0xa9: {  	[dreg:$0x3] =	wrdreg s5  }
0xaa: {  	[dreg:$0x4] =	wrdreg $0xC0  }
0xab: {  	_ =	task [dreg:s7], $0x5FFFF  }
0xac: {  	[dreg:$0x1] =	wrdreg $0xFFFFFFFF  }
0xad: {  	[dreg:$0x0] =	wrdreg $0x60  }
0xae: {  	[dreg:$0x2] =	wrdreg s2  }
0xaf: {  	[dreg:$0x3] =	wrdreg s24  }
0xb0: {  	[dreg:$0x4] =	wrdreg $0xBB000  }
0xb1: {  	[dreg:$0x5] =	wrdreg $0x9  }
0xb2: {  	_ =	task.clear_ibuf [dreg:s7], $0x6FFFF;
	_ =	strace $0x90000046  }
0xb3: {  	s29 =	simm.s32 $0x9;
	_ =	strace $0x80000048  }
0xb4: {  	_ =	swait.ge [sflag:s29], $0x1  }
0xb5: {  	[sflag:s29] =	ssyncadd.s32 $0xFFFFFFFF  }
0xb6: {  	_ =	strace $0x90000048  }
0xb7: {  	_ =	sfence  }
0xb8: {  	s30 =	sld [smem:$0x0];
	_ =	sdelay $0x2  }
0xb9: {  	s31 =	sshll.u32 s1, $0xD;
	s1 =	sshrl.u32 s1, $0x2  }
0xba: {  	s3 =	sand.u32 $0x4000, s31;
	s1 =	sadd.s32 s1, s30  }
0xbb: {  	s0 =	sor.u32 s3, s0;
	s1 =	sshll.u32 s1, $0x11  }
0xbc: {  	s0 =	sor.u32 s1, s0  }
0xbd: {  	s0 =	sadd.s32 $0x8F2B, s0  }
0xbe: {  	[sflag:s0] =	ssyncadd.remote.s32 $0x1  }
0xbf: {  	_ =	sfence.sel $0xFFFF  }
0xc0: {  	[dreg:$0x0] =	wrdreg $0xFFFFFFFF;
	(pc) =	sbr.abs _section_cstart, $3  }
0xc1: {  	[dreg:$0x1] =	wrdreg $0xFFFFFFFF  }
0xc2: {  	_ =	task.clear_ibuf [dreg:s7], $0x2FFFF;
	_ =	strace $0x9FFFFFFF  }
0xc3: {  	(tm) =	ssettm $0x7FFFFFFF  }
tec
execute0_lowered:
.L_overlay_start_1:
0x0: {  	(tag) =	ssettag $0x1  }
0x1: {  	s0 =	srdreg.scid;
	s2 =	rddreg [dreg:$0x0]  }
0x2: {  	s7 =	stileid.u32;
	s4 =	rddreg [dreg:$0x1]  }
0x3: {  	s3 =	rddreg [dreg:$0x2];
	s8 =	simm.s32 $0x0;
	s5 =	smul.u32 $0x2800, s7  }
0x4: {  	s0 =	sand.u32 $0x1, s0;
	s1 =	sshll.u32 s7, $0x1;
	s7 =	smul.u32 $0x50000, s7  }
0x5: {  	s1 =	sor.u32 s0, s1;
	s6 =	smul.u32 $0x28000, s0;
	s0 =	ssub.s32 $0x2, s0  }
0x6: {  	[smem:$0x7FF] =	sst s8;
	s1 =	smul.u32 $0x4E2, s1;
	s8 =	sshrl.u32 s0, $0x1  }
0x7: {  	_ =	strace $0x80000047;
	s7 =	sshrl.u32 s7, $0x2;
	s0 =	ssub.s32 s0, s8  }
0x8: {  	s5 =	sadd.s32 s5, s6;
	s1 =	sadd.s32 s1, s4;
	s0 =	smax.u32 s0, $0x1  }
0x9: {  	s4 =	sadd.s32 s5, s4;
	s5 =	sadd.s32 s7, s3;
	[dreg:$0x18] =	wrdreg s0  }
0xa: {  	s9 =	sadd.s32 $0xAE00, s1;
	[dreg:$0x4] =	wrdreg s5  }
0xb: {  	s1 =	sadd.s32 $0x1000, s1;
	[dreg:$0x5] =	wrdreg s9  }
0xc: {  	s10 =	sadd.s32 $0x800, s5;
	[dreg:$0x6] =	wrdreg s1  }
0xd: {  	s11 =	sadd.s32 $0x1000, s5;
	[dreg:$0x7] =	wrdreg s10  }
0xe: {  	s12 =	sadd.s32 $0x1800, s5;
	[dreg:$0x8] =	wrdreg s11  }
0xf: {  	s13 =	sadd.s32 $0x2000, s5;
	[dreg:$0x9] =	wrdreg s12  }
0x10: {  	s14 =	sadd.s32 $0x2800, s5;
	[dreg:$0xa] =	wrdreg s13  }
0x11: {  	s15 =	sadd.s32 $0x3000, s5;
	[dreg:$0xb] =	wrdreg s14  }
0x12: {  	s16 =	sadd.s32 $0x3800, s5;
	[dreg:$0xc] =	wrdreg s15  }
0x13: {  	s17 =	sadd.s32 $0x4000, s5;
	[dreg:$0xd] =	wrdreg s16  }
0x14: {  	s18 =	sadd.s32 $0x4800, s5;
	[dreg:$0xe] =	wrdreg s17  }
0x15: {  	s19 =	sadd.s32 $0x5000, s5;
	[dreg:$0xf] =	wrdreg s18  }
0x16: {  	s20 =	sadd.s32 $0x5800, s5;
	[dreg:$0x10] =	wrdreg s19  }
0x17: {  	s21 =	sadd.s32 $0x6000, s5;
	[dreg:$0x11] =	wrdreg s20  }
0x18: {  	s22 =	sadd.s32 $0x6800, s5;
	[dreg:$0x12] =	wrdreg s21  }
0x19: {  	s23 =	sadd.s32 $0x7000, s5;
	[dreg:$0x13] =	wrdreg s22  }
0x1a: {  	s24 =	sadd.s32 $0x7800, s5;
	[dreg:$0x14] =	wrdreg s23  }
0x1b: {  	s25 =	sadd.s32 $0x8000, s5;
	[dreg:$0x15] =	wrdreg s24  }
0x1c: {  	s26 =	sadd.s32 $0x14C00, s4;
	[dreg:$0x16] =	wrdreg s25  }
0x1d: {  	s4 =	sadd.s32 $0x9000, s5;
	[dreg:$0x17] =	wrdreg s26  }
0x1e: {  	s6 =	sadd.s32 $0x9800, s5;
	[dreg:$0x1a] =	wrdreg s4  }
0x1f: {  	s7 =	sadd.s32 $0xA000, s5;
	[dreg:$0x1b] =	wrdreg s6  }
0x20: {  	s8 =	sadd.s32 $0xA800, s5;
	[dreg:$0x1c] =	wrdreg s7  }
0x21: {  	s1 =	sadd.s32 $0x8800, s5;
	[dreg:$0x1d] =	wrdreg s8  }
0x22: {  	s9 =	sadd.s32 $0xB000, s5;
	[dreg:$0x19] =	wrdreg s1  }
0x23: {  	s10 =	sadd.s32 $0xB800, s5;
	[dreg:$0x1e] =	wrdreg s9  }
0x24: {  	s11 =	sadd.s32 $0xC000, s5;
	[dreg:$0x1f] =	wrdreg s10  }
0x25: {  	s12 =	sadd.s32 $0xC800, s5;
	[smem:$0x7EE] =	sst s11  }
0x26: {  	s13 =	sadd.s32 $0xD000, s5;
	[smem:$0x7EF] =	sst s12  }
0x27: {  	s14 =	sadd.s32 $0xD800, s5;
	[smem:$0x7F0] =	sst s13  }
0x28: {  	s15 =	sadd.s32 $0xE000, s5;
	[smem:$0x7F1] =	sst s14  }
0x29: {  	s16 =	sadd.s32 $0xE800, s5;
	[smem:$0x7F2] =	sst s15  }
0x2a: {  	s17 =	sadd.s32 $0xF000, s5;
	[smem:$0x7F3] =	sst s16  }
0x2b: {  	s28 =	simm.s32 $0xF;
	s18 =	sadd.s32 $0xF800, s5;
	[smem:$0x7F4] =	sst s17  }
0x2c: {  	s29 =	simm.s32 $0x10;
	s19 =	sadd.s32 $0x10000, s5;
	[smem:$0x7F5] =	sst s18  }
0x2d: {  	s30 =	simm.s32 $0x11;
	s20 =	sadd.s32 $0x10800, s5;
	[smem:$0x7F6] =	sst s19  }
0x2e: {  	s31 =	simm.s32 $0x12;
	s21 =	sadd.s32 $0x11000, s5;
	[smem:$0x7F7] =	sst s20  }
0x2f: {  	s0 =	simm.s32 $0x14;
	s22 =	sadd.s32 $0x11800, s5;
	[smem:$0x7F8] =	sst s21  }
0x30: {  	s23 =	sadd.s32 $0x12000, s5;
	s24 =	sadd.s32 $0x12800, s5;
	[smem:$0x7F9] =	sst s22  }
0x31: {  	s25 =	sadd.s32 $0x13000, s5;
	s26 =	sadd.s32 $0x13800, s5;
	[smem:$0x7FA] =	sst s23  }
0x32: {  	s4 =	simm.s32 $0x28;
	s6 =	simm.s32 $0x4F00;
	[smem:$0x7FB] =	sst s24  }
0x33: {  	s7 =	simm.s32 $0x6300;
	s8 =	simm.s32 $0x7700;
	[smem:$0x7FC] =	sst s25  }
0x34: {  	[smem:$0x7FD] =	sst s26;
	s22 =	simm.s32 $0xB300;
	s25 =	simm.s32 $0xD  }
0x35: {  	s26 =	simm.s32 $0xE;
	s1 =	simm.s32 $0x13;
	s9 =	simm.s32 $0x8B00  }
0x36: {  	s10 =	simm.s32 $0x1;
	s11 =	simm.s32 $0x9F00;
	s12 =	simm.s32 $0x2  }
0x37: {  	s13 =	simm.s32 $0x6;
	s21 =	simm.s32 $0x3;
	s14 =	simm.s32 $0x7  }
0x38: {  	s15 =	simm.s32 $0x4;
	s16 =	simm.s32 $0x8;
	s17 =	simm.s32 $0x5  }
0x39: {  	v0 =	vimm.f32 $0.0e+00;
	s18 =	simm.s32 $0x9;
	s19 =	simm.s32 $0xA;
	s23 =	simm.s32 $0x0  }
.LBB2_1:
0x3a: {  	s5 =	simm.s32 $0x0;
	s20 =	rddreg [dreg:$0x5]  }
0x3b: {  	[tilespmem:s5], [sflag:$0xB] =	stream.linear.gather [hbm4b:s20+s5], $0x2710, $0x38;
	[tilespmem:$0x1FB00] =	vst v63  }
0x3c: {  	s24 =	simm.s32 $0x2780;
	s20 =	rddreg [dreg:$0x6]  }
0x3d: {  	[tilespmem:s24], [sflag:$0xC] =	stream.linear.gather [hbm4b:s20+s5], $0x2710, $0x38;
	[tilespmem:$0x1FB00] =	vst v63  }
0x3e: {  	s20 =	simm.s32 $0x0;
	s24 =	simm.s32 $0x200  }
.LBB2_2:
0x3f: {  	p0 =	sne.s32 s24, $0x1E00;
	[tilespmem:s20+$0xB370] =	vst v0  }
0x40: {  	[tilespmem:s20+$0xB300] =	vst v0  }
0x41: {  	[tilespmem:s20+$0xB310] =	vst v0  }
.Ltmp0:
0x42: {  	[tilespmem:s20+$0xB320] =	vst v0;
	(pc) =	sbr.rel @p0 .LBB2_2-.Ltmp0, $4  }
0x43: {  	[tilespmem:s20+$0xB330] =	vst v0  }
0x44: {  	[tilespmem:s20+$0xB340] =	vst v0  }
0x45: {  	[tilespmem:s20+$0xB350] =	vst v0  }
0x46: {  	[tilespmem:s20+$0xB360] =	vst v0;
	s20 =	sshra.s32 s24, $0x2;
	s24 =	sadd.s32 $0x200, s24  }
0x47: {  	[tilespmem:s20+$0xB370] =	vst v0  }
0x48: {  	[tilespmem:s20+$0xB300] =	vst v0  }
0x49: {  	[tilespmem:s20+$0xB310] =	vst v0  }
0x4a: {  	[tilespmem:s20+$0xB320] =	vst v0  }
0x4b: {  	[tilespmem:s20+$0xB330] =	vst v0  }
0x4c: {  	[tilespmem:s20+$0xB340] =	vst v0  }
0x4d: {  	[tilespmem:s20+$0xB350] =	vst v0;
	s5 =	rddreg [dreg:$0x4]  }
0x4e: {  	[tilespmem:s20+$0xB360] =	vst v0;
	s24 =	rddreg [dreg:$0x7]  }
0x4f: {  	[spmem:s5] =	stream.linear.scatter [tilespmem:s22], [sflag:$0xD], $0x800, $0x38;
	[tilespmem:$0x1FB00] =	vst v63  }
0x50: {  	s20 =	rddreg [dreg:$0x8]  }
0x51: {  	[spmem:s24] =	stream.linear.scatter [tilespmem:s22], [sflag:$0xE], $0x800, $0x38;
	[tilespmem:$0x1FB00] =	vst v63  }
0x52: {  	s24 =	rddreg [dreg:$0x9]  }
0x53: {  	[spmem:s20] =	stream.linear.scatter [tilespmem:s22], [sflag:$0xF], $0x800, $0x38;
	[tilespmem:$0x1FB00] =	vst v63  }
0x54: {  	s20 =	rddreg [dreg:$0xa]  }
0x55: {  	[spmem:s24] =	stream.linear.scatter [tilespmem:s22], [sflag:$0x10], $0x800, $0x38;
	[tilespmem:$0x1FB00] =	vst v63  }
0x56: {  	s24 =	rddreg [dreg:$0xb]  }
0x57: {  	[spmem:s20] =	stream.linear.scatter [tilespmem:s22], [sflag:$0x11], $0x800, $0x38;
	[tilespmem:$0x1FB00] =	vst v63  }
0x58: {  	s20 =	rddreg [dreg:$0xc]  }
0x59: {  	[spmem:s24] =	stream.linear.scatter [tilespmem:s22], [sflag:$0x12], $0x800, $0x38;
	[tilespmem:$0x1FB00] =	vst v63  }
0x5a: {  	s24 =	rddreg [dreg:$0xd]  }
0x5b: {  	[spmem:s20] =	stream.linear.scatter [tilespmem:s22], [sflag:$0x13], $0x800, $0x38;
	[tilespmem:$0x1FB00] =	vst v63  }
0x5c: {  	s20 =	rddreg [dreg:$0xe]  }
0x5d: {  	[spmem:s24] =	stream.linear.scatter [tilespmem:s22], [sflag:$0x14], $0x800, $0x38;
	[tilespmem:$0x1FB00] =	vst v63  }
0x5e: {  	s24 =	rddreg [dreg:$0xf]  }
0x5f: {  	[spmem:s20] =	stream.linear.scatter [tilespmem:s22], [sflag:$0xD], $0x800, $0x38;
	[tilespmem:$0x1FB00] =	vst v63  }
0x60: {  	s20 =	rddreg [dreg:$0x10]  }
0x61: {  	[spmem:s24] =	stream.linear.scatter [tilespmem:s22], [sflag:$0xE], $0x800, $0x38;
	[tilespmem:$0x1FB00] =	vst v63  }
0x62: {  	s24 =	rddreg [dreg:$0x11]  }
0x63: {  	[spmem:s20] =	stream.linear.scatter [tilespmem:s22], [sflag:$0xF], $0x800, $0x38;
	[tilespmem:$0x1FB00] =	vst v63  }
0x64: {  	s20 =	rddreg [dreg:$0x12]  }
0x65: {  	[spmem:s24] =	stream.linear.scatter [tilespmem:s22], [sflag:$0x10], $0x800, $0x38;
	[tilespmem:$0x1FB00] =	vst v63  }
0x66: {  	s24 =	rddreg [dreg:$0x13]  }
0x67: {  	[spmem:s20] =	stream.linear.scatter [tilespmem:s22], [sflag:$0x11], $0x800, $0x38;
	[tilespmem:$0x1FB00] =	vst v63  }
0x68: {  	s20 =	rddreg [dreg:$0x14]  }
0x69: {  	[spmem:s24] =	stream.linear.scatter [tilespmem:s22], [sflag:$0x12], $0x800, $0x38;
	[tilespmem:$0x1FB00] =	vst v63  }
0x6a: {  	s24 =	rddreg [dreg:$0x15]  }
0x6b: {  	[spmem:s20] =	stream.linear.scatter [tilespmem:s22], [sflag:$0x13], $0x800, $0x38;
	[tilespmem:$0x1FB00] =	vst v63  }
0x6c: {  	s20 =	rddreg [dreg:$0x16]  }
0x6d: {  	[spmem:s24] =	stream.linear.scatter [tilespmem:s22], [sflag:$0x14], $0x800, $0x38;
	[tilespmem:$0x1FB00] =	vst v63  }
0x6e: {  	s24 =	rddreg [dreg:$0x19]  }
0x6f: {  	[spmem:s20] =	stream.linear.scatter [tilespmem:s22], [sflag:$0xD], $0x800, $0x38;
	[tilespmem:$0x1FB00] =	vst v63  }
0x70: {  	s20 =	rddreg [dreg:$0x1a]  }
0x71: {  	[spmem:s24] =	stream.linear.scatter [tilespmem:s22], [sflag:$0xE], $0x800, $0x38;
	[tilespmem:$0x1FB00] =	vst v63  }
0x72: {  	s24 =	rddreg [dreg:$0x1b]  }
0x73: {  	[spmem:s20] =	stream.linear.scatter [tilespmem:s22], [sflag:$0xF], $0x800, $0x38;
	[tilespmem:$0x1FB00] =	vst v63  }
0x74: {  	s20 =	rddreg [dreg:$0x1c]  }
0x75: {  	[spmem:s24] =	stream.linear.scatter [tilespmem:s22], [sflag:$0x10], $0x800, $0x38;
	[tilespmem:$0x1FB00] =	vst v63  }
0x76: {  	s24 =	rddreg [dreg:$0x1d]  }
0x77: {  	[spmem:s20] =	stream.linear.scatter [tilespmem:s22], [sflag:$0x11], $0x800, $0x38;
	[tilespmem:$0x1FB00] =	vst v63  }
0x78: {  	s20 =	rddreg [dreg:$0x1e]  }
0x79: {  	[spmem:s24] =	stream.linear.scatter [tilespmem:s22], [sflag:$0x12], $0x800, $0x38;
	[tilespmem:$0x1FB00] =	vst v63  }
0x7a: {  	s24 =	rddreg [dreg:$0x1f]  }
0x7b: {  	[spmem:s20] =	stream.linear.scatter [tilespmem:s22], [sflag:$0x13], $0x800, $0x38;
	[tilespmem:$0x1FB00] =	vst v63  }
0x7c: {  	s20 =	sld [smem:$0x7EE]  }
0x7d: {  	[spmem:s24] =	stream.linear.scatter [tilespmem:s22], [sflag:$0x14], $0x800, $0x38;
	[tilespmem:$0x1FB00] =	vst v63  }
0x7e: {  	s24 =	sld [smem:$0x7EF]  }
0x7f: {  	[spmem:s20] =	stream.linear.scatter [tilespmem:s22], [sflag:$0xD], $0x800, $0x38;
	[tilespmem:$0x1FB00] =	vst v63  }
0x80: {  	s20 =	sld [smem:$0x7F0]  }
0x81: {  	[spmem:s24] =	stream.linear.scatter [tilespmem:s22], [sflag:$0xE], $0x800, $0x38;
	[tilespmem:$0x1FB00] =	vst v63  }
0x82: {  	s24 =	sld [smem:$0x7F1]  }
0x83: {  	[spmem:s20] =	stream.linear.scatter [tilespmem:s22], [sflag:$0xF], $0x800, $0x38;
	[tilespmem:$0x1FB00] =	vst v63  }
0x84: {  	s20 =	sld [smem:$0x7F2]  }
0x85: {  	[spmem:s24] =	stream.linear.scatter [tilespmem:s22], [sflag:$0x10], $0x800, $0x38;
	[tilespmem:$0x1FB00] =	vst v63  }
0x86: {  	s24 =	sld [smem:$0x7F3]  }
0x87: {  	[spmem:s20] =	stream.linear.scatter [tilespmem:s22], [sflag:$0x11], $0x800, $0x38;
	[tilespmem:$0x1FB00] =	vst v63  }
0x88: {  	s20 =	sld [smem:$0x7F4]  }
0x89: {  	[spmem:s24] =	stream.linear.scatter [tilespmem:s22], [sflag:$0x12], $0x800, $0x38;
	[tilespmem:$0x1FB00] =	vst v63  }
0x8a: {  	s24 =	sld [smem:$0x7F5]  }
0x8b: {  	[spmem:s20] =	stream.linear.scatter [tilespmem:s22], [sflag:$0x13], $0x800, $0x38;
	[tilespmem:$0x1FB00] =	vst v63  }
0x8c: {  	s20 =	sld [smem:$0x7F6]  }
0x8d: {  	[spmem:s24] =	stream.linear.scatter [tilespmem:s22], [sflag:$0x14], $0x800, $0x38;
	[tilespmem:$0x1FB00] =	vst v63  }
0x8e: {  	s24 =	sld [smem:$0x7F7]  }
0x8f: {  	[spmem:s20] =	stream.linear.scatter [tilespmem:s22], [sflag:$0xD], $0x800, $0x38;
	[tilespmem:$0x1FB00] =	vst v63  }
0x90: {  	s20 =	sld [smem:$0x7F8]  }
0x91: {  	[spmem:s24] =	stream.linear.scatter [tilespmem:s22], [sflag:$0xE], $0x800, $0x38;
	[tilespmem:$0x1FB00] =	vst v63  }
0x92: {  	s24 =	sld [smem:$0x7F9]  }
0x93: {  	[spmem:s20] =	stream.linear.scatter [tilespmem:s22], [sflag:$0xF], $0x800, $0x38;
	[tilespmem:$0x1FB00] =	vst v63  }
0x94: {  	s20 =	sld [smem:$0x7FA]  }
0x95: {  	[spmem:s24] =	stream.linear.scatter [tilespmem:s22], [sflag:$0x10], $0x800, $0x38;
	[tilespmem:$0x1FB00] =	vst v63  }
0x96: {  	s24 =	sld [smem:$0x7FB]  }
0x97: {  	[spmem:s20] =	stream.linear.scatter [tilespmem:s22], [sflag:$0x11], $0x800, $0x38;
	[tilespmem:$0x1FB00] =	vst v63  }
0x98: {  	s20 =	sld [smem:$0x7FC]  }
0x99: {  	[spmem:s24] =	stream.linear.scatter [tilespmem:s22], [sflag:$0x12], $0x800, $0x38;
	[tilespmem:$0x1FB00] =	vst v63  }
0x9a: {  	s24 =	sld [smem:$0x7FD]  }
0x9b: {  	[spmem:s20] =	stream.linear.scatter [tilespmem:s22], [sflag:$0x13], $0x800, $0x38;
	[tilespmem:$0x1FB00] =	vst v63  }
0x9c: {  	s20 =	simm.s32 $0xB  }
0x9d: {  	[spmem:s24] =	stream.linear.scatter [tilespmem:s22], [sflag:$0x14], $0x800, $0x38;
	[tilespmem:$0x1FB00] =	vst v63  }
0x9e: {  	_ =	swait.ge [sflag:s20], $0x2710  }
0x9f: {  	[sflag:s20] =	ssyncset.done $0x0  }
0xa0: {  	s24 =	simm.s32 $0xC;
	[sflag:s20] =	ssyncadd.s32 $0xFFFFD8F0  }
0xa1: {  	_ =	swait.ge [sflag:s24], $0x2710  }
0xa2: {  	[sflag:s24] =	ssyncset.done $0x0  }
0xa3: {  	[sflag:s24] =	ssyncadd.s32 $0xFFFFD8F0  }
0xa4: {  	_ =	swait.ge [sflag:s25], $0x800  }
0xa5: {  	[sflag:s25] =	ssyncset.done $0x0  }
0xa6: {  	[sflag:s25] =	ssyncadd.s32 $0xFFFFF800  }
0xa7: {  	_ =	swait.ge [sflag:s26], $0x800  }
0xa8: {  	[sflag:s26] =	ssyncset.done $0x0  }
0xa9: {  	[sflag:s26] =	ssyncadd.s32 $0xFFFFF800  }
0xaa: {  	_ =	swait.ge [sflag:s28], $0x800  }
0xab: {  	[sflag:s28] =	ssyncset.done $0x0  }
0xac: {  	[sflag:s28] =	ssyncadd.s32 $0xFFFFF800  }
0xad: {  	_ =	swait.ge [sflag:s29], $0x800  }
0xae: {  	[sflag:s29] =	ssyncset.done $0x0  }
0xaf: {  	[sflag:s29] =	ssyncadd.s32 $0xFFFFF800  }
0xb0: {  	_ =	swait.ge [sflag:s30], $0x800  }
0xb1: {  	[sflag:s30] =	ssyncset.done $0x0  }
0xb2: {  	[sflag:s30] =	ssyncadd.s32 $0xFFFFF800  }
0xb3: {  	_ =	swait.ge [sflag:s31], $0x800  }
0xb4: {  	[sflag:s31] =	ssyncset.done $0x0  }
0xb5: {  	[sflag:s31] =	ssyncadd.s32 $0xFFFFF800  }
0xb6: {  	_ =	swait.ge [sflag:s1], $0x800  }
0xb7: {  	[sflag:s1] =	ssyncset.done $0x0  }
0xb8: {  	[sflag:s1] =	ssyncadd.s32 $0xFFFFF800  }
0xb9: {  	_ =	swait.ge [sflag:s0], $0x800  }
0xba: {  	[sflag:s0] =	ssyncset.done $0x0  }
0xbb: {  	[sflag:s0] =	ssyncadd.s32 $0xFFFFF800  }
0xbc: {  	_ =	swait.ge [sflag:s25], $0x800  }
0xbd: {  	[sflag:s25] =	ssyncset.done $0x0  }
0xbe: {  	[sflag:s25] =	ssyncadd.s32 $0xFFFFF800  }
0xbf: {  	_ =	swait.ge [sflag:s26], $0x800  }
0xc0: {  	[sflag:s26] =	ssyncset.done $0x0  }
0xc1: {  	[sflag:s26] =	ssyncadd.s32 $0xFFFFF800  }
0xc2: {  	_ =	swait.ge [sflag:s28], $0x800  }
0xc3: {  	[sflag:s28] =	ssyncset.done $0x0  }
0xc4: {  	[sflag:s28] =	ssyncadd.s32 $0xFFFFF800  }
0xc5: {  	_ =	swait.ge [sflag:s29], $0x800  }
0xc6: {  	[sflag:s29] =	ssyncset.done $0x0  }
0xc7: {  	[sflag:s29] =	ssyncadd.s32 $0xFFFFF800  }
0xc8: {  	_ =	swait.ge [sflag:s30], $0x800  }
0xc9: {  	[sflag:s30] =	ssyncset.done $0x0  }
0xca: {  	[sflag:s30] =	ssyncadd.s32 $0xFFFFF800  }
0xcb: {  	_ =	swait.ge [sflag:s31], $0x800  }
0xcc: {  	[sflag:s31] =	ssyncset.done $0x0  }
0xcd: {  	[sflag:s31] =	ssyncadd.s32 $0xFFFFF800  }
0xce: {  	_ =	swait.ge [sflag:s1], $0x800  }
0xcf: {  	[sflag:s1] =	ssyncset.done $0x0  }
0xd0: {  	[sflag:s1] =	ssyncadd.s32 $0xFFFFF800  }
0xd1: {  	_ =	swait.ge [sflag:s0], $0x800  }
0xd2: {  	[sflag:s0] =	ssyncset.done $0x0  }
0xd3: {  	[sflag:s0] =	ssyncadd.s32 $0xFFFFF800  }
0xd4: {  	_ =	swait.ge [sflag:s25], $0x800  }
0xd5: {  	[sflag:s25] =	ssyncset.done $0x0  }
0xd6: {  	[sflag:s25] =	ssyncadd.s32 $0xFFFFF800  }
0xd7: {  	_ =	swait.ge [sflag:s26], $0x800  }
0xd8: {  	[sflag:s26] =	ssyncset.done $0x0  }
0xd9: {  	[sflag:s26] =	ssyncadd.s32 $0xFFFFF800  }
0xda: {  	_ =	swait.ge [sflag:s28], $0x800  }
0xdb: {  	[sflag:s28] =	ssyncset.done $0x0  }
0xdc: {  	[sflag:s28] =	ssyncadd.s32 $0xFFFFF800  }
0xdd: {  	_ =	swait.ge [sflag:s29], $0x800  }
0xde: {  	[sflag:s29] =	ssyncset.done $0x0  }
0xdf: {  	[sflag:s29] =	ssyncadd.s32 $0xFFFFF800  }
0xe0: {  	_ =	swait.ge [sflag:s30], $0x800  }
0xe1: {  	[sflag:s30] =	ssyncset.done $0x0  }
0xe2: {  	[sflag:s30] =	ssyncadd.s32 $0xFFFFF800  }
0xe3: {  	_ =	swait.ge [sflag:s31], $0x800  }
0xe4: {  	[sflag:s31] =	ssyncset.done $0x0  }
0xe5: {  	[sflag:s31] =	ssyncadd.s32 $0xFFFFF800  }
0xe6: {  	_ =	swait.ge [sflag:s1], $0x800  }
0xe7: {  	[sflag:s1] =	ssyncset.done $0x0  }
0xe8: {  	[sflag:s1] =	ssyncadd.s32 $0xFFFFF800  }
0xe9: {  	_ =	swait.ge [sflag:s0], $0x800  }
0xea: {  	[sflag:s0] =	ssyncset.done $0x0  }
0xeb: {  	[sflag:s0] =	ssyncadd.s32 $0xFFFFF800  }
0xec: {  	_ =	swait.ge [sflag:s25], $0x800  }
0xed: {  	[sflag:s25] =	ssyncset.done $0x0  }
0xee: {  	[sflag:s25] =	ssyncadd.s32 $0xFFFFF800  }
0xef: {  	_ =	swait.ge [sflag:s26], $0x800  }
0xf0: {  	[sflag:s26] =	ssyncset.done $0x0  }
0xf1: {  	[sflag:s26] =	ssyncadd.s32 $0xFFFFF800  }
0xf2: {  	_ =	swait.ge [sflag:s28], $0x800  }
0xf3: {  	[sflag:s28] =	ssyncset.done $0x0  }
0xf4: {  	[sflag:s28] =	ssyncadd.s32 $0xFFFFF800  }
0xf5: {  	_ =	swait.ge [sflag:s29], $0x800  }
0xf6: {  	[sflag:s29] =	ssyncset.done $0x0  }
0xf7: {  	[sflag:s29] =	ssyncadd.s32 $0xFFFFF800  }
0xf8: {  	_ =	swait.ge [sflag:s30], $0x800  }
0xf9: {  	[sflag:s30] =	ssyncset.done $0x0  }
0xfa: {  	[sflag:s30] =	ssyncadd.s32 $0xFFFFF800  }
0xfb: {  	_ =	swait.ge [sflag:s31], $0x800  }
0xfc: {  	[sflag:s31] =	ssyncset.done $0x0  }
0xfd: {  	[sflag:s31] =	ssyncadd.s32 $0xFFFFF800  }
0xfe: {  	_ =	swait.ge [sflag:s1], $0x800  }
0xff: {  	[sflag:s1] =	ssyncset.done $0x0  }
0x100: {  	[sflag:s1] =	ssyncadd.s32 $0xFFFFF800  }
0x101: {  	_ =	swait.ge [sflag:s0], $0x800  }
0x102: {  	[sflag:s0] =	ssyncset.done $0x0  }
0x103: {  	[sflag:s0] =	ssyncadd.s32 $0xFFFFF800  }
0x104: {  	_ =	swait.ge [sflag:s25], $0x800  }
0x105: {  	[sflag:s25] =	ssyncset.done $0x0  }
0x106: {  	[sflag:s25] =	ssyncadd.s32 $0xFFFFF800  }
0x107: {  	_ =	swait.ge [sflag:s26], $0x800  }
0x108: {  	[sflag:s26] =	ssyncset.done $0x0  }
0x109: {  	[sflag:s26] =	ssyncadd.s32 $0xFFFFF800  }
0x10a: {  	_ =	swait.ge [sflag:s28], $0x800  }
0x10b: {  	[sflag:s28] =	ssyncset.done $0x0  }
0x10c: {  	[sflag:s28] =	ssyncadd.s32 $0xFFFFF800  }
0x10d: {  	_ =	swait.ge [sflag:s29], $0x800  }
0x10e: {  	[sflag:s29] =	ssyncset.done $0x0  }
0x10f: {  	[sflag:s29] =	ssyncadd.s32 $0xFFFFF800  }
0x110: {  	_ =	swait.ge [sflag:s30], $0x800  }
0x111: {  	[sflag:s30] =	ssyncset.done $0x0  }
0x112: {  	[sflag:s30] =	ssyncadd.s32 $0xFFFFF800  }
0x113: {  	_ =	swait.ge [sflag:s31], $0x800  }
0x114: {  	[sflag:s31] =	ssyncset.done $0x0  }
0x115: {  	[sflag:s31] =	ssyncadd.s32 $0xFFFFF800  }
0x116: {  	_ =	swait.ge [sflag:s1], $0x800  }
0x117: {  	[sflag:s1] =	ssyncset.done $0x0  }
0x118: {  	[sflag:s1] =	ssyncadd.s32 $0xFFFFF800  }
0x119: {  	_ =	swait.ge [sflag:s0], $0x800  }
0x11a: {  	[sflag:s0] =	ssyncset.done $0x0  }
0x11b: {  	[sflag:s0] =	ssyncadd.s32 $0xFFFFF800  }
0x11c: {  	s5 =	simm.s32 $0x0;
	[bflag:$0x0] =	sbarrier.arrive $0xFFFF  }
0x11d: {  	[tilespmem:s6], [sflag:$0x1] =	stream.indirect.gather [hbm4b:s2+s4], $0x80, s5, s4, $0xb8;
	[tilespmem:$0x1FB00] =	vst v63  }
0x11e: {  	_ = 	snop  }
0x11f: {  	[tilespmem:s7], [sflag:$0x2] =	stream.indirect.gather [hbm4b:s2+s4], $0x80, s4, s4, $0xb8;
	[tilespmem:$0x1FB00] =	vst v63  }
0x120: {  	s20 =	simm.s32 $0x50  }
0x121: {  	[tilespmem:s8], [sflag:$0x3] =	stream.indirect.gather [hbm4b:s2+s4], $0x80, s20, s4, $0xb8;
	[tilespmem:$0x1FB00] =	vst v63  }
0x122: {  	s24 =	simm.s32 $0x78  }
0x123: {  	[tilespmem:s9], [sflag:$0x4] =	stream.indirect.gather [hbm4b:s2+s4], $0x80, s24, s4, $0xb8;
	[tilespmem:$0x1FB00] =	vst v63  }
0x124: {  	_ =	swait.ge [sflag:s10], $0x1400  }
0x125: {  	[sflag:s10] =	ssyncset.done $0x0  }
0x126: {  	s20 =	simm.s32 $0x2780;
	[sflag:s10] =	ssyncadd.s32 $0xFFFFEC00  }
0x127: {  	[spmem:s3] =	stream.indirect.scatter.add.f32 [tilespmem:s6], [sflag:$0x6], $0x80, s20, s4, $0xb8;
	[tilespmem:$0x1FB00] =	vst v63  }
0x128: {  	s24 =	simm.s32 $0xA0  }
0x129: {  	[tilespmem:s11], [sflag:$0x5] =	stream.indirect.gather [hbm4b:s2+s4], $0x80, s24, s4, $0xb8;
	[tilespmem:$0x1FB00] =	vst v63  }
0x12a: {  	_ =	swait.ge [sflag:s12], $0x1400  }
0x12b: {  	[sflag:s12] =	ssyncset.done $0x0  }
0x12c: {  	s20 =	simm.s32 $0x27A8;
	[sflag:s12] =	ssyncadd.s32 $0xFFFFEC00  }
0x12d: {  	[spmem:s3] =	stream.indirect.scatter.add.f32 [tilespmem:s7], [sflag:$0x7], $0x80, s20, s4, $0xb8;
	[tilespmem:$0x1FB00] =	vst v63  }
0x12e: {  	_ =	swait.ge [sflag:s13], $0x1400  }
0x12f: {  	[sflag:s13] =	ssyncset.done $0x0  }
0x130: {  	s24 =	simm.s32 $0xC8;
	[sflag:s13] =	ssyncadd.s32 $0xFFFFEC00  }
0x131: {  	[tilespmem:s6], [sflag:$0x1] =	stream.indirect.gather [hbm4b:s2+s4], $0x80, s24, s4, $0xb8;
	[tilespmem:$0x1FB00] =	vst v63  }
0x132: {  	_ =	swait.ge [sflag:s21], $0x1400  }
0x133: {  	[sflag:s21] =	ssyncset.done $0x0  }
0x134: {  	s20 =	simm.s32 $0x27D0;
	[sflag:s21] =	ssyncadd.s32 $0xFFFFEC00  }
0x135: {  	[spmem:s3] =	stream.indirect.scatter.add.f32 [tilespmem:s8], [sflag:$0x8], $0x80, s20, s4, $0xb8;
	[tilespmem:$0x1FB00] =	vst v63  }
0x136: {  	_ =	swait.ge [sflag:s14], $0x1400  }
0x137: {  	[sflag:s14] =	ssyncset.done $0x0  }
0x138: {  	s24 =	simm.s32 $0xF0;
	[sflag:s14] =	ssyncadd.s32 $0xFFFFEC00  }
0x139: {  	[tilespmem:s7], [sflag:$0x2] =	stream.indirect.gather [hbm4b:s2+s4], $0x80, s24, s4, $0xb8;
	[tilespmem:$0x1FB00] =	vst v63  }
0x13a: {  	_ =	swait.ge [sflag:s15], $0x1400  }
0x13b: {  	[sflag:s15] =	ssyncset.done $0x0  }
0x13c: {  	s20 =	simm.s32 $0x27F8;
	[sflag:s15] =	ssyncadd.s32 $0xFFFFEC00  }
0x13d: {  	[spmem:s3] =	stream.indirect.scatter.add.f32 [tilespmem:s9], [sflag:$0x9], $0x80, s20, s4, $0xb8;
	[tilespmem:$0x1FB00] =	vst v63  }
0x13e: {  	_ =	swait.ge [sflag:s16], $0x1400  }
0x13f: {  	[sflag:s16] =	ssyncset.done $0x0  }
0x140: {  	s24 =	simm.s32 $0x118;
	[sflag:s16] =	ssyncadd.s32 $0xFFFFEC00  }
0x141: {  	[tilespmem:s8], [sflag:$0x3] =	stream.indirect.gather [hbm4b:s2+s4], $0x80, s24, s4, $0xb8;
	[tilespmem:$0x1FB00] =	vst v63  }
0x142: {  	_ =	swait.ge [sflag:s17], $0x1400  }
0x143: {  	[sflag:s17] =	ssyncset.done $0x0  }
0x144: {  	s20 =	simm.s32 $0x2820;
	[sflag:s17] =	ssyncadd.s32 $0xFFFFEC00  }
0x145: {  	[spmem:s3] =	stream.indirect.scatter.add.f32 [tilespmem:s11], [sflag:$0xA], $0x80, s20, s4, $0xb8;
	[tilespmem:$0x1FB00] =	vst v63  }
0x146: {  	_ =	swait.ge [sflag:s18], $0x1400  }
0x147: {  	[sflag:s18] =	ssyncset.done $0x0  }
0x148: {  	s24 =	simm.s32 $0x140;
	[sflag:s18] =	ssyncadd.s32 $0xFFFFEC00  }
0x149: {  	[tilespmem:s9], [sflag:$0x4] =	stream.indirect.gather [hbm4b:s2+s4], $0x80, s24, s4, $0xb8;
	[tilespmem:$0x1FB00] =	vst v63  }
0x14a: {  	_ =	swait.ge [sflag:s10], $0x1400  }
0x14b: {  	[sflag:s10] =	ssyncset.done $0x0  }
0x14c: {  	s5 =	simm.s32 $0x2848;
	[sflag:s10] =	ssyncadd.s32 $0xFFFFEC00  }
0x14d: {  	[spmem:s3] =	stream.indirect.scatter.add.f32 [tilespmem:s6], [sflag:$0x6], $0x80, s5, s4, $0xb8;
	[tilespmem:$0x1FB00] =	vst v63  }
0x14e: {  	_ =	swait.ge [sflag:s19], $0x1400  }
0x14f: {  	[sflag:s19] =	ssyncset.done $0x0  }
0x150: {  	s24 =	simm.s32 $0x168;
	[sflag:s19] =	ssyncadd.s32 $0xFFFFEC00  }
0x151: {  	[tilespmem:s11], [sflag:$0x5] =	stream.indirect.gather [hbm4b:s2+s4], $0x80, s24, s4, $0xb8;
	[tilespmem:$0x1FB00] =	vst v63  }
0x152: {  	_ =	swait.ge [sflag:s12], $0x1400  }
0x153: {  	[sflag:s12] =	ssyncset.done $0x0  }
0x154: {  	s5 =	simm.s32 $0x2870;
	[sflag:s12] =	ssyncadd.s32 $0xFFFFEC00  }
0x155: {  	[spmem:s3] =	stream.indirect.scatter.add.f32 [tilespmem:s7], [sflag:$0x7], $0x80, s5, s4, $0xb8;
	[tilespmem:$0x1FB00] =	vst v63  }
0x156: {  	_ =	swait.ge [sflag:s13], $0x1400  }
0x157: {  	[sflag:s13] =	ssyncset.done $0x0  }
0x158: {  	s24 =	simm.s32 $0x190;
	[sflag:s13] =	ssyncadd.s32 $0xFFFFEC00  }
0x159: {  	[tilespmem:s6], [sflag:$0x1] =	stream.indirect.gather [hbm4b:s2+s4], $0x80, s24, s4, $0xb8;
	[tilespmem:$0x1FB00] =	vst v63  }
0x15a: {  	_ =	swait.ge [sflag:s21], $0x1400  }
0x15b: {  	[sflag:s21] =	ssyncset.done $0x0  }
0x15c: {  	s5 =	simm.s32 $0x2898;
	[sflag:s21] =	ssyncadd.s32 $0xFFFFEC00  }
0x15d: {  	[spmem:s3] =	stream.indirect.scatter.add.f32 [tilespmem:s8], [sflag:$0x8], $0x80, s5, s4, $0xb8;
	[tilespmem:$0x1FB00] =	vst v63  }
0x15e: {  	_ =	swait.ge [sflag:s14], $0x1400  }
0x15f: {  	[sflag:s14] =	ssyncset.done $0x0  }
0x160: {  	s24 =	simm.s32 $0x1B8;
	[sflag:s14] =	ssyncadd.s32 $0xFFFFEC00  }
0x161: {  	[tilespmem:s7], [sflag:$0x2] =	stream.indirect.gather [hbm4b:s2+s4], $0x80, s24, s4, $0xb8;
	[tilespmem:$0x1FB00] =	vst v63  }
0x162: {  	_ =	swait.ge [sflag:s15], $0x1400  }
0x163: {  	[sflag:s15] =	ssyncset.done $0x0  }
0x164: {  	s5 =	simm.s32 $0x28C0;
	[sflag:s15] =	ssyncadd.s32 $0xFFFFEC00  }
0x165: {  	[spmem:s3] =	stream.indirect.scatter.add.f32 [tilespmem:s9], [sflag:$0x9], $0x80, s5, s4, $0xb8;
	[tilespmem:$0x1FB00] =	vst v63  }
0x166: {  	_ =	swait.ge [sflag:s16], $0x1400  }
0x167: {  	[sflag:s16] =	ssyncset.done $0x0  }
0x168: {  	s24 =	simm.s32 $0x1E0;
	[sflag:s16] =	ssyncadd.s32 $0xFFFFEC00  }
0x169: {  	[tilespmem:s8], [sflag:$0x3] =	stream.indirect.gather [hbm4b:s2+s4], $0x80, s24, s4, $0xb8;
	[tilespmem:$0x1FB00] =	vst v63  }
0x16a: {  	_ =	swait.ge [sflag:s17], $0x1400  }
0x16b: {  	[sflag:s17] =	ssyncset.done $0x0  }
0x16c: {  	s20 =	simm.s32 $0x28E8;
	s24 =	simm.s32 $0x320;
	[sflag:s17] =	ssyncadd.s32 $0xFFFFEC00  }
.LBB2_4:
0x16d: {  	[spmem:s3] =	stream.indirect.scatter.add.f32 [tilespmem:s11], [sflag:$0xA], $0x80, s20, s4, $0xb8;
	[tilespmem:$0x1FB00] =	vst v63  }
0x16e: {  	s20 =	smov.u32 s24  }
0x16f: {  	p0 =	sne.s32 s24, $0x92E0;
	s24 =	sadd.s32 $0x320, s24;
	_ =	swait.ge [sflag:s18], $0x1400  }
0x170: {  	s20 =	sshra.s32 s20, $0x2;
	[sflag:s18] =	ssyncset.done $0x0  }
0x171: {  	s5 =	sadd.s32 $0x140, s20;
	[sflag:s18] =	ssyncadd.s32 $0xFFFFEC00  }
0x172: {  	[tilespmem:s9], [sflag:$0x4] =	stream.indirect.gather [hbm4b:s2+s4], $0x80, s5, s4, $0xb8;
	[tilespmem:$0x1FB00] =	vst v63  }
0x173: {  	_ =	swait.ge [sflag:s10], $0x1400  }
0x174: {  	[sflag:s10] =	ssyncset.done $0x0  }
0x175: {  	s5 =	sadd.s32 $0x2848, s20;
	[sflag:s10] =	ssyncadd.s32 $0xFFFFEC00  }
0x176: {  	[spmem:s3] =	stream.indirect.scatter.add.f32 [tilespmem:s6], [sflag:$0x6], $0x80, s5, s4, $0xb8;
	[tilespmem:$0x1FB00] =	vst v63  }
0x177: {  	_ =	swait.ge [sflag:s19], $0x1400  }
0x178: {  	[sflag:s19] =	ssyncset.done $0x0  }
0x179: {  	s5 =	sadd.s32 $0x168, s20;
	[sflag:s19] =	ssyncadd.s32 $0xFFFFEC00  }
0x17a: {  	[tilespmem:s11], [sflag:$0x5] =	stream.indirect.gather [hbm4b:s2+s4], $0x80, s5, s4, $0xb8;
	[tilespmem:$0x1FB00] =	vst v63  }
0x17b: {  	_ =	swait.ge [sflag:s12], $0x1400  }
0x17c: {  	[sflag:s12] =	ssyncset.done $0x0  }
0x17d: {  	s5 =	sadd.s32 $0x2870, s20;
	[sflag:s12] =	ssyncadd.s32 $0xFFFFEC00  }
0x17e: {  	[spmem:s3] =	stream.indirect.scatter.add.f32 [tilespmem:s7], [sflag:$0x7], $0x80, s5, s4, $0xb8;
	[tilespmem:$0x1FB00] =	vst v63  }
0x17f: {  	_ =	swait.ge [sflag:s13], $0x1400  }
0x180: {  	[sflag:s13] =	ssyncset.done $0x0  }
0x181: {  	s5 =	sadd.s32 $0x190, s20;
	[sflag:s13] =	ssyncadd.s32 $0xFFFFEC00  }
0x182: {  	[tilespmem:s6], [sflag:$0x1] =	stream.indirect.gather [hbm4b:s2+s4], $0x80, s5, s4, $0xb8;
	[tilespmem:$0x1FB00] =	vst v63  }
0x183: {  	_ =	swait.ge [sflag:s21], $0x1400  }
0x184: {  	[sflag:s21] =	ssyncset.done $0x0  }
0x185: {  	s5 =	sadd.s32 $0x2898, s20;
	[sflag:s21] =	ssyncadd.s32 $0xFFFFEC00  }
0x186: {  	[spmem:s3] =	stream.indirect.scatter.add.f32 [tilespmem:s8], [sflag:$0x8], $0x80, s5, s4, $0xb8;
	[tilespmem:$0x1FB00] =	vst v63  }
0x187: {  	_ =	swait.ge [sflag:s14], $0x1400  }
0x188: {  	[sflag:s14] =	ssyncset.done $0x0  }
0x189: {  	s5 =	sadd.s32 $0x1B8, s20;
	[sflag:s14] =	ssyncadd.s32 $0xFFFFEC00  }
0x18a: {  	[tilespmem:s7], [sflag:$0x2] =	stream.indirect.gather [hbm4b:s2+s4], $0x80, s5, s4, $0xb8;
	[tilespmem:$0x1FB00] =	vst v63  }
0x18b: {  	_ =	swait.ge [sflag:s15], $0x1400  }
0x18c: {  	[sflag:s15] =	ssyncset.done $0x0  }
0x18d: {  	s5 =	sadd.s32 $0x28C0, s20;
	[sflag:s15] =	ssyncadd.s32 $0xFFFFEC00  }
0x18e: {  	[spmem:s3] =	stream.indirect.scatter.add.f32 [tilespmem:s9], [sflag:$0x9], $0x80, s5, s4, $0xb8;
	[tilespmem:$0x1FB00] =	vst v63  }
0x18f: {  	_ =	swait.ge [sflag:s16], $0x1400  }
0x190: {  	[sflag:s16] =	ssyncset.done $0x0  }
.Ltmp1:
0x191: {  	s5 =	sadd.s32 $0x1E0, s20;
	[sflag:s16] =	ssyncadd.s32 $0xFFFFEC00;
	(pc) =	sbr.rel @p0 .LBB2_4-.Ltmp1, $4  }
0x192: {  	[tilespmem:s8], [sflag:$0x3] =	stream.indirect.gather [hbm4b:s2+s4], $0x80, s5, s4, $0xb8;
	[tilespmem:$0x1FB00] =	vst v63  }
0x193: {  	_ =	swait.ge [sflag:s17], $0x1400  }
0x194: {  	[sflag:s17] =	ssyncset.done $0x0  }
0x195: {  	s20 =	sadd.s32 $0x28E8, s20;
	[sflag:s17] =	ssyncadd.s32 $0xFFFFEC00  }
0x196: {  	[spmem:s3] =	stream.indirect.scatter.add.f32 [tilespmem:s11], [sflag:$0xA], $0x80, s20, s4, $0xb8;
	[tilespmem:$0x1FB00] =	vst v63  }
0x197: {  	_ =	swait.ge [sflag:s18], $0x1400  }
0x198: {  	[sflag:s18] =	ssyncset.done $0x0  }
0x199: {  	s5 =	simm.s32 $0x26C0;
	[sflag:s18] =	ssyncadd.s32 $0xFFFFEC00  }
0x19a: {  	[tilespmem:s9], [sflag:$0x4] =	stream.indirect.gather [hbm4b:s2+s4], $0x80, s5, s4, $0xb8;
	[tilespmem:$0x1FB00] =	vst v63  }
0x19b: {  	_ =	swait.ge [sflag:s10], $0x1400  }
0x19c: {  	[sflag:s10] =	ssyncset.done $0x0  }
0x19d: {  	s20 =	simm.s32 $0x4DC8;
	[sflag:s10] =	ssyncadd.s32 $0xFFFFEC00  }
0x19e: {  	[spmem:s3] =	stream.indirect.scatter.add.f32 [tilespmem:s6], [sflag:$0x6], $0x80, s20, s4, $0xb8;
	[tilespmem:$0x1FB00] =	vst v63  }
0x19f: {  	_ =	swait.ge [sflag:s19], $0x1400  }
0x1a0: {  	[sflag:s19] =	ssyncset.done $0x0  }
0x1a1: {  	s24 =	simm.s32 $0x26E8;
	[sflag:s19] =	ssyncadd.s32 $0xFFFFEC00  }
0x1a2: {  	[tilespmem:s11], [sflag:$0x5] =	stream.indirect.gather [hbm4b:s2+s4], $0x80, s24, s4, $0xb8;
	[tilespmem:$0x1FB00] =	vst v63  }
0x1a3: {  	_ =	swait.ge [sflag:s12], $0x1400  }
0x1a4: {  	[sflag:s12] =	ssyncset.done $0x0  }
0x1a5: {  	s20 =	simm.s32 $0x4DF0;
	[sflag:s12] =	ssyncadd.s32 $0xFFFFEC00  }
0x1a6: {  	[spmem:s3] =	stream.indirect.scatter.add.f32 [tilespmem:s7], [sflag:$0x7], $0x80, s20, s4, $0xb8;
	[tilespmem:$0x1FB00] =	vst v63  }
0x1a7: {  	_ =	swait.ge [sflag:s13], $0x1400  }
0x1a8: {  	[sflag:s13] =	ssyncset.done $0x0  }
0x1a9: {  	[sflag:s13] =	ssyncadd.s32 $0xFFFFEC00  }
0x1aa: {  	_ =	swait.ge [sflag:s21], $0x1400  }
0x1ab: {  	[sflag:s21] =	ssyncset.done $0x0  }
0x1ac: {  	s24 =	simm.s32 $0x4E18;
	[sflag:s21] =	ssyncadd.s32 $0xFFFFEC00  }
0x1ad: {  	[spmem:s3] =	stream.indirect.scatter.add.f32 [tilespmem:s8], [sflag:$0x8], $0x80, s24, s4, $0xb8;
	[tilespmem:$0x1FB00] =	vst v63  }
0x1ae: {  	_ =	swait.ge [sflag:s14], $0x1400  }
0x1af: {  	[sflag:s14] =	ssyncset.done $0x0  }
0x1b0: {  	[sflag:s14] =	ssyncadd.s32 $0xFFFFEC00  }
0x1b1: {  	_ =	swait.ge [sflag:s15], $0x1400  }
0x1b2: {  	[sflag:s15] =	ssyncset.done $0x0  }
0x1b3: {  	s20 =	simm.s32 $0x4E40;
	[sflag:s15] =	ssyncadd.s32 $0xFFFFEC00  }
0x1b4: {  	[spmem:s3] =	stream.indirect.scatter.add.f32 [tilespmem:s9], [sflag:$0x9], $0x80, s20, s4, $0xb8;
	[tilespmem:$0x1FB00] =	vst v63  }
0x1b5: {  	_ =	swait.ge [sflag:s16], $0x1400  }
0x1b6: {  	[sflag:s16] =	ssyncset.done $0x0  }
0x1b7: {  	[sflag:s16] =	ssyncadd.s32 $0xFFFFEC00  }
0x1b8: {  	_ =	swait.ge [sflag:s17], $0x1400  }
0x1b9: {  	[sflag:s17] =	ssyncset.done $0x0  }
0x1ba: {  	s24 =	simm.s32 $0x4E68;
	[sflag:s17] =	ssyncadd.s32 $0xFFFFEC00  }
0x1bb: {  	[spmem:s3] =	stream.indirect.scatter.add.f32 [tilespmem:s11], [sflag:$0xA], $0x80, s24, s4, $0xb8;
	[tilespmem:$0x1FB00] =	vst v63  }
0x1bc: {  	_ =	swait.ge [sflag:s18], $0x1400  }
0x1bd: {  	[sflag:s18] =	ssyncset.done $0x0  }
0x1be: {  	[sflag:s18] =	ssyncadd.s32 $0xFFFFEC00  }
0x1bf: {  	_ =	swait.ge [sflag:s19], $0x1400  }
0x1c0: {  	[sflag:s19] =	ssyncset.done $0x0  }
0x1c1: {  	[sflag:s19] =	ssyncadd.s32 $0xFFFFEC00  }
0x1c2: {  	s20 =	stileid.u32;
	[bflag:$0x0] =	sbarrier.arrive $0xFFFF  }
0x1c3: {  	s5 =	sshll.u32 s20, $0x6;
	s24 =	rddreg [dreg:$0x4]  }
0x1c4: {  	s5 =	sor.u32 $0x1C15, s5;
	s20 =	sshrl.u32 s24, $0x3;
	s24 =	rddreg [dreg:$0x17]  }
0x1c5: {  	[hbm:s24], [sflag:s5] =	dma.local [spmem:s20], $0x2800  }
0x1c6: {  	s20 =	simm.s32 $0x15  }
0x1c7: {  	_ =	swait.ge [sflag:s20], $0x2800  }
0x1c8: {  	s23 =	sadd.s32 $0x1, s23;
	s24 =	rddreg [dreg:$0x18]  }
0x1c9: {  	p0 =	sne.s32 s23, s24  }
.Ltmp2:
0x1ca: {  	_ = 	snop;
	(pc) =	sbr.rel @p0 .LBB2_1-.Ltmp2, $3  }
0x1cb: {  	_ =	sdelay $0x1  }
0x1cc: {  	[sflag:s20] =	ssyncset.done $0x0  }
0x1cd: {  	[sflag:s20] =	ssyncadd.s32 $0xFFFFD800  }
0x1ce: {  	_ =	sfence.sel $0x180000  }
0x1cf: {  	[bflag:$0x0] =	sbarrier.arrive $0xFFFF  }
0x1d0: {  	_ =	strace $0x90000047  }
0x1d1: {  	s0 =	stileid.u32;
	[bflag:$0x2] =	sbarrier.arrive $0xFFFF  }
0x1d2: {  	p0 =	sne.s32 s0, $0x0;
	s0 =	rddreg [dreg:$0x3]  }
0x1d3: {  	s0 =	sadd.s32 @!p0 $0x100000, s0  }
0x1d4: {  	[sflag:s0] =	ssyncadd.tile.s32 @!p0 $0x1;
	_ =	shalt  }
.Lfunc_end2:
_tile_overlayer_lowered:
.L_overlay_start_2:
0x1d5: {  	(tag) =	ssettag $0x2  }
0x1d6: {  	s0 =	rddreg [dreg:$0x0];
	s2 =	stileid.u32  }
0x1d7: {  	s1 =	rddreg [dreg:$0x1];
	p0 =	sne.s32 s2, $0x0  }
0x1d8: {  	s3 =	rddreg [dreg:$0x2];
	[bflag:$0x3] =	sbarrier.arrive $0xFFFF;
	s2 =	simm.s32 @!p0 $0x1C15  }
0x1d9: {  	[timem:s3], [sflag:s2] =	dma.local @!p0 [hbm:s0], s1  }
0x1da: {  	s0 =	simm.s32 @!p0 $0x15  }
0x1db: {  	_ =	swait.ge @!p0 [sflag:s0], s1  }
0x1dc: {  	s1 =	ssub.s32 @!p0 $0x0, s1;
	[sflag:s0] =	ssyncset.done @!p0 $0x0  }
0x1dd: {  	[sflag:s0] =	ssyncadd.s32 @!p0 s1  }
0x1de: {  	[bflag:$0x3] =	sbarrier.arrive $0xFFFF  }
0x1df: {  	_ =	shalt  }

// kernel: kernel.9.cloned.1.call-start
scs
__scs_entry_jumppad:
0x0: {  	(pc) =	sbr.rel $0x88, $3  }
0x1: {  	(tag) =	ssettag $0x0;
	lr =	simm.s32 $0x1  }
0x2: {  	[smem:$0x3F9A] =	sst lr;
	_ =	strace $0xD0000000  }
0x3: {  	_ = 	snop  }
0x4: {  	_ = 	snop  }
0x5: {  	_ = 	snop  }
0x6: {  	_ = 	snop  }
0x7: {  	_ = 	snop  }
__scs_overlays_trampoline_lowered:
0x8: {  	[smem:$0x3FA9] =	sst s0  }
0x9: {  	[smem:$0x3FAA] =	sst s1  }
0xa: {  	[smem:$0x3FAB] =	sst s2  }
0xb: {  	[smem:$0x3FAC] =	sst s3  }
0xc: {  	[smem:$0x3FAD] =	sst s4  }
0xd: {  	[smem:$0x3FAE] =	sst s5  }
0xe: {  	[smem:$0x3FAF] =	sst s6  }
0xf: {  	[smem:$0x3FB0] =	sst s7  }
0x10: {  	[smem:$0x3FB1] =	sst s8  }
0x11: {  	[smem:$0x3FB2] =	sst s9;
	s0 =	simm.s32 @!p0 $0x0  }
0x12: {  	s1 =	sld [smem:$0x3F98];
	s0 =	simm.s32 @p0 $0x1  }
0x13: {  	[smem:$0x3FB3] =	sst s0;
	s0 =	simm.s32 @!p1 $0x0  }
0x14: {  	s2 =	sld [smem:$0x3F97];
	s0 =	simm.s32 @p1 $0x1  }
0x15: {  	[smem:$0x3FB4] =	sst s0;
	s0 =	simm.s32 @!p2 $0x0  }
0x16: {  	s3 =	sld [smem:$0x3FDB];
	s0 =	simm.s32 @p2 $0x1  }
0x17: {  	s4 =	simm.s32 $0x1BF5;
	[smem:$0x3FB6] =	sst s0  }
0x18: {  	s0 =	sld [smem:$0x3F99];
	_ =	swait.ge [sflag:s4], $0x0  }
0x19: {  	s7 =	sld [smem:$0x3F9A]  }
0x1a: {  	s8 =	sadd.s32 $0xFFFFE003, lr  }
0x1b: {  	s9 =	sadd.s32 $0xFFFFFEF7, lr;
	s5 =	simm.s32 $0xFFFFFFFF;
	p2 =	slt.u32 s8, $0xFFFFF086  }
0x1c: {  	p1 =	slt.u32 s9, $0xF7A;
	s5 =	simm.s32 @!p2 $0x0  }
0x1d: {  	s5 =	simm.s32 @p1 $0x1;
	p0 =	seq.s32 s7, s2  }
0x1e: {  	s7 =	smul.u32 @!p0 $0xF7A, s2;
	p2 =	seq.s32 @!p0 s5, $0x0  }
0x1f: {  	s9 =	smul.u32 $0xF7A, s1;
	s8 =	simm.s32 @!p0 $0x1BF5;
	p2 =	por !p2, p0  }
0x20: {  	[sflag:s8] =	ssyncset.s32 @!p0 $0xFFFFF086;
	s6 =	sadd.s32 @!p0 s3, s7;
	s7 =	simm.s32 @!p0 $0x108  }
0x21: {  	s3 =	sadd.s32 s3, s9;
	s6 =	sadd.s32 @!p0 $0x88, s6;
	s7 =	simm.s32 @p2 $0x1082  }
0x22: {  	[simem:s7], [sflag:s8] =	dma.local @!p0 [hbm:s6], $0xF7A  }
0x23: {  	s9 =	sor.u32 $0xD0000000, s2;
	s6 =	simm.s32 $0x108;
	_ =	swait.ge @!p0 [sflag:s8], $0x0  }
0x24: {  	s3 =	sadd.s32 $0x88, s3;
	s6 =	simm.s32 @!p1 $0x1082;
	[sflag:s4] =	ssyncset.s32 $0xFFFFF086  }
0x25: {  	[simem:s6], [sflag:s4] =	dma.local [hbm:s3], $0xF7A  }
0x26: {  	[smem:$0x3F9A] =	sst s1;
	(tag) =	ssettag s2;
	_ =	strace s9  }
0x27: {  	s1 =	sld [smem:$0x3FAA]  }
0x28: {  	s2 =	sld [smem:$0x3FAB]  }
0x29: {  	s4 =	sld [smem:$0x3FAD]  }
0x2a: {  	p0 =	seq.s32 s5, $0x0;
	s5 =	sld [smem:$0x3FAE]  }
0x2b: {  	s6 =	sld [smem:$0x3FAF]  }
0x2c: {  	s7 =	sld [smem:$0x3FB0]  }
0x2d: {  	s3 =	simm.s32 $0x108;
	s8 =	sld [smem:$0x3FB1]  }
0x2e: {  	s3 =	simm.s32 @!p0 $0x1082;
	s9 =	sld [smem:$0x3FB2]  }
0x2f: {  	lr =	sadd.s32 s0, s3;
	s0 =	sld [smem:$0x3FA9]  }
0x30: {  	s3 =	sld [smem:$0x3FAC]  }
0x31: {  	[smem:$0x3FB5] =	sst s10  }
0x32: {  	s10 =	sld [smem:$0x3FB3];
	_ =	sdelay $0x3  }
0x33: {  	p0 =	seq.s32 s10, $0x1;
	s10 =	sld [smem:$0x3FB5];
	_ =	sdelay $0x3  }
0x34: {  	[smem:$0x3FB5] =	sst s10  }
0x35: {  	s10 =	sld [smem:$0x3FB4];
	_ =	sdelay $0x3  }
0x36: {  	p1 =	seq.s32 s10, $0x1;
	s10 =	sld [smem:$0x3FB5];
	_ =	sdelay $0x3  }
0x37: {  	[smem:$0x3FB5] =	sst s10  }
0x38: {  	s10 =	sld [smem:$0x3FB6]  }
0x39: {  	_ = 	snop;
	(pc) =	sbr.ind lr, $3  }
0x3a: {  	_ = 	snop  }
0x3b: {  	_ = 	snop  }
0x3c: {  	p2 =	seq.s32 s10, $0x1;
	s10 =	sld [smem:$0x3FB5]  }
0x3d: {  	_ =	shalt  }
0x3e: {  	_ =	shalt  }
0x3f: {  	_ =	shalt  }
0x40: {  	_ =	shalt  }
0x41: {  	_ =	shalt  }
0x42: {  	_ =	shalt  }
0x43: {  	_ =	shalt  }
0x44: {  	_ =	shalt  }
0x45: {  	_ =	shalt  }
0x46: {  	_ =	shalt  }
0x47: {  	_ =	shalt  }
0x48: {  	_ =	shalt  }
0x49: {  	_ =	shalt  }
0x4a: {  	_ =	shalt  }
0x4b: {  	_ =	shalt  }
0x4c: {  	_ =	shalt  }
0x4d: {  	_ =	shalt  }
0x4e: {  	_ =	shalt  }
0x4f: {  	_ =	shalt  }
0x50: {  	_ =	shalt  }
0x51: {  	_ =	shalt  }
0x52: {  	_ =	shalt  }
0x53: {  	_ =	shalt  }
0x54: {  	_ =	shalt  }
0x55: {  	_ =	shalt  }
0x56: {  	_ =	shalt  }
0x57: {  	_ =	shalt  }
0x58: {  	_ =	shalt  }
0x59: {  	_ =	shalt  }
0x5a: {  	_ =	shalt  }
0x5b: {  	_ =	shalt  }
0x5c: {  	_ =	shalt  }
0x5d: {  	_ =	shalt  }
0x5e: {  	_ =	shalt  }
0x5f: {  	_ =	shalt  }
0x60: {  	_ =	shalt  }
0x61: {  	_ =	shalt  }
0x62: {  	_ =	shalt  }
0x63: {  	_ =	shalt  }
0x64: {  	_ =	shalt  }
0x65: {  	_ =	shalt  }
0x66: {  	_ =	shalt  }
0x67: {  	_ =	shalt  }
0x68: {  	_ =	shalt  }
0x69: {  	_ =	shalt  }
0x6a: {  	_ =	shalt  }
0x6b: {  	_ =	shalt  }
0x6c: {  	_ =	shalt  }
0x6d: {  	_ =	shalt  }
0x6e: {  	_ =	shalt  }
0x6f: {  	_ =	shalt  }
0x70: {  	_ =	shalt  }
0x71: {  	_ =	shalt  }
0x72: {  	_ =	shalt  }
0x73: {  	_ =	shalt  }
0x74: {  	_ =	shalt  }
0x75: {  	_ =	shalt  }
0x76: {  	_ =	shalt  }
0x77: {  	_ =	shalt  }
0x78: {  	_ =	shalt  }
0x79: {  	_ =	shalt  }
0x7a: {  	_ =	shalt  }
0x7b: {  	_ =	shalt  }
0x7c: {  	_ =	shalt  }
0x7d: {  	_ =	shalt  }
0x7e: {  	_ =	shalt  }
0x7f: {  	_ =	shalt  }
0x80: {  	_ =	shalt  }
0x81: {  	_ =	shalt  }
0x82: {  	_ =	shalt  }
0x83: {  	_ =	shalt  }
0x84: {  	_ =	shalt  }
0x85: {  	_ =	shalt  }
0x86: {  	_ =	shalt  }
0x87: {  	_ =	shalt  }
.Lfunc_end0:
.L_simem_size_0:
called_computation.1_lowered:
.L_overlay_start_0:
0x88: {  	s2 =	sld [smem:$0x3FD9]  }
0x89: {  	s3 =	sld [smem:$0x3FFE];
	_ =	sdelay $0x1  }
0x8a: {  	s1 =	srdreg.scid  }
0x8b: {  	s0 =	sand.u32 $0x1, s1  }
0x8c: {  	s16 =	sshll.u32 s0, $0xA;
	s2 =	sadd.s32 s3, s2  }
0x8d: {  	s2 =	sadd.s32 s2, s16  }
0x8e: {  	[smem:$0x3FC1] =	sst s2  }
0x8f: {  	_ = 	snop  }
0x90: {  	(tm) =	ssettm $0x1  }
0x91: {  	s17 =	sld [smem:$0x3FFB];
	_ =	sdelay $0x3  }
0x92: {  	_ =	strace s17  }
0x93: {  	s2 =	sld [smem:$0x3FFC];
	_ =	sdelay $0x3  }
0x94: {  	_ =	strace s2  }
0x95: {  	s2 =	sld [smem:$0x3FFD];
	_ =	sdelay $0x3  }
0x96: {  	_ =	strace s2  }
0x97: {  	_ =	strace $0x8FFFFFFF  }
0x98: {  	s18 =	sld [smem:$0x3FDB];
	_ =	sdelay $0x1  }
0x99: {  	s19 =	simm.s32 $_scs_section_size  }
0x9a: {  	s4 =	simm.s32 $_size__tile_overlayer_lowered;
	s5 =	simm.s32 $_tile_overlayer_lowered  }
0x9b: {  	s22 =	simm.s32 $0x1BFF;
	s21 =	sshll.u32 s5, $0x1;
	s2 =	sadd.s32 s19, s18  }
0x9c: {  	s6 =	simm.s32 $0x0;
	s20 =	sshll.u32 s4, $0x1;
	s4 =	sadd.s32 s21, s2  }
0x9d: {  	[timem:s6], [sflag:s22] =	dma.local [hbm:s4], s20  }
0x9e: {  	_ =	swait.ge [sflag:s22], s20  }
0x9f: {  	s3 =	ssub.s32 $0x0, s20;
	[sflag:s22] =	ssyncset.done $0x0  }
0xa0: {  	[sflag:s22] =	ssyncadd.s32 s3;
	_ =	sdelay $0x1  }
0xa1: {  	s23 =	simm.s32 $0x1B8B  }
0xa2: {  	_ =	swait.ge [sflag:s23], $0x1  }
0xa3: {  	[sflag:s23] =	ssyncset.done $0x0  }
0xa4: {  	s25 =	simm.s32 $0x1B8E;
	s24 =	sld [smem:$0x3FFE];
	[sflag:s23] =	ssyncadd.s32 $0xFFFFFFFF  }
0xa5: {  	s26 =	simm.s32 $execute0_lowered;
	[smem:$0x3FD2] =	sst s25  }
0xa6: {  	s4 =	sshll.u32 s26, $0x1;
	_ =	strace $0x80000049;
	[dreg:$0x1] =	wrdreg $0xFFFFFFFF  }
0xa7: {  	s28 =	simm.s32 $_size_execute0_lowered;
	s2 =	sadd.s32 s2, s4;
	[dreg:$0x0] =	wrdreg $0x0  }
0xa8: {  	s4 =	sshll.u32 s28, $0x1;
	[dreg:$0x2] =	wrdreg s2  }
0xa9: {  	[dreg:$0x3] =	wrdreg s4  }
0xaa: {  	[dreg:$0x4] =	wrdreg $0xC0  }
0xab: {  	_ =	task [dreg:s6], $0x5FFFF  }
0xac: {  	[dreg:$0x1] =	wrdreg $0xFFFFFFFF  }
0xad: {  	[dreg:$0x0] =	wrdreg $0x60  }
0xae: {  	[dreg:$0x2] =	wrdreg s24  }
0xaf: {  	[dreg:$0x3] =	wrdreg $0xBB000  }
0xb0: {  	[dreg:$0x4] =	wrdreg $0x9  }
0xb1: {  	_ =	task.clear_ibuf [dreg:s6], $0x5FFFF;
	_ =	strace $0x90000049  }
0xb2: {  	s29 =	simm.s32 $0x9;
	_ =	strace $0x8000004B  }
0xb3: {  	_ =	swait.ge [sflag:s29], $0x1  }
0xb4: {  	[sflag:s29] =	ssyncadd.s32 $0xFFFFFFFF  }
0xb5: {  	_ =	strace $0x9000004B  }
0xb6: {  	_ =	sfence  }
0xb7: {  	s30 =	sld [smem:$0x0];
	_ =	sdelay $0x2  }
0xb8: {  	s31 =	sshll.u32 s1, $0xD;
	s1 =	sshrl.u32 s1, $0x2  }
0xb9: {  	s3 =	sand.u32 $0x4000, s31;
	s1 =	sadd.s32 s1, s30  }
0xba: {  	s0 =	sor.u32 s3, s0;
	s1 =	sshll.u32 s1, $0x11  }
0xbb: {  	s0 =	sor.u32 s1, s0  }
0xbc: {  	s0 =	sadd.s32 $0x8F2B, s0  }
0xbd: {  	[sflag:s0] =	ssyncadd.remote.s32 $0x1  }
0xbe: {  	_ =	sfence.sel $0xFFFF  }
0xbf: {  	[dreg:$0x0] =	wrdreg $0xFFFFFFFF;
	(pc) =	sbr.abs _section_cstart, $3  }
0xc0: {  	[dreg:$0x1] =	wrdreg $0xFFFFFFFF  }
0xc1: {  	_ =	task.clear_ibuf [dreg:s6], $0x2FFFF;
	_ =	strace $0x9FFFFFFF  }
0xc2: {  	(tm) =	ssettm $0x7FFFFFFF  }
0xc3: {  	_ =	shalt  }
tec
execute0_lowered:
.L_overlay_start_1:
0x0: {  	(tag) =	ssettag $0x1  }
0x1: {  	s0 =	srdreg.scid;
	s3 =	rddreg [dreg:$0x0]  }
0x2: {  	s4 =	stileid.u32;
	s2 =	rddreg [dreg:$0x1]  }
0x3: {  	s6 =	simm.s32 $0x0;
	s0 =	sand.u32 $0x1, s0;
	s5 =	smul.u32 $0x2800, s4  }
0x4: {  	s1 =	sshll.u32 s4, $0x1;
	[smem:$0x7FF] =	sst s6;
	s7 =	smul.u32 $0x50000, s4  }
0x5: {  	s1 =	sor.u32 s0, s1;
	s26 =	smul.u32 $0x28000, s0;
	s0 =	ssub.s32 $0x2, s0  }
0x6: {  	s4 =	sadd.s32 $0x14C00, s3;
	s1 =	smul.u32 $0x4E2, s1;
	s8 =	sshrl.u32 s0, $0x1  }
0x7: {  	_ =	strace $0x8000004A;
	s7 =	sshrl.u32 s7, $0x2;
	s0 =	ssub.s32 s0, s8  }
0x8: {  	s5 =	sadd.s32 s5, s26;
	s1 =	sadd.s32 s1, s3;
	s0 =	smax.u32 s0, $0x1  }
0x9: {  	s3 =	sadd.s32 s5, s3;
	s5 =	sadd.s32 s7, s2;
	[dreg:$0x17] =	wrdreg s0  }
0xa: {  	s9 =	sadd.s32 $0xAE00, s1;
	[dreg:$0x3] =	wrdreg s5  }
0xb: {  	s1 =	sadd.s32 $0x1000, s1;
	[dreg:$0x4] =	wrdreg s9  }
0xc: {  	s10 =	sadd.s32 $0x800, s5;
	[dreg:$0x5] =	wrdreg s1  }
0xd: {  	s11 =	sadd.s32 $0x1000, s5;
	[dreg:$0x6] =	wrdreg s10  }
0xe: {  	s12 =	sadd.s32 $0x1800, s5;
	[dreg:$0x7] =	wrdreg s11  }
0xf: {  	s13 =	sadd.s32 $0x2000, s5;
	[dreg:$0x8] =	wrdreg s12  }
0x10: {  	s14 =	sadd.s32 $0x2800, s5;
	[dreg:$0x9] =	wrdreg s13  }
0x11: {  	s15 =	sadd.s32 $0x3000, s5;
	[dreg:$0xa] =	wrdreg s14  }
0x12: {  	s16 =	sadd.s32 $0x3800, s5;
	[dreg:$0xb] =	wrdreg s15  }
0x13: {  	s17 =	sadd.s32 $0x4000, s5;
	[dreg:$0xc] =	wrdreg s16  }
0x14: {  	s18 =	sadd.s32 $0x4800, s5;
	[dreg:$0xd] =	wrdreg s17  }
0x15: {  	s19 =	sadd.s32 $0x5000, s5;
	[dreg:$0xe] =	wrdreg s18  }
0x16: {  	s20 =	sadd.s32 $0x5800, s5;
	[dreg:$0xf] =	wrdreg s19  }
0x17: {  	s21 =	sadd.s32 $0x6000, s5;
	[dreg:$0x10] =	wrdreg s20  }
0x18: {  	s22 =	sadd.s32 $0x6800, s5;
	[dreg:$0x11] =	wrdreg s21  }
0x19: {  	s23 =	sadd.s32 $0x7000, s5;
	[dreg:$0x12] =	wrdreg s22  }
0x1a: {  	s24 =	sadd.s32 $0x7800, s5;
	[dreg:$0x13] =	wrdreg s23  }
0x1b: {  	s25 =	sadd.s32 $0x8000, s5;
	[dreg:$0x14] =	wrdreg s24  }
0x1c: {  	s26 =	sadd.s32 $0x3BE00, s3;
	[dreg:$0x15] =	wrdreg s25  }
0x1d: {  	s3 =	sadd.s32 $0x9000, s5;
	[dreg:$0x16] =	wrdreg s26  }
0x1e: {  	s6 =	sadd.s32 $0x9800, s5;
	[dreg:$0x19] =	wrdreg s3  }
0x1f: {  	s7 =	sadd.s32 $0xA000, s5;
	[dreg:$0x1a] =	wrdreg s6  }
0x20: {  	s8 =	sadd.s32 $0xA800, s5;
	[dreg:$0x1b] =	wrdreg s7  }
0x21: {  	s1 =	sadd.s32 $0x8800, s5;
	[dreg:$0x1c] =	wrdreg s8  }
0x22: {  	s9 =	sadd.s32 $0xB000, s5;
	[dreg:$0x18] =	wrdreg s1  }
0x23: {  	s10 =	sadd.s32 $0xB800, s5;
	[dreg:$0x1d] =	wrdreg s9  }
0x24: {  	s11 =	sadd.s32 $0xC000, s5;
	[dreg:$0x1e] =	wrdreg s10  }
0x25: {  	s12 =	sadd.s32 $0xC800, s5;
	[dreg:$0x1f] =	wrdreg s11  }
0x26: {  	s13 =	sadd.s32 $0xD000, s5;
	[smem:$0x7EF] =	sst s12  }
0x27: {  	s14 =	sadd.s32 $0xD800, s5;
	[smem:$0x7F0] =	sst s13  }
0x28: {  	s15 =	sadd.s32 $0xE000, s5;
	[smem:$0x7F1] =	sst s14  }
0x29: {  	s16 =	sadd.s32 $0xE800, s5;
	[smem:$0x7F2] =	sst s15  }
0x2a: {  	s17 =	sadd.s32 $0xF000, s5;
	[smem:$0x7F3] =	sst s16  }
0x2b: {  	s28 =	simm.s32 $0xF;
	s18 =	sadd.s32 $0xF800, s5;
	[smem:$0x7F4] =	sst s17  }
0x2c: {  	s29 =	simm.s32 $0x10;
	s19 =	sadd.s32 $0x10000, s5;
	[smem:$0x7F5] =	sst s18  }
0x2d: {  	s30 =	simm.s32 $0x11;
	s20 =	sadd.s32 $0x10800, s5;
	[smem:$0x7F6] =	sst s19  }
0x2e: {  	s31 =	simm.s32 $0x12;
	s21 =	sadd.s32 $0x11000, s5;
	[smem:$0x7F7] =	sst s20  }
0x2f: {  	s0 =	simm.s32 $0x14;
	s22 =	sadd.s32 $0x11800, s5;
	[smem:$0x7F8] =	sst s21  }
0x30: {  	s23 =	sadd.s32 $0x12000, s5;
	s24 =	sadd.s32 $0x12800, s5;
	[smem:$0x7F9] =	sst s22  }
0x31: {  	s25 =	sadd.s32 $0x13000, s5;
	s26 =	sadd.s32 $0x13800, s5;
	[smem:$0x7FA] =	sst s23  }
0x32: {  	s3 =	simm.s32 $0x28;
	s6 =	simm.s32 $0x4F00;
	[smem:$0x7FB] =	sst s24  }
0x33: {  	s7 =	simm.s32 $0x6300;
	s8 =	simm.s32 $0x7700;
	[smem:$0x7FC] =	sst s25  }
0x34: {  	[smem:$0x7FD] =	sst s26;
	s22 =	simm.s32 $0xB300;
	s25 =	simm.s32 $0xD  }
0x35: {  	s26 =	simm.s32 $0xE;
	s1 =	simm.s32 $0x13;
	s9 =	simm.s32 $0x8B00  }
0x36: {  	s10 =	simm.s32 $0x1;
	s11 =	simm.s32 $0x9F00;
	s12 =	simm.s32 $0x2  }
0x37: {  	s13 =	simm.s32 $0x6;
	s21 =	simm.s32 $0x3;
	s14 =	simm.s32 $0x7  }
0x38: {  	s15 =	simm.s32 $0x4;
	s16 =	simm.s32 $0x8;
	s17 =	simm.s32 $0x5  }
0x39: {  	v0 =	vimm.f32 $0.0e+00;
	s18 =	simm.s32 $0x9;
	s19 =	simm.s32 $0xA;
	s23 =	simm.s32 $0x0  }
.LBB2_1:
0x3a: {  	s5 =	simm.s32 $0x0;
	s20 =	rddreg [dreg:$0x4]  }
0x3b: {  	[tilespmem:s5], [sflag:$0xB] =	stream.linear.gather [hbm4b:s20+s5], $0x2710, $0x38;
	[tilespmem:$0x1FB00] =	vst v63  }
0x3c: {  	s24 =	simm.s32 $0x2780;
	s20 =	rddreg [dreg:$0x5]  }
0x3d: {  	[tilespmem:s24], [sflag:$0xC] =	stream.linear.gather [hbm4b:s20+s5], $0x2710, $0x38;
	[tilespmem:$0x1FB00] =	vst v63  }
0x3e: {  	s20 =	simm.s32 $0x0;
	s24 =	simm.s32 $0x200  }
.LBB2_2:
0x3f: {  	p0 =	sne.s32 s24, $0x1E00;
	[tilespmem:s20+$0xB370] =	vst v0  }
0x40: {  	[tilespmem:s20+$0xB300] =	vst v0  }
0x41: {  	[tilespmem:s20+$0xB310] =	vst v0  }
.Ltmp0:
0x42: {  	[tilespmem:s20+$0xB320] =	vst v0;
	(pc) =	sbr.rel @p0 .LBB2_2-.Ltmp0, $4  }
0x43: {  	[tilespmem:s20+$0xB330] =	vst v0  }
0x44: {  	[tilespmem:s20+$0xB340] =	vst v0  }
0x45: {  	[tilespmem:s20+$0xB350] =	vst v0  }
0x46: {  	[tilespmem:s20+$0xB360] =	vst v0;
	s20 =	sshra.s32 s24, $0x2;
	s24 =	sadd.s32 $0x200, s24  }
0x47: {  	[tilespmem:s20+$0xB370] =	vst v0  }
0x48: {  	[tilespmem:s20+$0xB300] =	vst v0  }
0x49: {  	[tilespmem:s20+$0xB310] =	vst v0  }
0x4a: {  	[tilespmem:s20+$0xB320] =	vst v0  }
0x4b: {  	[tilespmem:s20+$0xB330] =	vst v0  }
0x4c: {  	[tilespmem:s20+$0xB340] =	vst v0  }
0x4d: {  	[tilespmem:s20+$0xB350] =	vst v0;
	s5 =	rddreg [dreg:$0x3]  }
0x4e: {  	[tilespmem:s20+$0xB360] =	vst v0;
	s24 =	rddreg [dreg:$0x6]  }
0x4f: {  	[spmem:s5] =	stream.linear.scatter [tilespmem:s22], [sflag:$0xD], $0x800, $0x38;
	[tilespmem:$0x1FB00] =	vst v63  }
0x50: {  	s20 =	rddreg [dreg:$0x7]  }
0x51: {  	[spmem:s24] =	stream.linear.scatter [tilespmem:s22], [sflag:$0xE], $0x800, $0x38;
	[tilespmem:$0x1FB00] =	vst v63  }
0x52: {  	s24 =	rddreg [dreg:$0x8]  }
0x53: {  	[spmem:s20] =	stream.linear.scatter [tilespmem:s22], [sflag:$0xF], $0x800, $0x38;
	[tilespmem:$0x1FB00] =	vst v63  }
0x54: {  	s20 =	rddreg [dreg:$0x9]  }
0x55: {  	[spmem:s24] =	stream.linear.scatter [tilespmem:s22], [sflag:$0x10], $0x800, $0x38;
	[tilespmem:$0x1FB00] =	vst v63  }
0x56: {  	s24 =	rddreg [dreg:$0xa]  }
0x57: {  	[spmem:s20] =	stream.linear.scatter [tilespmem:s22], [sflag:$0x11], $0x800, $0x38;
	[tilespmem:$0x1FB00] =	vst v63  }
0x58: {  	s20 =	rddreg [dreg:$0xb]  }
0x59: {  	[spmem:s24] =	stream.linear.scatter [tilespmem:s22], [sflag:$0x12], $0x800, $0x38;
	[tilespmem:$0x1FB00] =	vst v63  }
0x5a: {  	s24 =	rddreg [dreg:$0xc]  }
0x5b: {  	[spmem:s20] =	stream.linear.scatter [tilespmem:s22], [sflag:$0x13], $0x800, $0x38;
	[tilespmem:$0x1FB00] =	vst v63  }
0x5c: {  	s20 =	rddreg [dreg:$0xd]  }
0x5d: {  	[spmem:s24] =	stream.linear.scatter [tilespmem:s22], [sflag:$0x14], $0x800, $0x38;
	[tilespmem:$0x1FB00] =	vst v63  }
0x5e: {  	s24 =	rddreg [dreg:$0xe]  }
0x5f: {  	[spmem:s20] =	stream.linear.scatter [tilespmem:s22], [sflag:$0xD], $0x800, $0x38;
	[tilespmem:$0x1FB00] =	vst v63  }
0x60: {  	s20 =	rddreg [dreg:$0xf]  }
0x61: {  	[spmem:s24] =	stream.linear.scatter [tilespmem:s22], [sflag:$0xE], $0x800, $0x38;
	[tilespmem:$0x1FB00] =	vst v63  }
0x62: {  	s24 =	rddreg [dreg:$0x10]  }
0x63: {  	[spmem:s20] =	stream.linear.scatter [tilespmem:s22], [sflag:$0xF], $0x800, $0x38;
	[tilespmem:$0x1FB00] =	vst v63  }
0x64: {  	s20 =	rddreg [dreg:$0x11]  }
0x65: {  	[spmem:s24] =	stream.linear.scatter [tilespmem:s22], [sflag:$0x10], $0x800, $0x38;
	[tilespmem:$0x1FB00] =	vst v63  }
0x66: {  	s24 =	rddreg [dreg:$0x12]  }
0x67: {  	[spmem:s20] =	stream.linear.scatter [tilespmem:s22], [sflag:$0x11], $0x800, $0x38;
	[tilespmem:$0x1FB00] =	vst v63  }
0x68: {  	s20 =	rddreg [dreg:$0x13]  }
0x69: {  	[spmem:s24] =	stream.linear.scatter [tilespmem:s22], [sflag:$0x12], $0x800, $0x38;
	[tilespmem:$0x1FB00] =	vst v63  }
0x6a: {  	s24 =	rddreg [dreg:$0x14]  }
0x6b: {  	[spmem:s20] =	stream.linear.scatter [tilespmem:s22], [sflag:$0x13], $0x800, $0x38;
	[tilespmem:$0x1FB00] =	vst v63  }
0x6c: {  	s20 =	rddreg [dreg:$0x15]  }
0x6d: {  	[spmem:s24] =	stream.linear.scatter [tilespmem:s22], [sflag:$0x14], $0x800, $0x38;
	[tilespmem:$0x1FB00] =	vst v63  }
0x6e: {  	s24 =	rddreg [dreg:$0x18]  }
0x6f: {  	[spmem:s20] =	stream.linear.scatter [tilespmem:s22], [sflag:$0xD], $0x800, $0x38;
	[tilespmem:$0x1FB00] =	vst v63  }
0x70: {  	s20 =	rddreg [dreg:$0x19]  }
0x71: {  	[spmem:s24] =	stream.linear.scatter [tilespmem:s22], [sflag:$0xE], $0x800, $0x38;
	[tilespmem:$0x1FB00] =	vst v63  }
0x72: {  	s24 =	rddreg [dreg:$0x1a]  }
0x73: {  	[spmem:s20] =	stream.linear.scatter [tilespmem:s22], [sflag:$0xF], $0x800, $0x38;
	[tilespmem:$0x1FB00] =	vst v63  }
0x74: {  	s20 =	rddreg [dreg:$0x1b]  }
0x75: {  	[spmem:s24] =	stream.linear.scatter [tilespmem:s22], [sflag:$0x10], $0x800, $0x38;
	[tilespmem:$0x1FB00] =	vst v63  }
0x76: {  	s24 =	rddreg [dreg:$0x1c]  }
0x77: {  	[spmem:s20] =	stream.linear.scatter [tilespmem:s22], [sflag:$0x11], $0x800, $0x38;
	[tilespmem:$0x1FB00] =	vst v63  }
0x78: {  	s20 =	rddreg [dreg:$0x1d]  }
0x79: {  	[spmem:s24] =	stream.linear.scatter [tilespmem:s22], [sflag:$0x12], $0x800, $0x38;
	[tilespmem:$0x1FB00] =	vst v63  }
0x7a: {  	s24 =	rddreg [dreg:$0x1e]  }
0x7b: {  	[spmem:s20] =	stream.linear.scatter [tilespmem:s22], [sflag:$0x13], $0x800, $0x38;
	[tilespmem:$0x1FB00] =	vst v63  }
0x7c: {  	s20 =	rddreg [dreg:$0x1f]  }
0x7d: {  	[spmem:s24] =	stream.linear.scatter [tilespmem:s22], [sflag:$0x14], $0x800, $0x38;
	[tilespmem:$0x1FB00] =	vst v63  }
0x7e: {  	s24 =	sld [smem:$0x7EF]  }
0x7f: {  	[spmem:s20] =	stream.linear.scatter [tilespmem:s22], [sflag:$0xD], $0x800, $0x38;
	[tilespmem:$0x1FB00] =	vst v63  }
0x80: {  	s20 =	sld [smem:$0x7F0]  }
0x81: {  	[spmem:s24] =	stream.linear.scatter [tilespmem:s22], [sflag:$0xE], $0x800, $0x38;
	[tilespmem:$0x1FB00] =	vst v63  }
0x82: {  	s24 =	sld [smem:$0x7F1]  }
0x83: {  	[spmem:s20] =	stream.linear.scatter [tilespmem:s22], [sflag:$0xF], $0x800, $0x38;
	[tilespmem:$0x1FB00] =	vst v63  }
0x84: {  	s20 =	sld [smem:$0x7F2]  }
0x85: {  	[spmem:s24] =	stream.linear.scatter [tilespmem:s22], [sflag:$0x10], $0x800, $0x38;
	[tilespmem:$0x1FB00] =	vst v63  }
0x86: {  	s24 =	sld [smem:$0x7F3]  }
0x87: {  	[spmem:s20] =	stream.linear.scatter [tilespmem:s22], [sflag:$0x11], $0x800, $0x38;
	[tilespmem:$0x1FB00] =	vst v63  }
0x88: {  	s20 =	sld [smem:$0x7F4]  }
0x89: {  	[spmem:s24] =	stream.linear.scatter [tilespmem:s22], [sflag:$0x12], $0x800, $0x38;
	[tilespmem:$0x1FB00] =	vst v63  }
0x8a: {  	s24 =	sld [smem:$0x7F5]  }
0x8b: {  	[spmem:s20] =	stream.linear.scatter [tilespmem:s22], [sflag:$0x13], $0x800, $0x38;
	[tilespmem:$0x1FB00] =	vst v63  }
0x8c: {  	s20 =	sld [smem:$0x7F6]  }
0x8d: {  	[spmem:s24] =	stream.linear.scatter [tilespmem:s22], [sflag:$0x14], $0x800, $0x38;
	[tilespmem:$0x1FB00] =	vst v63  }
0x8e: {  	s24 =	sld [smem:$0x7F7]  }
0x8f: {  	[spmem:s20] =	stream.linear.scatter [tilespmem:s22], [sflag:$0xD], $0x800, $0x38;
	[tilespmem:$0x1FB00] =	vst v63  }
0x90: {  	s20 =	sld [smem:$0x7F8]  }
0x91: {  	[spmem:s24] =	stream.linear.scatter [tilespmem:s22], [sflag:$0xE], $0x800, $0x38;
	[tilespmem:$0x1FB00] =	vst v63  }
0x92: {  	s24 =	sld [smem:$0x7F9]  }
0x93: {  	[spmem:s20] =	stream.linear.scatter [tilespmem:s22], [sflag:$0xF], $0x800, $0x38;
	[tilespmem:$0x1FB00] =	vst v63  }
0x94: {  	s20 =	sld [smem:$0x7FA]  }
0x95: {  	[spmem:s24] =	stream.linear.scatter [tilespmem:s22], [sflag:$0x10], $0x800, $0x38;
	[tilespmem:$0x1FB00] =	vst v63  }
0x96: {  	s24 =	sld [smem:$0x7FB]  }
0x97: {  	[spmem:s20] =	stream.linear.scatter [tilespmem:s22], [sflag:$0x11], $0x800, $0x38;
	[tilespmem:$0x1FB00] =	vst v63  }
0x98: {  	s20 =	sld [smem:$0x7FC]  }
0x99: {  	[spmem:s24] =	stream.linear.scatter [tilespmem:s22], [sflag:$0x12], $0x800, $0x38;
	[tilespmem:$0x1FB00] =	vst v63  }
0x9a: {  	s24 =	sld [smem:$0x7FD]  }
0x9b: {  	[spmem:s20] =	stream.linear.scatter [tilespmem:s22], [sflag:$0x13], $0x800, $0x38;
	[tilespmem:$0x1FB00] =	vst v63  }
0x9c: {  	s20 =	simm.s32 $0xB  }
0x9d: {  	[spmem:s24] =	stream.linear.scatter [tilespmem:s22], [sflag:$0x14], $0x800, $0x38;
	[tilespmem:$0x1FB00] =	vst v63  }
0x9e: {  	_ =	swait.ge [sflag:s20], $0x2710  }
0x9f: {  	[sflag:s20] =	ssyncset.done $0x0  }
0xa0: {  	s24 =	simm.s32 $0xC;
	[sflag:s20] =	ssyncadd.s32 $0xFFFFD8F0  }
0xa1: {  	_ =	swait.ge [sflag:s24], $0x2710  }
0xa2: {  	[sflag:s24] =	ssyncset.done $0x0  }
0xa3: {  	[sflag:s24] =	ssyncadd.s32 $0xFFFFD8F0  }
0xa4: {  	_ =	swait.ge [sflag:s25], $0x800  }
0xa5: {  	[sflag:s25] =	ssyncset.done $0x0  }
0xa6: {  	[sflag:s25] =	ssyncadd.s32 $0xFFFFF800  }
0xa7: {  	_ =	swait.ge [sflag:s26], $0x800  }
0xa8: {  	[sflag:s26] =	ssyncset.done $0x0  }
0xa9: {  	[sflag:s26] =	ssyncadd.s32 $0xFFFFF800  }
0xaa: {  	_ =	swait.ge [sflag:s28], $0x800  }
0xab: {  	[sflag:s28] =	ssyncset.done $0x0  }
0xac: {  	[sflag:s28] =	ssyncadd.s32 $0xFFFFF800  }
0xad: {  	_ =	swait.ge [sflag:s29], $0x800  }
0xae: {  	[sflag:s29] =	ssyncset.done $0x0  }
0xaf: {  	[sflag:s29] =	ssyncadd.s32 $0xFFFFF800  }
0xb0: {  	_ =	swait.ge [sflag:s30], $0x800  }
0xb1: {  	[sflag:s30] =	ssyncset.done $0x0  }
0xb2: {  	[sflag:s30] =	ssyncadd.s32 $0xFFFFF800  }
0xb3: {  	_ =	swait.ge [sflag:s31], $0x800  }
0xb4: {  	[sflag:s31] =	ssyncset.done $0x0  }
0xb5: {  	[sflag:s31] =	ssyncadd.s32 $0xFFFFF800  }
0xb6: {  	_ =	swait.ge [sflag:s1], $0x800  }
0xb7: {  	[sflag:s1] =	ssyncset.done $0x0  }
0xb8: {  	[sflag:s1] =	ssyncadd.s32 $0xFFFFF800  }
0xb9: {  	_ =	swait.ge [sflag:s0], $0x800  }
0xba: {  	[sflag:s0] =	ssyncset.done $0x0  }
0xbb: {  	[sflag:s0] =	ssyncadd.s32 $0xFFFFF800  }
0xbc: {  	_ =	swait.ge [sflag:s25], $0x800  }
0xbd: {  	[sflag:s25] =	ssyncset.done $0x0  }
0xbe: {  	[sflag:s25] =	ssyncadd.s32 $0xFFFFF800  }
0xbf: {  	_ =	swait.ge [sflag:s26], $0x800  }
0xc0: {  	[sflag:s26] =	ssyncset.done $0x0  }
0xc1: {  	[sflag:s26] =	ssyncadd.s32 $0xFFFFF800  }
0xc2: {  	_ =	swait.ge [sflag:s28], $0x800  }
0xc3: {  	[sflag:s28] =	ssyncset.done $0x0  }
0xc4: {  	[sflag:s28] =	ssyncadd.s32 $0xFFFFF800  }
0xc5: {  	_ =	swait.ge [sflag:s29], $0x800  }
0xc6: {  	[sflag:s29] =	ssyncset.done $0x0  }
0xc7: {  	[sflag:s29] =	ssyncadd.s32 $0xFFFFF800  }
0xc8: {  	_ =	swait.ge [sflag:s30], $0x800  }
0xc9: {  	[sflag:s30] =	ssyncset.done $0x0  }
0xca: {  	[sflag:s30] =	ssyncadd.s32 $0xFFFFF800  }
0xcb: {  	_ =	swait.ge [sflag:s31], $0x800  }
0xcc: {  	[sflag:s31] =	ssyncset.done $0x0  }
0xcd: {  	[sflag:s31] =	ssyncadd.s32 $0xFFFFF800  }
0xce: {  	_ =	swait.ge [sflag:s1], $0x800  }
0xcf: {  	[sflag:s1] =	ssyncset.done $0x0  }
0xd0: {  	[sflag:s1] =	ssyncadd.s32 $0xFFFFF800  }
0xd1: {  	_ =	swait.ge [sflag:s0], $0x800  }
0xd2: {  	[sflag:s0] =	ssyncset.done $0x0  }
0xd3: {  	[sflag:s0] =	ssyncadd.s32 $0xFFFFF800  }
0xd4: {  	_ =	swait.ge [sflag:s25], $0x800  }
0xd5: {  	[sflag:s25] =	ssyncset.done $0x0  }
0xd6: {  	[sflag:s25] =	ssyncadd.s32 $0xFFFFF800  }
0xd7: {  	_ =	swait.ge [sflag:s26], $0x800  }
0xd8: {  	[sflag:s26] =	ssyncset.done $0x0  }
0xd9: {  	[sflag:s26] =	ssyncadd.s32 $0xFFFFF800  }
0xda: {  	_ =	swait.ge [sflag:s28], $0x800  }
0xdb: {  	[sflag:s28] =	ssyncset.done $0x0  }
0xdc: {  	[sflag:s28] =	ssyncadd.s32 $0xFFFFF800  }
0xdd: {  	_ =	swait.ge [sflag:s29], $0x800  }
0xde: {  	[sflag:s29] =	ssyncset.done $0x0  }
0xdf: {  	[sflag:s29] =	ssyncadd.s32 $0xFFFFF800  }
0xe0: {  	_ =	swait.ge [sflag:s30], $0x800  }
0xe1: {  	[sflag:s30] =	ssyncset.done $0x0  }
0xe2: {  	[sflag:s30] =	ssyncadd.s32 $0xFFFFF800  }
0xe3: {  	_ =	swait.ge [sflag:s31], $0x800  }
0xe4: {  	[sflag:s31] =	ssyncset.done $0x0  }
0xe5: {  	[sflag:s31] =	ssyncadd.s32 $0xFFFFF800  }
0xe6: {  	_ =	swait.ge [sflag:s1], $0x800  }
0xe7: {  	[sflag:s1] =	ssyncset.done $0x0  }
0xe8: {  	[sflag:s1] =	ssyncadd.s32 $0xFFFFF800  }
0xe9: {  	_ =	swait.ge [sflag:s0], $0x800  }
0xea: {  	[sflag:s0] =	ssyncset.done $0x0  }
0xeb: {  	[sflag:s0] =	ssyncadd.s32 $0xFFFFF800  }
0xec: {  	_ =	swait.ge [sflag:s25], $0x800  }
0xed: {  	[sflag:s25] =	ssyncset.done $0x0  }
0xee: {  	[sflag:s25] =	ssyncadd.s32 $0xFFFFF800  }
0xef: {  	_ =	swait.ge [sflag:s26], $0x800  }
0xf0: {  	[sflag:s26] =	ssyncset.done $0x0  }
0xf1: {  	[sflag:s26] =	ssyncadd.s32 $0xFFFFF800  }
0xf2: {  	_ =	swait.ge [sflag:s28], $0x800  }
0xf3: {  	[sflag:s28] =	ssyncset.done $0x0  }
0xf4: {  	[sflag:s28] =	ssyncadd.s32 $0xFFFFF800  }
0xf5: {  	_ =	swait.ge [sflag:s29], $0x800  }
0xf6: {  	[sflag:s29] =	ssyncset.done $0x0  }
0xf7: {  	[sflag:s29] =	ssyncadd.s32 $0xFFFFF800  }
0xf8: {  	_ =	swait.ge [sflag:s30], $0x800  }
0xf9: {  	[sflag:s30] =	ssyncset.done $0x0  }
0xfa: {  	[sflag:s30] =	ssyncadd.s32 $0xFFFFF800  }
0xfb: {  	_ =	swait.ge [sflag:s31], $0x800  }
0xfc: {  	[sflag:s31] =	ssyncset.done $0x0  }
0xfd: {  	[sflag:s31] =	ssyncadd.s32 $0xFFFFF800  }
0xfe: {  	_ =	swait.ge [sflag:s1], $0x800  }
0xff: {  	[sflag:s1] =	ssyncset.done $0x0  }
0x100: {  	[sflag:s1] =	ssyncadd.s32 $0xFFFFF800  }
0x101: {  	_ =	swait.ge [sflag:s0], $0x800  }
0x102: {  	[sflag:s0] =	ssyncset.done $0x0  }
0x103: {  	[sflag:s0] =	ssyncadd.s32 $0xFFFFF800  }
0x104: {  	_ =	swait.ge [sflag:s25], $0x800  }
0x105: {  	[sflag:s25] =	ssyncset.done $0x0  }
0x106: {  	[sflag:s25] =	ssyncadd.s32 $0xFFFFF800  }
0x107: {  	_ =	swait.ge [sflag:s26], $0x800  }
0x108: {  	[sflag:s26] =	ssyncset.done $0x0  }
0x109: {  	[sflag:s26] =	ssyncadd.s32 $0xFFFFF800  }
0x10a: {  	_ =	swait.ge [sflag:s28], $0x800  }
0x10b: {  	[sflag:s28] =	ssyncset.done $0x0  }
0x10c: {  	[sflag:s28] =	ssyncadd.s32 $0xFFFFF800  }
0x10d: {  	_ =	swait.ge [sflag:s29], $0x800  }
0x10e: {  	[sflag:s29] =	ssyncset.done $0x0  }
0x10f: {  	[sflag:s29] =	ssyncadd.s32 $0xFFFFF800  }
0x110: {  	_ =	swait.ge [sflag:s30], $0x800  }
0x111: {  	[sflag:s30] =	ssyncset.done $0x0  }
0x112: {  	[sflag:s30] =	ssyncadd.s32 $0xFFFFF800  }
0x113: {  	_ =	swait.ge [sflag:s31], $0x800  }
0x114: {  	[sflag:s31] =	ssyncset.done $0x0  }
0x115: {  	[sflag:s31] =	ssyncadd.s32 $0xFFFFF800  }
0x116: {  	_ =	swait.ge [sflag:s1], $0x800  }
0x117: {  	[sflag:s1] =	ssyncset.done $0x0  }
0x118: {  	[sflag:s1] =	ssyncadd.s32 $0xFFFFF800  }
0x119: {  	_ =	swait.ge [sflag:s0], $0x800  }
0x11a: {  	[sflag:s0] =	ssyncset.done $0x0  }
0x11b: {  	[sflag:s0] =	ssyncadd.s32 $0xFFFFF800  }
0x11c: {  	s5 =	simm.s32 $0x0;
	[bflag:$0x0] =	sbarrier.arrive $0xFFFF  }
0x11d: {  	[tilespmem:s6], [sflag:$0x1] =	stream.indirect.gather [hbm4b:s4+s3], $0x80, s5, s3, $0xb8;
	[tilespmem:$0x1FB00] =	vst v63  }
0x11e: {  	_ = 	snop  }
0x11f: {  	[tilespmem:s7], [sflag:$0x2] =	stream.indirect.gather [hbm4b:s4+s3], $0x80, s3, s3, $0xb8;
	[tilespmem:$0x1FB00] =	vst v63  }
0x120: {  	s20 =	simm.s32 $0x50  }
0x121: {  	[tilespmem:s8], [sflag:$0x3] =	stream.indirect.gather [hbm4b:s4+s3], $0x80, s20, s3, $0xb8;
	[tilespmem:$0x1FB00] =	vst v63  }
0x122: {  	s24 =	simm.s32 $0x78  }
0x123: {  	[tilespmem:s9], [sflag:$0x4] =	stream.indirect.gather [hbm4b:s4+s3], $0x80, s24, s3, $0xb8;
	[tilespmem:$0x1FB00] =	vst v63  }
0x124: {  	_ =	swait.ge [sflag:s10], $0x1400  }
0x125: {  	[sflag:s10] =	ssyncset.done $0x0  }
0x126: {  	s20 =	simm.s32 $0x2780;
	[sflag:s10] =	ssyncadd.s32 $0xFFFFEC00  }
0x127: {  	[spmem:s2] =	stream.indirect.scatter.add.f32 [tilespmem:s6], [sflag:$0x6], $0x80, s20, s3, $0xb8;
	[tilespmem:$0x1FB00] =	vst v63  }
0x128: {  	s24 =	simm.s32 $0xA0  }
0x129: {  	[tilespmem:s11], [sflag:$0x5] =	stream.indirect.gather [hbm4b:s4+s3], $0x80, s24, s3, $0xb8;
	[tilespmem:$0x1FB00] =	vst v63  }
0x12a: {  	_ =	swait.ge [sflag:s12], $0x1400  }
0x12b: {  	[sflag:s12] =	ssyncset.done $0x0  }
0x12c: {  	s20 =	simm.s32 $0x27A8;
	[sflag:s12] =	ssyncadd.s32 $0xFFFFEC00  }
0x12d: {  	[spmem:s2] =	stream.indirect.scatter.add.f32 [tilespmem:s7], [sflag:$0x7], $0x80, s20, s3, $0xb8;
	[tilespmem:$0x1FB00] =	vst v63  }
0x12e: {  	_ =	swait.ge [sflag:s13], $0x1400  }
0x12f: {  	[sflag:s13] =	ssyncset.done $0x0  }
0x130: {  	s24 =	simm.s32 $0xC8;
	[sflag:s13] =	ssyncadd.s32 $0xFFFFEC00  }
0x131: {  	[tilespmem:s6], [sflag:$0x1] =	stream.indirect.gather [hbm4b:s4+s3], $0x80, s24, s3, $0xb8;
	[tilespmem:$0x1FB00] =	vst v63  }
0x132: {  	_ =	swait.ge [sflag:s21], $0x1400  }
0x133: {  	[sflag:s21] =	ssyncset.done $0x0  }
0x134: {  	s20 =	simm.s32 $0x27D0;
	[sflag:s21] =	ssyncadd.s32 $0xFFFFEC00  }
0x135: {  	[spmem:s2] =	stream.indirect.scatter.add.f32 [tilespmem:s8], [sflag:$0x8], $0x80, s20, s3, $0xb8;
	[tilespmem:$0x1FB00] =	vst v63  }
0x136: {  	_ =	swait.ge [sflag:s14], $0x1400  }
0x137: {  	[sflag:s14] =	ssyncset.done $0x0  }
0x138: {  	s24 =	simm.s32 $0xF0;
	[sflag:s14] =	ssyncadd.s32 $0xFFFFEC00  }
0x139: {  	[tilespmem:s7], [sflag:$0x2] =	stream.indirect.gather [hbm4b:s4+s3], $0x80, s24, s3, $0xb8;
	[tilespmem:$0x1FB00] =	vst v63  }
0x13a: {  	_ =	swait.ge [sflag:s15], $0x1400  }
0x13b: {  	[sflag:s15] =	ssyncset.done $0x0  }
0x13c: {  	s20 =	simm.s32 $0x27F8;
	[sflag:s15] =	ssyncadd.s32 $0xFFFFEC00  }
0x13d: {  	[spmem:s2] =	stream.indirect.scatter.add.f32 [tilespmem:s9], [sflag:$0x9], $0x80, s20, s3, $0xb8;
	[tilespmem:$0x1FB00] =	vst v63  }
0x13e: {  	_ =	swait.ge [sflag:s16], $0x1400  }
0x13f: {  	[sflag:s16] =	ssyncset.done $0x0  }
0x140: {  	s24 =	simm.s32 $0x118;
	[sflag:s16] =	ssyncadd.s32 $0xFFFFEC00  }
0x141: {  	[tilespmem:s8], [sflag:$0x3] =	stream.indirect.gather [hbm4b:s4+s3], $0x80, s24, s3, $0xb8;
	[tilespmem:$0x1FB00] =	vst v63  }
0x142: {  	_ =	swait.ge [sflag:s17], $0x1400  }
0x143: {  	[sflag:s17] =	ssyncset.done $0x0  }
0x144: {  	s20 =	simm.s32 $0x2820;
	[sflag:s17] =	ssyncadd.s32 $0xFFFFEC00  }
0x145: {  	[spmem:s2] =	stream.indirect.scatter.add.f32 [tilespmem:s11], [sflag:$0xA], $0x80, s20, s3, $0xb8;
	[tilespmem:$0x1FB00] =	vst v63  }
0x146: {  	_ =	swait.ge [sflag:s18], $0x1400  }
0x147: {  	[sflag:s18] =	ssyncset.done $0x0  }
0x148: {  	s24 =	simm.s32 $0x140;
	[sflag:s18] =	ssyncadd.s32 $0xFFFFEC00  }
0x149: {  	[tilespmem:s9], [sflag:$0x4] =	stream.indirect.gather [hbm4b:s4+s3], $0x80, s24, s3, $0xb8;
	[tilespmem:$0x1FB00] =	vst v63  }
0x14a: {  	_ =	swait.ge [sflag:s10], $0x1400  }
0x14b: {  	[sflag:s10] =	ssyncset.done $0x0  }
0x14c: {  	s5 =	simm.s32 $0x2848;
	[sflag:s10] =	ssyncadd.s32 $0xFFFFEC00  }
0x14d: {  	[spmem:s2] =	stream.indirect.scatter.add.f32 [tilespmem:s6], [sflag:$0x6], $0x80, s5, s3, $0xb8;
	[tilespmem:$0x1FB00] =	vst v63  }
0x14e: {  	_ =	swait.ge [sflag:s19], $0x1400  }
0x14f: {  	[sflag:s19] =	ssyncset.done $0x0  }
0x150: {  	s24 =	simm.s32 $0x168;
	[sflag:s19] =	ssyncadd.s32 $0xFFFFEC00  }
0x151: {  	[tilespmem:s11], [sflag:$0x5] =	stream.indirect.gather [hbm4b:s4+s3], $0x80, s24, s3, $0xb8;
	[tilespmem:$0x1FB00] =	vst v63  }
0x152: {  	_ =	swait.ge [sflag:s12], $0x1400  }
0x153: {  	[sflag:s12] =	ssyncset.done $0x0  }
0x154: {  	s5 =	simm.s32 $0x2870;
	[sflag:s12] =	ssyncadd.s32 $0xFFFFEC00  }
0x155: {  	[spmem:s2] =	stream.indirect.scatter.add.f32 [tilespmem:s7], [sflag:$0x7], $0x80, s5, s3, $0xb8;
	[tilespmem:$0x1FB00] =	vst v63  }
0x156: {  	_ =	swait.ge [sflag:s13], $0x1400  }
0x157: {  	[sflag:s13] =	ssyncset.done $0x0  }
0x158: {  	s24 =	simm.s32 $0x190;
	[sflag:s13] =	ssyncadd.s32 $0xFFFFEC00  }
0x159: {  	[tilespmem:s6], [sflag:$0x1] =	stream.indirect.gather [hbm4b:s4+s3], $0x80, s24, s3, $0xb8;
	[tilespmem:$0x1FB00] =	vst v63  }
0x15a: {  	_ =	swait.ge [sflag:s21], $0x1400  }
0x15b: {  	[sflag:s21] =	ssyncset.done $0x0  }
0x15c: {  	s5 =	simm.s32 $0x2898;
	[sflag:s21] =	ssyncadd.s32 $0xFFFFEC00  }
0x15d: {  	[spmem:s2] =	stream.indirect.scatter.add.f32 [tilespmem:s8], [sflag:$0x8], $0x80, s5, s3, $0xb8;
	[tilespmem:$0x1FB00] =	vst v63  }
0x15e: {  	_ =	swait.ge [sflag:s14], $0x1400  }
0x15f: {  	[sflag:s14] =	ssyncset.done $0x0  }
0x160: {  	s24 =	simm.s32 $0x1B8;
	[sflag:s14] =	ssyncadd.s32 $0xFFFFEC00  }
0x161: {  	[tilespmem:s7], [sflag:$0x2] =	stream.indirect.gather [hbm4b:s4+s3], $0x80, s24, s3, $0xb8;
	[tilespmem:$0x1FB00] =	vst v63  }
0x162: {  	_ =	swait.ge [sflag:s15], $0x1400  }
0x163: {  	[sflag:s15] =	ssyncset.done $0x0  }
0x164: {  	s5 =	simm.s32 $0x28C0;
	[sflag:s15] =	ssyncadd.s32 $0xFFFFEC00  }
0x165: {  	[spmem:s2] =	stream.indirect.scatter.add.f32 [tilespmem:s9], [sflag:$0x9], $0x80, s5, s3, $0xb8;
	[tilespmem:$0x1FB00] =	vst v63  }
0x166: {  	_ =	swait.ge [sflag:s16], $0x1400  }
0x167: {  	[sflag:s16] =	ssyncset.done $0x0  }
0x168: {  	s24 =	simm.s32 $0x1E0;
	[sflag:s16] =	ssyncadd.s32 $0xFFFFEC00  }
0x169: {  	[tilespmem:s8], [sflag:$0x3] =	stream.indirect.gather [hbm4b:s4+s3], $0x80, s24, s3, $0xb8;
	[tilespmem:$0x1FB00] =	vst v63  }
0x16a: {  	_ =	swait.ge [sflag:s17], $0x1400  }
0x16b: {  	[sflag:s17] =	ssyncset.done $0x0  }
0x16c: {  	s20 =	simm.s32 $0x28E8;
	s24 =	simm.s32 $0x320;
	[sflag:s17] =	ssyncadd.s32 $0xFFFFEC00  }
.LBB2_4:
0x16d: {  	[spmem:s2] =	stream.indirect.scatter.add.f32 [tilespmem:s11], [sflag:$0xA], $0x80, s20, s3, $0xb8;
	[tilespmem:$0x1FB00] =	vst v63  }
0x16e: {  	s20 =	smov.u32 s24  }
0x16f: {  	p0 =	sne.s32 s24, $0x92E0;
	s24 =	sadd.s32 $0x320, s24;
	_ =	swait.ge [sflag:s18], $0x1400  }
0x170: {  	s20 =	sshra.s32 s20, $0x2;
	[sflag:s18] =	ssyncset.done $0x0  }
0x171: {  	s5 =	sadd.s32 $0x140, s20;
	[sflag:s18] =	ssyncadd.s32 $0xFFFFEC00  }
0x172: {  	[tilespmem:s9], [sflag:$0x4] =	stream.indirect.gather [hbm4b:s4+s3], $0x80, s5, s3, $0xb8;
	[tilespmem:$0x1FB00] =	vst v63  }
0x173: {  	_ =	swait.ge [sflag:s10], $0x1400  }
0x174: {  	[sflag:s10] =	ssyncset.done $0x0  }
0x175: {  	s5 =	sadd.s32 $0x2848, s20;
	[sflag:s10] =	ssyncadd.s32 $0xFFFFEC00  }
0x176: {  	[spmem:s2] =	stream.indirect.scatter.add.f32 [tilespmem:s6], [sflag:$0x6], $0x80, s5, s3, $0xb8;
	[tilespmem:$0x1FB00] =	vst v63  }
0x177: {  	_ =	swait.ge [sflag:s19], $0x1400  }
0x178: {  	[sflag:s19] =	ssyncset.done $0x0  }
0x179: {  	s5 =	sadd.s32 $0x168, s20;
	[sflag:s19] =	ssyncadd.s32 $0xFFFFEC00  }
0x17a: {  	[tilespmem:s11], [sflag:$0x5] =	stream.indirect.gather [hbm4b:s4+s3], $0x80, s5, s3, $0xb8;
	[tilespmem:$0x1FB00] =	vst v63  }
0x17b: {  	_ =	swait.ge [sflag:s12], $0x1400  }
0x17c: {  	[sflag:s12] =	ssyncset.done $0x0  }
0x17d: {  	s5 =	sadd.s32 $0x2870, s20;
	[sflag:s12] =	ssyncadd.s32 $0xFFFFEC00  }
0x17e: {  	[spmem:s2] =	stream.indirect.scatter.add.f32 [tilespmem:s7], [sflag:$0x7], $0x80, s5, s3, $0xb8;
	[tilespmem:$0x1FB00] =	vst v63  }
0x17f: {  	_ =	swait.ge [sflag:s13], $0x1400  }
0x180: {  	[sflag:s13] =	ssyncset.done $0x0  }
0x181: {  	s5 =	sadd.s32 $0x190, s20;
	[sflag:s13] =	ssyncadd.s32 $0xFFFFEC00  }
0x182: {  	[tilespmem:s6], [sflag:$0x1] =	stream.indirect.gather [hbm4b:s4+s3], $0x80, s5, s3, $0xb8;
	[tilespmem:$0x1FB00] =	vst v63  }
0x183: {  	_ =	swait.ge [sflag:s21], $0x1400  }
0x184: {  	[sflag:s21] =	ssyncset.done $0x0  }
0x185: {  	s5 =	sadd.s32 $0x2898, s20;
	[sflag:s21] =	ssyncadd.s32 $0xFFFFEC00  }
0x186: {  	[spmem:s2] =	stream.indirect.scatter.add.f32 [tilespmem:s8], [sflag:$0x8], $0x80, s5, s3, $0xb8;
	[tilespmem:$0x1FB00] =	vst v63  }
0x187: {  	_ =	swait.ge [sflag:s14], $0x1400  }
0x188: {  	[sflag:s14] =	ssyncset.done $0x0  }
0x189: {  	s5 =	sadd.s32 $0x1B8, s20;
	[sflag:s14] =	ssyncadd.s32 $0xFFFFEC00  }
0x18a: {  	[tilespmem:s7], [sflag:$0x2] =	stream.indirect.gather [hbm4b:s4+s3], $0x80, s5, s3, $0xb8;
	[tilespmem:$0x1FB00] =	vst v63  }
0x18b: {  	_ =	swait.ge [sflag:s15], $0x1400  }
0x18c: {  	[sflag:s15] =	ssyncset.done $0x0  }
0x18d: {  	s5 =	sadd.s32 $0x28C0, s20;
	[sflag:s15] =	ssyncadd.s32 $0xFFFFEC00  }
0x18e: {  	[spmem:s2] =	stream.indirect.scatter.add.f32 [tilespmem:s9], [sflag:$0x9], $0x80, s5, s3, $0xb8;
	[tilespmem:$0x1FB00] =	vst v63  }
0x18f: {  	_ =	swait.ge [sflag:s16], $0x1400  }
0x190: {  	[sflag:s16] =	ssyncset.done $0x0  }
.Ltmp1:
0x191: {  	s5 =	sadd.s32 $0x1E0, s20;
	[sflag:s16] =	ssyncadd.s32 $0xFFFFEC00;
	(pc) =	sbr.rel @p0 .LBB2_4-.Ltmp1, $4  }
0x192: {  	[tilespmem:s8], [sflag:$0x3] =	stream.indirect.gather [hbm4b:s4+s3], $0x80, s5, s3, $0xb8;
	[tilespmem:$0x1FB00] =	vst v63  }
0x193: {  	_ =	swait.ge [sflag:s17], $0x1400  }
0x194: {  	[sflag:s17] =	ssyncset.done $0x0  }
0x195: {  	s20 =	sadd.s32 $0x28E8, s20;
	[sflag:s17] =	ssyncadd.s32 $0xFFFFEC00  }
0x196: {  	[spmem:s2] =	stream.indirect.scatter.add.f32 [tilespmem:s11], [sflag:$0xA], $0x80, s20, s3, $0xb8;
	[tilespmem:$0x1FB00] =	vst v63  }
0x197: {  	_ =	swait.ge [sflag:s18], $0x1400  }
0x198: {  	[sflag:s18] =	ssyncset.done $0x0  }
0x199: {  	s5 =	simm.s32 $0x26C0;
	[sflag:s18] =	ssyncadd.s32 $0xFFFFEC00  }
0x19a: {  	[tilespmem:s9], [sflag:$0x4] =	stream.indirect.gather [hbm4b:s4+s3], $0x80, s5, s3, $0xb8;
	[tilespmem:$0x1FB00] =	vst v63  }
0x19b: {  	_ =	swait.ge [sflag:s10], $0x1400  }
0x19c: {  	[sflag:s10] =	ssyncset.done $0x0  }
0x19d: {  	s20 =	simm.s32 $0x4DC8;
	[sflag:s10] =	ssyncadd.s32 $0xFFFFEC00  }
0x19e: {  	[spmem:s2] =	stream.indirect.scatter.add.f32 [tilespmem:s6], [sflag:$0x6], $0x80, s20, s3, $0xb8;
	[tilespmem:$0x1FB00] =	vst v63  }
0x19f: {  	_ =	swait.ge [sflag:s19], $0x1400  }
0x1a0: {  	[sflag:s19] =	ssyncset.done $0x0  }
0x1a1: {  	s24 =	simm.s32 $0x26E8;
	[sflag:s19] =	ssyncadd.s32 $0xFFFFEC00  }
0x1a2: {  	[tilespmem:s11], [sflag:$0x5] =	stream.indirect.gather [hbm4b:s4+s3], $0x80, s24, s3, $0xb8;
	[tilespmem:$0x1FB00] =	vst v63  }
0x1a3: {  	_ =	swait.ge [sflag:s12], $0x1400  }
0x1a4: {  	[sflag:s12] =	ssyncset.done $0x0  }
0x1a5: {  	s20 =	simm.s32 $0x4DF0;
	[sflag:s12] =	ssyncadd.s32 $0xFFFFEC00  }
0x1a6: {  	[spmem:s2] =	stream.indirect.scatter.add.f32 [tilespmem:s7], [sflag:$0x7], $0x80, s20, s3, $0xb8;
	[tilespmem:$0x1FB00] =	vst v63  }
0x1a7: {  	_ =	swait.ge [sflag:s13], $0x1400  }
0x1a8: {  	[sflag:s13] =	ssyncset.done $0x0  }
0x1a9: {  	[sflag:s13] =	ssyncadd.s32 $0xFFFFEC00  }
0x1aa: {  	_ =	swait.ge [sflag:s21], $0x1400  }
0x1ab: {  	[sflag:s21] =	ssyncset.done $0x0  }
0x1ac: {  	s24 =	simm.s32 $0x4E18;
	[sflag:s21] =	ssyncadd.s32 $0xFFFFEC00  }
0x1ad: {  	[spmem:s2] =	stream.indirect.scatter.add.f32 [tilespmem:s8], [sflag:$0x8], $0x80, s24, s3, $0xb8;
	[tilespmem:$0x1FB00] =	vst v63  }
0x1ae: {  	_ =	swait.ge [sflag:s14], $0x1400  }
0x1af: {  	[sflag:s14] =	ssyncset.done $0x0  }
0x1b0: {  	[sflag:s14] =	ssyncadd.s32 $0xFFFFEC00  }
0x1b1: {  	_ =	swait.ge [sflag:s15], $0x1400  }
0x1b2: {  	[sflag:s15] =	ssyncset.done $0x0  }
0x1b3: {  	s20 =	simm.s32 $0x4E40;
	[sflag:s15] =	ssyncadd.s32 $0xFFFFEC00  }
0x1b4: {  	[spmem:s2] =	stream.indirect.scatter.add.f32 [tilespmem:s9], [sflag:$0x9], $0x80, s20, s3, $0xb8;
	[tilespmem:$0x1FB00] =	vst v63  }
0x1b5: {  	_ =	swait.ge [sflag:s16], $0x1400  }
0x1b6: {  	[sflag:s16] =	ssyncset.done $0x0  }
0x1b7: {  	[sflag:s16] =	ssyncadd.s32 $0xFFFFEC00  }
0x1b8: {  	_ =	swait.ge [sflag:s17], $0x1400  }
0x1b9: {  	[sflag:s17] =	ssyncset.done $0x0  }
0x1ba: {  	s24 =	simm.s32 $0x4E68;
	[sflag:s17] =	ssyncadd.s32 $0xFFFFEC00  }
0x1bb: {  	[spmem:s2] =	stream.indirect.scatter.add.f32 [tilespmem:s11], [sflag:$0xA], $0x80, s24, s3, $0xb8;
	[tilespmem:$0x1FB00] =	vst v63  }
0x1bc: {  	_ =	swait.ge [sflag:s18], $0x1400  }
0x1bd: {  	[sflag:s18] =	ssyncset.done $0x0  }
0x1be: {  	[sflag:s18] =	ssyncadd.s32 $0xFFFFEC00  }
0x1bf: {  	_ =	swait.ge [sflag:s19], $0x1400  }
0x1c0: {  	[sflag:s19] =	ssyncset.done $0x0  }
0x1c1: {  	[sflag:s19] =	ssyncadd.s32 $0xFFFFEC00  }
0x1c2: {  	s20 =	stileid.u32;
	[bflag:$0x0] =	sbarrier.arrive $0xFFFF  }
0x1c3: {  	s5 =	sshll.u32 s20, $0x6;
	s24 =	rddreg [dreg:$0x3]  }
0x1c4: {  	s5 =	sor.u32 $0x1C15, s5;
	s20 =	sshrl.u32 s24, $0x3;
	s24 =	rddreg [dreg:$0x16]  }
0x1c5: {  	[hbm:s24], [sflag:s5] =	dma.local [spmem:s20], $0x2800  }
0x1c6: {  	s20 =	simm.s32 $0x15  }
0x1c7: {  	_ =	swait.ge [sflag:s20], $0x2800  }
0x1c8: {  	s23 =	sadd.s32 $0x1, s23;
	s24 =	rddreg [dreg:$0x17]  }
0x1c9: {  	p0 =	sne.s32 s23, s24  }
.Ltmp2:
0x1ca: {  	_ = 	snop;
	(pc) =	sbr.rel @p0 .LBB2_1-.Ltmp2, $3  }
0x1cb: {  	_ =	sdelay $0x1  }
0x1cc: {  	[sflag:s20] =	ssyncset.done $0x0  }
0x1cd: {  	[sflag:s20] =	ssyncadd.s32 $0xFFFFD800  }
0x1ce: {  	_ =	sfence.sel $0x180000  }
0x1cf: {  	[bflag:$0x0] =	sbarrier.arrive $0xFFFF  }
0x1d0: {  	_ =	strace $0x9000004A  }
0x1d1: {  	s0 =	stileid.u32;
	[bflag:$0x2] =	sbarrier.arrive $0xFFFF  }
0x1d2: {  	p0 =	sne.s32 s0, $0x0;
	s0 =	rddreg [dreg:$0x2]  }
0x1d3: {  	s0 =	sadd.s32 @!p0 $0x100000, s0  }
0x1d4: {  	[sflag:s0] =	ssyncadd.tile.s32 @!p0 $0x1;
	_ =	shalt  }
.Lfunc_end2:
_tile_overlayer_lowered:
.L_overlay_start_2:
0x1d5: {  	(tag) =	ssettag $0x2  }
0x1d6: {  	s0 =	rddreg [dreg:$0x0];
	s2 =	stileid.u32  }
0x1d7: {  	s1 =	rddreg [dreg:$0x1];
	p0 =	sne.s32 s2, $0x0  }
0x1d8: {  	s3 =	rddreg [dreg:$0x2];
	[bflag:$0x3] =	sbarrier.arrive $0xFFFF;
	s2 =	simm.s32 @!p0 $0x1C15  }
0x1d9: {  	[timem:s3], [sflag:s2] =	dma.local @!p0 [hbm:s0], s1  }
0x1da: {  	s0 =	simm.s32 @!p0 $0x15  }
0x1db: {  	_ =	swait.ge @!p0 [sflag:s0], s1  }
0x1dc: {  	s1 =	ssub.s32 @!p0 $0x0, s1;
	[sflag:s0] =	ssyncset.done @!p0 $0x0  }
0x1dd: {  	[sflag:s0] =	ssyncadd.s32 @!p0 s1  }
0x1de: {  	[bflag:$0x3] =	sbarrier.arrive $0xFFFF  }
0x1df: {  	_ =	shalt  }

</sc_bundles>
